<compile_context>
chip_gen: v7x
topology: tpu7x:2x2x1
jax: 0.10.2.dev20260603
libtpu: 0.0.44.dev20260713+nightly
codegen_flags: <defaults>
</compile_context>

<pallas_src>
import functools

import jax
import jax.numpy as jnp
from jax import lax
from jax.experimental import pallas as pl
from jax.experimental.pallas import tpu as pltpu
from jax.experimental.pallas import tpu_sc as plsc

VOCAB = 49408
MAXPOS = 8192
DIM = 1024
NSPECIAL = 16
LROWS = MAXPOS + NSPECIAL

NC = 2
NS = 16
LANES = 16
NW = NC * NS
RW = MAXPOS // NW
CHUNK = 32
NCHUNK = RW // CHUNK
VPR = DIM // LANES


def _sc_body(ids_hbm, tok_hbm, pos_hbm, spec_hbm, out_hbm,
             idx_all, tok_v, pos_v, stage_v,
             gsem0, gsem1, psem, wsem0, wsem1):
    gsems = (gsem0, gsem1)
    wsems = (wsem0, wsem1)
    wid = lax.axis_index("s") * NC + lax.axis_index("c")
    base = wid * RW

    pltpu.sync_copy(ids_hbm.at[pl.ds(NSPECIAL + base, RW)], idx_all)

    def gather(ch, b):
        return pltpu.async_copy(
            tok_hbm.at[idx_all.at[pl.ds(ch * CHUNK, CHUNK)]], tok_v.at[b],
            gsems[b])

    def issue_pos(ch):
        return pltpu.async_copy(pos_hbm.at[pl.ds(base + ch * CHUNK, CHUNK)],
                                pos_v, psem)

    inflight = [None, None]
    writes = [None, None]
    inflight[0] = gather(0, 0)
    pdesc = issue_pos(0)

    @pl.when(wid == 0)
    def _():
        pltpu.sync_copy(spec_hbm, stage_v)

    for ch in range(NCHUNK):
        b = ch & 1
        row0 = base + ch * CHUNK
        if ch + 1 < NCHUNK:
            if writes[1 - b] is not None:
                writes[1 - b].wait()
                writes[1 - b] = None
            inflight[1 - b] = gather(ch + 1, 1 - b)
        inflight[b].wait()
        pdesc.wait()

        def run_add(_b=b):
            @plsc.parallel_loop(0, CHUNK * VPR, unroll=16)
            def _(i):
                r = i >> 6
                c = (i & (VPR - 1)) * LANES
                sl = pl.ds(c, LANES)
                plsc.addupdate(tok_v.at[_b, r, sl], pos_v[r, sl])

        if ch == 0:
            run_add()
            @pl.when(wid == 0)
            def _():
                for k in range(VPR):
                    sl = pl.ds(k * LANES, LANES)
                    pos_v[0, sl] = tok_v[0, 0, sl]
                    tok_v[0, 0, sl] = stage_v[NSPECIAL - 1, sl]
                pltpu.async_copy(tok_v.at[0],
                                 out_hbm.at[pl.ds(NSPECIAL, CHUNK)], wsems[0])

                def shift_spec(i, carry):
                    r = NSPECIAL - 2 - i
                    for k in range(VPR):
                        sl = pl.ds(k * LANES, LANES)
                        stage_v[r + 1, sl] = stage_v[r, sl]
                    return carry
                lax.fori_loop(0, NSPECIAL - 1, shift_spec, 0)
                for k in range(VPR):
                    sl = pl.ds(k * LANES, LANES)
                    stage_v[0, sl] = pos_v[0, sl]
                pltpu.sync_copy(stage_v, out_hbm.at[pl.ds(0, NSPECIAL)])

            @pl.when(wid != 0)
            def _():
                pltpu.async_copy(tok_v.at[0],
                                 out_hbm.at[pl.ds(base + NSPECIAL, CHUNK)],
                                 wsems[0])
            writes[0] = pltpu.make_async_copy(
                tok_v.at[0], out_hbm.at[pl.ds(base + NSPECIAL, CHUNK)],
                wsems[0])
        else:
            run_add()
            writes[b] = pltpu.async_copy(
                tok_v.at[b], out_hbm.at[pl.ds(row0 + NSPECIAL, CHUNK)],
                wsems[b])
        if ch + 1 < NCHUNK:
            pdesc = issue_pos(ch + 1)

    for w in writes:
        if w is not None:
            w.wait()


_sc_kernel = functools.partial(
    pl.kernel,
    out_type=jax.ShapeDtypeStruct((LROWS, DIM), jnp.float32),
    mesh=plsc.VectorSubcoreMesh(core_axis_name="c", subcore_axis_name="s"),
    scratch_types=[
        pltpu.VMEM((RW,), jnp.int32),
        pltpu.VMEM((2, CHUNK, DIM), jnp.float32),
        pltpu.VMEM((CHUNK, DIM), jnp.float32),
        pltpu.VMEM((NSPECIAL, DIM), jnp.float32),
        pltpu.SemaphoreType.DMA,
        pltpu.SemaphoreType.DMA,
        pltpu.SemaphoreType.DMA,
        pltpu.SemaphoreType.DMA,
        pltpu.SemaphoreType.DMA,
    ],
)(_sc_body)


def kernel(input_ids, token_table, pos_table, special_token_embedding):
    ids = input_ids.reshape(LROWS)
    spec = special_token_embedding.reshape(NSPECIAL, DIM)
    out = _sc_kernel(ids, token_table, pos_table, spec)
    return out.reshape(1, LROWS, DIM)

# --- scband reference (transcript-rebuilt; emitter-appended) ---
"""Pipeline reference for scband-cliptext-embeddings-special-token-32959579030404 (READ-ONLY COPY).

The authoritative reference and input builder live on the scoring server;
editing this copy changes nothing except your own understanding.
"""

import jax, jax.numpy as jnp
import numpy as np

VOCAB = 49408
MAXPOS = 8192
DIM = 1024
NSPECIAL = 16
B = 1
L = MAXPOS + NSPECIAL


def setup_inputs(seed: int = 0) -> dict:
    key = jax.random.key(seed)
    k1, k2, k3 = jax.random.split(key, 3)
    input_ids = jax.random.randint(k1, (B, L), 0, VOCAB, dtype=jnp.int32)
    token_table = jax.random.normal(k2, (VOCAB, DIM), dtype=jnp.float32) * 0.02
    pos_table = jax.random.normal(k3, (MAXPOS, DIM), dtype=jnp.float32) * 0.02
    # original module initializes the special-token embedding to zeros
    special_token_embedding = jnp.zeros((1, NSPECIAL, DIM), dtype=jnp.float32)
    return {
        "input_ids": input_ids,
        "token_table": token_table,
        "pos_table": pos_table,
        "special_token_embedding": special_token_embedding,
    }


def reference(input_ids, token_table, pos_table, special_token_embedding):
    # subnet (CLIPTextEmbeddings): token_embedding(ids) + position_embedding(arange)
    ids = input_ids[:, NSPECIAL:]                     # [B, MAXPOS]
    tok = jnp.take(token_table, ids, axis=0)          # [B, MAXPOS, DIM] gather
    pos = pos_table[jnp.arange(ids.shape[1])][None]   # [1, MAXPOS, DIM]
    subnet_embeddings = tok + pos
    starttoken_embedding = subnet_embeddings[:, 0:1, :]
    nexttokens_embedding = subnet_embeddings[:, 1:, :]
    # batch is 1, so broadcast_to is an identity (matches torch.cat constraint)
    special = jnp.broadcast_to(
        special_token_embedding, (subnet_embeddings.shape[0], NSPECIAL, DIM)
    )
    embeddings = jnp.concatenate(
        [starttoken_embedding, special, nexttokens_embedding], axis=1
    )
    return embeddings

if __name__ == "__main__":
    import jax
    _d = setup_inputs()
    print(jax.jit(kernel)(*tuple(_d.values())))

</pallas_src>

<mosaic_0001>
#map = affine_map<(d0, d1) -> (0)>
#map1 = affine_map<(d0, d1) -> (0, 0)>
module attributes {stable_mosaic.version = 14 : i64} {
  func.func @_sc_body(%arg0: i32, %arg1: i32, %arg2: memref<8208xi32, #tpu.memory_space<hbm>>, %arg3: memref<49408x1024xf32, #tpu.memory_space<hbm>>, %arg4: memref<8192x1024xf32, #tpu.memory_space<hbm>>, %arg5: memref<16x1024xf32, #tpu.memory_space<hbm>>, %arg6: memref<8208x1024xf32, #tpu.memory_space<hbm>>, %arg7: memref<256xi32, #tpu.memory_space<vmem>>, %arg8: memref<2x32x1024xf32, #tpu.memory_space<vmem>>, %arg9: memref<32x1024xf32, #tpu.memory_space<vmem>>, %arg10: memref<16x1024xf32, #tpu.memory_space<vmem>>, %arg11: memref<!tpu.dma_semaphore, #tpu.memory_space<semaphore_mem>>, %arg12: memref<!tpu.dma_semaphore, #tpu.memory_space<semaphore_mem>>, %arg13: memref<!tpu.dma_semaphore, #tpu.memory_space<semaphore_mem>>, %arg14: memref<!tpu.dma_semaphore, #tpu.memory_space<semaphore_mem>>, %arg15: memref<!tpu.dma_semaphore, #tpu.memory_space<semaphore_mem>>) attributes {dimension_semantics = [#tpu.dimension_semantics<core_parallel>, #tpu.dimension_semantics<subcore_parallel>], iteration_bounds = array<i64: 2, 16>, scalar_prefetch = 0 : i64, scratch_operands = 9 : i64, tpu.core_type = #tpu.core_type<sc_vector_subcore>, window_params = [{transform_indices = #map}, {transform_indices = #map1}, {transform_indices = #map1}, {transform_indices = #map1}, {transform_indices = #map1}]} {
    %mul3A = arith.constant 2 : i32
    %mul3A_0 = arith.muli %arg1, %mul3A : i32
    %add3A = arith.addi %mul3A_0, %arg0 : i32
    %mul3A_1 = arith.constant 256 : i32
    %mul3A_2 = arith.muli %add3A, %mul3A_1 : i32
    %add3A_3 = arith.constant 16 : i32
    %add3A_4 = arith.addi %add3A_3, %mul3A_2 : i32
    "tpu.region"() ({
      %run_scoped3A = tpu.sem_alloc : memref<!tpu.dma_semaphore, #tpu.memory_space<semaphore_mem>>
      %dma_start3A_504 = tpu.memref_slice %arg2[%add3A_4] : memref<8208xi32, #tpu.memory_space<hbm>> -> memref<256xi32, #tpu.memory_space<hbm>>
      %dma_start3A_505 = tpu.memref_slice %arg2[%add3A_4] : memref<8208xi32, #tpu.memory_space<hbm>> -> memref<256xi32, #tpu.memory_space<hbm>>
      tpu.enqueue_dma source(%dma_start3A_505 : memref<256xi32, #tpu.memory_space<hbm>>) target(%arg7 : memref<256xi32, #tpu.memory_space<vmem>>) target_semaphore(%run_scoped3A : memref<!tpu.dma_semaphore, #tpu.memory_space<semaphore_mem>>)
      %dma_wait3A_506 = tpu.memref_slice %arg2[%add3A_4] : memref<8208xi32, #tpu.memory_space<hbm>> -> memref<256xi32, #tpu.memory_space<hbm>>
      %dma_wait3A_507 = tpu.memref_slice %arg2[%add3A_4] : memref<8208xi32, #tpu.memory_space<hbm>> -> memref<256xi32, #tpu.memory_space<hbm>>
      tpu.wait_dma2 semaphore(%run_scoped3A : memref<!tpu.dma_semaphore, #tpu.memory_space<semaphore_mem>>) src(%dma_wait3A_507 : memref<256xi32, #tpu.memory_space<hbm>>) dst(%arg7 : memref<256xi32, #tpu.memory_space<vmem>>)
      tpu.yield
    }) : () -> ()
    %dma_start3A = arith.constant 0 : i32
    %dma_start3A_5 = arith.constant 0 : i32
    %dma_start3A_6 = arith.constant 0 : i32
    %dma_start3A_7 = tpu.memref_slice %arg8[%dma_start3A, %dma_start3A_5, %dma_start3A_6] : memref<2x32x1024xf32, #tpu.memory_space<vmem>> -> memref<1x32x1024xf32, #tpu.memory_space<vmem>>
    %dma_start3A_8 = tpu.memref_squeeze %dma_start3A_7 : memref<1x32x1024xf32, #tpu.memory_space<vmem>> -> memref<32x1024xf32, #tpu.memory_space<vmem>>
    %dma_start3A_9 = arith.constant 0 : i32
    %dma_start3A_10 = tpu.memref_slice %arg7[%dma_start3A_9] : memref<256xi32, #tpu.memory_space<vmem>> -> memref<32xi32, #tpu.memory_space<vmem>>
    %dma_start3A_11 = arith.constant 0 : i32
    %dma_start3A_12 = arith.constant 0 : i32
    %dma_start3A_13 = tpu.memref_slice %arg3[%dma_start3A_11, %dma_start3A_12] : memref<49408x1024xf32, #tpu.memory_space<hbm>> -> memref<49408x1024xf32, #tpu.memory_space<hbm>>
    tpu.enqueue_indirect_dma source(%dma_start3A_13 : memref<49408x1024xf32, #tpu.memory_space<hbm>>) target(%dma_start3A_8 : memref<32x1024xf32, #tpu.memory_space<vmem>>) offsets(%dma_start3A_10 : memref<32xi32, #tpu.memory_space<vmem>>) semaphore(%arg11 : memref<!tpu.dma_semaphore, #tpu.memory_space<semaphore_mem>>)
    %add3A_14 = arith.constant 0 : i32
    %add3A_15 = arith.addi %mul3A_2, %add3A_14 : i32
    %dma_start3A_16 = arith.constant 0 : i32
    %dma_start3A_17 = tpu.memref_slice %arg4[%add3A_15, %dma_start3A_16] : memref<8192x1024xf32, #tpu.memory_space<hbm>> -> memref<32x1024xf32, #tpu.memory_space<hbm>>
    %dma_start3A_18 = arith.constant 0 : i32
    %dma_start3A_19 = tpu.memref_slice %arg4[%add3A_15, %dma_start3A_18] : memref<8192x1024xf32, #tpu.memory_space<hbm>> -> memref<32x1024xf32, #tpu.memory_space<hbm>>
    tpu.enqueue_dma source(%dma_start3A_19 : memref<32x1024xf32, #tpu.memory_space<hbm>>) target(%arg9 : memref<32x1024xf32, #tpu.memory_space<vmem>>) target_semaphore(%arg13 : memref<!tpu.dma_semaphore, #tpu.memory_space<semaphore_mem>>)
    %eq3A = arith.constant 0 : i32
    %eq3A_20 = arith.cmpi eq, %add3A, %eq3A : i32
    %convert_element_type3A = arith.extui %eq3A_20 : i1 to i32
    %cond3A = arith.constant 0 : i32
    %cond3A_21 = arith.cmpi ne, %convert_element_type3A, %cond3A : i32
    scf.if %cond3A_21 {
      "tpu.region"() ({
        %run_scoped3A = tpu.sem_alloc : memref<!tpu.dma_semaphore, #tpu.memory_space<semaphore_mem>>
        tpu.enqueue_dma source(%arg5 : memref<16x1024xf32, #tpu.memory_space<hbm>>) target(%arg10 : memref<16x1024xf32, #tpu.memory_space<vmem>>) target_semaphore(%run_scoped3A : memref<!tpu.dma_semaphore, #tpu.memory_space<semaphore_mem>>)
        tpu.wait_dma2 semaphore(%run_scoped3A : memref<!tpu.dma_semaphore, #tpu.memory_space<semaphore_mem>>) src(%arg5 : memref<16x1024xf32, #tpu.memory_space<hbm>>) dst(%arg10 : memref<16x1024xf32, #tpu.memory_space<vmem>>)
        tpu.yield
      }) : () -> ()
    } else {
    }
    %add3A_22 = arith.constant 0 : i32
    %add3A_23 = arith.addi %mul3A_2, %add3A_22 : i32
    %dma_start3A_24 = arith.constant 1 : i32
    %dma_start3A_25 = arith.constant 0 : i32
    %dma_start3A_26 = arith.constant 0 : i32
    %dma_start3A_27 = tpu.memref_slice %arg8[%dma_start3A_24, %dma_start3A_25, %dma_start3A_26] : memref<2x32x1024xf32, #tpu.memory_space<vmem>> -> memref<1x32x1024xf32, #tpu.memory_space<vmem>>
    %dma_start3A_28 = tpu.memref_squeeze %dma_start3A_27 : memref<1x32x1024xf32, #tpu.memory_space<vmem>> -> memref<32x1024xf32, #tpu.memory_space<vmem>>
    %dma_start3A_29 = arith.constant 32 : i32
    %dma_start3A_30 = tpu.memref_slice %arg7[%dma_start3A_29] : memref<256xi32, #tpu.memory_space<vmem>> -> memref<32xi32, #tpu.memory_space<vmem>>
    %dma_start3A_31 = arith.constant 0 : i32
    %dma_start3A_32 = arith.constant 0 : i32
    %dma_start3A_33 = tpu.memref_slice %arg3[%dma_start3A_31, %dma_start3A_32] : memref<49408x1024xf32, #tpu.memory_space<hbm>> -> memref<49408x1024xf32, #tpu.memory_space<hbm>>
    tpu.enqueue_indirect_dma source(%dma_start3A_33 : memref<49408x1024xf32, #tpu.memory_space<hbm>>) target(%dma_start3A_28 : memref<32x1024xf32, #tpu.memory_space<vmem>>) offsets(%dma_start3A_30 : memref<32xi32, #tpu.memory_space<vmem>>) semaphore(%arg12 : memref<!tpu.dma_semaphore, #tpu.memory_space<semaphore_mem>>)
    %dma_wait3A = arith.constant 0 : i32
    %dma_wait3A_34 = arith.constant 0 : i32
    %dma_wait3A_35 = arith.constant 0 : i32
    %dma_wait3A_36 = tpu.memref_slice %arg8[%dma_wait3A, %dma_wait3A_34, %dma_wait3A_35] : memref<2x32x1024xf32, #tpu.memory_space<vmem>> -> memref<1x32x1024xf32, #tpu.memory_space<vmem>>
    %dma_wait3A_37 = tpu.memref_squeeze %dma_wait3A_36 : memref<1x32x1024xf32, #tpu.memory_space<vmem>> -> memref<32x1024xf32, #tpu.memory_space<vmem>>
    %dma_wait3A_38 = arith.constant 0 : i32
    %dma_wait3A_39 = tpu.memref_slice %arg7[%dma_wait3A_38] : memref<256xi32, #tpu.memory_space<vmem>> -> memref<32xi32, #tpu.memory_space<vmem>>
    %dma_wait3A_40 = arith.constant 0 : i32
    %dma_wait3A_41 = arith.constant 0 : i32
    %dma_wait3A_42 = tpu.memref_slice %arg3[%dma_wait3A_40, %dma_wait3A_41] : memref<49408x1024xf32, #tpu.memory_space<hbm>> -> memref<49408x1024xf32, #tpu.memory_space<hbm>>
    tpu.wait_indirect_dma semaphore(%arg11 : memref<!tpu.dma_semaphore, #tpu.memory_space<semaphore_mem>>) src(%dma_wait3A_42 : memref<49408x1024xf32, #tpu.memory_space<hbm>>) dst(%dma_wait3A_37 : memref<32x1024xf32, #tpu.memory_space<vmem>>)
    %dma_wait3A_43 = arith.constant 0 : i32
    %dma_wait3A_44 = tpu.memref_slice %arg4[%add3A_15, %dma_wait3A_43] : memref<8192x1024xf32, #tpu.memory_space<hbm>> -> memref<32x1024xf32, #tpu.memory_space<hbm>>
    %dma_wait3A_45 = arith.constant 0 : i32
    %dma_wait3A_46 = tpu.memref_slice %arg4[%add3A_15, %dma_wait3A_45] : memref<8192x1024xf32, #tpu.memory_space<hbm>> -> memref<32x1024xf32, #tpu.memory_space<hbm>>
    tpu.wait_dma2 semaphore(%arg13 : memref<!tpu.dma_semaphore, #tpu.memory_space<semaphore_mem>>) src(%dma_wait3A_46 : memref<32x1024xf32, #tpu.memory_space<hbm>>) dst(%arg9 : memref<32x1024xf32, #tpu.memory_space<vmem>>)
    %parallel_loop3A = arith.constant 0 : i32
    %parallel_loop3A_47 = arith.constant 2048 : i32
    %parallel_loop3A_48 = arith.constant 1 : i32
    scf.for %parallel_loop3A_504 = %parallel_loop3A to %parallel_loop3A_47 step %parallel_loop3A_48  : i32 {
      %parallel_loop3A_505 = arith.constant 6 : i32
      %parallel_loop3A_506 = arith.shrsi %parallel_loop3A_504, %parallel_loop3A_505 : i32
      %parallel_loop3A_507 = arith.constant 63 : i32
      %parallel_loop3A_508 = arith.andi %parallel_loop3A_504, %parallel_loop3A_507 : i32
      %parallel_loop3A_509 = arith.constant 16 : i32
      %parallel_loop3A_510 = arith.muli %parallel_loop3A_508, %parallel_loop3A_509 : i32
      %parallel_loop3A_511 = arith.index_cast %parallel_loop3A_506 : i32 to index
      %parallel_loop3A_512 = arith.index_cast %parallel_loop3A_510 : i32 to index
      %parallel_loop3A_513 = tpu.vector_load %arg9[%parallel_loop3A_511, %parallel_loop3A_512] {strides = array<i32>} : memref<32x1024xf32, #tpu.memory_space<vmem>>, vector<1x16xf32>,
      %parallel_loop3A_514 = vector.shape_cast %parallel_loop3A_513 : vector<1x16xf32> to vector<16xf32>
      %parallel_loop3A_515 = arith.constant 0 : i32
      %parallel_loop3A_516 = arith.index_cast %parallel_loop3A_515 : i32 to index
      %parallel_loop3A_517 = arith.index_cast %parallel_loop3A_506 : i32 to index
      %parallel_loop3A_518 = arith.index_cast %parallel_loop3A_510 : i32 to index
      %parallel_loop3A_519 = tpu.vector_load %arg8[%parallel_loop3A_516, %parallel_loop3A_517, %parallel_loop3A_518] {strides = array<i32>} : memref<2x32x1024xf32, #tpu.memory_space<vmem>>, vector<1x1x16xf32>,
      %parallel_loop3A_520 = vector.shape_cast %parallel_loop3A_519 : vector<1x1x16xf32> to vector<16xf32>
      %parallel_loop3A_521 = vector.shape_cast %parallel_loop3A_514 : vector<16xf32> to vector<1x1x16xf32>
      tpu.vector_store %arg8[%parallel_loop3A_516, %parallel_loop3A_517, %parallel_loop3A_518], %parallel_loop3A_521 {add = true, strides = array<i32>} : memref<2x32x1024xf32, #tpu.memory_space<vmem>>, vector<1x1x16xf32>,
    } {sc.loop_unroll_factor = 16 : i64, sc.parallel_access}
    %eq3A_49 = arith.constant 0 : i32
    %eq3A_50 = arith.cmpi eq, %add3A, %eq3A_49 : i32
    %convert_element_type3A_51 = arith.extui %eq3A_50 : i1 to i32
    %cond3A_52 = arith.constant 0 : i32
    %cond3A_53 = arith.cmpi ne, %convert_element_type3A_51, %cond3A_52 : i32
    scf.if %cond3A_53 {
      %get3A = arith.constant 0 : i32
      %get3A_504 = arith.constant 0 : i32
      %get3A_505 = arith.index_cast %get3A : i32 to index
      %get3A_506 = arith.index_cast %get3A_504 : i32 to index
      %get3A_507 = arith.constant 0 : index
      %get3A_508 = tpu.vector_load %arg8[%get3A_505, %get3A_506, %get3A_507] {strides = array<i32>} : memref<2x32x1024xf32, #tpu.memory_space<vmem>>, vector<1x1x16xf32>,
      %get3A_509 = vector.shape_cast %get3A_508 : vector<1x1x16xf32> to vector<16xf32>
      %swap3A = arith.constant 0 : i32
      %swap3A_510 = arith.index_cast %swap3A : i32 to index
      %swap3A_511 = arith.constant 0 : index
      %swap3A_512 = tpu.vector_load %arg9[%swap3A_510, %swap3A_511] {strides = array<i32>} : memref<32x1024xf32, #tpu.memory_space<vmem>>, vector<1x16xf32>,
      %swap3A_513 = vector.shape_cast %swap3A_512 : vector<1x16xf32> to vector<16xf32>
      %swap3A_514 = vector.shape_cast %get3A_509 : vector<16xf32> to vector<1x16xf32>
      tpu.vector_store %arg9[%swap3A_510, %swap3A_511], %swap3A_514 {strides = array<i32>} : memref<32x1024xf32, #tpu.memory_space<vmem>>, vector<1x16xf32>,
      %get3A_515 = arith.constant 15 : i32
      %get3A_516 = arith.index_cast %get3A_515 : i32 to index
      %get3A_517 = arith.constant 0 : index
      %get3A_518 = tpu.vector_load %arg10[%get3A_516, %get3A_517] {strides = array<i32>} : memref<16x1024xf32, #tpu.memory_space<vmem>>, vector<1x16xf32>,
      %get3A_519 = vector.shape_cast %get3A_518 : vector<1x16xf32> to vector<16xf32>
      %swap3A_520 = arith.constant 0 : i32
      %swap3A_521 = arith.constant 0 : i32
      %swap3A_522 = arith.index_cast %swap3A_520 : i32 to index
      %swap3A_523 = arith.index_cast %swap3A_521 : i32 to index
      %swap3A_524 = arith.constant 0 : index
      %swap3A_525 = tpu.vector_load %arg8[%swap3A_522, %swap3A_523, %swap3A_524] {strides = array<i32>} : memref<2x32x1024xf32, #tpu.memory_space<vmem>>, vector<1x1x16xf32>,
      %swap3A_526 = vector.shape_cast %swap3A_525 : vector<1x1x16xf32> to vector<16xf32>
      %swap3A_527 = vector.shape_cast %get3A_519 : vector<16xf32> to vector<1x1x16xf32>
      tpu.vector_store %arg8[%swap3A_522, %swap3A_523, %swap3A_524], %swap3A_527 {strides = array<i32>} : memref<2x32x1024xf32, #tpu.memory_space<vmem>>, vector<1x1x16xf32>,
      %get3A_528 = arith.constant 0 : i32
      %get3A_529 = arith.constant 0 : i32
      %get3A_530 = arith.index_cast %get3A_528 : i32 to index
      %get3A_531 = arith.index_cast %get3A_529 : i32 to index
      %get3A_532 = arith.constant 16 : index
      %get3A_533 = tpu.vector_load %arg8[%get3A_530, %get3A_531, %get3A_532] {strides = array<i32>} : memref<2x32x1024xf32, #tpu.memory_space<vmem>>, vector<1x1x16xf32>,
      %get3A_534 = vector.shape_cast %get3A_533 : vector<1x1x16xf32> to vector<16xf32>
      %swap3A_535 = arith.constant 0 : i32
      %swap3A_536 = arith.index_cast %swap3A_535 : i32 to index
      %swap3A_537 = arith.constant 16 : index
      %swap3A_538 = tpu.vector_load %arg9[%swap3A_536, %swap3A_537] {strides = array<i32>} : memref<32x1024xf32, #tpu.memory_space<vmem>>, vector<1x16xf32>,
      %swap3A_539 = vector.shape_cast %swap3A_538 : vector<1x16xf32> to vector<16xf32>
      %swap3A_540 = vector.shape_cast %get3A_534 : vector<16xf32> to vector<1x16xf32>
      tpu.vector_store %arg9[%swap3A_536, %swap3A_537], %swap3A_540 {strides = array<i32>} : memref<32x1024xf32, #tpu.memory_space<vmem>>, vector<1x16xf32>,
      %get3A_541 = arith.constant 15 : i32
      %get3A_542 = arith.index_cast %get3A_541 : i32 to index
      %get3A_543 = arith.constant 16 : index
      %get3A_544 = tpu.vector_load %arg10[%get3A_542, %get3A_543] {strides = array<i32>} : memref<16x1024xf32, #tpu.memory_space<vmem>>, vector<1x16xf32>,
      %get3A_545 = vector.shape_cast %get3A_544 : vector<1x16xf32> to vector<16xf32>
      %swap3A_546 = arith.constant 0 : i32
      %swap3A_547 = arith.constant 0 : i32
      %swap3A_548 = arith.index_cast %swap3A_546 : i32 to index
      %swap3A_549 = arith.index_cast %swap3A_547 : i32 to index
      %swap3A_550 = arith.constant 16 : index
      %swap3A_551 = tpu.vector_load %arg8[%swap3A_548, %swap3A_549, %swap3A_550] {strides = array<i32>} : memref<2x32x1024xf32, #tpu.memory_space<vmem>>, vector<1x1x16xf32>,
      %swap3A_552 = vector.shape_cast %swap3A_551 : vector<1x1x16xf32> to vector<16xf32>
      %swap3A_553 = vector.shape_cast %get3A_545 : vector<16xf32> to vector<1x1x16xf32>
      tpu.vector_store %arg8[%swap3A_548, %swap3A_549, %swap3A_550], %swap3A_553 {strides = array<i32>} : memref<2x32x1024xf32, #tpu.memory_space<vmem>>, vector<1x1x16xf32>,
      %get3A_554 = arith.constant 0 : i32
      %get3A_555 = arith.constant 0 : i32
      %get3A_556 = arith.index_cast %get3A_554 : i32 to index
      %get3A_557 = arith.index_cast %get3A_555 : i32 to index
      %get3A_558 = arith.constant 32 : index
      %get3A_559 = tpu.vector_load %arg8[%get3A_556, %get3A_557, %get3A_558] {strides = array<i32>} : memref<2x32x1024xf32, #tpu.memory_space<vmem>>, vector<1x1x16xf32>,
      %get3A_560 = vector.shape_cast %get3A_559 : vector<1x1x16xf32> to vector<16xf32>
      %swap3A_561 = arith.constant 0 : i32
      %swap3A_562 = arith.index_cast %swap3A_561 : i32 to index
      %swap3A_563 = arith.constant 32 : index
      %swap3A_564 = tpu.vector_load %arg9[%swap3A_562, %swap3A_563] {strides = array<i32>} : memref<32x1024xf32, #tpu.memory_space<vmem>>, vector<1x16xf32>,
      %swap3A_565 = vector.shape_cast %swap3A_564 : vector<1x16xf32> to vector<16xf32>
      %swap3A_566 = vector.shape_cast %get3A_560 : vector<16xf32> to vector<1x16xf32>
      tpu.vector_store %arg9[%swap3A_562, %swap3A_563], %swap3A_566 {strides = array<i32>} : memref<32x1024xf32, #tpu.memory_space<vmem>>, vector<1x16xf32>,
      %get3A_567 = arith.constant 15 : i32
      %get3A_568 = arith.index_cast %get3A_567 : i32 to index
      %get3A_569 = arith.constant 32 : index
      %get3A_570 = tpu.vector_load %arg10[%get3A_568, %get3A_569] {strides = array<i32>} : memref<16x1024xf32, #tpu.memory_space<vmem>>, vector<1x16xf32>,
      %get3A_571 = vector.shape_cast %get3A_570 : vector<1x16xf32> to vector<16xf32>
      %swap3A_572 = arith.constant 0 : i32
      %swap3A_573 = arith.constant 0 : i32
      %swap3A_574 = arith.index_cast %swap3A_572 : i32 to index
      %swap3A_575 = arith.index_cast %swap3A_573 : i32 to index
      %swap3A_576 = arith.constant 32 : index
      %swap3A_577 = tpu.vector_load %arg8[%swap3A_574, %swap3A_575, %swap3A_576] {strides = array<i32>} : memref<2x32x1024xf32, #tpu.memory_space<vmem>>, vector<1x1x16xf32>,
      %swap3A_578 = vector.shape_cast %swap3A_577 : vector<1x1x16xf32> to vector<16xf32>
      %swap3A_579 = vector.shape_cast %get3A_571 : vector<16xf32> to vector<1x1x16xf32>
      tpu.vector_store %arg8[%swap3A_574, %swap3A_575, %swap3A_576], %swap3A_579 {strides = array<i32>} : memref<2x32x1024xf32, #tpu.memory_space<vmem>>, vector<1x1x16xf32>,
      %get3A_580 = arith.constant 0 : i32
      %get3A_581 = arith.constant 0 : i32
      %get3A_582 = arith.index_cast %get3A_580 : i32 to index
      %get3A_583 = arith.index_cast %get3A_581 : i32 to index
      %get3A_584 = arith.constant 48 : index
      %get3A_585 = tpu.vector_load %arg8[%get3A_582, %get3A_583, %get3A_584] {strides = array<i32>} : memref<2x32x1024xf32, #tpu.memory_space<vmem>>, vector<1x1x16xf32>,
      %get3A_586 = vector.shape_cast %get3A_585 : vector<1x1x16xf32> to vector<16xf32>
      %swap3A_587 = arith.constant 0 : i32
      %swap3A_588 = arith.index_cast %swap3A_587 : i32 to index
      %swap3A_589 = arith.constant 48 : index
      %swap3A_590 = tpu.vector_load %arg9[%swap3A_588, %swap3A_589] {strides = array<i32>} : memref<32x1024xf32, #tpu.memory_space<vmem>>, vector<1x16xf32>,
      %swap3A_591 = vector.shape_cast %swap3A_590 : vector<1x16xf32> to vector<16xf32>
      %swap3A_592 = vector.shape_cast %get3A_586 : vector<16xf32> to vector<1x16xf32>
      tpu.vector_store %arg9[%swap3A_588, %swap3A_589], %swap3A_592 {strides = array<i32>} : memref<32x1024xf32, #tpu.memory_space<vmem>>, vector<1x16xf32>,
      %get3A_593 = arith.constant 15 : i32
      %get3A_594 = arith.index_cast %get3A_593 : i32 to index
      %get3A_595 = arith.constant 48 : index
      %get3A_596 = tpu.vector_load %arg10[%get3A_594, %get3A_595] {strides = array<i32>} : memref<16x1024xf32, #tpu.memory_space<vmem>>, vector<1x16xf32>,
      %get3A_597 = vector.shape_cast %get3A_596 : vector<1x16xf32> to vector<16xf32>
      %swap3A_598 = arith.constant 0 : i32
      %swap3A_599 = arith.constant 0 : i32
      %swap3A_600 = arith.index_cast %swap3A_598 : i32 to index
      %swap3A_601 = arith.index_cast %swap3A_599 : i32 to index
      %swap3A_602 = arith.constant 48 : index
      %swap3A_603 = tpu.vector_load %arg8[%swap3A_600, %swap3A_601, %swap3A_602] {strides = array<i32>} : memref<2x32x1024xf32, #tpu.memory_space<vmem>>, vector<1x1x16xf32>,
      %swap3A_604 = vector.shape_cast %swap3A_603 : vector<1x1x16xf32> to vector<16xf32>
      %swap3A_605 = vector.shape_cast %get3A_597 : vector<16xf32> to vector<1x1x16xf32>
      tpu.vector_store %arg8[%swap3A_600, %swap3A_601, %swap3A_602], %swap3A_605 {strides = array<i32>} : memref<2x32x1024xf32, #tpu.memory_space<vmem>>, vector<1x1x16xf32>,
      %get3A_606 = arith.constant 0 : i32
      %get3A_607 = arith.constant 0 : i32
      %get3A_608 = arith.index_cast %get3A_606 : i32 to index
      %get3A_609 = arith.index_cast %get3A_607 : i32 to index
      %get3A_610 = arith.constant 64 : index
      %get3A_611 = tpu.vector_load %arg8[%get3A_608, %get3A_609, %get3A_610] {strides = array<i32>} : memref<2x32x1024xf32, #tpu.memory_space<vmem>>, vector<1x1x16xf32>,
      %get3A_612 = vector.shape_cast %get3A_611 : vector<1x1x16xf32> to vector<16xf32>
      %swap3A_613 = arith.constant 0 : i32
      %swap3A_614 = arith.index_cast %swap3A_613 : i32 to index
      %swap3A_615 = arith.constant 64 : index
      %swap3A_616 = tpu.vector_load %arg9[%swap3A_614, %swap3A_615] {strides = array<i32>} : memref<32x1024xf32, #tpu.memory_space<vmem>>, vector<1x16xf32>,
      %swap3A_617 = vector.shape_cast %swap3A_616 : vector<1x16xf32> to vector<16xf32>
      %swap3A_618 = vector.shape_cast %get3A_612 : vector<16xf32> to vector<1x16xf32>
      tpu.vector_store %arg9[%swap3A_614, %swap3A_615], %swap3A_618 {strides = array<i32>} : memref<32x1024xf32, #tpu.memory_space<vmem>>, vector<1x16xf32>,
      %get3A_619 = arith.constant 15 : i32
      %get3A_620 = arith.index_cast %get3A_619 : i32 to index
      %get3A_621 = arith.constant 64 : index
      %get3A_622 = tpu.vector_load %arg10[%get3A_620, %get3A_621] {strides = array<i32>} : memref<16x1024xf32, #tpu.memory_space<vmem>>, vector<1x16xf32>,
      %get3A_623 = vector.shape_cast %get3A_622 : vector<1x16xf32> to vector<16xf32>
      %swap3A_624 = arith.constant 0 : i32
      %swap3A_625 = arith.constant 0 : i32
      %swap3A_626 = arith.index_cast %swap3A_624 : i32 to index
      %swap3A_627 = arith.index_cast %swap3A_625 : i32 to index
      %swap3A_628 = arith.constant 64 : index
      %swap3A_629 = tpu.vector_load %arg8[%swap3A_626, %swap3A_627, %swap3A_628] {strides = array<i32>} : memref<2x32x1024xf32, #tpu.memory_space<vmem>>, vector<1x1x16xf32>,
      %swap3A_630 = vector.shape_cast %swap3A_629 : vector<1x1x16xf32> to vector<16xf32>
      %swap3A_631 = vector.shape_cast %get3A_623 : vector<16xf32> to vector<1x1x16xf32>
      tpu.vector_store %arg8[%swap3A_626, %swap3A_627, %swap3A_628], %swap3A_631 {strides = array<i32>} : memref<2x32x1024xf32, #tpu.memory_space<vmem>>, vector<1x1x16xf32>,
      %get3A_632 = arith.constant 0 : i32
      %get3A_633 = arith.constant 0 : i32
      %get3A_634 = arith.index_cast %get3A_632 : i32 to index
      %get3A_635 = arith.index_cast %get3A_633 : i32 to index
      %get3A_636 = arith.constant 80 : index
      %get3A_637 = tpu.vector_load %arg8[%get3A_634, %get3A_635, %get3A_636] {strides = array<i32>} : memref<2x32x1024xf32, #tpu.memory_space<vmem>>, vector<1x1x16xf32>,
      %get3A_638 = vector.shape_cast %get3A_637 : vector<1x1x16xf32> to vector<16xf32>
      %swap3A_639 = arith.constant 0 : i32
      %swap3A_640 = arith.index_cast %swap3A_639 : i32 to index
      %swap3A_641 = arith.constant 80 : index
      %swap3A_642 = tpu.vector_load %arg9[%swap3A_640, %swap3A_641] {strides = array<i32>} : memref<32x1024xf32, #tpu.memory_space<vmem>>, vector<1x16xf32>,
      %swap3A_643 = vector.shape_cast %swap3A_642 : vector<1x16xf32> to vector<16xf32>
      %swap3A_644 = vector.shape_cast %get3A_638 : vector<16xf32> to vector<1x16xf32>
      tpu.vector_store %arg9[%swap3A_640, %swap3A_641], %swap3A_644 {strides = array<i32>} : memref<32x1024xf32, #tpu.memory_space<vmem>>, vector<1x16xf32>,
      %get3A_645 = arith.constant 15 : i32
      %get3A_646 = arith.index_cast %get3A_645 : i32 to index
      %get3A_647 = arith.constant 80 : index
      %get3A_648 = tpu.vector_load %arg10[%get3A_646, %get3A_647] {strides = array<i32>} : memref<16x1024xf32, #tpu.memory_space<vmem>>, vector<1x16xf32>,
      %get3A_649 = vector.shape_cast %get3A_648 : vector<1x16xf32> to vector<16xf32>
      %swap3A_650 = arith.constant 0 : i32
      %swap3A_651 = arith.constant 0 : i32
      %swap3A_652 = arith.index_cast %swap3A_650 : i32 to index
      %swap3A_653 = arith.index_cast %swap3A_651 : i32 to index
      %swap3A_654 = arith.constant 80 : index
      %swap3A_655 = tpu.vector_load %arg8[%swap3A_652, %swap3A_653, %swap3A_654] {strides = array<i32>} : memref<2x32x1024xf32, #tpu.memory_space<vmem>>, vector<1x1x16xf32>,
      %swap3A_656 = vector.shape_cast %swap3A_655 : vector<1x1x16xf32> to vector<16xf32>
      %swap3A_657 = vector.shape_cast %get3A_649 : vector<16xf32> to vector<1x1x16xf32>
      tpu.vector_store %arg8[%swap3A_652, %swap3A_653, %swap3A_654], %swap3A_657 {strides = array<i32>} : memref<2x32x1024xf32, #tpu.memory_space<vmem>>, vector<1x1x16xf32>,
      %get3A_658 = arith.constant 0 : i32
      %get3A_659 = arith.constant 0 : i32
      %get3A_660 = arith.index_cast %get3A_658 : i32 to index
      %get3A_661 = arith.index_cast %get3A_659 : i32 to index
      %get3A_662 = arith.constant 96 : index
      %get3A_663 = tpu.vector_load %arg8[%get3A_660, %get3A_661, %get3A_662] {strides = array<i32>} : memref<2x32x1024xf32, #tpu.memory_space<vmem>>, vector<1x1x16xf32>,
      %get3A_664 = vector.shape_cast %get3A_663 : vector<1x1x16xf32> to vector<16xf32>
      %swap3A_665 = arith.constant 0 : i32
      %swap3A_666 = arith.index_cast %swap3A_665 : i32 to index
      %swap3A_667 = arith.constant 96 : index
      %swap3A_668 = tpu.vector_load %arg9[%swap3A_666, %swap3A_667] {strides = array<i32>} : memref<32x1024xf32, #tpu.memory_space<vmem>>, vector<1x16xf32>,
      %swap3A_669 = vector.shape_cast %swap3A_668 : vector<1x16xf32> to vector<16xf32>
      %swap3A_670 = vector.shape_cast %get3A_664 : vector<16xf32> to vector<1x16xf32>
      tpu.vector_store %arg9[%swap3A_666, %swap3A_667], %swap3A_670 {strides = array<i32>} : memref<32x1024xf32, #tpu.memory_space<vmem>>, vector<1x16xf32>,
      %get3A_671 = arith.constant 15 : i32
      %get3A_672 = arith.index_cast %get3A_671 : i32 to index
      %get3A_673 = arith.constant 96 : index
      %get3A_674 = tpu.vector_load %arg10[%get3A_672, %get3A_673] {strides = array<i32>} : memref<16x1024xf32, #tpu.memory_space<vmem>>, vector<1x16xf32>,
      %get3A_675 = vector.shape_cast %get3A_674 : vector<1x16xf32> to vector<16xf32>
      %swap3A_676 = arith.constant 0 : i32
      %swap3A_677 = arith.constant 0 : i32
      %swap3A_678 = arith.index_cast %swap3A_676 : i32 to index
      %swap3A_679 = arith.index_cast %swap3A_677 : i32 to index
      %swap3A_680 = arith.constant 96 : index
      %swap3A_681 = tpu.vector_load %arg8[%swap3A_678, %swap3A_679, %swap3A_680] {strides = array<i32>} : memref<2x32x1024xf32, #tpu.memory_space<vmem>>, vector<1x1x16xf32>,
      %swap3A_682 = vector.shape_cast %swap3A_681 : vector<1x1x16xf32> to vector<16xf32>
      %swap3A_683 = vector.shape_cast %get3A_675 : vector<16xf32> to vector<1x1x16xf32>
      tpu.vector_store %arg8[%swap3A_678, %swap3A_679, %swap3A_680], %swap3A_683 {strides = array<i32>} : memref<2x32x1024xf32, #tpu.memory_space<vmem>>, vector<1x1x16xf32>,
      %get3A_684 = arith.constant 0 : i32
      %get3A_685 = arith.constant 0 : i32
      %get3A_686 = arith.index_cast %get3A_684 : i32 to index
      %get3A_687 = arith.index_cast %get3A_685 : i32 to index
      %get3A_688 = arith.constant 112 : index
      %get3A_689 = tpu.vector_load %arg8[%get3A_686, %get3A_687, %get3A_688] {strides = array<i32>} : memref<2x32x1024xf32, #tpu.memory_space<vmem>>, vector<1x1x16xf32>,
      %get3A_690 = vector.shape_cast %get3A_689 : vector<1x1x16xf32> to vector<16xf32>
      %swap3A_691 = arith.constant 0 : i32
      %swap3A_692 = arith.index_cast %swap3A_691 : i32 to index
      %swap3A_693 = arith.constant 112 : index
      %swap3A_694 = tpu.vector_load %arg9[%swap3A_692, %swap3A_693] {strides = array<i32>} : memref<32x1024xf32, #tpu.memory_space<vmem>>, vector<1x16xf32>,
      %swap3A_695 = vector.shape_cast %swap3A_694 : vector<1x16xf32> to vector<16xf32>
      %swap3A_696 = vector.shape_cast %get3A_690 : vector<16xf32> to vector<1x16xf32>
      tpu.vector_store %arg9[%swap3A_692, %swap3A_693], %swap3A_696 {strides = array<i32>} : memref<32x1024xf32, #tpu.memory_space<vmem>>, vector<1x16xf32>,
      %get3A_697 = arith.constant 15 : i32
      %get3A_698 = arith.index_cast %get3A_697 : i32 to index
      %get3A_699 = arith.constant 112 : index
      %get3A_700 = tpu.vector_load %arg10[%get3A_698, %get3A_699] {strides = array<i32>} : memref<16x1024xf32, #tpu.memory_space<vmem>>, vector<1x16xf32>,
      %get3A_701 = vector.shape_cast %get3A_700 : vector<1x16xf32> to vector<16xf32>
      %swap3A_702 = arith.constant 0 : i32
      %swap3A_703 = arith.constant 0 : i32
      %swap3A_704 = arith.index_cast %swap3A_702 : i32 to index
      %swap3A_705 = arith.index_cast %swap3A_703 : i32 to index
      %swap3A_706 = arith.constant 112 : index
      %swap3A_707 = tpu.vector_load %arg8[%swap3A_704, %swap3A_705, %swap3A_706] {strides = array<i32>} : memref<2x32x1024xf32, #tpu.memory_space<vmem>>, vector<1x1x16xf32>,
      %swap3A_708 = vector.shape_cast %swap3A_707 : vector<1x1x16xf32> to vector<16xf32>
      %swap3A_709 = vector.shape_cast %get3A_701 : vector<16xf32> to vector<1x1x16xf32>
      tpu.vector_store %arg8[%swap3A_704, %swap3A_705, %swap3A_706], %swap3A_709 {strides = array<i32>} : memref<2x32x1024xf32, #tpu.memory_space<vmem>>, vector<1x1x16xf32>,
      %get3A_710 = arith.constant 0 : i32
      %get3A_711 = arith.constant 0 : i32
      %get3A_712 = arith.index_cast %get3A_710 : i32 to index
      %get3A_713 = arith.index_cast %get3A_711 : i32 to index
      %get3A_714 = arith.constant 128 : index
      %get3A_715 = tpu.vector_load %arg8[%get3A_712, %get3A_713, %get3A_714] {strides = array<i32>} : memref<2x32x1024xf32, #tpu.memory_space<vmem>>, vector<1x1x16xf32>,
      %get3A_716 = vector.shape_cast %get3A_715 : vector<1x1x16xf32> to vector<16xf32>
      %swap3A_717 = arith.constant 0 : i32
      %swap3A_718 = arith.index_cast %swap3A_717 : i32 to index
      %swap3A_719 = arith.constant 128 : index
      %swap3A_720 = tpu.vector_load %arg9[%swap3A_718, %swap3A_719] {strides = array<i32>} : memref<32x1024xf32, #tpu.memory_space<vmem>>, vector<1x16xf32>,
      %swap3A_721 = vector.shape_cast %swap3A_720 : vector<1x16xf32> to vector<16xf32>
      %swap3A_722 = vector.shape_cast %get3A_716 : vector<16xf32> to vector<1x16xf32>
      tpu.vector_store %arg9[%swap3A_718, %swap3A_719], %swap3A_722 {strides = array<i32>} : memref<32x1024xf32, #tpu.memory_space<vmem>>, vector<1x16xf32>,
      %get3A_723 = arith.constant 15 : i32
      %get3A_724 = arith.index_cast %get3A_723 : i32 to index
      %get3A_725 = arith.constant 128 : index
      %get3A_726 = tpu.vector_load %arg10[%get3A_724, %get3A_725] {strides = array<i32>} : memref<16x1024xf32, #tpu.memory_space<vmem>>, vector<1x16xf32>,
      %get3A_727 = vector.shape_cast %get3A_726 : vector<1x16xf32> to vector<16xf32>
      %swap3A_728 = arith.constant 0 : i32
      %swap3A_729 = arith.constant 0 : i32
      %swap3A_730 = arith.index_cast %swap3A_728 : i32 to index
      %swap3A_731 = arith.index_cast %swap3A_729 : i32 to index
      %swap3A_732 = arith.constant 128 : index
      %swap3A_733 = tpu.vector_load %arg8[%swap3A_730, %swap3A_731, %swap3A_732] {strides = array<i32>} : memref<2x32x1024xf32, #tpu.memory_space<vmem>>, vector<1x1x16xf32>,
      %swap3A_734 = vector.shape_cast %swap3A_733 : vector<1x1x16xf32> to vector<16xf32>
      %swap3A_735 = vector.shape_cast %get3A_727 : vector<16xf32> to vector<1x1x16xf32>
      tpu.vector_store %arg8[%swap3A_730, %swap3A_731, %swap3A_732], %swap3A_735 {strides = array<i32>} : memref<2x32x1024xf32, #tpu.memory_space<vmem>>, vector<1x1x16xf32>,
      %get3A_736 = arith.constant 0 : i32
      %get3A_737 = arith.constant 0 : i32
      %get3A_738 = arith.index_cast %get3A_736 : i32 to index
      %get3A_739 = arith.index_cast %get3A_737 : i32 to index
      %get3A_740 = arith.constant 144 : index
      %get3A_741 = tpu.vector_load %arg8[%get3A_738, %get3A_739, %get3A_740] {strides = array<i32>} : memref<2x32x1024xf32, #tpu.memory_space<vmem>>, vector<1x1x16xf32>,
      %get3A_742 = vector.shape_cast %get3A_741 : vector<1x1x16xf32> to vector<16xf32>
      %swap3A_743 = arith.constant 0 : i32
      %swap3A_744 = arith.index_cast %swap3A_743 : i32 to index
      %swap3A_745 = arith.constant 144 : index
      %swap3A_746 = tpu.vector_load %arg9[%swap3A_744, %swap3A_745] {strides = array<i32>} : memref<32x1024xf32, #tpu.memory_space<vmem>>, vector<1x16xf32>,
      %swap3A_747 = vector.shape_cast %swap3A_746 : vector<1x16xf32> to vector<16xf32>
      %swap3A_748 = vector.shape_cast %get3A_742 : vector<16xf32> to vector<1x16xf32>
      tpu.vector_store %arg9[%swap3A_744, %swap3A_745], %swap3A_748 {strides = array<i32>} : memref<32x1024xf32, #tpu.memory_space<vmem>>, vector<1x16xf32>,
      %get3A_749 = arith.constant 15 : i32
      %get3A_750 = arith.index_cast %get3A_749 : i32 to index
      %get3A_751 = arith.constant 144 : index
      %get3A_752 = tpu.vector_load %arg10[%get3A_750, %get3A_751] {strides = array<i32>} : memref<16x1024xf32, #tpu.memory_space<vmem>>, vector<1x16xf32>,
      %get3A_753 = vector.shape_cast %get3A_752 : vector<1x16xf32> to vector<16xf32>
      %swap3A_754 = arith.constant 0 : i32
      %swap3A_755 = arith.constant 0 : i32
      %swap3A_756 = arith.index_cast %swap3A_754 : i32 to index
      %swap3A_757 = arith.index_cast %swap3A_755 : i32 to index
      %swap3A_758 = arith.constant 144 : index
      %swap3A_759 = tpu.vector_load %arg8[%swap3A_756, %swap3A_757, %swap3A_758] {strides = array<i32>} : memref<2x32x1024xf32, #tpu.memory_space<vmem>>, vector<1x1x16xf32>,
      %swap3A_760 = vector.shape_cast %swap3A_759 : vector<1x1x16xf32> to vector<16xf32>
      %swap3A_761 = vector.shape_cast %get3A_753 : vector<16xf32> to vector<1x1x16xf32>
      tpu.vector_store %arg8[%swap3A_756, %swap3A_757, %swap3A_758], %swap3A_761 {strides = array<i32>} : memref<2x32x1024xf32, #tpu.memory_space<vmem>>, vector<1x1x16xf32>,
      %get3A_762 = arith.constant 0 : i32
      %get3A_763 = arith.constant 0 : i32
      %get3A_764 = arith.index_cast %get3A_762 : i32 to index
      %get3A_765 = arith.index_cast %get3A_763 : i32 to index
      %get3A_766 = arith.constant 160 : index
      %get3A_767 = tpu.vector_load %arg8[%get3A_764, %get3A_765, %get3A_766] {strides = array<i32>} : memref<2x32x1024xf32, #tpu.memory_space<vmem>>, vector<1x1x16xf32>,
      %get3A_768 = vector.shape_cast %get3A_767 : vector<1x1x16xf32> to vector<16xf32>
      %swap3A_769 = arith.constant 0 : i32
      %swap3A_770 = arith.index_cast %swap3A_769 : i32 to index
      %swap3A_771 = arith.constant 160 : index
      %swap3A_772 = tpu.vector_load %arg9[%swap3A_770, %swap3A_771] {strides = array<i32>} : memref<32x1024xf32, #tpu.memory_space<vmem>>, vector<1x16xf32>,
      %swap3A_773 = vector.shape_cast %swap3A_772 : vector<1x16xf32> to vector<16xf32>
      %swap3A_774 = vector.shape_cast %get3A_768 : vector<16xf32> to vector<1x16xf32>
      tpu.vector_store %arg9[%swap3A_770, %swap3A_771], %swap3A_774 {strides = array<i32>} : memref<32x1024xf32, #tpu.memory_space<vmem>>, vector<1x16xf32>,
      %get3A_775 = arith.constant 15 : i32
      %get3A_776 = arith.index_cast %get3A_775 : i32 to index
      %get3A_777 = arith.constant 160 : index
      %get3A_778 = tpu.vector_load %arg10[%get3A_776, %get3A_777] {strides = array<i32>} : memref<16x1024xf32, #tpu.memory_space<vmem>>, vector<1x16xf32>,
      %get3A_779 = vector.shape_cast %get3A_778 : vector<1x16xf32> to vector<16xf32>
      %swap3A_780 = arith.constant 0 : i32
      %swap3A_781 = arith.constant 0 : i32
      %swap3A_782 = arith.index_cast %swap3A_780 : i32 to index
      %swap3A_783 = arith.index_cast %swap3A_781 : i32 to index
      %swap3A_784 = arith.constant 160 : index
      %swap3A_785 = tpu.vector_load %arg8[%swap3A_782, %swap3A_783, %swap3A_784] {strides = array<i32>} : memref<2x32x1024xf32, #tpu.memory_space<vmem>>, vector<1x1x16xf32>,
      %swap3A_786 = vector.shape_cast %swap3A_785 : vector<1x1x16xf32> to vector<16xf32>
      %swap3A_787 = vector.shape_cast %get3A_779 : vector<16xf32> to vector<1x1x16xf32>
      tpu.vector_store %arg8[%swap3A_782, %swap3A_783, %swap3A_784], %swap3A_787 {strides = array<i32>} : memref<2x32x1024xf32, #tpu.memory_space<vmem>>, vector<1x1x16xf32>,
      %get3A_788 = arith.constant 0 : i32
      %get3A_789 = arith.constant 0 : i32
      %get3A_790 = arith.index_cast %get3A_788 : i32 to index
      %get3A_791 = arith.index_cast %get3A_789 : i32 to index
      %get3A_792 = arith.constant 176 : index
      %get3A_793 = tpu.vector_load %arg8[%get3A_790, %get3A_791, %get3A_792] {strides = array<i32>} : memref<2x32x1024xf32, #tpu.memory_space<vmem>>, vector<1x1x16xf32>,
      %get3A_794 = vector.shape_cast %get3A_793 : vector<1x1x16xf32> to vector<16xf32>
      %swap3A_795 = arith.constant 0 : i32
      %swap3A_796 = arith.index_cast %swap3A_795 : i32 to index
      %swap3A_797 = arith.constant 176 : index
      %swap3A_798 = tpu.vector_load %arg9[%swap3A_796, %swap3A_797] {strides = array<i32>} : memref<32x1024xf32, #tpu.memory_space<vmem>>, vector<1x16xf32>,
      %swap3A_799 = vector.shape_cast %swap3A_798 : vector<1x16xf32> to vector<16xf32>
      %swap3A_800 = vector.shape_cast %get3A_794 : vector<16xf32> to vector<1x16xf32>
      tpu.vector_store %arg9[%swap3A_796, %swap3A_797], %swap3A_800 {strides = array<i32>} : memref<32x1024xf32, #tpu.memory_space<vmem>>, vector<1x16xf32>,
      %get3A_801 = arith.constant 15 : i32
      %get3A_802 = arith.index_cast %get3A_801 : i32 to index
      %get3A_803 = arith.constant 176 : index
      %get3A_804 = tpu.vector_load %arg10[%get3A_802, %get3A_803] {strides = array<i32>} : memref<16x1024xf32, #tpu.memory_space<vmem>>, vector<1x16xf32>,
      %get3A_805 = vector.shape_cast %get3A_804 : vector<1x16xf32> to vector<16xf32>
      %swap3A_806 = arith.constant 0 : i32
      %swap3A_807 = arith.constant 0 : i32
      %swap3A_808 = arith.index_cast %swap3A_806 : i32 to index
      %swap3A_809 = arith.index_cast %swap3A_807 : i32 to index
      %swap3A_810 = arith.constant 176 : index
      %swap3A_811 = tpu.vector_load %arg8[%swap3A_808, %swap3A_809, %swap3A_810] {strides = array<i32>} : memref<2x32x1024xf32, #tpu.memory_space<vmem>>, vector<1x1x16xf32>,
      %swap3A_812 = vector.shape_cast %swap3A_811 : vector<1x1x16xf32> to vector<16xf32>
      %swap3A_813 = vector.shape_cast %get3A_805 : vector<16xf32> to vector<1x1x16xf32>
      tpu.vector_store %arg8[%swap3A_808, %swap3A_809, %swap3A_810], %swap3A_813 {strides = array<i32>} : memref<2x32x1024xf32, #tpu.memory_space<vmem>>, vector<1x1x16xf32>,
      %get3A_814 = arith.constant 0 : i32
      %get3A_815 = arith.constant 0 : i32
      %get3A_816 = arith.index_cast %get3A_814 : i32 to index
      %get3A_817 = arith.index_cast %get3A_815 : i32 to index
      %get3A_818 = arith.constant 192 : index
      %get3A_819 = tpu.vector_load %arg8[%get3A_816, %get3A_817, %get3A_818] {strides = array<i32>} : memref<2x32x1024xf32, #tpu.memory_space<vmem>>, vector<1x1x16xf32>,
      %get3A_820 = vector.shape_cast %get3A_819 : vector<1x1x16xf32> to vector<16xf32>
      %swap3A_821 = arith.constant 0 : i32
      %swap3A_822 = arith.index_cast %swap3A_821 : i32 to index
      %swap3A_823 = arith.constant 192 : index
      %swap3A_824 = tpu.vector_load %arg9[%swap3A_822, %swap3A_823] {strides = array<i32>} : memref<32x1024xf32, #tpu.memory_space<vmem>>, vector<1x16xf32>,
      %swap3A_825 = vector.shape_cast %swap3A_824 : vector<1x16xf32> to vector<16xf32>
      %swap3A_826 = vector.shape_cast %get3A_820 : vector<16xf32> to vector<1x16xf32>
      tpu.vector_store %arg9[%swap3A_822, %swap3A_823], %swap3A_826 {strides = array<i32>} : memref<32x1024xf32, #tpu.memory_space<vmem>>, vector<1x16xf32>,
      %get3A_827 = arith.constant 15 : i32
      %get3A_828 = arith.index_cast %get3A_827 : i32 to index
      %get3A_829 = arith.constant 192 : index
      %get3A_830 = tpu.vector_load %arg10[%get3A_828, %get3A_829] {strides = array<i32>} : memref<16x1024xf32, #tpu.memory_space<vmem>>, vector<1x16xf32>,
      %get3A_831 = vector.shape_cast %get3A_830 : vector<1x16xf32> to vector<16xf32>
      %swap3A_832 = arith.constant 0 : i32
      %swap3A_833 = arith.constant 0 : i32
      %swap3A_834 = arith.index_cast %swap3A_832 : i32 to index
      %swap3A_835 = arith.index_cast %swap3A_833 : i32 to index
      %swap3A_836 = arith.constant 192 : index
      %swap3A_837 = tpu.vector_load %arg8[%swap3A_834, %swap3A_835, %swap3A_836] {strides = array<i32>} : memref<2x32x1024xf32, #tpu.memory_space<vmem>>, vector<1x1x16xf32>,
      %swap3A_838 = vector.shape_cast %swap3A_837 : vector<1x1x16xf32> to vector<16xf32>
      %swap3A_839 = vector.shape_cast %get3A_831 : vector<16xf32> to vector<1x1x16xf32>
      tpu.vector_store %arg8[%swap3A_834, %swap3A_835, %swap3A_836], %swap3A_839 {strides = array<i32>} : memref<2x32x1024xf32, #tpu.memory_space<vmem>>, vector<1x1x16xf32>,
      %get3A_840 = arith.constant 0 : i32
      %get3A_841 = arith.constant 0 : i32
      %get3A_842 = arith.index_cast %get3A_840 : i32 to index
      %get3A_843 = arith.index_cast %get3A_841 : i32 to index
      %get3A_844 = arith.constant 208 : index
      %get3A_845 = tpu.vector_load %arg8[%get3A_842, %get3A_843, %get3A_844] {strides = array<i32>} : memref<2x32x1024xf32, #tpu.memory_space<vmem>>, vector<1x1x16xf32>,
      %get3A_846 = vector.shape_cast %get3A_845 : vector<1x1x16xf32> to vector<16xf32>
      %swap3A_847 = arith.constant 0 : i32
      %swap3A_848 = arith.index_cast %swap3A_847 : i32 to index
      %swap3A_849 = arith.constant 208 : index
      %swap3A_850 = tpu.vector_load %arg9[%swap3A_848, %swap3A_849] {strides = array<i32>} : memref<32x1024xf32, #tpu.memory_space<vmem>>, vector<1x16xf32>,
      %swap3A_851 = vector.shape_cast %swap3A_850 : vector<1x16xf32> to vector<16xf32>
      %swap3A_852 = vector.shape_cast %get3A_846 : vector<16xf32> to vector<1x16xf32>
      tpu.vector_store %arg9[%swap3A_848, %swap3A_849], %swap3A_852 {strides = array<i32>} : memref<32x1024xf32, #tpu.memory_space<vmem>>, vector<1x16xf32>,
      %get3A_853 = arith.constant 15 : i32
      %get3A_854 = arith.index_cast %get3A_853 : i32 to index
      %get3A_855 = arith.constant 208 : index
      %get3A_856 = tpu.vector_load %arg10[%get3A_854, %get3A_855] {strides = array<i32>} : memref<16x1024xf32, #tpu.memory_space<vmem>>, vector<1x16xf32>,
      %get3A_857 = vector.shape_cast %get3A_856 : vector<1x16xf32> to vector<16xf32>
      %swap3A_858 = arith.constant 0 : i32
      %swap3A_859 = arith.constant 0 : i32
      %swap3A_860 = arith.index_cast %swap3A_858 : i32 to index
      %swap3A_861 = arith.index_cast %swap3A_859 : i32 to index
      %swap3A_862 = arith.constant 208 : index
      %swap3A_863 = tpu.vector_load %arg8[%swap3A_860, %swap3A_861, %swap3A_862] {strides = array<i32>} : memref<2x32x1024xf32, #tpu.memory_space<vmem>>, vector<1x1x16xf32>,
      %swap3A_864 = vector.shape_cast %swap3A_863 : vector<1x1x16xf32> to vector<16xf32>
      %swap3A_865 = vector.shape_cast %get3A_857 : vector<16xf32> to vector<1x1x16xf32>
      tpu.vector_store %arg8[%swap3A_860, %swap3A_861, %swap3A_862], %swap3A_865 {strides = array<i32>} : memref<2x32x1024xf32, #tpu.memory_space<vmem>>, vector<1x1x16xf32>,
      %get3A_866 = arith.constant 0 : i32
      %get3A_867 = arith.constant 0 : i32
      %get3A_868 = arith.index_cast %get3A_866 : i32 to index
      %get3A_869 = arith.index_cast %get3A_867 : i32 to index
      %get3A_870 = arith.constant 224 : index
      %get3A_871 = tpu.vector_load %arg8[%get3A_868, %get3A_869, %get3A_870] {strides = array<i32>} : memref<2x32x1024xf32, #tpu.memory_space<vmem>>, vector<1x1x16xf32>,
      %get3A_872 = vector.shape_cast %get3A_871 : vector<1x1x16xf32> to vector<16xf32>
      %swap3A_873 = arith.constant 0 : i32
      %swap3A_874 = arith.index_cast %swap3A_873 : i32 to index
      %swap3A_875 = arith.constant 224 : index
      %swap3A_876 = tpu.vector_load %arg9[%swap3A_874, %swap3A_875] {strides = array<i32>} : memref<32x1024xf32, #tpu.memory_space<vmem>>, vector<1x16xf32>,
      %swap3A_877 = vector.shape_cast %swap3A_876 : vector<1x16xf32> to vector<16xf32>
      %swap3A_878 = vector.shape_cast %get3A_872 : vector<16xf32> to vector<1x16xf32>
      tpu.vector_store %arg9[%swap3A_874, %swap3A_875], %swap3A_878 {strides = array<i32>} : memref<32x1024xf32, #tpu.memory_space<vmem>>, vector<1x16xf32>,
      %get3A_879 = arith.constant 15 : i32
      %get3A_880 = arith.index_cast %get3A_879 : i32 to index
      %get3A_881 = arith.constant 224 : index
      %get3A_882 = tpu.vector_load %arg10[%get3A_880, %get3A_881] {strides = array<i32>} : memref<16x1024xf32, #tpu.memory_space<vmem>>, vector<1x16xf32>,
      %get3A_883 = vector.shape_cast %get3A_882 : vector<1x16xf32> to vector<16xf32>
      %swap3A_884 = arith.constant 0 : i32
      %swap3A_885 = arith.constant 0 : i32
      %swap3A_886 = arith.index_cast %swap3A_884 : i32 to index
      %swap3A_887 = arith.index_cast %swap3A_885 : i32 to index
      %swap3A_888 = arith.constant 224 : index
      %swap3A_889 = tpu.vector_load %arg8[%swap3A_886, %swap3A_887, %swap3A_888] {strides = array<i32>} : memref<2x32x1024xf32, #tpu.memory_space<vmem>>, vector<1x1x16xf32>,
      %swap3A_890 = vector.shape_cast %swap3A_889 : vector<1x1x16xf32> to vector<16xf32>
      %swap3A_891 = vector.shape_cast %get3A_883 : vector<16xf32> to vector<1x1x16xf32>
      tpu.vector_store %arg8[%swap3A_886, %swap3A_887, %swap3A_888], %swap3A_891 {strides = array<i32>} : memref<2x32x1024xf32, #tpu.memory_space<vmem>>, vector<1x1x16xf32>,
      %get3A_892 = arith.constant 0 : i32
      %get3A_893 = arith.constant 0 : i32
      %get3A_894 = arith.index_cast %get3A_892 : i32 to index
      %get3A_895 = arith.index_cast %get3A_893 : i32 to index
      %get3A_896 = arith.constant 240 : index
      %get3A_897 = tpu.vector_load %arg8[%get3A_894, %get3A_895, %get3A_896] {strides = array<i32>} : memref<2x32x1024xf32, #tpu.memory_space<vmem>>, vector<1x1x16xf32>,
      %get3A_898 = vector.shape_cast %get3A_897 : vector<1x1x16xf32> to vector<16xf32>
      %swap3A_899 = arith.constant 0 : i32
      %swap3A_900 = arith.index_cast %swap3A_899 : i32 to index
      %swap3A_901 = arith.constant 240 : index
      %swap3A_902 = tpu.vector_load %arg9[%swap3A_900, %swap3A_901] {strides = array<i32>} : memref<32x1024xf32, #tpu.memory_space<vmem>>, vector<1x16xf32>,
      %swap3A_903 = vector.shape_cast %swap3A_902 : vector<1x16xf32> to vector<16xf32>
      %swap3A_904 = vector.shape_cast %get3A_898 : vector<16xf32> to vector<1x16xf32>
      tpu.vector_store %arg9[%swap3A_900, %swap3A_901], %swap3A_904 {strides = array<i32>} : memref<32x1024xf32, #tpu.memory_space<vmem>>, vector<1x16xf32>,
      %get3A_905 = arith.constant 15 : i32
      %get3A_906 = arith.index_cast %get3A_905 : i32 to index
      %get3A_907 = arith.constant 240 : index
      %get3A_908 = tpu.vector_load %arg10[%get3A_906, %get3A_907] {strides = array<i32>} : memref<16x1024xf32, #tpu.memory_space<vmem>>, vector<1x16xf32>,
      %get3A_909 = vector.shape_cast %get3A_908 : vector<1x16xf32> to vector<16xf32>
      %swap3A_910 = arith.constant 0 : i32
      %swap3A_911 = arith.constant 0 : i32
      %swap3A_912 = arith.index_cast %swap3A_910 : i32 to index
      %swap3A_913 = arith.index_cast %swap3A_911 : i32 to index
      %swap3A_914 = arith.constant 240 : index
      %swap3A_915 = tpu.vector_load %arg8[%swap3A_912, %swap3A_913, %swap3A_914] {strides = array<i32>} : memref<2x32x1024xf32, #tpu.memory_space<vmem>>, vector<1x1x16xf32>,
      %swap3A_916 = vector.shape_cast %swap3A_915 : vector<1x1x16xf32> to vector<16xf32>
      %swap3A_917 = vector.shape_cast %get3A_909 : vector<16xf32> to vector<1x1x16xf32>
      tpu.vector_store %arg8[%swap3A_912, %swap3A_913, %swap3A_914], %swap3A_917 {strides = array<i32>} : memref<2x32x1024xf32, #tpu.memory_space<vmem>>, vector<1x1x16xf32>,
      %get3A_918 = arith.constant 0 : i32
      %get3A_919 = arith.constant 0 : i32
      %get3A_920 = arith.index_cast %get3A_918 : i32 to index
      %get3A_921 = arith.index_cast %get3A_919 : i32 to index
      %get3A_922 = arith.constant 256 : index
      %get3A_923 = tpu.vector_load %arg8[%get3A_920, %get3A_921, %get3A_922] {strides = array<i32>} : memref<2x32x1024xf32, #tpu.memory_space<vmem>>, vector<1x1x16xf32>,
      %get3A_924 = vector.shape_cast %get3A_923 : vector<1x1x16xf32> to vector<16xf32>
      %swap3A_925 = arith.constant 0 : i32
      %swap3A_926 = arith.index_cast %swap3A_925 : i32 to index
      %swap3A_927 = arith.constant 256 : index
      %swap3A_928 = tpu.vector_load %arg9[%swap3A_926, %swap3A_927] {strides = array<i32>} : memref<32x1024xf32, #tpu.memory_space<vmem>>, vector<1x16xf32>,
      %swap3A_929 = vector.shape_cast %swap3A_928 : vector<1x16xf32> to vector<16xf32>
      %swap3A_930 = vector.shape_cast %get3A_924 : vector<16xf32> to vector<1x16xf32>
      tpu.vector_store %arg9[%swap3A_926, %swap3A_927], %swap3A_930 {strides = array<i32>} : memref<32x1024xf32, #tpu.memory_space<vmem>>, vector<1x16xf32>,
      %get3A_931 = arith.constant 15 : i32
      %get3A_932 = arith.index_cast %get3A_931 : i32 to index
      %get3A_933 = arith.constant 256 : index
      %get3A_934 = tpu.vector_load %arg10[%get3A_932, %get3A_933] {strides = array<i32>} : memref<16x1024xf32, #tpu.memory_space<vmem>>, vector<1x16xf32>,
      %get3A_935 = vector.shape_cast %get3A_934 : vector<1x16xf32> to vector<16xf32>
      %swap3A_936 = arith.constant 0 : i32
      %swap3A_937 = arith.constant 0 : i32
      %swap3A_938 = arith.index_cast %swap3A_936 : i32 to index
      %swap3A_939 = arith.index_cast %swap3A_937 : i32 to index
      %swap3A_940 = arith.constant 256 : index
      %swap3A_941 = tpu.vector_load %arg8[%swap3A_938, %swap3A_939, %swap3A_940] {strides = array<i32>} : memref<2x32x1024xf32, #tpu.memory_space<vmem>>, vector<1x1x16xf32>,
      %swap3A_942 = vector.shape_cast %swap3A_941 : vector<1x1x16xf32> to vector<16xf32>
      %swap3A_943 = vector.shape_cast %get3A_935 : vector<16xf32> to vector<1x1x16xf32>
      tpu.vector_store %arg8[%swap3A_938, %swap3A_939, %swap3A_940], %swap3A_943 {strides = array<i32>} : memref<2x32x1024xf32, #tpu.memory_space<vmem>>, vector<1x1x16xf32>,
      %get3A_944 = arith.constant 0 : i32
      %get3A_945 = arith.constant 0 : i32
      %get3A_946 = arith.index_cast %get3A_944 : i32 to index
      %get3A_947 = arith.index_cast %get3A_945 : i32 to index
      %get3A_948 = arith.constant 272 : index
      %get3A_949 = tpu.vector_load %arg8[%get3A_946, %get3A_947, %get3A_948] {strides = array<i32>} : memref<2x32x1024xf32, #tpu.memory_space<vmem>>, vector<1x1x16xf32>,
      %get3A_950 = vector.shape_cast %get3A_949 : vector<1x1x16xf32> to vector<16xf32>
      %swap3A_951 = arith.constant 0 : i32
      %swap3A_952 = arith.index_cast %swap3A_951 : i32 to index
      %swap3A_953 = arith.constant 272 : index
      %swap3A_954 = tpu.vector_load %arg9[%swap3A_952, %swap3A_953] {strides = array<i32>} : memref<32x1024xf32, #tpu.memory_space<vmem>>, vector<1x16xf32>,
      %swap3A_955 = vector.shape_cast %swap3A_954 : vector<1x16xf32> to vector<16xf32>
      %swap3A_956 = vector.shape_cast %get3A_950 : vector<16xf32> to vector<1x16xf32>
      tpu.vector_store %arg9[%swap3A_952, %swap3A_953], %swap3A_956 {strides = array<i32>} : memref<32x1024xf32, #tpu.memory_space<vmem>>, vector<1x16xf32>,
      %get3A_957 = arith.constant 15 : i32
      %get3A_958 = arith.index_cast %get3A_957 : i32 to index
      %get3A_959 = arith.constant 272 : index
      %get3A_960 = tpu.vector_load %arg10[%get3A_958, %get3A_959] {strides = array<i32>} : memref<16x1024xf32, #tpu.memory_space<vmem>>, vector<1x16xf32>,
      %get3A_961 = vector.shape_cast %get3A_960 : vector<1x16xf32> to vector<16xf32>
      %swap3A_962 = arith.constant 0 : i32
      %swap3A_963 = arith.constant 0 : i32
      %swap3A_964 = arith.index_cast %swap3A_962 : i32 to index
      %swap3A_965 = arith.index_cast %swap3A_963 : i32 to index
      %swap3A_966 = arith.constant 272 : index
      %swap3A_967 = tpu.vector_load %arg8[%swap3A_964, %swap3A_965, %swap3A_966] {strides = array<i32>} : memref<2x32x1024xf32, #tpu.memory_space<vmem>>, vector<1x1x16xf32>,
      %swap3A_968 = vector.shape_cast %swap3A_967 : vector<1x1x16xf32> to vector<16xf32>
      %swap3A_969 = vector.shape_cast %get3A_961 : vector<16xf32> to vector<1x1x16xf32>
      tpu.vector_store %arg8[%swap3A_964, %swap3A_965, %swap3A_966], %swap3A_969 {strides = array<i32>} : memref<2x32x1024xf32, #tpu.memory_space<vmem>>, vector<1x1x16xf32>,
      %get3A_970 = arith.constant 0 : i32
      %get3A_971 = arith.constant 0 : i32
      %get3A_972 = arith.index_cast %get3A_970 : i32 to index
      %get3A_973 = arith.index_cast %get3A_971 : i32 to index
      %get3A_974 = arith.constant 288 : index
      %get3A_975 = tpu.vector_load %arg8[%get3A_972, %get3A_973, %get3A_974] {strides = array<i32>} : memref<2x32x1024xf32, #tpu.memory_space<vmem>>, vector<1x1x16xf32>,
      %get3A_976 = vector.shape_cast %get3A_975 : vector<1x1x16xf32> to vector<16xf32>
      %swap3A_977 = arith.constant 0 : i32
      %swap3A_978 = arith.index_cast %swap3A_977 : i32 to index
      %swap3A_979 = arith.constant 288 : index
      %swap3A_980 = tpu.vector_load %arg9[%swap3A_978, %swap3A_979] {strides = array<i32>} : memref<32x1024xf32, #tpu.memory_space<vmem>>, vector<1x16xf32>,
      %swap3A_981 = vector.shape_cast %swap3A_980 : vector<1x16xf32> to vector<16xf32>
      %swap3A_982 = vector.shape_cast %get3A_976 : vector<16xf32> to vector<1x16xf32>
      tpu.vector_store %arg9[%swap3A_978, %swap3A_979], %swap3A_982 {strides = array<i32>} : memref<32x1024xf32, #tpu.memory_space<vmem>>, vector<1x16xf32>,
      %get3A_983 = arith.constant 15 : i32
      %get3A_984 = arith.index_cast %get3A_983 : i32 to index
      %get3A_985 = arith.constant 288 : index
      %get3A_986 = tpu.vector_load %arg10[%get3A_984, %get3A_985] {strides = array<i32>} : memref<16x1024xf32, #tpu.memory_space<vmem>>, vector<1x16xf32>,
      %get3A_987 = vector.shape_cast %get3A_986 : vector<1x16xf32> to vector<16xf32>
      %swap3A_988 = arith.constant 0 : i32
      %swap3A_989 = arith.constant 0 : i32
      %swap3A_990 = arith.index_cast %swap3A_988 : i32 to index
      %swap3A_991 = arith.index_cast %swap3A_989 : i32 to index
      %swap3A_992 = arith.constant 288 : index
      %swap3A_993 = tpu.vector_load %arg8[%swap3A_990, %swap3A_991, %swap3A_992] {strides = array<i32>} : memref<2x32x1024xf32, #tpu.memory_space<vmem>>, vector<1x1x16xf32>,
      %swap3A_994 = vector.shape_cast %swap3A_993 : vector<1x1x16xf32> to vector<16xf32>
      %swap3A_995 = vector.shape_cast %get3A_987 : vector<16xf32> to vector<1x1x16xf32>
      tpu.vector_store %arg8[%swap3A_990, %swap3A_991, %swap3A_992], %swap3A_995 {strides = array<i32>} : memref<2x32x1024xf32, #tpu.memory_space<vmem>>, vector<1x1x16xf32>,
      %get3A_996 = arith.constant 0 : i32
      %get3A_997 = arith.constant 0 : i32
      %get3A_998 = arith.index_cast %get3A_996 : i32 to index
      %get3A_999 = arith.index_cast %get3A_997 : i32 to index
      %get3A_1000 = arith.constant 304 : index
      %get3A_1001 = tpu.vector_load %arg8[%get3A_998, %get3A_999, %get3A_1000] {strides = array<i32>} : memref<2x32x1024xf32, #tpu.memory_space<vmem>>, vector<1x1x16xf32>,
      %get3A_1002 = vector.shape_cast %get3A_1001 : vector<1x1x16xf32> to vector<16xf32>
      %swap3A_1003 = arith.constant 0 : i32
      %swap3A_1004 = arith.index_cast %swap3A_1003 : i32 to index
      %swap3A_1005 = arith.constant 304 : index
      %swap3A_1006 = tpu.vector_load %arg9[%swap3A_1004, %swap3A_1005] {strides = array<i32>} : memref<32x1024xf32, #tpu.memory_space<vmem>>, vector<1x16xf32>,
      %swap3A_1007 = vector.shape_cast %swap3A_1006 : vector<1x16xf32> to vector<16xf32>
      %swap3A_1008 = vector.shape_cast %get3A_1002 : vector<16xf32> to vector<1x16xf32>
      tpu.vector_store %arg9[%swap3A_1004, %swap3A_1005], %swap3A_1008 {strides = array<i32>} : memref<32x1024xf32, #tpu.memory_space<vmem>>, vector<1x16xf32>,
      %get3A_1009 = arith.constant 15 : i32
      %get3A_1010 = arith.index_cast %get3A_1009 : i32 to index
      %get3A_1011 = arith.constant 304 : index
      %get3A_1012 = tpu.vector_load %arg10[%get3A_1010, %get3A_1011] {strides = array<i32>} : memref<16x1024xf32, #tpu.memory_space<vmem>>, vector<1x16xf32>,
      %get3A_1013 = vector.shape_cast %get3A_1012 : vector<1x16xf32> to vector<16xf32>
      %swap3A_1014 = arith.constant 0 : i32
      %swap3A_1015 = arith.constant 0 : i32
      %swap3A_1016 = arith.index_cast %swap3A_1014 : i32 to index
      %swap3A_1017 = arith.index_cast %swap3A_1015 : i32 to index
      %swap3A_1018 = arith.constant 304 : index
      %swap3A_1019 = tpu.vector_load %arg8[%swap3A_1016, %swap3A_1017, %swap3A_1018] {strides = array<i32>} : memref<2x32x1024xf32, #tpu.memory_space<vmem>>, vector<1x1x16xf32>,
      %swap3A_1020 = vector.shape_cast %swap3A_1019 : vector<1x1x16xf32> to vector<16xf32>
      %swap3A_1021 = vector.shape_cast %get3A_1013 : vector<16xf32> to vector<1x1x16xf32>
      tpu.vector_store %arg8[%swap3A_1016, %swap3A_1017, %swap3A_1018], %swap3A_1021 {strides = array<i32>} : memref<2x32x1024xf32, #tpu.memory_space<vmem>>, vector<1x1x16xf32>,
      %get3A_1022 = arith.constant 0 : i32
      %get3A_1023 = arith.constant 0 : i32
      %get3A_1024 = arith.index_cast %get3A_1022 : i32 to index
      %get3A_1025 = arith.index_cast %get3A_1023 : i32 to index
      %get3A_1026 = arith.constant 320 : index
      %get3A_1027 = tpu.vector_load %arg8[%get3A_1024, %get3A_1025, %get3A_1026] {strides = array<i32>} : memref<2x32x1024xf32, #tpu.memory_space<vmem>>, vector<1x1x16xf32>,
      %get3A_1028 = vector.shape_cast %get3A_1027 : vector<1x1x16xf32> to vector<16xf32>
      %swap3A_1029 = arith.constant 0 : i32
      %swap3A_1030 = arith.index_cast %swap3A_1029 : i32 to index
      %swap3A_1031 = arith.constant 320 : index
      %swap3A_1032 = tpu.vector_load %arg9[%swap3A_1030, %swap3A_1031] {strides = array<i32>} : memref<32x1024xf32, #tpu.memory_space<vmem>>, vector<1x16xf32>,
      %swap3A_1033 = vector.shape_cast %swap3A_1032 : vector<1x16xf32> to vector<16xf32>
      %swap3A_1034 = vector.shape_cast %get3A_1028 : vector<16xf32> to vector<1x16xf32>
      tpu.vector_store %arg9[%swap3A_1030, %swap3A_1031], %swap3A_1034 {strides = array<i32>} : memref<32x1024xf32, #tpu.memory_space<vmem>>, vector<1x16xf32>,
      %get3A_1035 = arith.constant 15 : i32
      %get3A_1036 = arith.index_cast %get3A_1035 : i32 to index
      %get3A_1037 = arith.constant 320 : index
      %get3A_1038 = tpu.vector_load %arg10[%get3A_1036, %get3A_1037] {strides = array<i32>} : memref<16x1024xf32, #tpu.memory_space<vmem>>, vector<1x16xf32>,
      %get3A_1039 = vector.shape_cast %get3A_1038 : vector<1x16xf32> to vector<16xf32>
      %swap3A_1040 = arith.constant 0 : i32
      %swap3A_1041 = arith.constant 0 : i32
      %swap3A_1042 = arith.index_cast %swap3A_1040 : i32 to index
      %swap3A_1043 = arith.index_cast %swap3A_1041 : i32 to index
      %swap3A_1044 = arith.constant 320 : index
      %swap3A_1045 = tpu.vector_load %arg8[%swap3A_1042, %swap3A_1043, %swap3A_1044] {strides = array<i32>} : memref<2x32x1024xf32, #tpu.memory_space<vmem>>, vector<1x1x16xf32>,
      %swap3A_1046 = vector.shape_cast %swap3A_1045 : vector<1x1x16xf32> to vector<16xf32>
      %swap3A_1047 = vector.shape_cast %get3A_1039 : vector<16xf32> to vector<1x1x16xf32>
      tpu.vector_store %arg8[%swap3A_1042, %swap3A_1043, %swap3A_1044], %swap3A_1047 {strides = array<i32>} : memref<2x32x1024xf32, #tpu.memory_space<vmem>>, vector<1x1x16xf32>,
      %get3A_1048 = arith.constant 0 : i32
      %get3A_1049 = arith.constant 0 : i32
      %get3A_1050 = arith.index_cast %get3A_1048 : i32 to index
      %get3A_1051 = arith.index_cast %get3A_1049 : i32 to index
      %get3A_1052 = arith.constant 336 : index
      %get3A_1053 = tpu.vector_load %arg8[%get3A_1050, %get3A_1051, %get3A_1052] {strides = array<i32>} : memref<2x32x1024xf32, #tpu.memory_space<vmem>>, vector<1x1x16xf32>,
      %get3A_1054 = vector.shape_cast %get3A_1053 : vector<1x1x16xf32> to vector<16xf32>
      %swap3A_1055 = arith.constant 0 : i32
      %swap3A_1056 = arith.index_cast %swap3A_1055 : i32 to index
      %swap3A_1057 = arith.constant 336 : index
      %swap3A_1058 = tpu.vector_load %arg9[%swap3A_1056, %swap3A_1057] {strides = array<i32>} : memref<32x1024xf32, #tpu.memory_space<vmem>>, vector<1x16xf32>,
      %swap3A_1059 = vector.shape_cast %swap3A_1058 : vector<1x16xf32> to vector<16xf32>
      %swap3A_1060 = vector.shape_cast %get3A_1054 : vector<16xf32> to vector<1x16xf32>
      tpu.vector_store %arg9[%swap3A_1056, %swap3A_1057], %swap3A_1060 {strides = array<i32>} : memref<32x1024xf32, #tpu.memory_space<vmem>>, vector<1x16xf32>,
      %get3A_1061 = arith.constant 15 : i32
      %get3A_1062 = arith.index_cast %get3A_1061 : i32 to index
      %get3A_1063 = arith.constant 336 : index
      %get3A_1064 = tpu.vector_load %arg10[%get3A_1062, %get3A_1063] {strides = array<i32>} : memref<16x1024xf32, #tpu.memory_space<vmem>>, vector<1x16xf32>,
      %get3A_1065 = vector.shape_cast %get3A_1064 : vector<1x16xf32> to vector<16xf32>
      %swap3A_1066 = arith.constant 0 : i32
      %swap3A_1067 = arith.constant 0 : i32
      %swap3A_1068 = arith.index_cast %swap3A_1066 : i32 to index
      %swap3A_1069 = arith.index_cast %swap3A_1067 : i32 to index
      %swap3A_1070 = arith.constant 336 : index
      %swap3A_1071 = tpu.vector_load %arg8[%swap3A_1068, %swap3A_1069, %swap3A_1070] {strides = array<i32>} : memref<2x32x1024xf32, #tpu.memory_space<vmem>>, vector<1x1x16xf32>,
      %swap3A_1072 = vector.shape_cast %swap3A_1071 : vector<1x1x16xf32> to vector<16xf32>
      %swap3A_1073 = vector.shape_cast %get3A_1065 : vector<16xf32> to vector<1x1x16xf32>
      tpu.vector_store %arg8[%swap3A_1068, %swap3A_1069, %swap3A_1070], %swap3A_1073 {strides = array<i32>} : memref<2x32x1024xf32, #tpu.memory_space<vmem>>, vector<1x1x16xf32>,
      %get3A_1074 = arith.constant 0 : i32
      %get3A_1075 = arith.constant 0 : i32
      %get3A_1076 = arith.index_cast %get3A_1074 : i32 to index
      %get3A_1077 = arith.index_cast %get3A_1075 : i32 to index
      %get3A_1078 = arith.constant 352 : index
      %get3A_1079 = tpu.vector_load %arg8[%get3A_1076, %get3A_1077, %get3A_1078] {strides = array<i32>} : memref<2x32x1024xf32, #tpu.memory_space<vmem>>, vector<1x1x16xf32>,
      %get3A_1080 = vector.shape_cast %get3A_1079 : vector<1x1x16xf32> to vector<16xf32>
      %swap3A_1081 = arith.constant 0 : i32
      %swap3A_1082 = arith.index_cast %swap3A_1081 : i32 to index
      %swap3A_1083 = arith.constant 352 : index
      %swap3A_1084 = tpu.vector_load %arg9[%swap3A_1082, %swap3A_1083] {strides = array<i32>} : memref<32x1024xf32, #tpu.memory_space<vmem>>, vector<1x16xf32>,
      %swap3A_1085 = vector.shape_cast %swap3A_1084 : vector<1x16xf32> to vector<16xf32>
      %swap3A_1086 = vector.shape_cast %get3A_1080 : vector<16xf32> to vector<1x16xf32>
      tpu.vector_store %arg9[%swap3A_1082, %swap3A_1083], %swap3A_1086 {strides = array<i32>} : memref<32x1024xf32, #tpu.memory_space<vmem>>, vector<1x16xf32>,
      %get3A_1087 = arith.constant 15 : i32
      %get3A_1088 = arith.index_cast %get3A_1087 : i32 to index
      %get3A_1089 = arith.constant 352 : index
      %get3A_1090 = tpu.vector_load %arg10[%get3A_1088, %get3A_1089] {strides = array<i32>} : memref<16x1024xf32, #tpu.memory_space<vmem>>, vector<1x16xf32>,
      %get3A_1091 = vector.shape_cast %get3A_1090 : vector<1x16xf32> to vector<16xf32>
      %swap3A_1092 = arith.constant 0 : i32
      %swap3A_1093 = arith.constant 0 : i32
      %swap3A_1094 = arith.index_cast %swap3A_1092 : i32 to index
      %swap3A_1095 = arith.index_cast %swap3A_1093 : i32 to index
      %swap3A_1096 = arith.constant 352 : index
      %swap3A_1097 = tpu.vector_load %arg8[%swap3A_1094, %swap3A_1095, %swap3A_1096] {strides = array<i32>} : memref<2x32x1024xf32, #tpu.memory_space<vmem>>, vector<1x1x16xf32>,
      %swap3A_1098 = vector.shape_cast %swap3A_1097 : vector<1x1x16xf32> to vector<16xf32>
      %swap3A_1099 = vector.shape_cast %get3A_1091 : vector<16xf32> to vector<1x1x16xf32>
      tpu.vector_store %arg8[%swap3A_1094, %swap3A_1095, %swap3A_1096], %swap3A_1099 {strides = array<i32>} : memref<2x32x1024xf32, #tpu.memory_space<vmem>>, vector<1x1x16xf32>,
      %get3A_1100 = arith.constant 0 : i32
      %get3A_1101 = arith.constant 0 : i32
      %get3A_1102 = arith.index_cast %get3A_1100 : i32 to index
      %get3A_1103 = arith.index_cast %get3A_1101 : i32 to index
      %get3A_1104 = arith.constant 368 : index
      %get3A_1105 = tpu.vector_load %arg8[%get3A_1102, %get3A_1103, %get3A_1104] {strides = array<i32>} : memref<2x32x1024xf32, #tpu.memory_space<vmem>>, vector<1x1x16xf32>,
      %get3A_1106 = vector.shape_cast %get3A_1105 : vector<1x1x16xf32> to vector<16xf32>
      %swap3A_1107 = arith.constant 0 : i32
      %swap3A_1108 = arith.index_cast %swap3A_1107 : i32 to index
      %swap3A_1109 = arith.constant 368 : index
      %swap3A_1110 = tpu.vector_load %arg9[%swap3A_1108, %swap3A_1109] {strides = array<i32>} : memref<32x1024xf32, #tpu.memory_space<vmem>>, vector<1x16xf32>,
      %swap3A_1111 = vector.shape_cast %swap3A_1110 : vector<1x16xf32> to vector<16xf32>
      %swap3A_1112 = vector.shape_cast %get3A_1106 : vector<16xf32> to vector<1x16xf32>
      tpu.vector_store %arg9[%swap3A_1108, %swap3A_1109], %swap3A_1112 {strides = array<i32>} : memref<32x1024xf32, #tpu.memory_space<vmem>>, vector<1x16xf32>,
      %get3A_1113 = arith.constant 15 : i32
      %get3A_1114 = arith.index_cast %get3A_1113 : i32 to index
      %get3A_1115 = arith.constant 368 : index
      %get3A_1116 = tpu.vector_load %arg10[%get3A_1114, %get3A_1115] {strides = array<i32>} : memref<16x1024xf32, #tpu.memory_space<vmem>>, vector<1x16xf32>,
      %get3A_1117 = vector.shape_cast %get3A_1116 : vector<1x16xf32> to vector<16xf32>
      %swap3A_1118 = arith.constant 0 : i32
      %swap3A_1119 = arith.constant 0 : i32
      %swap3A_1120 = arith.index_cast %swap3A_1118 : i32 to index
      %swap3A_1121 = arith.index_cast %swap3A_1119 : i32 to index
      %swap3A_1122 = arith.constant 368 : index
      %swap3A_1123 = tpu.vector_load %arg8[%swap3A_1120, %swap3A_1121, %swap3A_1122] {strides = array<i32>} : memref<2x32x1024xf32, #tpu.memory_space<vmem>>, vector<1x1x16xf32>,
      %swap3A_1124 = vector.shape_cast %swap3A_1123 : vector<1x1x16xf32> to vector<16xf32>
      %swap3A_1125 = vector.shape_cast %get3A_1117 : vector<16xf32> to vector<1x1x16xf32>
      tpu.vector_store %arg8[%swap3A_1120, %swap3A_1121, %swap3A_1122], %swap3A_1125 {strides = array<i32>} : memref<2x32x1024xf32, #tpu.memory_space<vmem>>, vector<1x1x16xf32>,
      %get3A_1126 = arith.constant 0 : i32
      %get3A_1127 = arith.constant 0 : i32
      %get3A_1128 = arith.index_cast %get3A_1126 : i32 to index
      %get3A_1129 = arith.index_cast %get3A_1127 : i32 to index
      %get3A_1130 = arith.constant 384 : index
      %get3A_1131 = tpu.vector_load %arg8[%get3A_1128, %get3A_1129, %get3A_1130] {strides = array<i32>} : memref<2x32x1024xf32, #tpu.memory_space<vmem>>, vector<1x1x16xf32>,
      %get3A_1132 = vector.shape_cast %get3A_1131 : vector<1x1x16xf32> to vector<16xf32>
      %swap3A_1133 = arith.constant 0 : i32
      %swap3A_1134 = arith.index_cast %swap3A_1133 : i32 to index
      %swap3A_1135 = arith.constant 384 : index
      %swap3A_1136 = tpu.vector_load %arg9[%swap3A_1134, %swap3A_1135] {strides = array<i32>} : memref<32x1024xf32, #tpu.memory_space<vmem>>, vector<1x16xf32>,
      %swap3A_1137 = vector.shape_cast %swap3A_1136 : vector<1x16xf32> to vector<16xf32>
      %swap3A_1138 = vector.shape_cast %get3A_1132 : vector<16xf32> to vector<1x16xf32>
      tpu.vector_store %arg9[%swap3A_1134, %swap3A_1135], %swap3A_1138 {strides = array<i32>} : memref<32x1024xf32, #tpu.memory_space<vmem>>, vector<1x16xf32>,
      %get3A_1139 = arith.constant 15 : i32
      %get3A_1140 = arith.index_cast %get3A_1139 : i32 to index
      %get3A_1141 = arith.constant 384 : index
      %get3A_1142 = tpu.vector_load %arg10[%get3A_1140, %get3A_1141] {strides = array<i32>} : memref<16x1024xf32, #tpu.memory_space<vmem>>, vector<1x16xf32>,
      %get3A_1143 = vector.shape_cast %get3A_1142 : vector<1x16xf32> to vector<16xf32>
      %swap3A_1144 = arith.constant 0 : i32
      %swap3A_1145 = arith.constant 0 : i32
      %swap3A_1146 = arith.index_cast %swap3A_1144 : i32 to index
      %swap3A_1147 = arith.index_cast %swap3A_1145 : i32 to index
      %swap3A_1148 = arith.constant 384 : index
      %swap3A_1149 = tpu.vector_load %arg8[%swap3A_1146, %swap3A_1147, %swap3A_1148] {strides = array<i32>} : memref<2x32x1024xf32, #tpu.memory_space<vmem>>, vector<1x1x16xf32>,
      %swap3A_1150 = vector.shape_cast %swap3A_1149 : vector<1x1x16xf32> to vector<16xf32>
      %swap3A_1151 = vector.shape_cast %get3A_1143 : vector<16xf32> to vector<1x1x16xf32>
      tpu.vector_store %arg8[%swap3A_1146, %swap3A_1147, %swap3A_1148], %swap3A_1151 {strides = array<i32>} : memref<2x32x1024xf32, #tpu.memory_space<vmem>>, vector<1x1x16xf32>,
      %get3A_1152 = arith.constant 0 : i32
      %get3A_1153 = arith.constant 0 : i32
      %get3A_1154 = arith.index_cast %get3A_1152 : i32 to index
      %get3A_1155 = arith.index_cast %get3A_1153 : i32 to index
      %get3A_1156 = arith.constant 400 : index
      %get3A_1157 = tpu.vector_load %arg8[%get3A_1154, %get3A_1155, %get3A_1156] {strides = array<i32>} : memref<2x32x1024xf32, #tpu.memory_space<vmem>>, vector<1x1x16xf32>,
      %get3A_1158 = vector.shape_cast %get3A_1157 : vector<1x1x16xf32> to vector<16xf32>
      %swap3A_1159 = arith.constant 0 : i32
      %swap3A_1160 = arith.index_cast %swap3A_1159 : i32 to index
      %swap3A_1161 = arith.constant 400 : index
      %swap3A_1162 = tpu.vector_load %arg9[%swap3A_1160, %swap3A_1161] {strides = array<i32>} : memref<32x1024xf32, #tpu.memory_space<vmem>>, vector<1x16xf32>,
      %swap3A_1163 = vector.shape_cast %swap3A_1162 : vector<1x16xf32> to vector<16xf32>
      %swap3A_1164 = vector.shape_cast %get3A_1158 : vector<16xf32> to vector<1x16xf32>
      tpu.vector_store %arg9[%swap3A_1160, %swap3A_1161], %swap3A_1164 {strides = array<i32>} : memref<32x1024xf32, #tpu.memory_space<vmem>>, vector<1x16xf32>,
      %get3A_1165 = arith.constant 15 : i32
      %get3A_1166 = arith.index_cast %get3A_1165 : i32 to index
      %get3A_1167 = arith.constant 400 : index
      %get3A_1168 = tpu.vector_load %arg10[%get3A_1166, %get3A_1167] {strides = array<i32>} : memref<16x1024xf32, #tpu.memory_space<vmem>>, vector<1x16xf32>,
      %get3A_1169 = vector.shape_cast %get3A_1168 : vector<1x16xf32> to vector<16xf32>
      %swap3A_1170 = arith.constant 0 : i32
      %swap3A_1171 = arith.constant 0 : i32
      %swap3A_1172 = arith.index_cast %swap3A_1170 : i32 to index
      %swap3A_1173 = arith.index_cast %swap3A_1171 : i32 to index
      %swap3A_1174 = arith.constant 400 : index
      %swap3A_1175 = tpu.vector_load %arg8[%swap3A_1172, %swap3A_1173, %swap3A_1174] {strides = array<i32>} : memref<2x32x1024xf32, #tpu.memory_space<vmem>>, vector<1x1x16xf32>,
      %swap3A_1176 = vector.shape_cast %swap3A_1175 : vector<1x1x16xf32> to vector<16xf32>
      %swap3A_1177 = vector.shape_cast %get3A_1169 : vector<16xf32> to vector<1x1x16xf32>
      tpu.vector_store %arg8[%swap3A_1172, %swap3A_1173, %swap3A_1174], %swap3A_1177 {strides = array<i32>} : memref<2x32x1024xf32, #tpu.memory_space<vmem>>, vector<1x1x16xf32>,
      %get3A_1178 = arith.constant 0 : i32
      %get3A_1179 = arith.constant 0 : i32
      %get3A_1180 = arith.index_cast %get3A_1178 : i32 to index
      %get3A_1181 = arith.index_cast %get3A_1179 : i32 to index
      %get3A_1182 = arith.constant 416 : index
      %get3A_1183 = tpu.vector_load %arg8[%get3A_1180, %get3A_1181, %get3A_1182] {strides = array<i32>} : memref<2x32x1024xf32, #tpu.memory_space<vmem>>, vector<1x1x16xf32>,
      %get3A_1184 = vector.shape_cast %get3A_1183 : vector<1x1x16xf32> to vector<16xf32>
      %swap3A_1185 = arith.constant 0 : i32
      %swap3A_1186 = arith.index_cast %swap3A_1185 : i32 to index
      %swap3A_1187 = arith.constant 416 : index
      %swap3A_1188 = tpu.vector_load %arg9[%swap3A_1186, %swap3A_1187] {strides = array<i32>} : memref<32x1024xf32, #tpu.memory_space<vmem>>, vector<1x16xf32>,
      %swap3A_1189 = vector.shape_cast %swap3A_1188 : vector<1x16xf32> to vector<16xf32>
      %swap3A_1190 = vector.shape_cast %get3A_1184 : vector<16xf32> to vector<1x16xf32>
      tpu.vector_store %arg9[%swap3A_1186, %swap3A_1187], %swap3A_1190 {strides = array<i32>} : memref<32x1024xf32, #tpu.memory_space<vmem>>, vector<1x16xf32>,
      %get3A_1191 = arith.constant 15 : i32
      %get3A_1192 = arith.index_cast %get3A_1191 : i32 to index
      %get3A_1193 = arith.constant 416 : index
      %get3A_1194 = tpu.vector_load %arg10[%get3A_1192, %get3A_1193] {strides = array<i32>} : memref<16x1024xf32, #tpu.memory_space<vmem>>, vector<1x16xf32>,
      %get3A_1195 = vector.shape_cast %get3A_1194 : vector<1x16xf32> to vector<16xf32>
      %swap3A_1196 = arith.constant 0 : i32
      %swap3A_1197 = arith.constant 0 : i32
      %swap3A_1198 = arith.index_cast %swap3A_1196 : i32 to index
      %swap3A_1199 = arith.index_cast %swap3A_1197 : i32 to index
      %swap3A_1200 = arith.constant 416 : index
      %swap3A_1201 = tpu.vector_load %arg8[%swap3A_1198, %swap3A_1199, %swap3A_1200] {strides = array<i32>} : memref<2x32x1024xf32, #tpu.memory_space<vmem>>, vector<1x1x16xf32>,
      %swap3A_1202 = vector.shape_cast %swap3A_1201 : vector<1x1x16xf32> to vector<16xf32>
      %swap3A_1203 = vector.shape_cast %get3A_1195 : vector<16xf32> to vector<1x1x16xf32>
      tpu.vector_store %arg8[%swap3A_1198, %swap3A_1199, %swap3A_1200], %swap3A_1203 {strides = array<i32>} : memref<2x32x1024xf32, #tpu.memory_space<vmem>>, vector<1x1x16xf32>,
      %get3A_1204 = arith.constant 0 : i32
      %get3A_1205 = arith.constant 0 : i32
      %get3A_1206 = arith.index_cast %get3A_1204 : i32 to index
      %get3A_1207 = arith.index_cast %get3A_1205 : i32 to index
      %get3A_1208 = arith.constant 432 : index
      %get3A_1209 = tpu.vector_load %arg8[%get3A_1206, %get3A_1207, %get3A_1208] {strides = array<i32>} : memref<2x32x1024xf32, #tpu.memory_space<vmem>>, vector<1x1x16xf32>,
      %get3A_1210 = vector.shape_cast %get3A_1209 : vector<1x1x16xf32> to vector<16xf32>
      %swap3A_1211 = arith.constant 0 : i32
      %swap3A_1212 = arith.index_cast %swap3A_1211 : i32 to index
      %swap3A_1213 = arith.constant 432 : index
      %swap3A_1214 = tpu.vector_load %arg9[%swap3A_1212, %swap3A_1213] {strides = array<i32>} : memref<32x1024xf32, #tpu.memory_space<vmem>>, vector<1x16xf32>,
      %swap3A_1215 = vector.shape_cast %swap3A_1214 : vector<1x16xf32> to vector<16xf32>
      %swap3A_1216 = vector.shape_cast %get3A_1210 : vector<16xf32> to vector<1x16xf32>
      tpu.vector_store %arg9[%swap3A_1212, %swap3A_1213], %swap3A_1216 {strides = array<i32>} : memref<32x1024xf32, #tpu.memory_space<vmem>>, vector<1x16xf32>,
      %get3A_1217 = arith.constant 15 : i32
      %get3A_1218 = arith.index_cast %get3A_1217 : i32 to index
      %get3A_1219 = arith.constant 432 : index
      %get3A_1220 = tpu.vector_load %arg10[%get3A_1218, %get3A_1219] {strides = array<i32>} : memref<16x1024xf32, #tpu.memory_space<vmem>>, vector<1x16xf32>,
      %get3A_1221 = vector.shape_cast %get3A_1220 : vector<1x16xf32> to vector<16xf32>
      %swap3A_1222 = arith.constant 0 : i32
      %swap3A_1223 = arith.constant 0 : i32
      %swap3A_1224 = arith.index_cast %swap3A_1222 : i32 to index
      %swap3A_1225 = arith.index_cast %swap3A_1223 : i32 to index
      %swap3A_1226 = arith.constant 432 : index
      %swap3A_1227 = tpu.vector_load %arg8[%swap3A_1224, %swap3A_1225, %swap3A_1226] {strides = array<i32>} : memref<2x32x1024xf32, #tpu.memory_space<vmem>>, vector<1x1x16xf32>,
      %swap3A_1228 = vector.shape_cast %swap3A_1227 : vector<1x1x16xf32> to vector<16xf32>
      %swap3A_1229 = vector.shape_cast %get3A_1221 : vector<16xf32> to vector<1x1x16xf32>
      tpu.vector_store %arg8[%swap3A_1224, %swap3A_1225, %swap3A_1226], %swap3A_1229 {strides = array<i32>} : memref<2x32x1024xf32, #tpu.memory_space<vmem>>, vector<1x1x16xf32>,
      %get3A_1230 = arith.constant 0 : i32
      %get3A_1231 = arith.constant 0 : i32
      %get3A_1232 = arith.index_cast %get3A_1230 : i32 to index
      %get3A_1233 = arith.index_cast %get3A_1231 : i32 to index
      %get3A_1234 = arith.constant 448 : index
      %get3A_1235 = tpu.vector_load %arg8[%get3A_1232, %get3A_1233, %get3A_1234] {strides = array<i32>} : memref<2x32x1024xf32, #tpu.memory_space<vmem>>, vector<1x1x16xf32>,
      %get3A_1236 = vector.shape_cast %get3A_1235 : vector<1x1x16xf32> to vector<16xf32>
      %swap3A_1237 = arith.constant 0 : i32
      %swap3A_1238 = arith.index_cast %swap3A_1237 : i32 to index
      %swap3A_1239 = arith.constant 448 : index
      %swap3A_1240 = tpu.vector_load %arg9[%swap3A_1238, %swap3A_1239] {strides = array<i32>} : memref<32x1024xf32, #tpu.memory_space<vmem>>, vector<1x16xf32>,
      %swap3A_1241 = vector.shape_cast %swap3A_1240 : vector<1x16xf32> to vector<16xf32>
      %swap3A_1242 = vector.shape_cast %get3A_1236 : vector<16xf32> to vector<1x16xf32>
      tpu.vector_store %arg9[%swap3A_1238, %swap3A_1239], %swap3A_1242 {strides = array<i32>} : memref<32x1024xf32, #tpu.memory_space<vmem>>, vector<1x16xf32>,
      %get3A_1243 = arith.constant 15 : i32
      %get3A_1244 = arith.index_cast %get3A_1243 : i32 to index
      %get3A_1245 = arith.constant 448 : index
      %get3A_1246 = tpu.vector_load %arg10[%get3A_1244, %get3A_1245] {strides = array<i32>} : memref<16x1024xf32, #tpu.memory_space<vmem>>, vector<1x16xf32>,
      %get3A_1247 = vector.shape_cast %get3A_1246 : vector<1x16xf32> to vector<16xf32>
      %swap3A_1248 = arith.constant 0 : i32
      %swap3A_1249 = arith.constant 0 : i32
      %swap3A_1250 = arith.index_cast %swap3A_1248 : i32 to index
      %swap3A_1251 = arith.index_cast %swap3A_1249 : i32 to index
      %swap3A_1252 = arith.constant 448 : index
      %swap3A_1253 = tpu.vector_load %arg8[%swap3A_1250, %swap3A_1251, %swap3A_1252] {strides = array<i32>} : memref<2x32x1024xf32, #tpu.memory_space<vmem>>, vector<1x1x16xf32>,
      %swap3A_1254 = vector.shape_cast %swap3A_1253 : vector<1x1x16xf32> to vector<16xf32>
      %swap3A_1255 = vector.shape_cast %get3A_1247 : vector<16xf32> to vector<1x1x16xf32>
      tpu.vector_store %arg8[%swap3A_1250, %swap3A_1251, %swap3A_1252], %swap3A_1255 {strides = array<i32>} : memref<2x32x1024xf32, #tpu.memory_space<vmem>>, vector<1x1x16xf32>,
      %get3A_1256 = arith.constant 0 : i32
      %get3A_1257 = arith.constant 0 : i32
      %get3A_1258 = arith.index_cast %get3A_1256 : i32 to index
      %get3A_1259 = arith.index_cast %get3A_1257 : i32 to index
      %get3A_1260 = arith.constant 464 : index
      %get3A_1261 = tpu.vector_load %arg8[%get3A_1258, %get3A_1259, %get3A_1260] {strides = array<i32>} : memref<2x32x1024xf32, #tpu.memory_space<vmem>>, vector<1x1x16xf32>,
      %get3A_1262 = vector.shape_cast %get3A_1261 : vector<1x1x16xf32> to vector<16xf32>
      %swap3A_1263 = arith.constant 0 : i32
      %swap3A_1264 = arith.index_cast %swap3A_1263 : i32 to index
      %swap3A_1265 = arith.constant 464 : index
      %swap3A_1266 = tpu.vector_load %arg9[%swap3A_1264, %swap3A_1265] {strides = array<i32>} : memref<32x1024xf32, #tpu.memory_space<vmem>>, vector<1x16xf32>,
      %swap3A_1267 = vector.shape_cast %swap3A_1266 : vector<1x16xf32> to vector<16xf32>
      %swap3A_1268 = vector.shape_cast %get3A_1262 : vector<16xf32> to vector<1x16xf32>
      tpu.vector_store %arg9[%swap3A_1264, %swap3A_1265], %swap3A_1268 {strides = array<i32>} : memref<32x1024xf32, #tpu.memory_space<vmem>>, vector<1x16xf32>,
      %get3A_1269 = arith.constant 15 : i32
      %get3A_1270 = arith.index_cast %get3A_1269 : i32 to index
      %get3A_1271 = arith.constant 464 : index
      %get3A_1272 = tpu.vector_load %arg10[%get3A_1270, %get3A_1271] {strides = array<i32>} : memref<16x1024xf32, #tpu.memory_space<vmem>>, vector<1x16xf32>,
      %get3A_1273 = vector.shape_cast %get3A_1272 : vector<1x16xf32> to vector<16xf32>
      %swap3A_1274 = arith.constant 0 : i32
      %swap3A_1275 = arith.constant 0 : i32
      %swap3A_1276 = arith.index_cast %swap3A_1274 : i32 to index
      %swap3A_1277 = arith.index_cast %swap3A_1275 : i32 to index
      %swap3A_1278 = arith.constant 464 : index
      %swap3A_1279 = tpu.vector_load %arg8[%swap3A_1276, %swap3A_1277, %swap3A_1278] {strides = array<i32>} : memref<2x32x1024xf32, #tpu.memory_space<vmem>>, vector<1x1x16xf32>,
      %swap3A_1280 = vector.shape_cast %swap3A_1279 : vector<1x1x16xf32> to vector<16xf32>
      %swap3A_1281 = vector.shape_cast %get3A_1273 : vector<16xf32> to vector<1x1x16xf32>
      tpu.vector_store %arg8[%swap3A_1276, %swap3A_1277, %swap3A_1278], %swap3A_1281 {strides = array<i32>} : memref<2x32x1024xf32, #tpu.memory_space<vmem>>, vector<1x1x16xf32>,
      %get3A_1282 = arith.constant 0 : i32
      %get3A_1283 = arith.constant 0 : i32
      %get3A_1284 = arith.index_cast %get3A_1282 : i32 to index
      %get3A_1285 = arith.index_cast %get3A_1283 : i32 to index
      %get3A_1286 = arith.constant 480 : index
      %get3A_1287 = tpu.vector_load %arg8[%get3A_1284, %get3A_1285, %get3A_1286] {strides = array<i32>} : memref<2x32x1024xf32, #tpu.memory_space<vmem>>, vector<1x1x16xf32>,
      %get3A_1288 = vector.shape_cast %get3A_1287 : vector<1x1x16xf32> to vector<16xf32>
      %swap3A_1289 = arith.constant 0 : i32
      %swap3A_1290 = arith.index_cast %swap3A_1289 : i32 to index
      %swap3A_1291 = arith.constant 480 : index
      %swap3A_1292 = tpu.vector_load %arg9[%swap3A_1290, %swap3A_1291] {strides = array<i32>} : memref<32x1024xf32, #tpu.memory_space<vmem>>, vector<1x16xf32>,
      %swap3A_1293 = vector.shape_cast %swap3A_1292 : vector<1x16xf32> to vector<16xf32>
      %swap3A_1294 = vector.shape_cast %get3A_1288 : vector<16xf32> to vector<1x16xf32>
      tpu.vector_store %arg9[%swap3A_1290, %swap3A_1291], %swap3A_1294 {strides = array<i32>} : memref<32x1024xf32, #tpu.memory_space<vmem>>, vector<1x16xf32>,
      %get3A_1295 = arith.constant 15 : i32
      %get3A_1296 = arith.index_cast %get3A_1295 : i32 to index
      %get3A_1297 = arith.constant 480 : index
      %get3A_1298 = tpu.vector_load %arg10[%get3A_1296, %get3A_1297] {strides = array<i32>} : memref<16x1024xf32, #tpu.memory_space<vmem>>, vector<1x16xf32>,
      %get3A_1299 = vector.shape_cast %get3A_1298 : vector<1x16xf32> to vector<16xf32>
      %swap3A_1300 = arith.constant 0 : i32
      %swap3A_1301 = arith.constant 0 : i32
      %swap3A_1302 = arith.index_cast %swap3A_1300 : i32 to index
      %swap3A_1303 = arith.index_cast %swap3A_1301 : i32 to index
      %swap3A_1304 = arith.constant 480 : index
      %swap3A_1305 = tpu.vector_load %arg8[%swap3A_1302, %swap3A_1303, %swap3A_1304] {strides = array<i32>} : memref<2x32x1024xf32, #tpu.memory_space<vmem>>, vector<1x1x16xf32>,
      %swap3A_1306 = vector.shape_cast %swap3A_1305 : vector<1x1x16xf32> to vector<16xf32>
      %swap3A_1307 = vector.shape_cast %get3A_1299 : vector<16xf32> to vector<1x1x16xf32>
      tpu.vector_store %arg8[%swap3A_1302, %swap3A_1303, %swap3A_1304], %swap3A_1307 {strides = array<i32>} : memref<2x32x1024xf32, #tpu.memory_space<vmem>>, vector<1x1x16xf32>,
      %get3A_1308 = arith.constant 0 : i32
      %get3A_1309 = arith.constant 0 : i32
      %get3A_1310 = arith.index_cast %get3A_1308 : i32 to index
      %get3A_1311 = arith.index_cast %get3A_1309 : i32 to index
      %get3A_1312 = arith.constant 496 : index
      %get3A_1313 = tpu.vector_load %arg8[%get3A_1310, %get3A_1311, %get3A_1312] {strides = array<i32>} : memref<2x32x1024xf32, #tpu.memory_space<vmem>>, vector<1x1x16xf32>,
      %get3A_1314 = vector.shape_cast %get3A_1313 : vector<1x1x16xf32> to vector<16xf32>
      %swap3A_1315 = arith.constant 0 : i32
      %swap3A_1316 = arith.index_cast %swap3A_1315 : i32 to index
      %swap3A_1317 = arith.constant 496 : index
      %swap3A_1318 = tpu.vector_load %arg9[%swap3A_1316, %swap3A_1317] {strides = array<i32>} : memref<32x1024xf32, #tpu.memory_space<vmem>>, vector<1x16xf32>,
      %swap3A_1319 = vector.shape_cast %swap3A_1318 : vector<1x16xf32> to vector<16xf32>
      %swap3A_1320 = vector.shape_cast %get3A_1314 : vector<16xf32> to vector<1x16xf32>
      tpu.vector_store %arg9[%swap3A_1316, %swap3A_1317], %swap3A_1320 {strides = array<i32>} : memref<32x1024xf32, #tpu.memory_space<vmem>>, vector<1x16xf32>,
      %get3A_1321 = arith.constant 15 : i32
      %get3A_1322 = arith.index_cast %get3A_1321 : i32 to index
      %get3A_1323 = arith.constant 496 : index
      %get3A_1324 = tpu.vector_load %arg10[%get3A_1322, %get3A_1323] {strides = array<i32>} : memref<16x1024xf32, #tpu.memory_space<vmem>>, vector<1x16xf32>,
      %get3A_1325 = vector.shape_cast %get3A_1324 : vector<1x16xf32> to vector<16xf32>
      %swap3A_1326 = arith.constant 0 : i32
      %swap3A_1327 = arith.constant 0 : i32
      %swap3A_1328 = arith.index_cast %swap3A_1326 : i32 to index
      %swap3A_1329 = arith.index_cast %swap3A_1327 : i32 to index
      %swap3A_1330 = arith.constant 496 : index
      %swap3A_1331 = tpu.vector_load %arg8[%swap3A_1328, %swap3A_1329, %swap3A_1330] {strides = array<i32>} : memref<2x32x1024xf32, #tpu.memory_space<vmem>>, vector<1x1x16xf32>,
      %swap3A_1332 = vector.shape_cast %swap3A_1331 : vector<1x1x16xf32> to vector<16xf32>
      %swap3A_1333 = vector.shape_cast %get3A_1325 : vector<16xf32> to vector<1x1x16xf32>
      tpu.vector_store %arg8[%swap3A_1328, %swap3A_1329, %swap3A_1330], %swap3A_1333 {strides = array<i32>} : memref<2x32x1024xf32, #tpu.memory_space<vmem>>, vector<1x1x16xf32>,
      %get3A_1334 = arith.constant 0 : i32
      %get3A_1335 = arith.constant 0 : i32
      %get3A_1336 = arith.index_cast %get3A_1334 : i32 to index
      %get3A_1337 = arith.index_cast %get3A_1335 : i32 to index
      %get3A_1338 = arith.constant 512 : index
      %get3A_1339 = tpu.vector_load %arg8[%get3A_1336, %get3A_1337, %get3A_1338] {strides = array<i32>} : memref<2x32x1024xf32, #tpu.memory_space<vmem>>, vector<1x1x16xf32>,
      %get3A_1340 = vector.shape_cast %get3A_1339 : vector<1x1x16xf32> to vector<16xf32>
      %swap3A_1341 = arith.constant 0 : i32
      %swap3A_1342 = arith.index_cast %swap3A_1341 : i32 to index
      %swap3A_1343 = arith.constant 512 : index
      %swap3A_1344 = tpu.vector_load %arg9[%swap3A_1342, %swap3A_1343] {strides = array<i32>} : memref<32x1024xf32, #tpu.memory_space<vmem>>, vector<1x16xf32>,
      %swap3A_1345 = vector.shape_cast %swap3A_1344 : vector<1x16xf32> to vector<16xf32>
      %swap3A_1346 = vector.shape_cast %get3A_1340 : vector<16xf32> to vector<1x16xf32>
      tpu.vector_store %arg9[%swap3A_1342, %swap3A_1343], %swap3A_1346 {strides = array<i32>} : memref<32x1024xf32, #tpu.memory_space<vmem>>, vector<1x16xf32>,
      %get3A_1347 = arith.constant 15 : i32
      %get3A_1348 = arith.index_cast %get3A_1347 : i32 to index
      %get3A_1349 = arith.constant 512 : index
      %get3A_1350 = tpu.vector_load %arg10[%get3A_1348, %get3A_1349] {strides = array<i32>} : memref<16x1024xf32, #tpu.memory_space<vmem>>, vector<1x16xf32>,
      %get3A_1351 = vector.shape_cast %get3A_1350 : vector<1x16xf32> to vector<16xf32>
      %swap3A_1352 = arith.constant 0 : i32
      %swap3A_1353 = arith.constant 0 : i32
      %swap3A_1354 = arith.index_cast %swap3A_1352 : i32 to index
      %swap3A_1355 = arith.index_cast %swap3A_1353 : i32 to index
      %swap3A_1356 = arith.constant 512 : index
      %swap3A_1357 = tpu.vector_load %arg8[%swap3A_1354, %swap3A_1355, %swap3A_1356] {strides = array<i32>} : memref<2x32x1024xf32, #tpu.memory_space<vmem>>, vector<1x1x16xf32>,
      %swap3A_1358 = vector.shape_cast %swap3A_1357 : vector<1x1x16xf32> to vector<16xf32>
      %swap3A_1359 = vector.shape_cast %get3A_1351 : vector<16xf32> to vector<1x1x16xf32>
      tpu.vector_store %arg8[%swap3A_1354, %swap3A_1355, %swap3A_1356], %swap3A_1359 {strides = array<i32>} : memref<2x32x1024xf32, #tpu.memory_space<vmem>>, vector<1x1x16xf32>,
      %get3A_1360 = arith.constant 0 : i32
      %get3A_1361 = arith.constant 0 : i32
      %get3A_1362 = arith.index_cast %get3A_1360 : i32 to index
      %get3A_1363 = arith.index_cast %get3A_1361 : i32 to index
      %get3A_1364 = arith.constant 528 : index
      %get3A_1365 = tpu.vector_load %arg8[%get3A_1362, %get3A_1363, %get3A_1364] {strides = array<i32>} : memref<2x32x1024xf32, #tpu.memory_space<vmem>>, vector<1x1x16xf32>,
      %get3A_1366 = vector.shape_cast %get3A_1365 : vector<1x1x16xf32> to vector<16xf32>
      %swap3A_1367 = arith.constant 0 : i32
      %swap3A_1368 = arith.index_cast %swap3A_1367 : i32 to index
      %swap3A_1369 = arith.constant 528 : index
      %swap3A_1370 = tpu.vector_load %arg9[%swap3A_1368, %swap3A_1369] {strides = array<i32>} : memref<32x1024xf32, #tpu.memory_space<vmem>>, vector<1x16xf32>,
      %swap3A_1371 = vector.shape_cast %swap3A_1370 : vector<1x16xf32> to vector<16xf32>
      %swap3A_1372 = vector.shape_cast %get3A_1366 : vector<16xf32> to vector<1x16xf32>
      tpu.vector_store %arg9[%swap3A_1368, %swap3A_1369], %swap3A_1372 {strides = array<i32>} : memref<32x1024xf32, #tpu.memory_space<vmem>>, vector<1x16xf32>,
      %get3A_1373 = arith.constant 15 : i32
      %get3A_1374 = arith.index_cast %get3A_1373 : i32 to index
      %get3A_1375 = arith.constant 528 : index
      %get3A_1376 = tpu.vector_load %arg10[%get3A_1374, %get3A_1375] {strides = array<i32>} : memref<16x1024xf32, #tpu.memory_space<vmem>>, vector<1x16xf32>,
      %get3A_1377 = vector.shape_cast %get3A_1376 : vector<1x16xf32> to vector<16xf32>
      %swap3A_1378 = arith.constant 0 : i32
      %swap3A_1379 = arith.constant 0 : i32
      %swap3A_1380 = arith.index_cast %swap3A_1378 : i32 to index
      %swap3A_1381 = arith.index_cast %swap3A_1379 : i32 to index
      %swap3A_1382 = arith.constant 528 : index
      %swap3A_1383 = tpu.vector_load %arg8[%swap3A_1380, %swap3A_1381, %swap3A_1382] {strides = array<i32>} : memref<2x32x1024xf32, #tpu.memory_space<vmem>>, vector<1x1x16xf32>,
      %swap3A_1384 = vector.shape_cast %swap3A_1383 : vector<1x1x16xf32> to vector<16xf32>
      %swap3A_1385 = vector.shape_cast %get3A_1377 : vector<16xf32> to vector<1x1x16xf32>
      tpu.vector_store %arg8[%swap3A_1380, %swap3A_1381, %swap3A_1382], %swap3A_1385 {strides = array<i32>} : memref<2x32x1024xf32, #tpu.memory_space<vmem>>, vector<1x1x16xf32>,
      %get3A_1386 = arith.constant 0 : i32
      %get3A_1387 = arith.constant 0 : i32
      %get3A_1388 = arith.index_cast %get3A_1386 : i32 to index
      %get3A_1389 = arith.index_cast %get3A_1387 : i32 to index
      %get3A_1390 = arith.constant 544 : index
      %get3A_1391 = tpu.vector_load %arg8[%get3A_1388, %get3A_1389, %get3A_1390] {strides = array<i32>} : memref<2x32x1024xf32, #tpu.memory_space<vmem>>, vector<1x1x16xf32>,
      %get3A_1392 = vector.shape_cast %get3A_1391 : vector<1x1x16xf32> to vector<16xf32>
      %swap3A_1393 = arith.constant 0 : i32
      %swap3A_1394 = arith.index_cast %swap3A_1393 : i32 to index
      %swap3A_1395 = arith.constant 544 : index
      %swap3A_1396 = tpu.vector_load %arg9[%swap3A_1394, %swap3A_1395] {strides = array<i32>} : memref<32x1024xf32, #tpu.memory_space<vmem>>, vector<1x16xf32>,
      %swap3A_1397 = vector.shape_cast %swap3A_1396 : vector<1x16xf32> to vector<16xf32>
      %swap3A_1398 = vector.shape_cast %get3A_1392 : vector<16xf32> to vector<1x16xf32>
      tpu.vector_store %arg9[%swap3A_1394, %swap3A_1395], %swap3A_1398 {strides = array<i32>} : memref<32x1024xf32, #tpu.memory_space<vmem>>, vector<1x16xf32>,
      %get3A_1399 = arith.constant 15 : i32
      %get3A_1400 = arith.index_cast %get3A_1399 : i32 to index
      %get3A_1401 = arith.constant 544 : index
      %get3A_1402 = tpu.vector_load %arg10[%get3A_1400, %get3A_1401] {strides = array<i32>} : memref<16x1024xf32, #tpu.memory_space<vmem>>, vector<1x16xf32>,
      %get3A_1403 = vector.shape_cast %get3A_1402 : vector<1x16xf32> to vector<16xf32>
      %swap3A_1404 = arith.constant 0 : i32
      %swap3A_1405 = arith.constant 0 : i32
      %swap3A_1406 = arith.index_cast %swap3A_1404 : i32 to index
      %swap3A_1407 = arith.index_cast %swap3A_1405 : i32 to index
      %swap3A_1408 = arith.constant 544 : index
      %swap3A_1409 = tpu.vector_load %arg8[%swap3A_1406, %swap3A_1407, %swap3A_1408] {strides = array<i32>} : memref<2x32x1024xf32, #tpu.memory_space<vmem>>, vector<1x1x16xf32>,
      %swap3A_1410 = vector.shape_cast %swap3A_1409 : vector<1x1x16xf32> to vector<16xf32>
      %swap3A_1411 = vector.shape_cast %get3A_1403 : vector<16xf32> to vector<1x1x16xf32>
      tpu.vector_store %arg8[%swap3A_1406, %swap3A_1407, %swap3A_1408], %swap3A_1411 {strides = array<i32>} : memref<2x32x1024xf32, #tpu.memory_space<vmem>>, vector<1x1x16xf32>,
      %get3A_1412 = arith.constant 0 : i32
      %get3A_1413 = arith.constant 0 : i32
      %get3A_1414 = arith.index_cast %get3A_1412 : i32 to index
      %get3A_1415 = arith.index_cast %get3A_1413 : i32 to index
      %get3A_1416 = arith.constant 560 : index
      %get3A_1417 = tpu.vector_load %arg8[%get3A_1414, %get3A_1415, %get3A_1416] {strides = array<i32>} : memref<2x32x1024xf32, #tpu.memory_space<vmem>>, vector<1x1x16xf32>,
      %get3A_1418 = vector.shape_cast %get3A_1417 : vector<1x1x16xf32> to vector<16xf32>
      %swap3A_1419 = arith.constant 0 : i32
      %swap3A_1420 = arith.index_cast %swap3A_1419 : i32 to index
      %swap3A_1421 = arith.constant 560 : index
      %swap3A_1422 = tpu.vector_load %arg9[%swap3A_1420, %swap3A_1421] {strides = array<i32>} : memref<32x1024xf32, #tpu.memory_space<vmem>>, vector<1x16xf32>,
      %swap3A_1423 = vector.shape_cast %swap3A_1422 : vector<1x16xf32> to vector<16xf32>
      %swap3A_1424 = vector.shape_cast %get3A_1418 : vector<16xf32> to vector<1x16xf32>
      tpu.vector_store %arg9[%swap3A_1420, %swap3A_1421], %swap3A_1424 {strides = array<i32>} : memref<32x1024xf32, #tpu.memory_space<vmem>>, vector<1x16xf32>,
      %get3A_1425 = arith.constant 15 : i32
      %get3A_1426 = arith.index_cast %get3A_1425 : i32 to index
      %get3A_1427 = arith.constant 560 : index
      %get3A_1428 = tpu.vector_load %arg10[%get3A_1426, %get3A_1427] {strides = array<i32>} : memref<16x1024xf32, #tpu.memory_space<vmem>>, vector<1x16xf32>,
      %get3A_1429 = vector.shape_cast %get3A_1428 : vector<1x16xf32> to vector<16xf32>
      %swap3A_1430 = arith.constant 0 : i32
      %swap3A_1431 = arith.constant 0 : i32
      %swap3A_1432 = arith.index_cast %swap3A_1430 : i32 to index
      %swap3A_1433 = arith.index_cast %swap3A_1431 : i32 to index
      %swap3A_1434 = arith.constant 560 : index
      %swap3A_1435 = tpu.vector_load %arg8[%swap3A_1432, %swap3A_1433, %swap3A_1434] {strides = array<i32>} : memref<2x32x1024xf32, #tpu.memory_space<vmem>>, vector<1x1x16xf32>,
      %swap3A_1436 = vector.shape_cast %swap3A_1435 : vector<1x1x16xf32> to vector<16xf32>
      %swap3A_1437 = vector.shape_cast %get3A_1429 : vector<16xf32> to vector<1x1x16xf32>
      tpu.vector_store %arg8[%swap3A_1432, %swap3A_1433, %swap3A_1434], %swap3A_1437 {strides = array<i32>} : memref<2x32x1024xf32, #tpu.memory_space<vmem>>, vector<1x1x16xf32>,
      %get3A_1438 = arith.constant 0 : i32
      %get3A_1439 = arith.constant 0 : i32
      %get3A_1440 = arith.index_cast %get3A_1438 : i32 to index
      %get3A_1441 = arith.index_cast %get3A_1439 : i32 to index
      %get3A_1442 = arith.constant 576 : index
      %get3A_1443 = tpu.vector_load %arg8[%get3A_1440, %get3A_1441, %get3A_1442] {strides = array<i32>} : memref<2x32x1024xf32, #tpu.memory_space<vmem>>, vector<1x1x16xf32>,
      %get3A_1444 = vector.shape_cast %get3A_1443 : vector<1x1x16xf32> to vector<16xf32>
      %swap3A_1445 = arith.constant 0 : i32
      %swap3A_1446 = arith.index_cast %swap3A_1445 : i32 to index
      %swap3A_1447 = arith.constant 576 : index
      %swap3A_1448 = tpu.vector_load %arg9[%swap3A_1446, %swap3A_1447] {strides = array<i32>} : memref<32x1024xf32, #tpu.memory_space<vmem>>, vector<1x16xf32>,
      %swap3A_1449 = vector.shape_cast %swap3A_1448 : vector<1x16xf32> to vector<16xf32>
      %swap3A_1450 = vector.shape_cast %get3A_1444 : vector<16xf32> to vector<1x16xf32>
      tpu.vector_store %arg9[%swap3A_1446, %swap3A_1447], %swap3A_1450 {strides = array<i32>} : memref<32x1024xf32, #tpu.memory_space<vmem>>, vector<1x16xf32>,
      %get3A_1451 = arith.constant 15 : i32
      %get3A_1452 = arith.index_cast %get3A_1451 : i32 to index
      %get3A_1453 = arith.constant 576 : index
      %get3A_1454 = tpu.vector_load %arg10[%get3A_1452, %get3A_1453] {strides = array<i32>} : memref<16x1024xf32, #tpu.memory_space<vmem>>, vector<1x16xf32>,
      %get3A_1455 = vector.shape_cast %get3A_1454 : vector<1x16xf32> to vector<16xf32>
      %swap3A_1456 = arith.constant 0 : i32
      %swap3A_1457 = arith.constant 0 : i32
      %swap3A_1458 = arith.index_cast %swap3A_1456 : i32 to index
      %swap3A_1459 = arith.index_cast %swap3A_1457 : i32 to index
      %swap3A_1460 = arith.constant 576 : index
      %swap3A_1461 = tpu.vector_load %arg8[%swap3A_1458, %swap3A_1459, %swap3A_1460] {strides = array<i32>} : memref<2x32x1024xf32, #tpu.memory_space<vmem>>, vector<1x1x16xf32>,
      %swap3A_1462 = vector.shape_cast %swap3A_1461 : vector<1x1x16xf32> to vector<16xf32>
      %swap3A_1463 = vector.shape_cast %get3A_1455 : vector<16xf32> to vector<1x1x16xf32>
      tpu.vector_store %arg8[%swap3A_1458, %swap3A_1459, %swap3A_1460], %swap3A_1463 {strides = array<i32>} : memref<2x32x1024xf32, #tpu.memory_space<vmem>>, vector<1x1x16xf32>,
      %get3A_1464 = arith.constant 0 : i32
      %get3A_1465 = arith.constant 0 : i32
      %get3A_1466 = arith.index_cast %get3A_1464 : i32 to index
      %get3A_1467 = arith.index_cast %get3A_1465 : i32 to index
      %get3A_1468 = arith.constant 592 : index
      %get3A_1469 = tpu.vector_load %arg8[%get3A_1466, %get3A_1467, %get3A_1468] {strides = array<i32>} : memref<2x32x1024xf32, #tpu.memory_space<vmem>>, vector<1x1x16xf32>,
      %get3A_1470 = vector.shape_cast %get3A_1469 : vector<1x1x16xf32> to vector<16xf32>
      %swap3A_1471 = arith.constant 0 : i32
      %swap3A_1472 = arith.index_cast %swap3A_1471 : i32 to index
      %swap3A_1473 = arith.constant 592 : index
      %swap3A_1474 = tpu.vector_load %arg9[%swap3A_1472, %swap3A_1473] {strides = array<i32>} : memref<32x1024xf32, #tpu.memory_space<vmem>>, vector<1x16xf32>,
      %swap3A_1475 = vector.shape_cast %swap3A_1474 : vector<1x16xf32> to vector<16xf32>
      %swap3A_1476 = vector.shape_cast %get3A_1470 : vector<16xf32> to vector<1x16xf32>
      tpu.vector_store %arg9[%swap3A_1472, %swap3A_1473], %swap3A_1476 {strides = array<i32>} : memref<32x1024xf32, #tpu.memory_space<vmem>>, vector<1x16xf32>,
      %get3A_1477 = arith.constant 15 : i32
      %get3A_1478 = arith.index_cast %get3A_1477 : i32 to index
      %get3A_1479 = arith.constant 592 : index
      %get3A_1480 = tpu.vector_load %arg10[%get3A_1478, %get3A_1479] {strides = array<i32>} : memref<16x1024xf32, #tpu.memory_space<vmem>>, vector<1x16xf32>,
      %get3A_1481 = vector.shape_cast %get3A_1480 : vector<1x16xf32> to vector<16xf32>
      %swap3A_1482 = arith.constant 0 : i32
      %swap3A_1483 = arith.constant 0 : i32
      %swap3A_1484 = arith.index_cast %swap3A_1482 : i32 to index
      %swap3A_1485 = arith.index_cast %swap3A_1483 : i32 to index
      %swap3A_1486 = arith.constant 592 : index
      %swap3A_1487 = tpu.vector_load %arg8[%swap3A_1484, %swap3A_1485, %swap3A_1486] {strides = array<i32>} : memref<2x32x1024xf32, #tpu.memory_space<vmem>>, vector<1x1x16xf32>,
      %swap3A_1488 = vector.shape_cast %swap3A_1487 : vector<1x1x16xf32> to vector<16xf32>
      %swap3A_1489 = vector.shape_cast %get3A_1481 : vector<16xf32> to vector<1x1x16xf32>
      tpu.vector_store %arg8[%swap3A_1484, %swap3A_1485, %swap3A_1486], %swap3A_1489 {strides = array<i32>} : memref<2x32x1024xf32, #tpu.memory_space<vmem>>, vector<1x1x16xf32>,
      %get3A_1490 = arith.constant 0 : i32
      %get3A_1491 = arith.constant 0 : i32
      %get3A_1492 = arith.index_cast %get3A_1490 : i32 to index
      %get3A_1493 = arith.index_cast %get3A_1491 : i32 to index
      %get3A_1494 = arith.constant 608 : index
      %get3A_1495 = tpu.vector_load %arg8[%get3A_1492, %get3A_1493, %get3A_1494] {strides = array<i32>} : memref<2x32x1024xf32, #tpu.memory_space<vmem>>, vector<1x1x16xf32>,
      %get3A_1496 = vector.shape_cast %get3A_1495 : vector<1x1x16xf32> to vector<16xf32>
      %swap3A_1497 = arith.constant 0 : i32
      %swap3A_1498 = arith.index_cast %swap3A_1497 : i32 to index
      %swap3A_1499 = arith.constant 608 : index
      %swap3A_1500 = tpu.vector_load %arg9[%swap3A_1498, %swap3A_1499] {strides = array<i32>} : memref<32x1024xf32, #tpu.memory_space<vmem>>, vector<1x16xf32>,
      %swap3A_1501 = vector.shape_cast %swap3A_1500 : vector<1x16xf32> to vector<16xf32>
      %swap3A_1502 = vector.shape_cast %get3A_1496 : vector<16xf32> to vector<1x16xf32>
      tpu.vector_store %arg9[%swap3A_1498, %swap3A_1499], %swap3A_1502 {strides = array<i32>} : memref<32x1024xf32, #tpu.memory_space<vmem>>, vector<1x16xf32>,
      %get3A_1503 = arith.constant 15 : i32
      %get3A_1504 = arith.index_cast %get3A_1503 : i32 to index
      %get3A_1505 = arith.constant 608 : index
      %get3A_1506 = tpu.vector_load %arg10[%get3A_1504, %get3A_1505] {strides = array<i32>} : memref<16x1024xf32, #tpu.memory_space<vmem>>, vector<1x16xf32>,
      %get3A_1507 = vector.shape_cast %get3A_1506 : vector<1x16xf32> to vector<16xf32>
      %swap3A_1508 = arith.constant 0 : i32
      %swap3A_1509 = arith.constant 0 : i32
      %swap3A_1510 = arith.index_cast %swap3A_1508 : i32 to index
      %swap3A_1511 = arith.index_cast %swap3A_1509 : i32 to index
      %swap3A_1512 = arith.constant 608 : index
      %swap3A_1513 = tpu.vector_load %arg8[%swap3A_1510, %swap3A_1511, %swap3A_1512] {strides = array<i32>} : memref<2x32x1024xf32, #tpu.memory_space<vmem>>, vector<1x1x16xf32>,
      %swap3A_1514 = vector.shape_cast %swap3A_1513 : vector<1x1x16xf32> to vector<16xf32>
      %swap3A_1515 = vector.shape_cast %get3A_1507 : vector<16xf32> to vector<1x1x16xf32>
      tpu.vector_store %arg8[%swap3A_1510, %swap3A_1511, %swap3A_1512], %swap3A_1515 {strides = array<i32>} : memref<2x32x1024xf32, #tpu.memory_space<vmem>>, vector<1x1x16xf32>,
      %get3A_1516 = arith.constant 0 : i32
      %get3A_1517 = arith.constant 0 : i32
      %get3A_1518 = arith.index_cast %get3A_1516 : i32 to index
      %get3A_1519 = arith.index_cast %get3A_1517 : i32 to index
      %get3A_1520 = arith.constant 624 : index
      %get3A_1521 = tpu.vector_load %arg8[%get3A_1518, %get3A_1519, %get3A_1520] {strides = array<i32>} : memref<2x32x1024xf32, #tpu.memory_space<vmem>>, vector<1x1x16xf32>,
      %get3A_1522 = vector.shape_cast %get3A_1521 : vector<1x1x16xf32> to vector<16xf32>
      %swap3A_1523 = arith.constant 0 : i32
      %swap3A_1524 = arith.index_cast %swap3A_1523 : i32 to index
      %swap3A_1525 = arith.constant 624 : index
      %swap3A_1526 = tpu.vector_load %arg9[%swap3A_1524, %swap3A_1525] {strides = array<i32>} : memref<32x1024xf32, #tpu.memory_space<vmem>>, vector<1x16xf32>,
      %swap3A_1527 = vector.shape_cast %swap3A_1526 : vector<1x16xf32> to vector<16xf32>
      %swap3A_1528 = vector.shape_cast %get3A_1522 : vector<16xf32> to vector<1x16xf32>
      tpu.vector_store %arg9[%swap3A_1524, %swap3A_1525], %swap3A_1528 {strides = array<i32>} : memref<32x1024xf32, #tpu.memory_space<vmem>>, vector<1x16xf32>,
      %get3A_1529 = arith.constant 15 : i32
      %get3A_1530 = arith.index_cast %get3A_1529 : i32 to index
      %get3A_1531 = arith.constant 624 : index
      %get3A_1532 = tpu.vector_load %arg10[%get3A_1530, %get3A_1531] {strides = array<i32>} : memref<16x1024xf32, #tpu.memory_space<vmem>>, vector<1x16xf32>,
      %get3A_1533 = vector.shape_cast %get3A_1532 : vector<1x16xf32> to vector<16xf32>
      %swap3A_1534 = arith.constant 0 : i32
      %swap3A_1535 = arith.constant 0 : i32
      %swap3A_1536 = arith.index_cast %swap3A_1534 : i32 to index
      %swap3A_1537 = arith.index_cast %swap3A_1535 : i32 to index
      %swap3A_1538 = arith.constant 624 : index
      %swap3A_1539 = tpu.vector_load %arg8[%swap3A_1536, %swap3A_1537, %swap3A_1538] {strides = array<i32>} : memref<2x32x1024xf32, #tpu.memory_space<vmem>>, vector<1x1x16xf32>,
      %swap3A_1540 = vector.shape_cast %swap3A_1539 : vector<1x1x16xf32> to vector<16xf32>
      %swap3A_1541 = vector.shape_cast %get3A_1533 : vector<16xf32> to vector<1x1x16xf32>
      tpu.vector_store %arg8[%swap3A_1536, %swap3A_1537, %swap3A_1538], %swap3A_1541 {strides = array<i32>} : memref<2x32x1024xf32, #tpu.memory_space<vmem>>, vector<1x1x16xf32>,
      %get3A_1542 = arith.constant 0 : i32
      %get3A_1543 = arith.constant 0 : i32
      %get3A_1544 = arith.index_cast %get3A_1542 : i32 to index
      %get3A_1545 = arith.index_cast %get3A_1543 : i32 to index
      %get3A_1546 = arith.constant 640 : index
      %get3A_1547 = tpu.vector_load %arg8[%get3A_1544, %get3A_1545, %get3A_1546] {strides = array<i32>} : memref<2x32x1024xf32, #tpu.memory_space<vmem>>, vector<1x1x16xf32>,
      %get3A_1548 = vector.shape_cast %get3A_1547 : vector<1x1x16xf32> to vector<16xf32>
      %swap3A_1549 = arith.constant 0 : i32
      %swap3A_1550 = arith.index_cast %swap3A_1549 : i32 to index
      %swap3A_1551 = arith.constant 640 : index
      %swap3A_1552 = tpu.vector_load %arg9[%swap3A_1550, %swap3A_1551] {strides = array<i32>} : memref<32x1024xf32, #tpu.memory_space<vmem>>, vector<1x16xf32>,
      %swap3A_1553 = vector.shape_cast %swap3A_1552 : vector<1x16xf32> to vector<16xf32>
      %swap3A_1554 = vector.shape_cast %get3A_1548 : vector<16xf32> to vector<1x16xf32>
      tpu.vector_store %arg9[%swap3A_1550, %swap3A_1551], %swap3A_1554 {strides = array<i32>} : memref<32x1024xf32, #tpu.memory_space<vmem>>, vector<1x16xf32>,
      %get3A_1555 = arith.constant 15 : i32
      %get3A_1556 = arith.index_cast %get3A_1555 : i32 to index
      %get3A_1557 = arith.constant 640 : index
      %get3A_1558 = tpu.vector_load %arg10[%get3A_1556, %get3A_1557] {strides = array<i32>} : memref<16x1024xf32, #tpu.memory_space<vmem>>, vector<1x16xf32>,
      %get3A_1559 = vector.shape_cast %get3A_1558 : vector<1x16xf32> to vector<16xf32>
      %swap3A_1560 = arith.constant 0 : i32
      %swap3A_1561 = arith.constant 0 : i32
      %swap3A_1562 = arith.index_cast %swap3A_1560 : i32 to index
      %swap3A_1563 = arith.index_cast %swap3A_1561 : i32 to index
      %swap3A_1564 = arith.constant 640 : index
      %swap3A_1565 = tpu.vector_load %arg8[%swap3A_1562, %swap3A_1563, %swap3A_1564] {strides = array<i32>} : memref<2x32x1024xf32, #tpu.memory_space<vmem>>, vector<1x1x16xf32>,
      %swap3A_1566 = vector.shape_cast %swap3A_1565 : vector<1x1x16xf32> to vector<16xf32>
      %swap3A_1567 = vector.shape_cast %get3A_1559 : vector<16xf32> to vector<1x1x16xf32>
      tpu.vector_store %arg8[%swap3A_1562, %swap3A_1563, %swap3A_1564], %swap3A_1567 {strides = array<i32>} : memref<2x32x1024xf32, #tpu.memory_space<vmem>>, vector<1x1x16xf32>,
      %get3A_1568 = arith.constant 0 : i32
      %get3A_1569 = arith.constant 0 : i32
      %get3A_1570 = arith.index_cast %get3A_1568 : i32 to index
      %get3A_1571 = arith.index_cast %get3A_1569 : i32 to index
      %get3A_1572 = arith.constant 656 : index
      %get3A_1573 = tpu.vector_load %arg8[%get3A_1570, %get3A_1571, %get3A_1572] {strides = array<i32>} : memref<2x32x1024xf32, #tpu.memory_space<vmem>>, vector<1x1x16xf32>,
      %get3A_1574 = vector.shape_cast %get3A_1573 : vector<1x1x16xf32> to vector<16xf32>
      %swap3A_1575 = arith.constant 0 : i32
      %swap3A_1576 = arith.index_cast %swap3A_1575 : i32 to index
      %swap3A_1577 = arith.constant 656 : index
      %swap3A_1578 = tpu.vector_load %arg9[%swap3A_1576, %swap3A_1577] {strides = array<i32>} : memref<32x1024xf32, #tpu.memory_space<vmem>>, vector<1x16xf32>,
      %swap3A_1579 = vector.shape_cast %swap3A_1578 : vector<1x16xf32> to vector<16xf32>
      %swap3A_1580 = vector.shape_cast %get3A_1574 : vector<16xf32> to vector<1x16xf32>
      tpu.vector_store %arg9[%swap3A_1576, %swap3A_1577], %swap3A_1580 {strides = array<i32>} : memref<32x1024xf32, #tpu.memory_space<vmem>>, vector<1x16xf32>,
      %get3A_1581 = arith.constant 15 : i32
      %get3A_1582 = arith.index_cast %get3A_1581 : i32 to index
      %get3A_1583 = arith.constant 656 : index
      %get3A_1584 = tpu.vector_load %arg10[%get3A_1582, %get3A_1583] {strides = array<i32>} : memref<16x1024xf32, #tpu.memory_space<vmem>>, vector<1x16xf32>,
      %get3A_1585 = vector.shape_cast %get3A_1584 : vector<1x16xf32> to vector<16xf32>
      %swap3A_1586 = arith.constant 0 : i32
      %swap3A_1587 = arith.constant 0 : i32
      %swap3A_1588 = arith.index_cast %swap3A_1586 : i32 to index
      %swap3A_1589 = arith.index_cast %swap3A_1587 : i32 to index
      %swap3A_1590 = arith.constant 656 : index
      %swap3A_1591 = tpu.vector_load %arg8[%swap3A_1588, %swap3A_1589, %swap3A_1590] {strides = array<i32>} : memref<2x32x1024xf32, #tpu.memory_space<vmem>>, vector<1x1x16xf32>,
      %swap3A_1592 = vector.shape_cast %swap3A_1591 : vector<1x1x16xf32> to vector<16xf32>
      %swap3A_1593 = vector.shape_cast %get3A_1585 : vector<16xf32> to vector<1x1x16xf32>
      tpu.vector_store %arg8[%swap3A_1588, %swap3A_1589, %swap3A_1590], %swap3A_1593 {strides = array<i32>} : memref<2x32x1024xf32, #tpu.memory_space<vmem>>, vector<1x1x16xf32>,
      %get3A_1594 = arith.constant 0 : i32
      %get3A_1595 = arith.constant 0 : i32
      %get3A_1596 = arith.index_cast %get3A_1594 : i32 to index
      %get3A_1597 = arith.index_cast %get3A_1595 : i32 to index
      %get3A_1598 = arith.constant 672 : index
      %get3A_1599 = tpu.vector_load %arg8[%get3A_1596, %get3A_1597, %get3A_1598] {strides = array<i32>} : memref<2x32x1024xf32, #tpu.memory_space<vmem>>, vector<1x1x16xf32>,
      %get3A_1600 = vector.shape_cast %get3A_1599 : vector<1x1x16xf32> to vector<16xf32>
      %swap3A_1601 = arith.constant 0 : i32
      %swap3A_1602 = arith.index_cast %swap3A_1601 : i32 to index
      %swap3A_1603 = arith.constant 672 : index
      %swap3A_1604 = tpu.vector_load %arg9[%swap3A_1602, %swap3A_1603] {strides = array<i32>} : memref<32x1024xf32, #tpu.memory_space<vmem>>, vector<1x16xf32>,
      %swap3A_1605 = vector.shape_cast %swap3A_1604 : vector<1x16xf32> to vector<16xf32>
      %swap3A_1606 = vector.shape_cast %get3A_1600 : vector<16xf32> to vector<1x16xf32>
      tpu.vector_store %arg9[%swap3A_1602, %swap3A_1603], %swap3A_1606 {strides = array<i32>} : memref<32x1024xf32, #tpu.memory_space<vmem>>, vector<1x16xf32>,
      %get3A_1607 = arith.constant 15 : i32
      %get3A_1608 = arith.index_cast %get3A_1607 : i32 to index
      %get3A_1609 = arith.constant 672 : index
      %get3A_1610 = tpu.vector_load %arg10[%get3A_1608, %get3A_1609] {strides = array<i32>} : memref<16x1024xf32, #tpu.memory_space<vmem>>, vector<1x16xf32>,
      %get3A_1611 = vector.shape_cast %get3A_1610 : vector<1x16xf32> to vector<16xf32>
      %swap3A_1612 = arith.constant 0 : i32
      %swap3A_1613 = arith.constant 0 : i32
      %swap3A_1614 = arith.index_cast %swap3A_1612 : i32 to index
      %swap3A_1615 = arith.index_cast %swap3A_1613 : i32 to index
      %swap3A_1616 = arith.constant 672 : index
      %swap3A_1617 = tpu.vector_load %arg8[%swap3A_1614, %swap3A_1615, %swap3A_1616] {strides = array<i32>} : memref<2x32x1024xf32, #tpu.memory_space<vmem>>, vector<1x1x16xf32>,
      %swap3A_1618 = vector.shape_cast %swap3A_1617 : vector<1x1x16xf32> to vector<16xf32>
      %swap3A_1619 = vector.shape_cast %get3A_1611 : vector<16xf32> to vector<1x1x16xf32>
      tpu.vector_store %arg8[%swap3A_1614, %swap3A_1615, %swap3A_1616], %swap3A_1619 {strides = array<i32>} : memref<2x32x1024xf32, #tpu.memory_space<vmem>>, vector<1x1x16xf32>,
      %get3A_1620 = arith.constant 0 : i32
      %get3A_1621 = arith.constant 0 : i32
      %get3A_1622 = arith.index_cast %get3A_1620 : i32 to index
      %get3A_1623 = arith.index_cast %get3A_1621 : i32 to index
      %get3A_1624 = arith.constant 688 : index
      %get3A_1625 = tpu.vector_load %arg8[%get3A_1622, %get3A_1623, %get3A_1624] {strides = array<i32>} : memref<2x32x1024xf32, #tpu.memory_space<vmem>>, vector<1x1x16xf32>,
      %get3A_1626 = vector.shape_cast %get3A_1625 : vector<1x1x16xf32> to vector<16xf32>
      %swap3A_1627 = arith.constant 0 : i32
      %swap3A_1628 = arith.index_cast %swap3A_1627 : i32 to index
      %swap3A_1629 = arith.constant 688 : index
      %swap3A_1630 = tpu.vector_load %arg9[%swap3A_1628, %swap3A_1629] {strides = array<i32>} : memref<32x1024xf32, #tpu.memory_space<vmem>>, vector<1x16xf32>,
      %swap3A_1631 = vector.shape_cast %swap3A_1630 : vector<1x16xf32> to vector<16xf32>
      %swap3A_1632 = vector.shape_cast %get3A_1626 : vector<16xf32> to vector<1x16xf32>
      tpu.vector_store %arg9[%swap3A_1628, %swap3A_1629], %swap3A_1632 {strides = array<i32>} : memref<32x1024xf32, #tpu.memory_space<vmem>>, vector<1x16xf32>,
      %get3A_1633 = arith.constant 15 : i32
      %get3A_1634 = arith.index_cast %get3A_1633 : i32 to index
      %get3A_1635 = arith.constant 688 : index
      %get3A_1636 = tpu.vector_load %arg10[%get3A_1634, %get3A_1635] {strides = array<i32>} : memref<16x1024xf32, #tpu.memory_space<vmem>>, vector<1x16xf32>,
      %get3A_1637 = vector.shape_cast %get3A_1636 : vector<1x16xf32> to vector<16xf32>
      %swap3A_1638 = arith.constant 0 : i32
      %swap3A_1639 = arith.constant 0 : i32
      %swap3A_1640 = arith.index_cast %swap3A_1638 : i32 to index
      %swap3A_1641 = arith.index_cast %swap3A_1639 : i32 to index
      %swap3A_1642 = arith.constant 688 : index
      %swap3A_1643 = tpu.vector_load %arg8[%swap3A_1640, %swap3A_1641, %swap3A_1642] {strides = array<i32>} : memref<2x32x1024xf32, #tpu.memory_space<vmem>>, vector<1x1x16xf32>,
      %swap3A_1644 = vector.shape_cast %swap3A_1643 : vector<1x1x16xf32> to vector<16xf32>
      %swap3A_1645 = vector.shape_cast %get3A_1637 : vector<16xf32> to vector<1x1x16xf32>
      tpu.vector_store %arg8[%swap3A_1640, %swap3A_1641, %swap3A_1642], %swap3A_1645 {strides = array<i32>} : memref<2x32x1024xf32, #tpu.memory_space<vmem>>, vector<1x1x16xf32>,
      %get3A_1646 = arith.constant 0 : i32
      %get3A_1647 = arith.constant 0 : i32
      %get3A_1648 = arith.index_cast %get3A_1646 : i32 to index
      %get3A_1649 = arith.index_cast %get3A_1647 : i32 to index
      %get3A_1650 = arith.constant 704 : index
      %get3A_1651 = tpu.vector_load %arg8[%get3A_1648, %get3A_1649, %get3A_1650] {strides = array<i32>} : memref<2x32x1024xf32, #tpu.memory_space<vmem>>, vector<1x1x16xf32>,
      %get3A_1652 = vector.shape_cast %get3A_1651 : vector<1x1x16xf32> to vector<16xf32>
      %swap3A_1653 = arith.constant 0 : i32
      %swap3A_1654 = arith.index_cast %swap3A_1653 : i32 to index
      %swap3A_1655 = arith.constant 704 : index
      %swap3A_1656 = tpu.vector_load %arg9[%swap3A_1654, %swap3A_1655] {strides = array<i32>} : memref<32x1024xf32, #tpu.memory_space<vmem>>, vector<1x16xf32>,
      %swap3A_1657 = vector.shape_cast %swap3A_1656 : vector<1x16xf32> to vector<16xf32>
      %swap3A_1658 = vector.shape_cast %get3A_1652 : vector<16xf32> to vector<1x16xf32>
      tpu.vector_store %arg9[%swap3A_1654, %swap3A_1655], %swap3A_1658 {strides = array<i32>} : memref<32x1024xf32, #tpu.memory_space<vmem>>, vector<1x16xf32>,
      %get3A_1659 = arith.constant 15 : i32
      %get3A_1660 = arith.index_cast %get3A_1659 : i32 to index
      %get3A_1661 = arith.constant 704 : index
      %get3A_1662 = tpu.vector_load %arg10[%get3A_1660, %get3A_1661] {strides = array<i32>} : memref<16x1024xf32, #tpu.memory_space<vmem>>, vector<1x16xf32>,
      %get3A_1663 = vector.shape_cast %get3A_1662 : vector<1x16xf32> to vector<16xf32>
      %swap3A_1664 = arith.constant 0 : i32
      %swap3A_1665 = arith.constant 0 : i32
      %swap3A_1666 = arith.index_cast %swap3A_1664 : i32 to index
      %swap3A_1667 = arith.index_cast %swap3A_1665 : i32 to index
      %swap3A_1668 = arith.constant 704 : index
      %swap3A_1669 = tpu.vector_load %arg8[%swap3A_1666, %swap3A_1667, %swap3A_1668] {strides = array<i32>} : memref<2x32x1024xf32, #tpu.memory_space<vmem>>, vector<1x1x16xf32>,
      %swap3A_1670 = vector.shape_cast %swap3A_1669 : vector<1x1x16xf32> to vector<16xf32>
      %swap3A_1671 = vector.shape_cast %get3A_1663 : vector<16xf32> to vector<1x1x16xf32>
      tpu.vector_store %arg8[%swap3A_1666, %swap3A_1667, %swap3A_1668], %swap3A_1671 {strides = array<i32>} : memref<2x32x1024xf32, #tpu.memory_space<vmem>>, vector<1x1x16xf32>,
      %get3A_1672 = arith.constant 0 : i32
      %get3A_1673 = arith.constant 0 : i32
      %get3A_1674 = arith.index_cast %get3A_1672 : i32 to index
      %get3A_1675 = arith.index_cast %get3A_1673 : i32 to index
      %get3A_1676 = arith.constant 720 : index
      %get3A_1677 = tpu.vector_load %arg8[%get3A_1674, %get3A_1675, %get3A_1676] {strides = array<i32>} : memref<2x32x1024xf32, #tpu.memory_space<vmem>>, vector<1x1x16xf32>,
      %get3A_1678 = vector.shape_cast %get3A_1677 : vector<1x1x16xf32> to vector<16xf32>
      %swap3A_1679 = arith.constant 0 : i32
      %swap3A_1680 = arith.index_cast %swap3A_1679 : i32 to index
      %swap3A_1681 = arith.constant 720 : index
      %swap3A_1682 = tpu.vector_load %arg9[%swap3A_1680, %swap3A_1681] {strides = array<i32>} : memref<32x1024xf32, #tpu.memory_space<vmem>>, vector<1x16xf32>,
      %swap3A_1683 = vector.shape_cast %swap3A_1682 : vector<1x16xf32> to vector<16xf32>
      %swap3A_1684 = vector.shape_cast %get3A_1678 : vector<16xf32> to vector<1x16xf32>
      tpu.vector_store %arg9[%swap3A_1680, %swap3A_1681], %swap3A_1684 {strides = array<i32>} : memref<32x1024xf32, #tpu.memory_space<vmem>>, vector<1x16xf32>,
      %get3A_1685 = arith.constant 15 : i32
      %get3A_1686 = arith.index_cast %get3A_1685 : i32 to index
      %get3A_1687 = arith.constant 720 : index
      %get3A_1688 = tpu.vector_load %arg10[%get3A_1686, %get3A_1687] {strides = array<i32>} : memref<16x1024xf32, #tpu.memory_space<vmem>>, vector<1x16xf32>,
      %get3A_1689 = vector.shape_cast %get3A_1688 : vector<1x16xf32> to vector<16xf32>
      %swap3A_1690 = arith.constant 0 : i32
      %swap3A_1691 = arith.constant 0 : i32
      %swap3A_1692 = arith.index_cast %swap3A_1690 : i32 to index
      %swap3A_1693 = arith.index_cast %swap3A_1691 : i32 to index
      %swap3A_1694 = arith.constant 720 : index
      %swap3A_1695 = tpu.vector_load %arg8[%swap3A_1692, %swap3A_1693, %swap3A_1694] {strides = array<i32>} : memref<2x32x1024xf32, #tpu.memory_space<vmem>>, vector<1x1x16xf32>,
      %swap3A_1696 = vector.shape_cast %swap3A_1695 : vector<1x1x16xf32> to vector<16xf32>
      %swap3A_1697 = vector.shape_cast %get3A_1689 : vector<16xf32> to vector<1x1x16xf32>
      tpu.vector_store %arg8[%swap3A_1692, %swap3A_1693, %swap3A_1694], %swap3A_1697 {strides = array<i32>} : memref<2x32x1024xf32, #tpu.memory_space<vmem>>, vector<1x1x16xf32>,
      %get3A_1698 = arith.constant 0 : i32
      %get3A_1699 = arith.constant 0 : i32
      %get3A_1700 = arith.index_cast %get3A_1698 : i32 to index
      %get3A_1701 = arith.index_cast %get3A_1699 : i32 to index
      %get3A_1702 = arith.constant 736 : index
      %get3A_1703 = tpu.vector_load %arg8[%get3A_1700, %get3A_1701, %get3A_1702] {strides = array<i32>} : memref<2x32x1024xf32, #tpu.memory_space<vmem>>, vector<1x1x16xf32>,
      %get3A_1704 = vector.shape_cast %get3A_1703 : vector<1x1x16xf32> to vector<16xf32>
      %swap3A_1705 = arith.constant 0 : i32
      %swap3A_1706 = arith.index_cast %swap3A_1705 : i32 to index
      %swap3A_1707 = arith.constant 736 : index
      %swap3A_1708 = tpu.vector_load %arg9[%swap3A_1706, %swap3A_1707] {strides = array<i32>} : memref<32x1024xf32, #tpu.memory_space<vmem>>, vector<1x16xf32>,
      %swap3A_1709 = vector.shape_cast %swap3A_1708 : vector<1x16xf32> to vector<16xf32>
      %swap3A_1710 = vector.shape_cast %get3A_1704 : vector<16xf32> to vector<1x16xf32>
      tpu.vector_store %arg9[%swap3A_1706, %swap3A_1707], %swap3A_1710 {strides = array<i32>} : memref<32x1024xf32, #tpu.memory_space<vmem>>, vector<1x16xf32>,
      %get3A_1711 = arith.constant 15 : i32
      %get3A_1712 = arith.index_cast %get3A_1711 : i32 to index
      %get3A_1713 = arith.constant 736 : index
      %get3A_1714 = tpu.vector_load %arg10[%get3A_1712, %get3A_1713] {strides = array<i32>} : memref<16x1024xf32, #tpu.memory_space<vmem>>, vector<1x16xf32>,
      %get3A_1715 = vector.shape_cast %get3A_1714 : vector<1x16xf32> to vector<16xf32>
      %swap3A_1716 = arith.constant 0 : i32
      %swap3A_1717 = arith.constant 0 : i32
      %swap3A_1718 = arith.index_cast %swap3A_1716 : i32 to index
      %swap3A_1719 = arith.index_cast %swap3A_1717 : i32 to index
      %swap3A_1720 = arith.constant 736 : index
      %swap3A_1721 = tpu.vector_load %arg8[%swap3A_1718, %swap3A_1719, %swap3A_1720] {strides = array<i32>} : memref<2x32x1024xf32, #tpu.memory_space<vmem>>, vector<1x1x16xf32>,
      %swap3A_1722 = vector.shape_cast %swap3A_1721 : vector<1x1x16xf32> to vector<16xf32>
      %swap3A_1723 = vector.shape_cast %get3A_1715 : vector<16xf32> to vector<1x1x16xf32>
      tpu.vector_store %arg8[%swap3A_1718, %swap3A_1719, %swap3A_1720], %swap3A_1723 {strides = array<i32>} : memref<2x32x1024xf32, #tpu.memory_space<vmem>>, vector<1x1x16xf32>,
      %get3A_1724 = arith.constant 0 : i32
      %get3A_1725 = arith.constant 0 : i32
      %get3A_1726 = arith.index_cast %get3A_1724 : i32 to index
      %get3A_1727 = arith.index_cast %get3A_1725 : i32 to index
      %get3A_1728 = arith.constant 752 : index
      %get3A_1729 = tpu.vector_load %arg8[%get3A_1726, %get3A_1727, %get3A_1728] {strides = array<i32>} : memref<2x32x1024xf32, #tpu.memory_space<vmem>>, vector<1x1x16xf32>,
      %get3A_1730 = vector.shape_cast %get3A_1729 : vector<1x1x16xf32> to vector<16xf32>
      %swap3A_1731 = arith.constant 0 : i32
      %swap3A_1732 = arith.index_cast %swap3A_1731 : i32 to index
      %swap3A_1733 = arith.constant 752 : index
      %swap3A_1734 = tpu.vector_load %arg9[%swap3A_1732, %swap3A_1733] {strides = array<i32>} : memref<32x1024xf32, #tpu.memory_space<vmem>>, vector<1x16xf32>,
      %swap3A_1735 = vector.shape_cast %swap3A_1734 : vector<1x16xf32> to vector<16xf32>
      %swap3A_1736 = vector.shape_cast %get3A_1730 : vector<16xf32> to vector<1x16xf32>
      tpu.vector_store %arg9[%swap3A_1732, %swap3A_1733], %swap3A_1736 {strides = array<i32>} : memref<32x1024xf32, #tpu.memory_space<vmem>>, vector<1x16xf32>,
      %get3A_1737 = arith.constant 15 : i32
      %get3A_1738 = arith.index_cast %get3A_1737 : i32 to index
      %get3A_1739 = arith.constant 752 : index
      %get3A_1740 = tpu.vector_load %arg10[%get3A_1738, %get3A_1739] {strides = array<i32>} : memref<16x1024xf32, #tpu.memory_space<vmem>>, vector<1x16xf32>,
      %get3A_1741 = vector.shape_cast %get3A_1740 : vector<1x16xf32> to vector<16xf32>
      %swap3A_1742 = arith.constant 0 : i32
      %swap3A_1743 = arith.constant 0 : i32
      %swap3A_1744 = arith.index_cast %swap3A_1742 : i32 to index
      %swap3A_1745 = arith.index_cast %swap3A_1743 : i32 to index
      %swap3A_1746 = arith.constant 752 : index
      %swap3A_1747 = tpu.vector_load %arg8[%swap3A_1744, %swap3A_1745, %swap3A_1746] {strides = array<i32>} : memref<2x32x1024xf32, #tpu.memory_space<vmem>>, vector<1x1x16xf32>,
      %swap3A_1748 = vector.shape_cast %swap3A_1747 : vector<1x1x16xf32> to vector<16xf32>
      %swap3A_1749 = vector.shape_cast %get3A_1741 : vector<16xf32> to vector<1x1x16xf32>
      tpu.vector_store %arg8[%swap3A_1744, %swap3A_1745, %swap3A_1746], %swap3A_1749 {strides = array<i32>} : memref<2x32x1024xf32, #tpu.memory_space<vmem>>, vector<1x1x16xf32>,
      %get3A_1750 = arith.constant 0 : i32
      %get3A_1751 = arith.constant 0 : i32
      %get3A_1752 = arith.index_cast %get3A_1750 : i32 to index
      %get3A_1753 = arith.index_cast %get3A_1751 : i32 to index
      %get3A_1754 = arith.constant 768 : index
      %get3A_1755 = tpu.vector_load %arg8[%get3A_1752, %get3A_1753, %get3A_1754] {strides = array<i32>} : memref<2x32x1024xf32, #tpu.memory_space<vmem>>, vector<1x1x16xf32>,
      %get3A_1756 = vector.shape_cast %get3A_1755 : vector<1x1x16xf32> to vector<16xf32>
      %swap3A_1757 = arith.constant 0 : i32
      %swap3A_1758 = arith.index_cast %swap3A_1757 : i32 to index
      %swap3A_1759 = arith.constant 768 : index
      %swap3A_1760 = tpu.vector_load %arg9[%swap3A_1758, %swap3A_1759] {strides = array<i32>} : memref<32x1024xf32, #tpu.memory_space<vmem>>, vector<1x16xf32>,
      %swap3A_1761 = vector.shape_cast %swap3A_1760 : vector<1x16xf32> to vector<16xf32>
      %swap3A_1762 = vector.shape_cast %get3A_1756 : vector<16xf32> to vector<1x16xf32>
      tpu.vector_store %arg9[%swap3A_1758, %swap3A_1759], %swap3A_1762 {strides = array<i32>} : memref<32x1024xf32, #tpu.memory_space<vmem>>, vector<1x16xf32>,
      %get3A_1763 = arith.constant 15 : i32
      %get3A_1764 = arith.index_cast %get3A_1763 : i32 to index
      %get3A_1765 = arith.constant 768 : index
      %get3A_1766 = tpu.vector_load %arg10[%get3A_1764, %get3A_1765] {strides = array<i32>} : memref<16x1024xf32, #tpu.memory_space<vmem>>, vector<1x16xf32>,
      %get3A_1767 = vector.shape_cast %get3A_1766 : vector<1x16xf32> to vector<16xf32>
      %swap3A_1768 = arith.constant 0 : i32
      %swap3A_1769 = arith.constant 0 : i32
      %swap3A_1770 = arith.index_cast %swap3A_1768 : i32 to index
      %swap3A_1771 = arith.index_cast %swap3A_1769 : i32 to index
      %swap3A_1772 = arith.constant 768 : index
      %swap3A_1773 = tpu.vector_load %arg8[%swap3A_1770, %swap3A_1771, %swap3A_1772] {strides = array<i32>} : memref<2x32x1024xf32, #tpu.memory_space<vmem>>, vector<1x1x16xf32>,
      %swap3A_1774 = vector.shape_cast %swap3A_1773 : vector<1x1x16xf32> to vector<16xf32>
      %swap3A_1775 = vector.shape_cast %get3A_1767 : vector<16xf32> to vector<1x1x16xf32>
      tpu.vector_store %arg8[%swap3A_1770, %swap3A_1771, %swap3A_1772], %swap3A_1775 {strides = array<i32>} : memref<2x32x1024xf32, #tpu.memory_space<vmem>>, vector<1x1x16xf32>,
      %get3A_1776 = arith.constant 0 : i32
      %get3A_1777 = arith.constant 0 : i32
      %get3A_1778 = arith.index_cast %get3A_1776 : i32 to index
      %get3A_1779 = arith.index_cast %get3A_1777 : i32 to index
      %get3A_1780 = arith.constant 784 : index
      %get3A_1781 = tpu.vector_load %arg8[%get3A_1778, %get3A_1779, %get3A_1780] {strides = array<i32>} : memref<2x32x1024xf32, #tpu.memory_space<vmem>>, vector<1x1x16xf32>,
      %get3A_1782 = vector.shape_cast %get3A_1781 : vector<1x1x16xf32> to vector<16xf32>
      %swap3A_1783 = arith.constant 0 : i32
      %swap3A_1784 = arith.index_cast %swap3A_1783 : i32 to index
      %swap3A_1785 = arith.constant 784 : index
      %swap3A_1786 = tpu.vector_load %arg9[%swap3A_1784, %swap3A_1785] {strides = array<i32>} : memref<32x1024xf32, #tpu.memory_space<vmem>>, vector<1x16xf32>,
      %swap3A_1787 = vector.shape_cast %swap3A_1786 : vector<1x16xf32> to vector<16xf32>
      %swap3A_1788 = vector.shape_cast %get3A_1782 : vector<16xf32> to vector<1x16xf32>
      tpu.vector_store %arg9[%swap3A_1784, %swap3A_1785], %swap3A_1788 {strides = array<i32>} : memref<32x1024xf32, #tpu.memory_space<vmem>>, vector<1x16xf32>,
      %get3A_1789 = arith.constant 15 : i32
      %get3A_1790 = arith.index_cast %get3A_1789 : i32 to index
      %get3A_1791 = arith.constant 784 : index
      %get3A_1792 = tpu.vector_load %arg10[%get3A_1790, %get3A_1791] {strides = array<i32>} : memref<16x1024xf32, #tpu.memory_space<vmem>>, vector<1x16xf32>,
      %get3A_1793 = vector.shape_cast %get3A_1792 : vector<1x16xf32> to vector<16xf32>
      %swap3A_1794 = arith.constant 0 : i32
      %swap3A_1795 = arith.constant 0 : i32
      %swap3A_1796 = arith.index_cast %swap3A_1794 : i32 to index
      %swap3A_1797 = arith.index_cast %swap3A_1795 : i32 to index
      %swap3A_1798 = arith.constant 784 : index
      %swap3A_1799 = tpu.vector_load %arg8[%swap3A_1796, %swap3A_1797, %swap3A_1798] {strides = array<i32>} : memref<2x32x1024xf32, #tpu.memory_space<vmem>>, vector<1x1x16xf32>,
      %swap3A_1800 = vector.shape_cast %swap3A_1799 : vector<1x1x16xf32> to vector<16xf32>
      %swap3A_1801 = vector.shape_cast %get3A_1793 : vector<16xf32> to vector<1x1x16xf32>
      tpu.vector_store %arg8[%swap3A_1796, %swap3A_1797, %swap3A_1798], %swap3A_1801 {strides = array<i32>} : memref<2x32x1024xf32, #tpu.memory_space<vmem>>, vector<1x1x16xf32>,
      %get3A_1802 = arith.constant 0 : i32
      %get3A_1803 = arith.constant 0 : i32
      %get3A_1804 = arith.index_cast %get3A_1802 : i32 to index
      %get3A_1805 = arith.index_cast %get3A_1803 : i32 to index
      %get3A_1806 = arith.constant 800 : index
      %get3A_1807 = tpu.vector_load %arg8[%get3A_1804, %get3A_1805, %get3A_1806] {strides = array<i32>} : memref<2x32x1024xf32, #tpu.memory_space<vmem>>, vector<1x1x16xf32>,
      %get3A_1808 = vector.shape_cast %get3A_1807 : vector<1x1x16xf32> to vector<16xf32>
      %swap3A_1809 = arith.constant 0 : i32
      %swap3A_1810 = arith.index_cast %swap3A_1809 : i32 to index
      %swap3A_1811 = arith.constant 800 : index
      %swap3A_1812 = tpu.vector_load %arg9[%swap3A_1810, %swap3A_1811] {strides = array<i32>} : memref<32x1024xf32, #tpu.memory_space<vmem>>, vector<1x16xf32>,
      %swap3A_1813 = vector.shape_cast %swap3A_1812 : vector<1x16xf32> to vector<16xf32>
      %swap3A_1814 = vector.shape_cast %get3A_1808 : vector<16xf32> to vector<1x16xf32>
      tpu.vector_store %arg9[%swap3A_1810, %swap3A_1811], %swap3A_1814 {strides = array<i32>} : memref<32x1024xf32, #tpu.memory_space<vmem>>, vector<1x16xf32>,
      %get3A_1815 = arith.constant 15 : i32
      %get3A_1816 = arith.index_cast %get3A_1815 : i32 to index
      %get3A_1817 = arith.constant 800 : index
      %get3A_1818 = tpu.vector_load %arg10[%get3A_1816, %get3A_1817] {strides = array<i32>} : memref<16x1024xf32, #tpu.memory_space<vmem>>, vector<1x16xf32>,
      %get3A_1819 = vector.shape_cast %get3A_1818 : vector<1x16xf32> to vector<16xf32>
      %swap3A_1820 = arith.constant 0 : i32
      %swap3A_1821 = arith.constant 0 : i32
      %swap3A_1822 = arith.index_cast %swap3A_1820 : i32 to index
      %swap3A_1823 = arith.index_cast %swap3A_1821 : i32 to index
      %swap3A_1824 = arith.constant 800 : index
      %swap3A_1825 = tpu.vector_load %arg8[%swap3A_1822, %swap3A_1823, %swap3A_1824] {strides = array<i32>} : memref<2x32x1024xf32, #tpu.memory_space<vmem>>, vector<1x1x16xf32>,
      %swap3A_1826 = vector.shape_cast %swap3A_1825 : vector<1x1x16xf32> to vector<16xf32>
      %swap3A_1827 = vector.shape_cast %get3A_1819 : vector<16xf32> to vector<1x1x16xf32>
      tpu.vector_store %arg8[%swap3A_1822, %swap3A_1823, %swap3A_1824], %swap3A_1827 {strides = array<i32>} : memref<2x32x1024xf32, #tpu.memory_space<vmem>>, vector<1x1x16xf32>,
      %get3A_1828 = arith.constant 0 : i32
      %get3A_1829 = arith.constant 0 : i32
      %get3A_1830 = arith.index_cast %get3A_1828 : i32 to index
      %get3A_1831 = arith.index_cast %get3A_1829 : i32 to index
      %get3A_1832 = arith.constant 816 : index
      %get3A_1833 = tpu.vector_load %arg8[%get3A_1830, %get3A_1831, %get3A_1832] {strides = array<i32>} : memref<2x32x1024xf32, #tpu.memory_space<vmem>>, vector<1x1x16xf32>,
      %get3A_1834 = vector.shape_cast %get3A_1833 : vector<1x1x16xf32> to vector<16xf32>
      %swap3A_1835 = arith.constant 0 : i32
      %swap3A_1836 = arith.index_cast %swap3A_1835 : i32 to index
      %swap3A_1837 = arith.constant 816 : index
      %swap3A_1838 = tpu.vector_load %arg9[%swap3A_1836, %swap3A_1837] {strides = array<i32>} : memref<32x1024xf32, #tpu.memory_space<vmem>>, vector<1x16xf32>,
      %swap3A_1839 = vector.shape_cast %swap3A_1838 : vector<1x16xf32> to vector<16xf32>
      %swap3A_1840 = vector.shape_cast %get3A_1834 : vector<16xf32> to vector<1x16xf32>
      tpu.vector_store %arg9[%swap3A_1836, %swap3A_1837], %swap3A_1840 {strides = array<i32>} : memref<32x1024xf32, #tpu.memory_space<vmem>>, vector<1x16xf32>,
      %get3A_1841 = arith.constant 15 : i32
      %get3A_1842 = arith.index_cast %get3A_1841 : i32 to index
      %get3A_1843 = arith.constant 816 : index
      %get3A_1844 = tpu.vector_load %arg10[%get3A_1842, %get3A_1843] {strides = array<i32>} : memref<16x1024xf32, #tpu.memory_space<vmem>>, vector<1x16xf32>,
      %get3A_1845 = vector.shape_cast %get3A_1844 : vector<1x16xf32> to vector<16xf32>
      %swap3A_1846 = arith.constant 0 : i32
      %swap3A_1847 = arith.constant 0 : i32
      %swap3A_1848 = arith.index_cast %swap3A_1846 : i32 to index
      %swap3A_1849 = arith.index_cast %swap3A_1847 : i32 to index
      %swap3A_1850 = arith.constant 816 : index
      %swap3A_1851 = tpu.vector_load %arg8[%swap3A_1848, %swap3A_1849, %swap3A_1850] {strides = array<i32>} : memref<2x32x1024xf32, #tpu.memory_space<vmem>>, vector<1x1x16xf32>,
      %swap3A_1852 = vector.shape_cast %swap3A_1851 : vector<1x1x16xf32> to vector<16xf32>
      %swap3A_1853 = vector.shape_cast %get3A_1845 : vector<16xf32> to vector<1x1x16xf32>
      tpu.vector_store %arg8[%swap3A_1848, %swap3A_1849, %swap3A_1850], %swap3A_1853 {strides = array<i32>} : memref<2x32x1024xf32, #tpu.memory_space<vmem>>, vector<1x1x16xf32>,
      %get3A_1854 = arith.constant 0 : i32
      %get3A_1855 = arith.constant 0 : i32
      %get3A_1856 = arith.index_cast %get3A_1854 : i32 to index
      %get3A_1857 = arith.index_cast %get3A_1855 : i32 to index
      %get3A_1858 = arith.constant 832 : index
      %get3A_1859 = tpu.vector_load %arg8[%get3A_1856, %get3A_1857, %get3A_1858] {strides = array<i32>} : memref<2x32x1024xf32, #tpu.memory_space<vmem>>, vector<1x1x16xf32>,
      %get3A_1860 = vector.shape_cast %get3A_1859 : vector<1x1x16xf32> to vector<16xf32>
      %swap3A_1861 = arith.constant 0 : i32
      %swap3A_1862 = arith.index_cast %swap3A_1861 : i32 to index
      %swap3A_1863 = arith.constant 832 : index
      %swap3A_1864 = tpu.vector_load %arg9[%swap3A_1862, %swap3A_1863] {strides = array<i32>} : memref<32x1024xf32, #tpu.memory_space<vmem>>, vector<1x16xf32>,
      %swap3A_1865 = vector.shape_cast %swap3A_1864 : vector<1x16xf32> to vector<16xf32>
      %swap3A_1866 = vector.shape_cast %get3A_1860 : vector<16xf32> to vector<1x16xf32>
      tpu.vector_store %arg9[%swap3A_1862, %swap3A_1863], %swap3A_1866 {strides = array<i32>} : memref<32x1024xf32, #tpu.memory_space<vmem>>, vector<1x16xf32>,
      %get3A_1867 = arith.constant 15 : i32
      %get3A_1868 = arith.index_cast %get3A_1867 : i32 to index
      %get3A_1869 = arith.constant 832 : index
      %get3A_1870 = tpu.vector_load %arg10[%get3A_1868, %get3A_1869] {strides = array<i32>} : memref<16x1024xf32, #tpu.memory_space<vmem>>, vector<1x16xf32>,
      %get3A_1871 = vector.shape_cast %get3A_1870 : vector<1x16xf32> to vector<16xf32>
      %swap3A_1872 = arith.constant 0 : i32
      %swap3A_1873 = arith.constant 0 : i32
      %swap3A_1874 = arith.index_cast %swap3A_1872 : i32 to index
      %swap3A_1875 = arith.index_cast %swap3A_1873 : i32 to index
      %swap3A_1876 = arith.constant 832 : index
      %swap3A_1877 = tpu.vector_load %arg8[%swap3A_1874, %swap3A_1875, %swap3A_1876] {strides = array<i32>} : memref<2x32x1024xf32, #tpu.memory_space<vmem>>, vector<1x1x16xf32>,
      %swap3A_1878 = vector.shape_cast %swap3A_1877 : vector<1x1x16xf32> to vector<16xf32>
      %swap3A_1879 = vector.shape_cast %get3A_1871 : vector<16xf32> to vector<1x1x16xf32>
      tpu.vector_store %arg8[%swap3A_1874, %swap3A_1875, %swap3A_1876], %swap3A_1879 {strides = array<i32>} : memref<2x32x1024xf32, #tpu.memory_space<vmem>>, vector<1x1x16xf32>,
      %get3A_1880 = arith.constant 0 : i32
      %get3A_1881 = arith.constant 0 : i32
      %get3A_1882 = arith.index_cast %get3A_1880 : i32 to index
      %get3A_1883 = arith.index_cast %get3A_1881 : i32 to index
      %get3A_1884 = arith.constant 848 : index
      %get3A_1885 = tpu.vector_load %arg8[%get3A_1882, %get3A_1883, %get3A_1884] {strides = array<i32>} : memref<2x32x1024xf32, #tpu.memory_space<vmem>>, vector<1x1x16xf32>,
      %get3A_1886 = vector.shape_cast %get3A_1885 : vector<1x1x16xf32> to vector<16xf32>
      %swap3A_1887 = arith.constant 0 : i32
      %swap3A_1888 = arith.index_cast %swap3A_1887 : i32 to index
      %swap3A_1889 = arith.constant 848 : index
      %swap3A_1890 = tpu.vector_load %arg9[%swap3A_1888, %swap3A_1889] {strides = array<i32>} : memref<32x1024xf32, #tpu.memory_space<vmem>>, vector<1x16xf32>,
      %swap3A_1891 = vector.shape_cast %swap3A_1890 : vector<1x16xf32> to vector<16xf32>
      %swap3A_1892 = vector.shape_cast %get3A_1886 : vector<16xf32> to vector<1x16xf32>
      tpu.vector_store %arg9[%swap3A_1888, %swap3A_1889], %swap3A_1892 {strides = array<i32>} : memref<32x1024xf32, #tpu.memory_space<vmem>>, vector<1x16xf32>,
      %get3A_1893 = arith.constant 15 : i32
      %get3A_1894 = arith.index_cast %get3A_1893 : i32 to index
      %get3A_1895 = arith.constant 848 : index
      %get3A_1896 = tpu.vector_load %arg10[%get3A_1894, %get3A_1895] {strides = array<i32>} : memref<16x1024xf32, #tpu.memory_space<vmem>>, vector<1x16xf32>,
      %get3A_1897 = vector.shape_cast %get3A_1896 : vector<1x16xf32> to vector<16xf32>
      %swap3A_1898 = arith.constant 0 : i32
      %swap3A_1899 = arith.constant 0 : i32
      %swap3A_1900 = arith.index_cast %swap3A_1898 : i32 to index
      %swap3A_1901 = arith.index_cast %swap3A_1899 : i32 to index
      %swap3A_1902 = arith.constant 848 : index
      %swap3A_1903 = tpu.vector_load %arg8[%swap3A_1900, %swap3A_1901, %swap3A_1902] {strides = array<i32>} : memref<2x32x1024xf32, #tpu.memory_space<vmem>>, vector<1x1x16xf32>,
      %swap3A_1904 = vector.shape_cast %swap3A_1903 : vector<1x1x16xf32> to vector<16xf32>
      %swap3A_1905 = vector.shape_cast %get3A_1897 : vector<16xf32> to vector<1x1x16xf32>
      tpu.vector_store %arg8[%swap3A_1900, %swap3A_1901, %swap3A_1902], %swap3A_1905 {strides = array<i32>} : memref<2x32x1024xf32, #tpu.memory_space<vmem>>, vector<1x1x16xf32>,
      %get3A_1906 = arith.constant 0 : i32
      %get3A_1907 = arith.constant 0 : i32
      %get3A_1908 = arith.index_cast %get3A_1906 : i32 to index
      %get3A_1909 = arith.index_cast %get3A_1907 : i32 to index
      %get3A_1910 = arith.constant 864 : index
      %get3A_1911 = tpu.vector_load %arg8[%get3A_1908, %get3A_1909, %get3A_1910] {strides = array<i32>} : memref<2x32x1024xf32, #tpu.memory_space<vmem>>, vector<1x1x16xf32>,
      %get3A_1912 = vector.shape_cast %get3A_1911 : vector<1x1x16xf32> to vector<16xf32>
      %swap3A_1913 = arith.constant 0 : i32
      %swap3A_1914 = arith.index_cast %swap3A_1913 : i32 to index
      %swap3A_1915 = arith.constant 864 : index
      %swap3A_1916 = tpu.vector_load %arg9[%swap3A_1914, %swap3A_1915] {strides = array<i32>} : memref<32x1024xf32, #tpu.memory_space<vmem>>, vector<1x16xf32>,
      %swap3A_1917 = vector.shape_cast %swap3A_1916 : vector<1x16xf32> to vector<16xf32>
      %swap3A_1918 = vector.shape_cast %get3A_1912 : vector<16xf32> to vector<1x16xf32>
      tpu.vector_store %arg9[%swap3A_1914, %swap3A_1915], %swap3A_1918 {strides = array<i32>} : memref<32x1024xf32, #tpu.memory_space<vmem>>, vector<1x16xf32>,
      %get3A_1919 = arith.constant 15 : i32
      %get3A_1920 = arith.index_cast %get3A_1919 : i32 to index
      %get3A_1921 = arith.constant 864 : index
      %get3A_1922 = tpu.vector_load %arg10[%get3A_1920, %get3A_1921] {strides = array<i32>} : memref<16x1024xf32, #tpu.memory_space<vmem>>, vector<1x16xf32>,
      %get3A_1923 = vector.shape_cast %get3A_1922 : vector<1x16xf32> to vector<16xf32>
      %swap3A_1924 = arith.constant 0 : i32
      %swap3A_1925 = arith.constant 0 : i32
      %swap3A_1926 = arith.index_cast %swap3A_1924 : i32 to index
      %swap3A_1927 = arith.index_cast %swap3A_1925 : i32 to index
      %swap3A_1928 = arith.constant 864 : index
      %swap3A_1929 = tpu.vector_load %arg8[%swap3A_1926, %swap3A_1927, %swap3A_1928] {strides = array<i32>} : memref<2x32x1024xf32, #tpu.memory_space<vmem>>, vector<1x1x16xf32>,
      %swap3A_1930 = vector.shape_cast %swap3A_1929 : vector<1x1x16xf32> to vector<16xf32>
      %swap3A_1931 = vector.shape_cast %get3A_1923 : vector<16xf32> to vector<1x1x16xf32>
      tpu.vector_store %arg8[%swap3A_1926, %swap3A_1927, %swap3A_1928], %swap3A_1931 {strides = array<i32>} : memref<2x32x1024xf32, #tpu.memory_space<vmem>>, vector<1x1x16xf32>,
      %get3A_1932 = arith.constant 0 : i32
      %get3A_1933 = arith.constant 0 : i32
      %get3A_1934 = arith.index_cast %get3A_1932 : i32 to index
      %get3A_1935 = arith.index_cast %get3A_1933 : i32 to index
      %get3A_1936 = arith.constant 880 : index
      %get3A_1937 = tpu.vector_load %arg8[%get3A_1934, %get3A_1935, %get3A_1936] {strides = array<i32>} : memref<2x32x1024xf32, #tpu.memory_space<vmem>>, vector<1x1x16xf32>,
      %get3A_1938 = vector.shape_cast %get3A_1937 : vector<1x1x16xf32> to vector<16xf32>
      %swap3A_1939 = arith.constant 0 : i32
      %swap3A_1940 = arith.index_cast %swap3A_1939 : i32 to index
      %swap3A_1941 = arith.constant 880 : index
      %swap3A_1942 = tpu.vector_load %arg9[%swap3A_1940, %swap3A_1941] {strides = array<i32>} : memref<32x1024xf32, #tpu.memory_space<vmem>>, vector<1x16xf32>,
      %swap3A_1943 = vector.shape_cast %swap3A_1942 : vector<1x16xf32> to vector<16xf32>
      %swap3A_1944 = vector.shape_cast %get3A_1938 : vector<16xf32> to vector<1x16xf32>
      tpu.vector_store %arg9[%swap3A_1940, %swap3A_1941], %swap3A_1944 {strides = array<i32>} : memref<32x1024xf32, #tpu.memory_space<vmem>>, vector<1x16xf32>,
      %get3A_1945 = arith.constant 15 : i32
      %get3A_1946 = arith.index_cast %get3A_1945 : i32 to index
      %get3A_1947 = arith.constant 880 : index
      %get3A_1948 = tpu.vector_load %arg10[%get3A_1946, %get3A_1947] {strides = array<i32>} : memref<16x1024xf32, #tpu.memory_space<vmem>>, vector<1x16xf32>,
      %get3A_1949 = vector.shape_cast %get3A_1948 : vector<1x16xf32> to vector<16xf32>
      %swap3A_1950 = arith.constant 0 : i32
      %swap3A_1951 = arith.constant 0 : i32
      %swap3A_1952 = arith.index_cast %swap3A_1950 : i32 to index
      %swap3A_1953 = arith.index_cast %swap3A_1951 : i32 to index
      %swap3A_1954 = arith.constant 880 : index
      %swap3A_1955 = tpu.vector_load %arg8[%swap3A_1952, %swap3A_1953, %swap3A_1954] {strides = array<i32>} : memref<2x32x1024xf32, #tpu.memory_space<vmem>>, vector<1x1x16xf32>,
      %swap3A_1956 = vector.shape_cast %swap3A_1955 : vector<1x1x16xf32> to vector<16xf32>
      %swap3A_1957 = vector.shape_cast %get3A_1949 : vector<16xf32> to vector<1x1x16xf32>
      tpu.vector_store %arg8[%swap3A_1952, %swap3A_1953, %swap3A_1954], %swap3A_1957 {strides = array<i32>} : memref<2x32x1024xf32, #tpu.memory_space<vmem>>, vector<1x1x16xf32>,
      %get3A_1958 = arith.constant 0 : i32
      %get3A_1959 = arith.constant 0 : i32
      %get3A_1960 = arith.index_cast %get3A_1958 : i32 to index
      %get3A_1961 = arith.index_cast %get3A_1959 : i32 to index
      %get3A_1962 = arith.constant 896 : index
      %get3A_1963 = tpu.vector_load %arg8[%get3A_1960, %get3A_1961, %get3A_1962] {strides = array<i32>} : memref<2x32x1024xf32, #tpu.memory_space<vmem>>, vector<1x1x16xf32>,
      %get3A_1964 = vector.shape_cast %get3A_1963 : vector<1x1x16xf32> to vector<16xf32>
      %swap3A_1965 = arith.constant 0 : i32
      %swap3A_1966 = arith.index_cast %swap3A_1965 : i32 to index
      %swap3A_1967 = arith.constant 896 : index
      %swap3A_1968 = tpu.vector_load %arg9[%swap3A_1966, %swap3A_1967] {strides = array<i32>} : memref<32x1024xf32, #tpu.memory_space<vmem>>, vector<1x16xf32>,
      %swap3A_1969 = vector.shape_cast %swap3A_1968 : vector<1x16xf32> to vector<16xf32>
      %swap3A_1970 = vector.shape_cast %get3A_1964 : vector<16xf32> to vector<1x16xf32>
      tpu.vector_store %arg9[%swap3A_1966, %swap3A_1967], %swap3A_1970 {strides = array<i32>} : memref<32x1024xf32, #tpu.memory_space<vmem>>, vector<1x16xf32>,
      %get3A_1971 = arith.constant 15 : i32
      %get3A_1972 = arith.index_cast %get3A_1971 : i32 to index
      %get3A_1973 = arith.constant 896 : index
      %get3A_1974 = tpu.vector_load %arg10[%get3A_1972, %get3A_1973] {strides = array<i32>} : memref<16x1024xf32, #tpu.memory_space<vmem>>, vector<1x16xf32>,
      %get3A_1975 = vector.shape_cast %get3A_1974 : vector<1x16xf32> to vector<16xf32>
      %swap3A_1976 = arith.constant 0 : i32
      %swap3A_1977 = arith.constant 0 : i32
      %swap3A_1978 = arith.index_cast %swap3A_1976 : i32 to index
      %swap3A_1979 = arith.index_cast %swap3A_1977 : i32 to index
      %swap3A_1980 = arith.constant 896 : index
      %swap3A_1981 = tpu.vector_load %arg8[%swap3A_1978, %swap3A_1979, %swap3A_1980] {strides = array<i32>} : memref<2x32x1024xf32, #tpu.memory_space<vmem>>, vector<1x1x16xf32>,
      %swap3A_1982 = vector.shape_cast %swap3A_1981 : vector<1x1x16xf32> to vector<16xf32>
      %swap3A_1983 = vector.shape_cast %get3A_1975 : vector<16xf32> to vector<1x1x16xf32>
      tpu.vector_store %arg8[%swap3A_1978, %swap3A_1979, %swap3A_1980], %swap3A_1983 {strides = array<i32>} : memref<2x32x1024xf32, #tpu.memory_space<vmem>>, vector<1x1x16xf32>,
      %get3A_1984 = arith.constant 0 : i32
      %get3A_1985 = arith.constant 0 : i32
      %get3A_1986 = arith.index_cast %get3A_1984 : i32 to index
      %get3A_1987 = arith.index_cast %get3A_1985 : i32 to index
      %get3A_1988 = arith.constant 912 : index
      %get3A_1989 = tpu.vector_load %arg8[%get3A_1986, %get3A_1987, %get3A_1988] {strides = array<i32>} : memref<2x32x1024xf32, #tpu.memory_space<vmem>>, vector<1x1x16xf32>,
      %get3A_1990 = vector.shape_cast %get3A_1989 : vector<1x1x16xf32> to vector<16xf32>
      %swap3A_1991 = arith.constant 0 : i32
      %swap3A_1992 = arith.index_cast %swap3A_1991 : i32 to index
      %swap3A_1993 = arith.constant 912 : index
      %swap3A_1994 = tpu.vector_load %arg9[%swap3A_1992, %swap3A_1993] {strides = array<i32>} : memref<32x1024xf32, #tpu.memory_space<vmem>>, vector<1x16xf32>,
      %swap3A_1995 = vector.shape_cast %swap3A_1994 : vector<1x16xf32> to vector<16xf32>
      %swap3A_1996 = vector.shape_cast %get3A_1990 : vector<16xf32> to vector<1x16xf32>
      tpu.vector_store %arg9[%swap3A_1992, %swap3A_1993], %swap3A_1996 {strides = array<i32>} : memref<32x1024xf32, #tpu.memory_space<vmem>>, vector<1x16xf32>,
      %get3A_1997 = arith.constant 15 : i32
      %get3A_1998 = arith.index_cast %get3A_1997 : i32 to index
      %get3A_1999 = arith.constant 912 : index
      %get3A_2000 = tpu.vector_load %arg10[%get3A_1998, %get3A_1999] {strides = array<i32>} : memref<16x1024xf32, #tpu.memory_space<vmem>>, vector<1x16xf32>,
      %get3A_2001 = vector.shape_cast %get3A_2000 : vector<1x16xf32> to vector<16xf32>
      %swap3A_2002 = arith.constant 0 : i32
      %swap3A_2003 = arith.constant 0 : i32
      %swap3A_2004 = arith.index_cast %swap3A_2002 : i32 to index
      %swap3A_2005 = arith.index_cast %swap3A_2003 : i32 to index
      %swap3A_2006 = arith.constant 912 : index
      %swap3A_2007 = tpu.vector_load %arg8[%swap3A_2004, %swap3A_2005, %swap3A_2006] {strides = array<i32>} : memref<2x32x1024xf32, #tpu.memory_space<vmem>>, vector<1x1x16xf32>,
      %swap3A_2008 = vector.shape_cast %swap3A_2007 : vector<1x1x16xf32> to vector<16xf32>
      %swap3A_2009 = vector.shape_cast %get3A_2001 : vector<16xf32> to vector<1x1x16xf32>
      tpu.vector_store %arg8[%swap3A_2004, %swap3A_2005, %swap3A_2006], %swap3A_2009 {strides = array<i32>} : memref<2x32x1024xf32, #tpu.memory_space<vmem>>, vector<1x1x16xf32>,
      %get3A_2010 = arith.constant 0 : i32
      %get3A_2011 = arith.constant 0 : i32
      %get3A_2012 = arith.index_cast %get3A_2010 : i32 to index
      %get3A_2013 = arith.index_cast %get3A_2011 : i32 to index
      %get3A_2014 = arith.constant 928 : index
      %get3A_2015 = tpu.vector_load %arg8[%get3A_2012, %get3A_2013, %get3A_2014] {strides = array<i32>} : memref<2x32x1024xf32, #tpu.memory_space<vmem>>, vector<1x1x16xf32>,
      %get3A_2016 = vector.shape_cast %get3A_2015 : vector<1x1x16xf32> to vector<16xf32>
      %swap3A_2017 = arith.constant 0 : i32
      %swap3A_2018 = arith.index_cast %swap3A_2017 : i32 to index
      %swap3A_2019 = arith.constant 928 : index
      %swap3A_2020 = tpu.vector_load %arg9[%swap3A_2018, %swap3A_2019] {strides = array<i32>} : memref<32x1024xf32, #tpu.memory_space<vmem>>, vector<1x16xf32>,
      %swap3A_2021 = vector.shape_cast %swap3A_2020 : vector<1x16xf32> to vector<16xf32>
      %swap3A_2022 = vector.shape_cast %get3A_2016 : vector<16xf32> to vector<1x16xf32>
      tpu.vector_store %arg9[%swap3A_2018, %swap3A_2019], %swap3A_2022 {strides = array<i32>} : memref<32x1024xf32, #tpu.memory_space<vmem>>, vector<1x16xf32>,
      %get3A_2023 = arith.constant 15 : i32
      %get3A_2024 = arith.index_cast %get3A_2023 : i32 to index
      %get3A_2025 = arith.constant 928 : index
      %get3A_2026 = tpu.vector_load %arg10[%get3A_2024, %get3A_2025] {strides = array<i32>} : memref<16x1024xf32, #tpu.memory_space<vmem>>, vector<1x16xf32>,
      %get3A_2027 = vector.shape_cast %get3A_2026 : vector<1x16xf32> to vector<16xf32>
      %swap3A_2028 = arith.constant 0 : i32
      %swap3A_2029 = arith.constant 0 : i32
      %swap3A_2030 = arith.index_cast %swap3A_2028 : i32 to index
      %swap3A_2031 = arith.index_cast %swap3A_2029 : i32 to index
      %swap3A_2032 = arith.constant 928 : index
      %swap3A_2033 = tpu.vector_load %arg8[%swap3A_2030, %swap3A_2031, %swap3A_2032] {strides = array<i32>} : memref<2x32x1024xf32, #tpu.memory_space<vmem>>, vector<1x1x16xf32>,
      %swap3A_2034 = vector.shape_cast %swap3A_2033 : vector<1x1x16xf32> to vector<16xf32>
      %swap3A_2035 = vector.shape_cast %get3A_2027 : vector<16xf32> to vector<1x1x16xf32>
      tpu.vector_store %arg8[%swap3A_2030, %swap3A_2031, %swap3A_2032], %swap3A_2035 {strides = array<i32>} : memref<2x32x1024xf32, #tpu.memory_space<vmem>>, vector<1x1x16xf32>,
      %get3A_2036 = arith.constant 0 : i32
      %get3A_2037 = arith.constant 0 : i32
      %get3A_2038 = arith.index_cast %get3A_2036 : i32 to index
      %get3A_2039 = arith.index_cast %get3A_2037 : i32 to index
      %get3A_2040 = arith.constant 944 : index
      %get3A_2041 = tpu.vector_load %arg8[%get3A_2038, %get3A_2039, %get3A_2040] {strides = array<i32>} : memref<2x32x1024xf32, #tpu.memory_space<vmem>>, vector<1x1x16xf32>,
      %get3A_2042 = vector.shape_cast %get3A_2041 : vector<1x1x16xf32> to vector<16xf32>
      %swap3A_2043 = arith.constant 0 : i32
      %swap3A_2044 = arith.index_cast %swap3A_2043 : i32 to index
      %swap3A_2045 = arith.constant 944 : index
      %swap3A_2046 = tpu.vector_load %arg9[%swap3A_2044, %swap3A_2045] {strides = array<i32>} : memref<32x1024xf32, #tpu.memory_space<vmem>>, vector<1x16xf32>,
      %swap3A_2047 = vector.shape_cast %swap3A_2046 : vector<1x16xf32> to vector<16xf32>
      %swap3A_2048 = vector.shape_cast %get3A_2042 : vector<16xf32> to vector<1x16xf32>
      tpu.vector_store %arg9[%swap3A_2044, %swap3A_2045], %swap3A_2048 {strides = array<i32>} : memref<32x1024xf32, #tpu.memory_space<vmem>>, vector<1x16xf32>,
      %get3A_2049 = arith.constant 15 : i32
      %get3A_2050 = arith.index_cast %get3A_2049 : i32 to index
      %get3A_2051 = arith.constant 944 : index
      %get3A_2052 = tpu.vector_load %arg10[%get3A_2050, %get3A_2051] {strides = array<i32>} : memref<16x1024xf32, #tpu.memory_space<vmem>>, vector<1x16xf32>,
      %get3A_2053 = vector.shape_cast %get3A_2052 : vector<1x16xf32> to vector<16xf32>
      %swap3A_2054 = arith.constant 0 : i32
      %swap3A_2055 = arith.constant 0 : i32
      %swap3A_2056 = arith.index_cast %swap3A_2054 : i32 to index
      %swap3A_2057 = arith.index_cast %swap3A_2055 : i32 to index
      %swap3A_2058 = arith.constant 944 : index
      %swap3A_2059 = tpu.vector_load %arg8[%swap3A_2056, %swap3A_2057, %swap3A_2058] {strides = array<i32>} : memref<2x32x1024xf32, #tpu.memory_space<vmem>>, vector<1x1x16xf32>,
      %swap3A_2060 = vector.shape_cast %swap3A_2059 : vector<1x1x16xf32> to vector<16xf32>
      %swap3A_2061 = vector.shape_cast %get3A_2053 : vector<16xf32> to vector<1x1x16xf32>
      tpu.vector_store %arg8[%swap3A_2056, %swap3A_2057, %swap3A_2058], %swap3A_2061 {strides = array<i32>} : memref<2x32x1024xf32, #tpu.memory_space<vmem>>, vector<1x1x16xf32>,
      %get3A_2062 = arith.constant 0 : i32
      %get3A_2063 = arith.constant 0 : i32
      %get3A_2064 = arith.index_cast %get3A_2062 : i32 to index
      %get3A_2065 = arith.index_cast %get3A_2063 : i32 to index
      %get3A_2066 = arith.constant 960 : index
      %get3A_2067 = tpu.vector_load %arg8[%get3A_2064, %get3A_2065, %get3A_2066] {strides = array<i32>} : memref<2x32x1024xf32, #tpu.memory_space<vmem>>, vector<1x1x16xf32>,
      %get3A_2068 = vector.shape_cast %get3A_2067 : vector<1x1x16xf32> to vector<16xf32>
      %swap3A_2069 = arith.constant 0 : i32
      %swap3A_2070 = arith.index_cast %swap3A_2069 : i32 to index
      %swap3A_2071 = arith.constant 960 : index
      %swap3A_2072 = tpu.vector_load %arg9[%swap3A_2070, %swap3A_2071] {strides = array<i32>} : memref<32x1024xf32, #tpu.memory_space<vmem>>, vector<1x16xf32>,
      %swap3A_2073 = vector.shape_cast %swap3A_2072 : vector<1x16xf32> to vector<16xf32>
      %swap3A_2074 = vector.shape_cast %get3A_2068 : vector<16xf32> to vector<1x16xf32>
      tpu.vector_store %arg9[%swap3A_2070, %swap3A_2071], %swap3A_2074 {strides = array<i32>} : memref<32x1024xf32, #tpu.memory_space<vmem>>, vector<1x16xf32>,
      %get3A_2075 = arith.constant 15 : i32
      %get3A_2076 = arith.index_cast %get3A_2075 : i32 to index
      %get3A_2077 = arith.constant 960 : index
      %get3A_2078 = tpu.vector_load %arg10[%get3A_2076, %get3A_2077] {strides = array<i32>} : memref<16x1024xf32, #tpu.memory_space<vmem>>, vector<1x16xf32>,
      %get3A_2079 = vector.shape_cast %get3A_2078 : vector<1x16xf32> to vector<16xf32>
      %swap3A_2080 = arith.constant 0 : i32
      %swap3A_2081 = arith.constant 0 : i32
      %swap3A_2082 = arith.index_cast %swap3A_2080 : i32 to index
      %swap3A_2083 = arith.index_cast %swap3A_2081 : i32 to index
      %swap3A_2084 = arith.constant 960 : index
      %swap3A_2085 = tpu.vector_load %arg8[%swap3A_2082, %swap3A_2083, %swap3A_2084] {strides = array<i32>} : memref<2x32x1024xf32, #tpu.memory_space<vmem>>, vector<1x1x16xf32>,
      %swap3A_2086 = vector.shape_cast %swap3A_2085 : vector<1x1x16xf32> to vector<16xf32>
      %swap3A_2087 = vector.shape_cast %get3A_2079 : vector<16xf32> to vector<1x1x16xf32>
      tpu.vector_store %arg8[%swap3A_2082, %swap3A_2083, %swap3A_2084], %swap3A_2087 {strides = array<i32>} : memref<2x32x1024xf32, #tpu.memory_space<vmem>>, vector<1x1x16xf32>,
      %get3A_2088 = arith.constant 0 : i32
      %get3A_2089 = arith.constant 0 : i32
      %get3A_2090 = arith.index_cast %get3A_2088 : i32 to index
      %get3A_2091 = arith.index_cast %get3A_2089 : i32 to index
      %get3A_2092 = arith.constant 976 : index
      %get3A_2093 = tpu.vector_load %arg8[%get3A_2090, %get3A_2091, %get3A_2092] {strides = array<i32>} : memref<2x32x1024xf32, #tpu.memory_space<vmem>>, vector<1x1x16xf32>,
      %get3A_2094 = vector.shape_cast %get3A_2093 : vector<1x1x16xf32> to vector<16xf32>
      %swap3A_2095 = arith.constant 0 : i32
      %swap3A_2096 = arith.index_cast %swap3A_2095 : i32 to index
      %swap3A_2097 = arith.constant 976 : index
      %swap3A_2098 = tpu.vector_load %arg9[%swap3A_2096, %swap3A_2097] {strides = array<i32>} : memref<32x1024xf32, #tpu.memory_space<vmem>>, vector<1x16xf32>,
      %swap3A_2099 = vector.shape_cast %swap3A_2098 : vector<1x16xf32> to vector<16xf32>
      %swap3A_2100 = vector.shape_cast %get3A_2094 : vector<16xf32> to vector<1x16xf32>
      tpu.vector_store %arg9[%swap3A_2096, %swap3A_2097], %swap3A_2100 {strides = array<i32>} : memref<32x1024xf32, #tpu.memory_space<vmem>>, vector<1x16xf32>,
      %get3A_2101 = arith.constant 15 : i32
      %get3A_2102 = arith.index_cast %get3A_2101 : i32 to index
      %get3A_2103 = arith.constant 976 : index
      %get3A_2104 = tpu.vector_load %arg10[%get3A_2102, %get3A_2103] {strides = array<i32>} : memref<16x1024xf32, #tpu.memory_space<vmem>>, vector<1x16xf32>,
      %get3A_2105 = vector.shape_cast %get3A_2104 : vector<1x16xf32> to vector<16xf32>
      %swap3A_2106 = arith.constant 0 : i32
      %swap3A_2107 = arith.constant 0 : i32
      %swap3A_2108 = arith.index_cast %swap3A_2106 : i32 to index
      %swap3A_2109 = arith.index_cast %swap3A_2107 : i32 to index
      %swap3A_2110 = arith.constant 976 : index
      %swap3A_2111 = tpu.vector_load %arg8[%swap3A_2108, %swap3A_2109, %swap3A_2110] {strides = array<i32>} : memref<2x32x1024xf32, #tpu.memory_space<vmem>>, vector<1x1x16xf32>,
      %swap3A_2112 = vector.shape_cast %swap3A_2111 : vector<1x1x16xf32> to vector<16xf32>
      %swap3A_2113 = vector.shape_cast %get3A_2105 : vector<16xf32> to vector<1x1x16xf32>
      tpu.vector_store %arg8[%swap3A_2108, %swap3A_2109, %swap3A_2110], %swap3A_2113 {strides = array<i32>} : memref<2x32x1024xf32, #tpu.memory_space<vmem>>, vector<1x1x16xf32>,
      %get3A_2114 = arith.constant 0 : i32
      %get3A_2115 = arith.constant 0 : i32
      %get3A_2116 = arith.index_cast %get3A_2114 : i32 to index
      %get3A_2117 = arith.index_cast %get3A_2115 : i32 to index
      %get3A_2118 = arith.constant 992 : index
      %get3A_2119 = tpu.vector_load %arg8[%get3A_2116, %get3A_2117, %get3A_2118] {strides = array<i32>} : memref<2x32x1024xf32, #tpu.memory_space<vmem>>, vector<1x1x16xf32>,
      %get3A_2120 = vector.shape_cast %get3A_2119 : vector<1x1x16xf32> to vector<16xf32>
      %swap3A_2121 = arith.constant 0 : i32
      %swap3A_2122 = arith.index_cast %swap3A_2121 : i32 to index
      %swap3A_2123 = arith.constant 992 : index
      %swap3A_2124 = tpu.vector_load %arg9[%swap3A_2122, %swap3A_2123] {strides = array<i32>} : memref<32x1024xf32, #tpu.memory_space<vmem>>, vector<1x16xf32>,
      %swap3A_2125 = vector.shape_cast %swap3A_2124 : vector<1x16xf32> to vector<16xf32>
      %swap3A_2126 = vector.shape_cast %get3A_2120 : vector<16xf32> to vector<1x16xf32>
      tpu.vector_store %arg9[%swap3A_2122, %swap3A_2123], %swap3A_2126 {strides = array<i32>} : memref<32x1024xf32, #tpu.memory_space<vmem>>, vector<1x16xf32>,
      %get3A_2127 = arith.constant 15 : i32
      %get3A_2128 = arith.index_cast %get3A_2127 : i32 to index
      %get3A_2129 = arith.constant 992 : index
      %get3A_2130 = tpu.vector_load %arg10[%get3A_2128, %get3A_2129] {strides = array<i32>} : memref<16x1024xf32, #tpu.memory_space<vmem>>, vector<1x16xf32>,
      %get3A_2131 = vector.shape_cast %get3A_2130 : vector<1x16xf32> to vector<16xf32>
      %swap3A_2132 = arith.constant 0 : i32
      %swap3A_2133 = arith.constant 0 : i32
      %swap3A_2134 = arith.index_cast %swap3A_2132 : i32 to index
      %swap3A_2135 = arith.index_cast %swap3A_2133 : i32 to index
      %swap3A_2136 = arith.constant 992 : index
      %swap3A_2137 = tpu.vector_load %arg8[%swap3A_2134, %swap3A_2135, %swap3A_2136] {strides = array<i32>} : memref<2x32x1024xf32, #tpu.memory_space<vmem>>, vector<1x1x16xf32>,
      %swap3A_2138 = vector.shape_cast %swap3A_2137 : vector<1x1x16xf32> to vector<16xf32>
      %swap3A_2139 = vector.shape_cast %get3A_2131 : vector<16xf32> to vector<1x1x16xf32>
      tpu.vector_store %arg8[%swap3A_2134, %swap3A_2135, %swap3A_2136], %swap3A_2139 {strides = array<i32>} : memref<2x32x1024xf32, #tpu.memory_space<vmem>>, vector<1x1x16xf32>,
      %get3A_2140 = arith.constant 0 : i32
      %get3A_2141 = arith.constant 0 : i32
      %get3A_2142 = arith.index_cast %get3A_2140 : i32 to index
      %get3A_2143 = arith.index_cast %get3A_2141 : i32 to index
      %get3A_2144 = arith.constant 1008 : index
      %get3A_2145 = tpu.vector_load %arg8[%get3A_2142, %get3A_2143, %get3A_2144] {strides = array<i32>} : memref<2x32x1024xf32, #tpu.memory_space<vmem>>, vector<1x1x16xf32>,
      %get3A_2146 = vector.shape_cast %get3A_2145 : vector<1x1x16xf32> to vector<16xf32>
      %swap3A_2147 = arith.constant 0 : i32
      %swap3A_2148 = arith.index_cast %swap3A_2147 : i32 to index
      %swap3A_2149 = arith.constant 1008 : index
      %swap3A_2150 = tpu.vector_load %arg9[%swap3A_2148, %swap3A_2149] {strides = array<i32>} : memref<32x1024xf32, #tpu.memory_space<vmem>>, vector<1x16xf32>,
      %swap3A_2151 = vector.shape_cast %swap3A_2150 : vector<1x16xf32> to vector<16xf32>
      %swap3A_2152 = vector.shape_cast %get3A_2146 : vector<16xf32> to vector<1x16xf32>
      tpu.vector_store %arg9[%swap3A_2148, %swap3A_2149], %swap3A_2152 {strides = array<i32>} : memref<32x1024xf32, #tpu.memory_space<vmem>>, vector<1x16xf32>,
      %get3A_2153 = arith.constant 15 : i32
      %get3A_2154 = arith.index_cast %get3A_2153 : i32 to index
      %get3A_2155 = arith.constant 1008 : index
      %get3A_2156 = tpu.vector_load %arg10[%get3A_2154, %get3A_2155] {strides = array<i32>} : memref<16x1024xf32, #tpu.memory_space<vmem>>, vector<1x16xf32>,
      %get3A_2157 = vector.shape_cast %get3A_2156 : vector<1x16xf32> to vector<16xf32>
      %swap3A_2158 = arith.constant 0 : i32
      %swap3A_2159 = arith.constant 0 : i32
      %swap3A_2160 = arith.index_cast %swap3A_2158 : i32 to index
      %swap3A_2161 = arith.index_cast %swap3A_2159 : i32 to index
      %swap3A_2162 = arith.constant 1008 : index
      %swap3A_2163 = tpu.vector_load %arg8[%swap3A_2160, %swap3A_2161, %swap3A_2162] {strides = array<i32>} : memref<2x32x1024xf32, #tpu.memory_space<vmem>>, vector<1x1x16xf32>,
      %swap3A_2164 = vector.shape_cast %swap3A_2163 : vector<1x1x16xf32> to vector<16xf32>
      %swap3A_2165 = vector.shape_cast %get3A_2157 : vector<16xf32> to vector<1x1x16xf32>
      tpu.vector_store %arg8[%swap3A_2160, %swap3A_2161, %swap3A_2162], %swap3A_2165 {strides = array<i32>} : memref<2x32x1024xf32, #tpu.memory_space<vmem>>, vector<1x1x16xf32>,
      %dma_start3A_2166 = arith.constant 0 : i32
      %dma_start3A_2167 = arith.constant 0 : i32
      %dma_start3A_2168 = arith.constant 0 : i32
      %dma_start3A_2169 = tpu.memref_slice %arg8[%dma_start3A_2166, %dma_start3A_2167, %dma_start3A_2168] : memref<2x32x1024xf32, #tpu.memory_space<vmem>> -> memref<1x32x1024xf32, #tpu.memory_space<vmem>>
      %dma_start3A_2170 = tpu.memref_squeeze %dma_start3A_2169 : memref<1x32x1024xf32, #tpu.memory_space<vmem>> -> memref<32x1024xf32, #tpu.memory_space<vmem>>
      %dma_start3A_2171 = arith.constant 16 : i32
      %dma_start3A_2172 = arith.constant 0 : i32
      %dma_start3A_2173 = tpu.memref_slice %arg6[%dma_start3A_2171, %dma_start3A_2172] : memref<8208x1024xf32, #tpu.memory_space<hbm>> -> memref<32x1024xf32, #tpu.memory_space<hbm>>
      %dma_start3A_2174 = arith.constant 16 : i32
      %dma_start3A_2175 = arith.constant 0 : i32
      %dma_start3A_2176 = tpu.memref_slice %arg6[%dma_start3A_2174, %dma_start3A_2175] : memref<8208x1024xf32, #tpu.memory_space<hbm>> -> memref<32x1024xf32, #tpu.memory_space<hbm>>
      %dma_start3A_2177 = arith.constant 0 : i32
      %dma_start3A_2178 = arith.constant 0 : i32
      %dma_start3A_2179 = tpu.memref_slice %arg8[%dma_start3A_2166, %dma_start3A_2177, %dma_start3A_2178] : memref<2x32x1024xf32, #tpu.memory_space<vmem>> -> memref<1x32x1024xf32, #tpu.memory_space<vmem>>
      %dma_start3A_2180 = tpu.memref_squeeze %dma_start3A_2179 : memref<1x32x1024xf32, #tpu.memory_space<vmem>> -> memref<32x1024xf32, #tpu.memory_space<vmem>>
      tpu.enqueue_dma source(%dma_start3A_2180 : memref<32x1024xf32, #tpu.memory_space<vmem>>) target(%dma_start3A_2176 : memref<32x1024xf32, #tpu.memory_space<hbm>>) target_semaphore(%arg14 : memref<!tpu.dma_semaphore, #tpu.memory_space<semaphore_mem>>)
      %scan3A = arith.constant 0 : i32
      %scan3A_2181 = arith.constant 0 : i32
      %scan3A_2182 = arith.constant 15 : i32
      %scan3A_2183 = arith.addi %scan3A_2181, %scan3A_2182 : i32
      %scan3A_2184 = arith.constant 1 : i32
      scf.for %scan3A_2890 = %scan3A_2181 to %scan3A_2183 step %scan3A_2184  : i32 {
        %sub3A = arith.constant 14 : i32
        %sub3A_2891 = arith.subi %sub3A, %scan3A_2890 : i32
        %get3A_2892 = arith.index_cast %sub3A_2891 : i32 to index
        %get3A_2893 = arith.constant 0 : index
        %get3A_2894 = tpu.vector_load %arg10[%get3A_2892, %get3A_2893] {strides = array<i32>} : memref<16x1024xf32, #tpu.memory_space<vmem>>, vector<1x16xf32>,
        %get3A_2895 = vector.shape_cast %get3A_2894 : vector<1x16xf32> to vector<16xf32>
        %add3A_2896 = arith.constant 1 : i32
        %add3A_2897 = arith.addi %sub3A_2891, %add3A_2896 : i32
        %swap3A_2898 = arith.index_cast %add3A_2897 : i32 to index
        %swap3A_2899 = arith.constant 0 : index
        %swap3A_2900 = tpu.vector_load %arg10[%swap3A_2898, %swap3A_2899] {strides = array<i32>} : memref<16x1024xf32, #tpu.memory_space<vmem>>, vector<1x16xf32>,
        %swap3A_2901 = vector.shape_cast %swap3A_2900 : vector<1x16xf32> to vector<16xf32>
        %swap3A_2902 = vector.shape_cast %get3A_2895 : vector<16xf32> to vector<1x16xf32>
        tpu.vector_store %arg10[%swap3A_2898, %swap3A_2899], %swap3A_2902 {strides = array<i32>} : memref<16x1024xf32, #tpu.memory_space<vmem>>, vector<1x16xf32>,
        %get3A_2903 = arith.index_cast %sub3A_2891 : i32 to index
        %get3A_2904 = arith.constant 16 : index
        %get3A_2905 = tpu.vector_load %arg10[%get3A_2903, %get3A_2904] {strides = array<i32>} : memref<16x1024xf32, #tpu.memory_space<vmem>>, vector<1x16xf32>,
        %get3A_2906 = vector.shape_cast %get3A_2905 : vector<1x16xf32> to vector<16xf32>
        %add3A_2907 = arith.constant 1 : i32
        %add3A_2908 = arith.addi %sub3A_2891, %add3A_2907 : i32
        %swap3A_2909 = arith.index_cast %add3A_2908 : i32 to index
        %swap3A_2910 = arith.constant 16 : index
        %swap3A_2911 = tpu.vector_load %arg10[%swap3A_2909, %swap3A_2910] {strides = array<i32>} : memref<16x1024xf32, #tpu.memory_space<vmem>>, vector<1x16xf32>,
        %swap3A_2912 = vector.shape_cast %swap3A_2911 : vector<1x16xf32> to vector<16xf32>
        %swap3A_2913 = vector.shape_cast %get3A_2906 : vector<16xf32> to vector<1x16xf32>
        tpu.vector_store %arg10[%swap3A_2909, %swap3A_2910], %swap3A_2913 {strides = array<i32>} : memref<16x1024xf32, #tpu.memory_space<vmem>>, vector<1x16xf32>,
        %get3A_2914 = arith.index_cast %sub3A_2891 : i32 to index
        %get3A_2915 = arith.constant 32 : index
        %get3A_2916 = tpu.vector_load %arg10[%get3A_2914, %get3A_2915] {strides = array<i32>} : memref<16x1024xf32, #tpu.memory_space<vmem>>, vector<1x16xf32>,
        %get3A_2917 = vector.shape_cast %get3A_2916 : vector<1x16xf32> to vector<16xf32>
        %add3A_2918 = arith.constant 1 : i32
        %add3A_2919 = arith.addi %sub3A_2891, %add3A_2918 : i32
        %swap3A_2920 = arith.index_cast %add3A_2919 : i32 to index
        %swap3A_2921 = arith.constant 32 : index
        %swap3A_2922 = tpu.vector_load %arg10[%swap3A_2920, %swap3A_2921] {strides = array<i32>} : memref<16x1024xf32, #tpu.memory_space<vmem>>, vector<1x16xf32>,
        %swap3A_2923 = vector.shape_cast %swap3A_2922 : vector<1x16xf32> to vector<16xf32>
        %swap3A_2924 = vector.shape_cast %get3A_2917 : vector<16xf32> to vector<1x16xf32>
        tpu.vector_store %arg10[%swap3A_2920, %swap3A_2921], %swap3A_2924 {strides = array<i32>} : memref<16x1024xf32, #tpu.memory_space<vmem>>, vector<1x16xf32>,
        %get3A_2925 = arith.index_cast %sub3A_2891 : i32 to index
        %get3A_2926 = arith.constant 48 : index
        %get3A_2927 = tpu.vector_load %arg10[%get3A_2925, %get3A_2926] {strides = array<i32>} : memref<16x1024xf32, #tpu.memory_space<vmem>>, vector<1x16xf32>,
        %get3A_2928 = vector.shape_cast %get3A_2927 : vector<1x16xf32> to vector<16xf32>
        %add3A_2929 = arith.constant 1 : i32
        %add3A_2930 = arith.addi %sub3A_2891, %add3A_2929 : i32
        %swap3A_2931 = arith.index_cast %add3A_2930 : i32 to index
        %swap3A_2932 = arith.constant 48 : index
        %swap3A_2933 = tpu.vector_load %arg10[%swap3A_2931, %swap3A_2932] {strides = array<i32>} : memref<16x1024xf32, #tpu.memory_space<vmem>>, vector<1x16xf32>,
        %swap3A_2934 = vector.shape_cast %swap3A_2933 : vector<1x16xf32> to vector<16xf32>
        %swap3A_2935 = vector.shape_cast %get3A_2928 : vector<16xf32> to vector<1x16xf32>
        tpu.vector_store %arg10[%swap3A_2931, %swap3A_2932], %swap3A_2935 {strides = array<i32>} : memref<16x1024xf32, #tpu.memory_space<vmem>>, vector<1x16xf32>,
        %get3A_2936 = arith.index_cast %sub3A_2891 : i32 to index
        %get3A_2937 = arith.constant 64 : index
        %get3A_2938 = tpu.vector_load %arg10[%get3A_2936, %get3A_2937] {strides = array<i32>} : memref<16x1024xf32, #tpu.memory_space<vmem>>, vector<1x16xf32>,
        %get3A_2939 = vector.shape_cast %get3A_2938 : vector<1x16xf32> to vector<16xf32>
        %add3A_2940 = arith.constant 1 : i32
        %add3A_2941 = arith.addi %sub3A_2891, %add3A_2940 : i32
        %swap3A_2942 = arith.index_cast %add3A_2941 : i32 to index
        %swap3A_2943 = arith.constant 64 : index
        %swap3A_2944 = tpu.vector_load %arg10[%swap3A_2942, %swap3A_2943] {strides = array<i32>} : memref<16x1024xf32, #tpu.memory_space<vmem>>, vector<1x16xf32>,
        %swap3A_2945 = vector.shape_cast %swap3A_2944 : vector<1x16xf32> to vector<16xf32>
        %swap3A_2946 = vector.shape_cast %get3A_2939 : vector<16xf32> to vector<1x16xf32>
        tpu.vector_store %arg10[%swap3A_2942, %swap3A_2943], %swap3A_2946 {strides = array<i32>} : memref<16x1024xf32, #tpu.memory_space<vmem>>, vector<1x16xf32>,
        %get3A_2947 = arith.index_cast %sub3A_2891 : i32 to index
        %get3A_2948 = arith.constant 80 : index
        %get3A_2949 = tpu.vector_load %arg10[%get3A_2947, %get3A_2948] {strides = array<i32>} : memref<16x1024xf32, #tpu.memory_space<vmem>>, vector<1x16xf32>,
        %get3A_2950 = vector.shape_cast %get3A_2949 : vector<1x16xf32> to vector<16xf32>
        %add3A_2951 = arith.constant 1 : i32
        %add3A_2952 = arith.addi %sub3A_2891, %add3A_2951 : i32
        %swap3A_2953 = arith.index_cast %add3A_2952 : i32 to index
        %swap3A_2954 = arith.constant 80 : index
        %swap3A_2955 = tpu.vector_load %arg10[%swap3A_2953, %swap3A_2954] {strides = array<i32>} : memref<16x1024xf32, #tpu.memory_space<vmem>>, vector<1x16xf32>,
        %swap3A_2956 = vector.shape_cast %swap3A_2955 : vector<1x16xf32> to vector<16xf32>
        %swap3A_2957 = vector.shape_cast %get3A_2950 : vector<16xf32> to vector<1x16xf32>
        tpu.vector_store %arg10[%swap3A_2953, %swap3A_2954], %swap3A_2957 {strides = array<i32>} : memref<16x1024xf32, #tpu.memory_space<vmem>>, vector<1x16xf32>,
        %get3A_2958 = arith.index_cast %sub3A_2891 : i32 to index
        %get3A_2959 = arith.constant 96 : index
        %get3A_2960 = tpu.vector_load %arg10[%get3A_2958, %get3A_2959] {strides = array<i32>} : memref<16x1024xf32, #tpu.memory_space<vmem>>, vector<1x16xf32>,
        %get3A_2961 = vector.shape_cast %get3A_2960 : vector<1x16xf32> to vector<16xf32>
        %add3A_2962 = arith.constant 1 : i32
        %add3A_2963 = arith.addi %sub3A_2891, %add3A_2962 : i32
        %swap3A_2964 = arith.index_cast %add3A_2963 : i32 to index
        %swap3A_2965 = arith.constant 96 : index
        %swap3A_2966 = tpu.vector_load %arg10[%swap3A_2964, %swap3A_2965] {strides = array<i32>} : memref<16x1024xf32, #tpu.memory_space<vmem>>, vector<1x16xf32>,
        %swap3A_2967 = vector.shape_cast %swap3A_2966 : vector<1x16xf32> to vector<16xf32>
        %swap3A_2968 = vector.shape_cast %get3A_2961 : vector<16xf32> to vector<1x16xf32>
        tpu.vector_store %arg10[%swap3A_2964, %swap3A_2965], %swap3A_2968 {strides = array<i32>} : memref<16x1024xf32, #tpu.memory_space<vmem>>, vector<1x16xf32>,
        %get3A_2969 = arith.index_cast %sub3A_2891 : i32 to index
        %get3A_2970 = arith.constant 112 : index
        %get3A_2971 = tpu.vector_load %arg10[%get3A_2969, %get3A_2970] {strides = array<i32>} : memref<16x1024xf32, #tpu.memory_space<vmem>>, vector<1x16xf32>,
        %get3A_2972 = vector.shape_cast %get3A_2971 : vector<1x16xf32> to vector<16xf32>
        %add3A_2973 = arith.constant 1 : i32
        %add3A_2974 = arith.addi %sub3A_2891, %add3A_2973 : i32
        %swap3A_2975 = arith.index_cast %add3A_2974 : i32 to index
        %swap3A_2976 = arith.constant 112 : index
        %swap3A_2977 = tpu.vector_load %arg10[%swap3A_2975, %swap3A_2976] {strides = array<i32>} : memref<16x1024xf32, #tpu.memory_space<vmem>>, vector<1x16xf32>,
        %swap3A_2978 = vector.shape_cast %swap3A_2977 : vector<1x16xf32> to vector<16xf32>
        %swap3A_2979 = vector.shape_cast %get3A_2972 : vector<16xf32> to vector<1x16xf32>
        tpu.vector_store %arg10[%swap3A_2975, %swap3A_2976], %swap3A_2979 {strides = array<i32>} : memref<16x1024xf32, #tpu.memory_space<vmem>>, vector<1x16xf32>,
        %get3A_2980 = arith.index_cast %sub3A_2891 : i32 to index
        %get3A_2981 = arith.constant 128 : index
        %get3A_2982 = tpu.vector_load %arg10[%get3A_2980, %get3A_2981] {strides = array<i32>} : memref<16x1024xf32, #tpu.memory_space<vmem>>, vector<1x16xf32>,
        %get3A_2983 = vector.shape_cast %get3A_2982 : vector<1x16xf32> to vector<16xf32>
        %add3A_2984 = arith.constant 1 : i32
        %add3A_2985 = arith.addi %sub3A_2891, %add3A_2984 : i32
        %swap3A_2986 = arith.index_cast %add3A_2985 : i32 to index
        %swap3A_2987 = arith.constant 128 : index
        %swap3A_2988 = tpu.vector_load %arg10[%swap3A_2986, %swap3A_2987] {strides = array<i32>} : memref<16x1024xf32, #tpu.memory_space<vmem>>, vector<1x16xf32>,
        %swap3A_2989 = vector.shape_cast %swap3A_2988 : vector<1x16xf32> to vector<16xf32>
        %swap3A_2990 = vector.shape_cast %get3A_2983 : vector<16xf32> to vector<1x16xf32>
        tpu.vector_store %arg10[%swap3A_2986, %swap3A_2987], %swap3A_2990 {strides = array<i32>} : memref<16x1024xf32, #tpu.memory_space<vmem>>, vector<1x16xf32>,
        %get3A_2991 = arith.index_cast %sub3A_2891 : i32 to index
        %get3A_2992 = arith.constant 144 : index
        %get3A_2993 = tpu.vector_load %arg10[%get3A_2991, %get3A_2992] {strides = array<i32>} : memref<16x1024xf32, #tpu.memory_space<vmem>>, vector<1x16xf32>,
        %get3A_2994 = vector.shape_cast %get3A_2993 : vector<1x16xf32> to vector<16xf32>
        %add3A_2995 = arith.constant 1 : i32
        %add3A_2996 = arith.addi %sub3A_2891, %add3A_2995 : i32
        %swap3A_2997 = arith.index_cast %add3A_2996 : i32 to index
        %swap3A_2998 = arith.constant 144 : index
        %swap3A_2999 = tpu.vector_load %arg10[%swap3A_2997, %swap3A_2998] {strides = array<i32>} : memref<16x1024xf32, #tpu.memory_space<vmem>>, vector<1x16xf32>,
        %swap3A_3000 = vector.shape_cast %swap3A_2999 : vector<1x16xf32> to vector<16xf32>
        %swap3A_3001 = vector.shape_cast %get3A_2994 : vector<16xf32> to vector<1x16xf32>
        tpu.vector_store %arg10[%swap3A_2997, %swap3A_2998], %swap3A_3001 {strides = array<i32>} : memref<16x1024xf32, #tpu.memory_space<vmem>>, vector<1x16xf32>,
        %get3A_3002 = arith.index_cast %sub3A_2891 : i32 to index
        %get3A_3003 = arith.constant 160 : index
        %get3A_3004 = tpu.vector_load %arg10[%get3A_3002, %get3A_3003] {strides = array<i32>} : memref<16x1024xf32, #tpu.memory_space<vmem>>, vector<1x16xf32>,
        %get3A_3005 = vector.shape_cast %get3A_3004 : vector<1x16xf32> to vector<16xf32>
        %add3A_3006 = arith.constant 1 : i32
        %add3A_3007 = arith.addi %sub3A_2891, %add3A_3006 : i32
        %swap3A_3008 = arith.index_cast %add3A_3007 : i32 to index
        %swap3A_3009 = arith.constant 160 : index
        %swap3A_3010 = tpu.vector_load %arg10[%swap3A_3008, %swap3A_3009] {strides = array<i32>} : memref<16x1024xf32, #tpu.memory_space<vmem>>, vector<1x16xf32>,
        %swap3A_3011 = vector.shape_cast %swap3A_3010 : vector<1x16xf32> to vector<16xf32>
        %swap3A_3012 = vector.shape_cast %get3A_3005 : vector<16xf32> to vector<1x16xf32>
        tpu.vector_store %arg10[%swap3A_3008, %swap3A_3009], %swap3A_3012 {strides = array<i32>} : memref<16x1024xf32, #tpu.memory_space<vmem>>, vector<1x16xf32>,
        %get3A_3013 = arith.index_cast %sub3A_2891 : i32 to index
        %get3A_3014 = arith.constant 176 : index
        %get3A_3015 = tpu.vector_load %arg10[%get3A_3013, %get3A_3014] {strides = array<i32>} : memref<16x1024xf32, #tpu.memory_space<vmem>>, vector<1x16xf32>,
        %get3A_3016 = vector.shape_cast %get3A_3015 : vector<1x16xf32> to vector<16xf32>
        %add3A_3017 = arith.constant 1 : i32
        %add3A_3018 = arith.addi %sub3A_2891, %add3A_3017 : i32
        %swap3A_3019 = arith.index_cast %add3A_3018 : i32 to index
        %swap3A_3020 = arith.constant 176 : index
        %swap3A_3021 = tpu.vector_load %arg10[%swap3A_3019, %swap3A_3020] {strides = array<i32>} : memref<16x1024xf32, #tpu.memory_space<vmem>>, vector<1x16xf32>,
        %swap3A_3022 = vector.shape_cast %swap3A_3021 : vector<1x16xf32> to vector<16xf32>
        %swap3A_3023 = vector.shape_cast %get3A_3016 : vector<16xf32> to vector<1x16xf32>
        tpu.vector_store %arg10[%swap3A_3019, %swap3A_3020], %swap3A_3023 {strides = array<i32>} : memref<16x1024xf32, #tpu.memory_space<vmem>>, vector<1x16xf32>,
        %get3A_3024 = arith.index_cast %sub3A_2891 : i32 to index
        %get3A_3025 = arith.constant 192 : index
        %get3A_3026 = tpu.vector_load %arg10[%get3A_3024, %get3A_3025] {strides = array<i32>} : memref<16x1024xf32, #tpu.memory_space<vmem>>, vector<1x16xf32>,
        %get3A_3027 = vector.shape_cast %get3A_3026 : vector<1x16xf32> to vector<16xf32>
        %add3A_3028 = arith.constant 1 : i32
        %add3A_3029 = arith.addi %sub3A_2891, %add3A_3028 : i32
        %swap3A_3030 = arith.index_cast %add3A_3029 : i32 to index
        %swap3A_3031 = arith.constant 192 : index
        %swap3A_3032 = tpu.vector_load %arg10[%swap3A_3030, %swap3A_3031] {strides = array<i32>} : memref<16x1024xf32, #tpu.memory_space<vmem>>, vector<1x16xf32>,
        %swap3A_3033 = vector.shape_cast %swap3A_3032 : vector<1x16xf32> to vector<16xf32>
        %swap3A_3034 = vector.shape_cast %get3A_3027 : vector<16xf32> to vector<1x16xf32>
        tpu.vector_store %arg10[%swap3A_3030, %swap3A_3031], %swap3A_3034 {strides = array<i32>} : memref<16x1024xf32, #tpu.memory_space<vmem>>, vector<1x16xf32>,
        %get3A_3035 = arith.index_cast %sub3A_2891 : i32 to index
        %get3A_3036 = arith.constant 208 : index
        %get3A_3037 = tpu.vector_load %arg10[%get3A_3035, %get3A_3036] {strides = array<i32>} : memref<16x1024xf32, #tpu.memory_space<vmem>>, vector<1x16xf32>,
        %get3A_3038 = vector.shape_cast %get3A_3037 : vector<1x16xf32> to vector<16xf32>
        %add3A_3039 = arith.constant 1 : i32
        %add3A_3040 = arith.addi %sub3A_2891, %add3A_3039 : i32
        %swap3A_3041 = arith.index_cast %add3A_3040 : i32 to index
        %swap3A_3042 = arith.constant 208 : index
        %swap3A_3043 = tpu.vector_load %arg10[%swap3A_3041, %swap3A_3042] {strides = array<i32>} : memref<16x1024xf32, #tpu.memory_space<vmem>>, vector<1x16xf32>,
        %swap3A_3044 = vector.shape_cast %swap3A_3043 : vector<1x16xf32> to vector<16xf32>
        %swap3A_3045 = vector.shape_cast %get3A_3038 : vector<16xf32> to vector<1x16xf32>
        tpu.vector_store %arg10[%swap3A_3041, %swap3A_3042], %swap3A_3045 {strides = array<i32>} : memref<16x1024xf32, #tpu.memory_space<vmem>>, vector<1x16xf32>,
        %get3A_3046 = arith.index_cast %sub3A_2891 : i32 to index
        %get3A_3047 = arith.constant 224 : index
        %get3A_3048 = tpu.vector_load %arg10[%get3A_3046, %get3A_3047] {strides = array<i32>} : memref<16x1024xf32, #tpu.memory_space<vmem>>, vector<1x16xf32>,
        %get3A_3049 = vector.shape_cast %get3A_3048 : vector<1x16xf32> to vector<16xf32>
        %add3A_3050 = arith.constant 1 : i32
        %add3A_3051 = arith.addi %sub3A_2891, %add3A_3050 : i32
        %swap3A_3052 = arith.index_cast %add3A_3051 : i32 to index
        %swap3A_3053 = arith.constant 224 : index
        %swap3A_3054 = tpu.vector_load %arg10[%swap3A_3052, %swap3A_3053] {strides = array<i32>} : memref<16x1024xf32, #tpu.memory_space<vmem>>, vector<1x16xf32>,
        %swap3A_3055 = vector.shape_cast %swap3A_3054 : vector<1x16xf32> to vector<16xf32>
        %swap3A_3056 = vector.shape_cast %get3A_3049 : vector<16xf32> to vector<1x16xf32>
        tpu.vector_store %arg10[%swap3A_3052, %swap3A_3053], %swap3A_3056 {strides = array<i32>} : memref<16x1024xf32, #tpu.memory_space<vmem>>, vector<1x16xf32>,
        %get3A_3057 = arith.index_cast %sub3A_2891 : i32 to index
        %get3A_3058 = arith.constant 240 : index
        %get3A_3059 = tpu.vector_load %arg10[%get3A_3057, %get3A_3058] {strides = array<i32>} : memref<16x1024xf32, #tpu.memory_space<vmem>>, vector<1x16xf32>,
        %get3A_3060 = vector.shape_cast %get3A_3059 : vector<1x16xf32> to vector<16xf32>
        %add3A_3061 = arith.constant 1 : i32
        %add3A_3062 = arith.addi %sub3A_2891, %add3A_3061 : i32
        %swap3A_3063 = arith.index_cast %add3A_3062 : i32 to index
        %swap3A_3064 = arith.constant 240 : index
        %swap3A_3065 = tpu.vector_load %arg10[%swap3A_3063, %swap3A_3064] {strides = array<i32>} : memref<16x1024xf32, #tpu.memory_space<vmem>>, vector<1x16xf32>,
        %swap3A_3066 = vector.shape_cast %swap3A_3065 : vector<1x16xf32> to vector<16xf32>
        %swap3A_3067 = vector.shape_cast %get3A_3060 : vector<16xf32> to vector<1x16xf32>
        tpu.vector_store %arg10[%swap3A_3063, %swap3A_3064], %swap3A_3067 {strides = array<i32>} : memref<16x1024xf32, #tpu.memory_space<vmem>>, vector<1x16xf32>,
        %get3A_3068 = arith.index_cast %sub3A_2891 : i32 to index
        %get3A_3069 = arith.constant 256 : index
        %get3A_3070 = tpu.vector_load %arg10[%get3A_3068, %get3A_3069] {strides = array<i32>} : memref<16x1024xf32, #tpu.memory_space<vmem>>, vector<1x16xf32>,
        %get3A_3071 = vector.shape_cast %get3A_3070 : vector<1x16xf32> to vector<16xf32>
        %add3A_3072 = arith.constant 1 : i32
        %add3A_3073 = arith.addi %sub3A_2891, %add3A_3072 : i32
        %swap3A_3074 = arith.index_cast %add3A_3073 : i32 to index
        %swap3A_3075 = arith.constant 256 : index
        %swap3A_3076 = tpu.vector_load %arg10[%swap3A_3074, %swap3A_3075] {strides = array<i32>} : memref<16x1024xf32, #tpu.memory_space<vmem>>, vector<1x16xf32>,
        %swap3A_3077 = vector.shape_cast %swap3A_3076 : vector<1x16xf32> to vector<16xf32>
        %swap3A_3078 = vector.shape_cast %get3A_3071 : vector<16xf32> to vector<1x16xf32>
        tpu.vector_store %arg10[%swap3A_3074, %swap3A_3075], %swap3A_3078 {strides = array<i32>} : memref<16x1024xf32, #tpu.memory_space<vmem>>, vector<1x16xf32>,
        %get3A_3079 = arith.index_cast %sub3A_2891 : i32 to index
        %get3A_3080 = arith.constant 272 : index
        %get3A_3081 = tpu.vector_load %arg10[%get3A_3079, %get3A_3080] {strides = array<i32>} : memref<16x1024xf32, #tpu.memory_space<vmem>>, vector<1x16xf32>,
        %get3A_3082 = vector.shape_cast %get3A_3081 : vector<1x16xf32> to vector<16xf32>
        %add3A_3083 = arith.constant 1 : i32
        %add3A_3084 = arith.addi %sub3A_2891, %add3A_3083 : i32
        %swap3A_3085 = arith.index_cast %add3A_3084 : i32 to index
        %swap3A_3086 = arith.constant 272 : index
        %swap3A_3087 = tpu.vector_load %arg10[%swap3A_3085, %swap3A_3086] {strides = array<i32>} : memref<16x1024xf32, #tpu.memory_space<vmem>>, vector<1x16xf32>,
        %swap3A_3088 = vector.shape_cast %swap3A_3087 : vector<1x16xf32> to vector<16xf32>
        %swap3A_3089 = vector.shape_cast %get3A_3082 : vector<16xf32> to vector<1x16xf32>
        tpu.vector_store %arg10[%swap3A_3085, %swap3A_3086], %swap3A_3089 {strides = array<i32>} : memref<16x1024xf32, #tpu.memory_space<vmem>>, vector<1x16xf32>,
        %get3A_3090 = arith.index_cast %sub3A_2891 : i32 to index
        %get3A_3091 = arith.constant 288 : index
        %get3A_3092 = tpu.vector_load %arg10[%get3A_3090, %get3A_3091] {strides = array<i32>} : memref<16x1024xf32, #tpu.memory_space<vmem>>, vector<1x16xf32>,
        %get3A_3093 = vector.shape_cast %get3A_3092 : vector<1x16xf32> to vector<16xf32>
        %add3A_3094 = arith.constant 1 : i32
        %add3A_3095 = arith.addi %sub3A_2891, %add3A_3094 : i32
        %swap3A_3096 = arith.index_cast %add3A_3095 : i32 to index
        %swap3A_3097 = arith.constant 288 : index
        %swap3A_3098 = tpu.vector_load %arg10[%swap3A_3096, %swap3A_3097] {strides = array<i32>} : memref<16x1024xf32, #tpu.memory_space<vmem>>, vector<1x16xf32>,
        %swap3A_3099 = vector.shape_cast %swap3A_3098 : vector<1x16xf32> to vector<16xf32>
        %swap3A_3100 = vector.shape_cast %get3A_3093 : vector<16xf32> to vector<1x16xf32>
        tpu.vector_store %arg10[%swap3A_3096, %swap3A_3097], %swap3A_3100 {strides = array<i32>} : memref<16x1024xf32, #tpu.memory_space<vmem>>, vector<1x16xf32>,
        %get3A_3101 = arith.index_cast %sub3A_2891 : i32 to index
        %get3A_3102 = arith.constant 304 : index
        %get3A_3103 = tpu.vector_load %arg10[%get3A_3101, %get3A_3102] {strides = array<i32>} : memref<16x1024xf32, #tpu.memory_space<vmem>>, vector<1x16xf32>,
        %get3A_3104 = vector.shape_cast %get3A_3103 : vector<1x16xf32> to vector<16xf32>
        %add3A_3105 = arith.constant 1 : i32
        %add3A_3106 = arith.addi %sub3A_2891, %add3A_3105 : i32
        %swap3A_3107 = arith.index_cast %add3A_3106 : i32 to index
        %swap3A_3108 = arith.constant 304 : index
        %swap3A_3109 = tpu.vector_load %arg10[%swap3A_3107, %swap3A_3108] {strides = array<i32>} : memref<16x1024xf32, #tpu.memory_space<vmem>>, vector<1x16xf32>,
        %swap3A_3110 = vector.shape_cast %swap3A_3109 : vector<1x16xf32> to vector<16xf32>
        %swap3A_3111 = vector.shape_cast %get3A_3104 : vector<16xf32> to vector<1x16xf32>
        tpu.vector_store %arg10[%swap3A_3107, %swap3A_3108], %swap3A_3111 {strides = array<i32>} : memref<16x1024xf32, #tpu.memory_space<vmem>>, vector<1x16xf32>,
        %get3A_3112 = arith.index_cast %sub3A_2891 : i32 to index
        %get3A_3113 = arith.constant 320 : index
        %get3A_3114 = tpu.vector_load %arg10[%get3A_3112, %get3A_3113] {strides = array<i32>} : memref<16x1024xf32, #tpu.memory_space<vmem>>, vector<1x16xf32>,
        %get3A_3115 = vector.shape_cast %get3A_3114 : vector<1x16xf32> to vector<16xf32>
        %add3A_3116 = arith.constant 1 : i32
        %add3A_3117 = arith.addi %sub3A_2891, %add3A_3116 : i32
        %swap3A_3118 = arith.index_cast %add3A_3117 : i32 to index
        %swap3A_3119 = arith.constant 320 : index
        %swap3A_3120 = tpu.vector_load %arg10[%swap3A_3118, %swap3A_3119] {strides = array<i32>} : memref<16x1024xf32, #tpu.memory_space<vmem>>, vector<1x16xf32>,
        %swap3A_3121 = vector.shape_cast %swap3A_3120 : vector<1x16xf32> to vector<16xf32>
        %swap3A_3122 = vector.shape_cast %get3A_3115 : vector<16xf32> to vector<1x16xf32>
        tpu.vector_store %arg10[%swap3A_3118, %swap3A_3119], %swap3A_3122 {strides = array<i32>} : memref<16x1024xf32, #tpu.memory_space<vmem>>, vector<1x16xf32>,
        %get3A_3123 = arith.index_cast %sub3A_2891 : i32 to index
        %get3A_3124 = arith.constant 336 : index
        %get3A_3125 = tpu.vector_load %arg10[%get3A_3123, %get3A_3124] {strides = array<i32>} : memref<16x1024xf32, #tpu.memory_space<vmem>>, vector<1x16xf32>,
        %get3A_3126 = vector.shape_cast %get3A_3125 : vector<1x16xf32> to vector<16xf32>
        %add3A_3127 = arith.constant 1 : i32
        %add3A_3128 = arith.addi %sub3A_2891, %add3A_3127 : i32
        %swap3A_3129 = arith.index_cast %add3A_3128 : i32 to index
        %swap3A_3130 = arith.constant 336 : index
        %swap3A_3131 = tpu.vector_load %arg10[%swap3A_3129, %swap3A_3130] {strides = array<i32>} : memref<16x1024xf32, #tpu.memory_space<vmem>>, vector<1x16xf32>,
        %swap3A_3132 = vector.shape_cast %swap3A_3131 : vector<1x16xf32> to vector<16xf32>
        %swap3A_3133 = vector.shape_cast %get3A_3126 : vector<16xf32> to vector<1x16xf32>
        tpu.vector_store %arg10[%swap3A_3129, %swap3A_3130], %swap3A_3133 {strides = array<i32>} : memref<16x1024xf32, #tpu.memory_space<vmem>>, vector<1x16xf32>,
        %get3A_3134 = arith.index_cast %sub3A_2891 : i32 to index
        %get3A_3135 = arith.constant 352 : index
        %get3A_3136 = tpu.vector_load %arg10[%get3A_3134, %get3A_3135] {strides = array<i32>} : memref<16x1024xf32, #tpu.memory_space<vmem>>, vector<1x16xf32>,
        %get3A_3137 = vector.shape_cast %get3A_3136 : vector<1x16xf32> to vector<16xf32>
        %add3A_3138 = arith.constant 1 : i32
        %add3A_3139 = arith.addi %sub3A_2891, %add3A_3138 : i32
        %swap3A_3140 = arith.index_cast %add3A_3139 : i32 to index
        %swap3A_3141 = arith.constant 352 : index
        %swap3A_3142 = tpu.vector_load %arg10[%swap3A_3140, %swap3A_3141] {strides = array<i32>} : memref<16x1024xf32, #tpu.memory_space<vmem>>, vector<1x16xf32>,
        %swap3A_3143 = vector.shape_cast %swap3A_3142 : vector<1x16xf32> to vector<16xf32>
        %swap3A_3144 = vector.shape_cast %get3A_3137 : vector<16xf32> to vector<1x16xf32>
        tpu.vector_store %arg10[%swap3A_3140, %swap3A_3141], %swap3A_3144 {strides = array<i32>} : memref<16x1024xf32, #tpu.memory_space<vmem>>, vector<1x16xf32>,
        %get3A_3145 = arith.index_cast %sub3A_2891 : i32 to index
        %get3A_3146 = arith.constant 368 : index
        %get3A_3147 = tpu.vector_load %arg10[%get3A_3145, %get3A_3146] {strides = array<i32>} : memref<16x1024xf32, #tpu.memory_space<vmem>>, vector<1x16xf32>,
        %get3A_3148 = vector.shape_cast %get3A_3147 : vector<1x16xf32> to vector<16xf32>
        %add3A_3149 = arith.constant 1 : i32
        %add3A_3150 = arith.addi %sub3A_2891, %add3A_3149 : i32
        %swap3A_3151 = arith.index_cast %add3A_3150 : i32 to index
        %swap3A_3152 = arith.constant 368 : index
        %swap3A_3153 = tpu.vector_load %arg10[%swap3A_3151, %swap3A_3152] {strides = array<i32>} : memref<16x1024xf32, #tpu.memory_space<vmem>>, vector<1x16xf32>,
        %swap3A_3154 = vector.shape_cast %swap3A_3153 : vector<1x16xf32> to vector<16xf32>
        %swap3A_3155 = vector.shape_cast %get3A_3148 : vector<16xf32> to vector<1x16xf32>
        tpu.vector_store %arg10[%swap3A_3151, %swap3A_3152], %swap3A_3155 {strides = array<i32>} : memref<16x1024xf32, #tpu.memory_space<vmem>>, vector<1x16xf32>,
        %get3A_3156 = arith.index_cast %sub3A_2891 : i32 to index
        %get3A_3157 = arith.constant 384 : index
        %get3A_3158 = tpu.vector_load %arg10[%get3A_3156, %get3A_3157] {strides = array<i32>} : memref<16x1024xf32, #tpu.memory_space<vmem>>, vector<1x16xf32>,
        %get3A_3159 = vector.shape_cast %get3A_3158 : vector<1x16xf32> to vector<16xf32>
        %add3A_3160 = arith.constant 1 : i32
        %add3A_3161 = arith.addi %sub3A_2891, %add3A_3160 : i32
        %swap3A_3162 = arith.index_cast %add3A_3161 : i32 to index
        %swap3A_3163 = arith.constant 384 : index
        %swap3A_3164 = tpu.vector_load %arg10[%swap3A_3162, %swap3A_3163] {strides = array<i32>} : memref<16x1024xf32, #tpu.memory_space<vmem>>, vector<1x16xf32>,
        %swap3A_3165 = vector.shape_cast %swap3A_3164 : vector<1x16xf32> to vector<16xf32>
        %swap3A_3166 = vector.shape_cast %get3A_3159 : vector<16xf32> to vector<1x16xf32>
        tpu.vector_store %arg10[%swap3A_3162, %swap3A_3163], %swap3A_3166 {strides = array<i32>} : memref<16x1024xf32, #tpu.memory_space<vmem>>, vector<1x16xf32>,
        %get3A_3167 = arith.index_cast %sub3A_2891 : i32 to index
        %get3A_3168 = arith.constant 400 : index
        %get3A_3169 = tpu.vector_load %arg10[%get3A_3167, %get3A_3168] {strides = array<i32>} : memref<16x1024xf32, #tpu.memory_space<vmem>>, vector<1x16xf32>,
        %get3A_3170 = vector.shape_cast %get3A_3169 : vector<1x16xf32> to vector<16xf32>
        %add3A_3171 = arith.constant 1 : i32
        %add3A_3172 = arith.addi %sub3A_2891, %add3A_3171 : i32
        %swap3A_3173 = arith.index_cast %add3A_3172 : i32 to index
        %swap3A_3174 = arith.constant 400 : index
        %swap3A_3175 = tpu.vector_load %arg10[%swap3A_3173, %swap3A_3174] {strides = array<i32>} : memref<16x1024xf32, #tpu.memory_space<vmem>>, vector<1x16xf32>,
        %swap3A_3176 = vector.shape_cast %swap3A_3175 : vector<1x16xf32> to vector<16xf32>
        %swap3A_3177 = vector.shape_cast %get3A_3170 : vector<16xf32> to vector<1x16xf32>
        tpu.vector_store %arg10[%swap3A_3173, %swap3A_3174], %swap3A_3177 {strides = array<i32>} : memref<16x1024xf32, #tpu.memory_space<vmem>>, vector<1x16xf32>,
        %get3A_3178 = arith.index_cast %sub3A_2891 : i32 to index
        %get3A_3179 = arith.constant 416 : index
        %get3A_3180 = tpu.vector_load %arg10[%get3A_3178, %get3A_3179] {strides = array<i32>} : memref<16x1024xf32, #tpu.memory_space<vmem>>, vector<1x16xf32>,
        %get3A_3181 = vector.shape_cast %get3A_3180 : vector<1x16xf32> to vector<16xf32>
        %add3A_3182 = arith.constant 1 : i32
        %add3A_3183 = arith.addi %sub3A_2891, %add3A_3182 : i32
        %swap3A_3184 = arith.index_cast %add3A_3183 : i32 to index
        %swap3A_3185 = arith.constant 416 : index
        %swap3A_3186 = tpu.vector_load %arg10[%swap3A_3184, %swap3A_3185] {strides = array<i32>} : memref<16x1024xf32, #tpu.memory_space<vmem>>, vector<1x16xf32>,
        %swap3A_3187 = vector.shape_cast %swap3A_3186 : vector<1x16xf32> to vector<16xf32>
        %swap3A_3188 = vector.shape_cast %get3A_3181 : vector<16xf32> to vector<1x16xf32>
        tpu.vector_store %arg10[%swap3A_3184, %swap3A_3185], %swap3A_3188 {strides = array<i32>} : memref<16x1024xf32, #tpu.memory_space<vmem>>, vector<1x16xf32>,
        %get3A_3189 = arith.index_cast %sub3A_2891 : i32 to index
        %get3A_3190 = arith.constant 432 : index
        %get3A_3191 = tpu.vector_load %arg10[%get3A_3189, %get3A_3190] {strides = array<i32>} : memref<16x1024xf32, #tpu.memory_space<vmem>>, vector<1x16xf32>,
        %get3A_3192 = vector.shape_cast %get3A_3191 : vector<1x16xf32> to vector<16xf32>
        %add3A_3193 = arith.constant 1 : i32
        %add3A_3194 = arith.addi %sub3A_2891, %add3A_3193 : i32
        %swap3A_3195 = arith.index_cast %add3A_3194 : i32 to index
        %swap3A_3196 = arith.constant 432 : index
        %swap3A_3197 = tpu.vector_load %arg10[%swap3A_3195, %swap3A_3196] {strides = array<i32>} : memref<16x1024xf32, #tpu.memory_space<vmem>>, vector<1x16xf32>,
        %swap3A_3198 = vector.shape_cast %swap3A_3197 : vector<1x16xf32> to vector<16xf32>
        %swap3A_3199 = vector.shape_cast %get3A_3192 : vector<16xf32> to vector<1x16xf32>
        tpu.vector_store %arg10[%swap3A_3195, %swap3A_3196], %swap3A_3199 {strides = array<i32>} : memref<16x1024xf32, #tpu.memory_space<vmem>>, vector<1x16xf32>,
        %get3A_3200 = arith.index_cast %sub3A_2891 : i32 to index
        %get3A_3201 = arith.constant 448 : index
        %get3A_3202 = tpu.vector_load %arg10[%get3A_3200, %get3A_3201] {strides = array<i32>} : memref<16x1024xf32, #tpu.memory_space<vmem>>, vector<1x16xf32>,
        %get3A_3203 = vector.shape_cast %get3A_3202 : vector<1x16xf32> to vector<16xf32>
        %add3A_3204 = arith.constant 1 : i32
        %add3A_3205 = arith.addi %sub3A_2891, %add3A_3204 : i32
        %swap3A_3206 = arith.index_cast %add3A_3205 : i32 to index
        %swap3A_3207 = arith.constant 448 : index
        %swap3A_3208 = tpu.vector_load %arg10[%swap3A_3206, %swap3A_3207] {strides = array<i32>} : memref<16x1024xf32, #tpu.memory_space<vmem>>, vector<1x16xf32>,
        %swap3A_3209 = vector.shape_cast %swap3A_3208 : vector<1x16xf32> to vector<16xf32>
        %swap3A_3210 = vector.shape_cast %get3A_3203 : vector<16xf32> to vector<1x16xf32>
        tpu.vector_store %arg10[%swap3A_3206, %swap3A_3207], %swap3A_3210 {strides = array<i32>} : memref<16x1024xf32, #tpu.memory_space<vmem>>, vector<1x16xf32>,
        %get3A_3211 = arith.index_cast %sub3A_2891 : i32 to index
        %get3A_3212 = arith.constant 464 : index
        %get3A_3213 = tpu.vector_load %arg10[%get3A_3211, %get3A_3212] {strides = array<i32>} : memref<16x1024xf32, #tpu.memory_space<vmem>>, vector<1x16xf32>,
        %get3A_3214 = vector.shape_cast %get3A_3213 : vector<1x16xf32> to vector<16xf32>
        %add3A_3215 = arith.constant 1 : i32
        %add3A_3216 = arith.addi %sub3A_2891, %add3A_3215 : i32
        %swap3A_3217 = arith.index_cast %add3A_3216 : i32 to index
        %swap3A_3218 = arith.constant 464 : index
        %swap3A_3219 = tpu.vector_load %arg10[%swap3A_3217, %swap3A_3218] {strides = array<i32>} : memref<16x1024xf32, #tpu.memory_space<vmem>>, vector<1x16xf32>,
        %swap3A_3220 = vector.shape_cast %swap3A_3219 : vector<1x16xf32> to vector<16xf32>
        %swap3A_3221 = vector.shape_cast %get3A_3214 : vector<16xf32> to vector<1x16xf32>
        tpu.vector_store %arg10[%swap3A_3217, %swap3A_3218], %swap3A_3221 {strides = array<i32>} : memref<16x1024xf32, #tpu.memory_space<vmem>>, vector<1x16xf32>,
        %get3A_3222 = arith.index_cast %sub3A_2891 : i32 to index
        %get3A_3223 = arith.constant 480 : index
        %get3A_3224 = tpu.vector_load %arg10[%get3A_3222, %get3A_3223] {strides = array<i32>} : memref<16x1024xf32, #tpu.memory_space<vmem>>, vector<1x16xf32>,
        %get3A_3225 = vector.shape_cast %get3A_3224 : vector<1x16xf32> to vector<16xf32>
        %add3A_3226 = arith.constant 1 : i32
        %add3A_3227 = arith.addi %sub3A_2891, %add3A_3226 : i32
        %swap3A_3228 = arith.index_cast %add3A_3227 : i32 to index
        %swap3A_3229 = arith.constant 480 : index
        %swap3A_3230 = tpu.vector_load %arg10[%swap3A_3228, %swap3A_3229] {strides = array<i32>} : memref<16x1024xf32, #tpu.memory_space<vmem>>, vector<1x16xf32>,
        %swap3A_3231 = vector.shape_cast %swap3A_3230 : vector<1x16xf32> to vector<16xf32>
        %swap3A_3232 = vector.shape_cast %get3A_3225 : vector<16xf32> to vector<1x16xf32>
        tpu.vector_store %arg10[%swap3A_3228, %swap3A_3229], %swap3A_3232 {strides = array<i32>} : memref<16x1024xf32, #tpu.memory_space<vmem>>, vector<1x16xf32>,
        %get3A_3233 = arith.index_cast %sub3A_2891 : i32 to index
        %get3A_3234 = arith.constant 496 : index
        %get3A_3235 = tpu.vector_load %arg10[%get3A_3233, %get3A_3234] {strides = array<i32>} : memref<16x1024xf32, #tpu.memory_space<vmem>>, vector<1x16xf32>,
        %get3A_3236 = vector.shape_cast %get3A_3235 : vector<1x16xf32> to vector<16xf32>
        %add3A_3237 = arith.constant 1 : i32
        %add3A_3238 = arith.addi %sub3A_2891, %add3A_3237 : i32
        %swap3A_3239 = arith.index_cast %add3A_3238 : i32 to index
        %swap3A_3240 = arith.constant 496 : index
        %swap3A_3241 = tpu.vector_load %arg10[%swap3A_3239, %swap3A_3240] {strides = array<i32>} : memref<16x1024xf32, #tpu.memory_space<vmem>>, vector<1x16xf32>,
        %swap3A_3242 = vector.shape_cast %swap3A_3241 : vector<1x16xf32> to vector<16xf32>
        %swap3A_3243 = vector.shape_cast %get3A_3236 : vector<16xf32> to vector<1x16xf32>
        tpu.vector_store %arg10[%swap3A_3239, %swap3A_3240], %swap3A_3243 {strides = array<i32>} : memref<16x1024xf32, #tpu.memory_space<vmem>>, vector<1x16xf32>,
        %get3A_3244 = arith.index_cast %sub3A_2891 : i32 to index
        %get3A_3245 = arith.constant 512 : index
        %get3A_3246 = tpu.vector_load %arg10[%get3A_3244, %get3A_3245] {strides = array<i32>} : memref<16x1024xf32, #tpu.memory_space<vmem>>, vector<1x16xf32>,
        %get3A_3247 = vector.shape_cast %get3A_3246 : vector<1x16xf32> to vector<16xf32>
        %add3A_3248 = arith.constant 1 : i32
        %add3A_3249 = arith.addi %sub3A_2891, %add3A_3248 : i32
        %swap3A_3250 = arith.index_cast %add3A_3249 : i32 to index
        %swap3A_3251 = arith.constant 512 : index
        %swap3A_3252 = tpu.vector_load %arg10[%swap3A_3250, %swap3A_3251] {strides = array<i32>} : memref<16x1024xf32, #tpu.memory_space<vmem>>, vector<1x16xf32>,
        %swap3A_3253 = vector.shape_cast %swap3A_3252 : vector<1x16xf32> to vector<16xf32>
        %swap3A_3254 = vector.shape_cast %get3A_3247 : vector<16xf32> to vector<1x16xf32>
        tpu.vector_store %arg10[%swap3A_3250, %swap3A_3251], %swap3A_3254 {strides = array<i32>} : memref<16x1024xf32, #tpu.memory_space<vmem>>, vector<1x16xf32>,
        %get3A_3255 = arith.index_cast %sub3A_2891 : i32 to index
        %get3A_3256 = arith.constant 528 : index
        %get3A_3257 = tpu.vector_load %arg10[%get3A_3255, %get3A_3256] {strides = array<i32>} : memref<16x1024xf32, #tpu.memory_space<vmem>>, vector<1x16xf32>,
        %get3A_3258 = vector.shape_cast %get3A_3257 : vector<1x16xf32> to vector<16xf32>
        %add3A_3259 = arith.constant 1 : i32
        %add3A_3260 = arith.addi %sub3A_2891, %add3A_3259 : i32
        %swap3A_3261 = arith.index_cast %add3A_3260 : i32 to index
        %swap3A_3262 = arith.constant 528 : index
        %swap3A_3263 = tpu.vector_load %arg10[%swap3A_3261, %swap3A_3262] {strides = array<i32>} : memref<16x1024xf32, #tpu.memory_space<vmem>>, vector<1x16xf32>,
        %swap3A_3264 = vector.shape_cast %swap3A_3263 : vector<1x16xf32> to vector<16xf32>
        %swap3A_3265 = vector.shape_cast %get3A_3258 : vector<16xf32> to vector<1x16xf32>
        tpu.vector_store %arg10[%swap3A_3261, %swap3A_3262], %swap3A_3265 {strides = array<i32>} : memref<16x1024xf32, #tpu.memory_space<vmem>>, vector<1x16xf32>,
        %get3A_3266 = arith.index_cast %sub3A_2891 : i32 to index
        %get3A_3267 = arith.constant 544 : index
        %get3A_3268 = tpu.vector_load %arg10[%get3A_3266, %get3A_3267] {strides = array<i32>} : memref<16x1024xf32, #tpu.memory_space<vmem>>, vector<1x16xf32>,
        %get3A_3269 = vector.shape_cast %get3A_3268 : vector<1x16xf32> to vector<16xf32>
        %add3A_3270 = arith.constant 1 : i32
        %add3A_3271 = arith.addi %sub3A_2891, %add3A_3270 : i32
        %swap3A_3272 = arith.index_cast %add3A_3271 : i32 to index
        %swap3A_3273 = arith.constant 544 : index
        %swap3A_3274 = tpu.vector_load %arg10[%swap3A_3272, %swap3A_3273] {strides = array<i32>} : memref<16x1024xf32, #tpu.memory_space<vmem>>, vector<1x16xf32>,
        %swap3A_3275 = vector.shape_cast %swap3A_3274 : vector<1x16xf32> to vector<16xf32>
        %swap3A_3276 = vector.shape_cast %get3A_3269 : vector<16xf32> to vector<1x16xf32>
        tpu.vector_store %arg10[%swap3A_3272, %swap3A_3273], %swap3A_3276 {strides = array<i32>} : memref<16x1024xf32, #tpu.memory_space<vmem>>, vector<1x16xf32>,
        %get3A_3277 = arith.index_cast %sub3A_2891 : i32 to index
        %get3A_3278 = arith.constant 560 : index
        %get3A_3279 = tpu.vector_load %arg10[%get3A_3277, %get3A_3278] {strides = array<i32>} : memref<16x1024xf32, #tpu.memory_space<vmem>>, vector<1x16xf32>,
        %get3A_3280 = vector.shape_cast %get3A_3279 : vector<1x16xf32> to vector<16xf32>
        %add3A_3281 = arith.constant 1 : i32
        %add3A_3282 = arith.addi %sub3A_2891, %add3A_3281 : i32
        %swap3A_3283 = arith.index_cast %add3A_3282 : i32 to index
        %swap3A_3284 = arith.constant 560 : index
        %swap3A_3285 = tpu.vector_load %arg10[%swap3A_3283, %swap3A_3284] {strides = array<i32>} : memref<16x1024xf32, #tpu.memory_space<vmem>>, vector<1x16xf32>,
        %swap3A_3286 = vector.shape_cast %swap3A_3285 : vector<1x16xf32> to vector<16xf32>
        %swap3A_3287 = vector.shape_cast %get3A_3280 : vector<16xf32> to vector<1x16xf32>
        tpu.vector_store %arg10[%swap3A_3283, %swap3A_3284], %swap3A_3287 {strides = array<i32>} : memref<16x1024xf32, #tpu.memory_space<vmem>>, vector<1x16xf32>,
        %get3A_3288 = arith.index_cast %sub3A_2891 : i32 to index
        %get3A_3289 = arith.constant 576 : index
        %get3A_3290 = tpu.vector_load %arg10[%get3A_3288, %get3A_3289] {strides = array<i32>} : memref<16x1024xf32, #tpu.memory_space<vmem>>, vector<1x16xf32>,
        %get3A_3291 = vector.shape_cast %get3A_3290 : vector<1x16xf32> to vector<16xf32>
        %add3A_3292 = arith.constant 1 : i32
        %add3A_3293 = arith.addi %sub3A_2891, %add3A_3292 : i32
        %swap3A_3294 = arith.index_cast %add3A_3293 : i32 to index
        %swap3A_3295 = arith.constant 576 : index
        %swap3A_3296 = tpu.vector_load %arg10[%swap3A_3294, %swap3A_3295] {strides = array<i32>} : memref<16x1024xf32, #tpu.memory_space<vmem>>, vector<1x16xf32>,
        %swap3A_3297 = vector.shape_cast %swap3A_3296 : vector<1x16xf32> to vector<16xf32>
        %swap3A_3298 = vector.shape_cast %get3A_3291 : vector<16xf32> to vector<1x16xf32>
        tpu.vector_store %arg10[%swap3A_3294, %swap3A_3295], %swap3A_3298 {strides = array<i32>} : memref<16x1024xf32, #tpu.memory_space<vmem>>, vector<1x16xf32>,
        %get3A_3299 = arith.index_cast %sub3A_2891 : i32 to index
        %get3A_3300 = arith.constant 592 : index
        %get3A_3301 = tpu.vector_load %arg10[%get3A_3299, %get3A_3300] {strides = array<i32>} : memref<16x1024xf32, #tpu.memory_space<vmem>>, vector<1x16xf32>,
        %get3A_3302 = vector.shape_cast %get3A_3301 : vector<1x16xf32> to vector<16xf32>
        %add3A_3303 = arith.constant 1 : i32
        %add3A_3304 = arith.addi %sub3A_2891, %add3A_3303 : i32
        %swap3A_3305 = arith.index_cast %add3A_3304 : i32 to index
        %swap3A_3306 = arith.constant 592 : index
        %swap3A_3307 = tpu.vector_load %arg10[%swap3A_3305, %swap3A_3306] {strides = array<i32>} : memref<16x1024xf32, #tpu.memory_space<vmem>>, vector<1x16xf32>,
        %swap3A_3308 = vector.shape_cast %swap3A_3307 : vector<1x16xf32> to vector<16xf32>
        %swap3A_3309 = vector.shape_cast %get3A_3302 : vector<16xf32> to vector<1x16xf32>
        tpu.vector_store %arg10[%swap3A_3305, %swap3A_3306], %swap3A_3309 {strides = array<i32>} : memref<16x1024xf32, #tpu.memory_space<vmem>>, vector<1x16xf32>,
        %get3A_3310 = arith.index_cast %sub3A_2891 : i32 to index
        %get3A_3311 = arith.constant 608 : index
        %get3A_3312 = tpu.vector_load %arg10[%get3A_3310, %get3A_3311] {strides = array<i32>} : memref<16x1024xf32, #tpu.memory_space<vmem>>, vector<1x16xf32>,
        %get3A_3313 = vector.shape_cast %get3A_3312 : vector<1x16xf32> to vector<16xf32>
        %add3A_3314 = arith.constant 1 : i32
        %add3A_3315 = arith.addi %sub3A_2891, %add3A_3314 : i32
        %swap3A_3316 = arith.index_cast %add3A_3315 : i32 to index
        %swap3A_3317 = arith.constant 608 : index
        %swap3A_3318 = tpu.vector_load %arg10[%swap3A_3316, %swap3A_3317] {strides = array<i32>} : memref<16x1024xf32, #tpu.memory_space<vmem>>, vector<1x16xf32>,
        %swap3A_3319 = vector.shape_cast %swap3A_3318 : vector<1x16xf32> to vector<16xf32>
        %swap3A_3320 = vector.shape_cast %get3A_3313 : vector<16xf32> to vector<1x16xf32>
        tpu.vector_store %arg10[%swap3A_3316, %swap3A_3317], %swap3A_3320 {strides = array<i32>} : memref<16x1024xf32, #tpu.memory_space<vmem>>, vector<1x16xf32>,
        %get3A_3321 = arith.index_cast %sub3A_2891 : i32 to index
        %get3A_3322 = arith.constant 624 : index
        %get3A_3323 = tpu.vector_load %arg10[%get3A_3321, %get3A_3322] {strides = array<i32>} : memref<16x1024xf32, #tpu.memory_space<vmem>>, vector<1x16xf32>,
        %get3A_3324 = vector.shape_cast %get3A_3323 : vector<1x16xf32> to vector<16xf32>
        %add3A_3325 = arith.constant 1 : i32
        %add3A_3326 = arith.addi %sub3A_2891, %add3A_3325 : i32
        %swap3A_3327 = arith.index_cast %add3A_3326 : i32 to index
        %swap3A_3328 = arith.constant 624 : index
        %swap3A_3329 = tpu.vector_load %arg10[%swap3A_3327, %swap3A_3328] {strides = array<i32>} : memref<16x1024xf32, #tpu.memory_space<vmem>>, vector<1x16xf32>,
        %swap3A_3330 = vector.shape_cast %swap3A_3329 : vector<1x16xf32> to vector<16xf32>
        %swap3A_3331 = vector.shape_cast %get3A_3324 : vector<16xf32> to vector<1x16xf32>
        tpu.vector_store %arg10[%swap3A_3327, %swap3A_3328], %swap3A_3331 {strides = array<i32>} : memref<16x1024xf32, #tpu.memory_space<vmem>>, vector<1x16xf32>,
        %get3A_3332 = arith.index_cast %sub3A_2891 : i32 to index
        %get3A_3333 = arith.constant 640 : index
        %get3A_3334 = tpu.vector_load %arg10[%get3A_3332, %get3A_3333] {strides = array<i32>} : memref<16x1024xf32, #tpu.memory_space<vmem>>, vector<1x16xf32>,
        %get3A_3335 = vector.shape_cast %get3A_3334 : vector<1x16xf32> to vector<16xf32>
        %add3A_3336 = arith.constant 1 : i32
        %add3A_3337 = arith.addi %sub3A_2891, %add3A_3336 : i32
        %swap3A_3338 = arith.index_cast %add3A_3337 : i32 to index
        %swap3A_3339 = arith.constant 640 : index
        %swap3A_3340 = tpu.vector_load %arg10[%swap3A_3338, %swap3A_3339] {strides = array<i32>} : memref<16x1024xf32, #tpu.memory_space<vmem>>, vector<1x16xf32>,
        %swap3A_3341 = vector.shape_cast %swap3A_3340 : vector<1x16xf32> to vector<16xf32>
        %swap3A_3342 = vector.shape_cast %get3A_3335 : vector<16xf32> to vector<1x16xf32>
        tpu.vector_store %arg10[%swap3A_3338, %swap3A_3339], %swap3A_3342 {strides = array<i32>} : memref<16x1024xf32, #tpu.memory_space<vmem>>, vector<1x16xf32>,
        %get3A_3343 = arith.index_cast %sub3A_2891 : i32 to index
        %get3A_3344 = arith.constant 656 : index
        %get3A_3345 = tpu.vector_load %arg10[%get3A_3343, %get3A_3344] {strides = array<i32>} : memref<16x1024xf32, #tpu.memory_space<vmem>>, vector<1x16xf32>,
        %get3A_3346 = vector.shape_cast %get3A_3345 : vector<1x16xf32> to vector<16xf32>
        %add3A_3347 = arith.constant 1 : i32
        %add3A_3348 = arith.addi %sub3A_2891, %add3A_3347 : i32
        %swap3A_3349 = arith.index_cast %add3A_3348 : i32 to index
        %swap3A_3350 = arith.constant 656 : index
        %swap3A_3351 = tpu.vector_load %arg10[%swap3A_3349, %swap3A_3350] {strides = array<i32>} : memref<16x1024xf32, #tpu.memory_space<vmem>>, vector<1x16xf32>,
        %swap3A_3352 = vector.shape_cast %swap3A_3351 : vector<1x16xf32> to vector<16xf32>
        %swap3A_3353 = vector.shape_cast %get3A_3346 : vector<16xf32> to vector<1x16xf32>
        tpu.vector_store %arg10[%swap3A_3349, %swap3A_3350], %swap3A_3353 {strides = array<i32>} : memref<16x1024xf32, #tpu.memory_space<vmem>>, vector<1x16xf32>,
        %get3A_3354 = arith.index_cast %sub3A_2891 : i32 to index
        %get3A_3355 = arith.constant 672 : index
        %get3A_3356 = tpu.vector_load %arg10[%get3A_3354, %get3A_3355] {strides = array<i32>} : memref<16x1024xf32, #tpu.memory_space<vmem>>, vector<1x16xf32>,
        %get3A_3357 = vector.shape_cast %get3A_3356 : vector<1x16xf32> to vector<16xf32>
        %add3A_3358 = arith.constant 1 : i32
        %add3A_3359 = arith.addi %sub3A_2891, %add3A_3358 : i32
        %swap3A_3360 = arith.index_cast %add3A_3359 : i32 to index
        %swap3A_3361 = arith.constant 672 : index
        %swap3A_3362 = tpu.vector_load %arg10[%swap3A_3360, %swap3A_3361] {strides = array<i32>} : memref<16x1024xf32, #tpu.memory_space<vmem>>, vector<1x16xf32>,
        %swap3A_3363 = vector.shape_cast %swap3A_3362 : vector<1x16xf32> to vector<16xf32>
        %swap3A_3364 = vector.shape_cast %get3A_3357 : vector<16xf32> to vector<1x16xf32>
        tpu.vector_store %arg10[%swap3A_3360, %swap3A_3361], %swap3A_3364 {strides = array<i32>} : memref<16x1024xf32, #tpu.memory_space<vmem>>, vector<1x16xf32>,
        %get3A_3365 = arith.index_cast %sub3A_2891 : i32 to index
        %get3A_3366 = arith.constant 688 : index
        %get3A_3367 = tpu.vector_load %arg10[%get3A_3365, %get3A_3366] {strides = array<i32>} : memref<16x1024xf32, #tpu.memory_space<vmem>>, vector<1x16xf32>,
        %get3A_3368 = vector.shape_cast %get3A_3367 : vector<1x16xf32> to vector<16xf32>
        %add3A_3369 = arith.constant 1 : i32
        %add3A_3370 = arith.addi %sub3A_2891, %add3A_3369 : i32
        %swap3A_3371 = arith.index_cast %add3A_3370 : i32 to index
        %swap3A_3372 = arith.constant 688 : index
        %swap3A_3373 = tpu.vector_load %arg10[%swap3A_3371, %swap3A_3372] {strides = array<i32>} : memref<16x1024xf32, #tpu.memory_space<vmem>>, vector<1x16xf32>,
        %swap3A_3374 = vector.shape_cast %swap3A_3373 : vector<1x16xf32> to vector<16xf32>
        %swap3A_3375 = vector.shape_cast %get3A_3368 : vector<16xf32> to vector<1x16xf32>
        tpu.vector_store %arg10[%swap3A_3371, %swap3A_3372], %swap3A_3375 {strides = array<i32>} : memref<16x1024xf32, #tpu.memory_space<vmem>>, vector<1x16xf32>,
        %get3A_3376 = arith.index_cast %sub3A_2891 : i32 to index
        %get3A_3377 = arith.constant 704 : index
        %get3A_3378 = tpu.vector_load %arg10[%get3A_3376, %get3A_3377] {strides = array<i32>} : memref<16x1024xf32, #tpu.memory_space<vmem>>, vector<1x16xf32>,
        %get3A_3379 = vector.shape_cast %get3A_3378 : vector<1x16xf32> to vector<16xf32>
        %add3A_3380 = arith.constant 1 : i32
        %add3A_3381 = arith.addi %sub3A_2891, %add3A_3380 : i32
        %swap3A_3382 = arith.index_cast %add3A_3381 : i32 to index
        %swap3A_3383 = arith.constant 704 : index
        %swap3A_3384 = tpu.vector_load %arg10[%swap3A_3382, %swap3A_3383] {strides = array<i32>} : memref<16x1024xf32, #tpu.memory_space<vmem>>, vector<1x16xf32>,
        %swap3A_3385 = vector.shape_cast %swap3A_3384 : vector<1x16xf32> to vector<16xf32>
        %swap3A_3386 = vector.shape_cast %get3A_3379 : vector<16xf32> to vector<1x16xf32>
        tpu.vector_store %arg10[%swap3A_3382, %swap3A_3383], %swap3A_3386 {strides = array<i32>} : memref<16x1024xf32, #tpu.memory_space<vmem>>, vector<1x16xf32>,
        %get3A_3387 = arith.index_cast %sub3A_2891 : i32 to index
        %get3A_3388 = arith.constant 720 : index
        %get3A_3389 = tpu.vector_load %arg10[%get3A_3387, %get3A_3388] {strides = array<i32>} : memref<16x1024xf32, #tpu.memory_space<vmem>>, vector<1x16xf32>,
        %get3A_3390 = vector.shape_cast %get3A_3389 : vector<1x16xf32> to vector<16xf32>
        %add3A_3391 = arith.constant 1 : i32
        %add3A_3392 = arith.addi %sub3A_2891, %add3A_3391 : i32
        %swap3A_3393 = arith.index_cast %add3A_3392 : i32 to index
        %swap3A_3394 = arith.constant 720 : index
        %swap3A_3395 = tpu.vector_load %arg10[%swap3A_3393, %swap3A_3394] {strides = array<i32>} : memref<16x1024xf32, #tpu.memory_space<vmem>>, vector<1x16xf32>,
        %swap3A_3396 = vector.shape_cast %swap3A_3395 : vector<1x16xf32> to vector<16xf32>
        %swap3A_3397 = vector.shape_cast %get3A_3390 : vector<16xf32> to vector<1x16xf32>
        tpu.vector_store %arg10[%swap3A_3393, %swap3A_3394], %swap3A_3397 {strides = array<i32>} : memref<16x1024xf32, #tpu.memory_space<vmem>>, vector<1x16xf32>,
        %get3A_3398 = arith.index_cast %sub3A_2891 : i32 to index
        %get3A_3399 = arith.constant 736 : index
        %get3A_3400 = tpu.vector_load %arg10[%get3A_3398, %get3A_3399] {strides = array<i32>} : memref<16x1024xf32, #tpu.memory_space<vmem>>, vector<1x16xf32>,
        %get3A_3401 = vector.shape_cast %get3A_3400 : vector<1x16xf32> to vector<16xf32>
        %add3A_3402 = arith.constant 1 : i32
        %add3A_3403 = arith.addi %sub3A_2891, %add3A_3402 : i32
        %swap3A_3404 = arith.index_cast %add3A_3403 : i32 to index
        %swap3A_3405 = arith.constant 736 : index
        %swap3A_3406 = tpu.vector_load %arg10[%swap3A_3404, %swap3A_3405] {strides = array<i32>} : memref<16x1024xf32, #tpu.memory_space<vmem>>, vector<1x16xf32>,
        %swap3A_3407 = vector.shape_cast %swap3A_3406 : vector<1x16xf32> to vector<16xf32>
        %swap3A_3408 = vector.shape_cast %get3A_3401 : vector<16xf32> to vector<1x16xf32>
        tpu.vector_store %arg10[%swap3A_3404, %swap3A_3405], %swap3A_3408 {strides = array<i32>} : memref<16x1024xf32, #tpu.memory_space<vmem>>, vector<1x16xf32>,
        %get3A_3409 = arith.index_cast %sub3A_2891 : i32 to index
        %get3A_3410 = arith.constant 752 : index
        %get3A_3411 = tpu.vector_load %arg10[%get3A_3409, %get3A_3410] {strides = array<i32>} : memref<16x1024xf32, #tpu.memory_space<vmem>>, vector<1x16xf32>,
        %get3A_3412 = vector.shape_cast %get3A_3411 : vector<1x16xf32> to vector<16xf32>
        %add3A_3413 = arith.constant 1 : i32
        %add3A_3414 = arith.addi %sub3A_2891, %add3A_3413 : i32
        %swap3A_3415 = arith.index_cast %add3A_3414 : i32 to index
        %swap3A_3416 = arith.constant 752 : index
        %swap3A_3417 = tpu.vector_load %arg10[%swap3A_3415, %swap3A_3416] {strides = array<i32>} : memref<16x1024xf32, #tpu.memory_space<vmem>>, vector<1x16xf32>,
        %swap3A_3418 = vector.shape_cast %swap3A_3417 : vector<1x16xf32> to vector<16xf32>
        %swap3A_3419 = vector.shape_cast %get3A_3412 : vector<16xf32> to vector<1x16xf32>
        tpu.vector_store %arg10[%swap3A_3415, %swap3A_3416], %swap3A_3419 {strides = array<i32>} : memref<16x1024xf32, #tpu.memory_space<vmem>>, vector<1x16xf32>,
        %get3A_3420 = arith.index_cast %sub3A_2891 : i32 to index
        %get3A_3421 = arith.constant 768 : index
        %get3A_3422 = tpu.vector_load %arg10[%get3A_3420, %get3A_3421] {strides = array<i32>} : memref<16x1024xf32, #tpu.memory_space<vmem>>, vector<1x16xf32>,
        %get3A_3423 = vector.shape_cast %get3A_3422 : vector<1x16xf32> to vector<16xf32>
        %add3A_3424 = arith.constant 1 : i32
        %add3A_3425 = arith.addi %sub3A_2891, %add3A_3424 : i32
        %swap3A_3426 = arith.index_cast %add3A_3425 : i32 to index
        %swap3A_3427 = arith.constant 768 : index
        %swap3A_3428 = tpu.vector_load %arg10[%swap3A_3426, %swap3A_3427] {strides = array<i32>} : memref<16x1024xf32, #tpu.memory_space<vmem>>, vector<1x16xf32>,
        %swap3A_3429 = vector.shape_cast %swap3A_3428 : vector<1x16xf32> to vector<16xf32>
        %swap3A_3430 = vector.shape_cast %get3A_3423 : vector<16xf32> to vector<1x16xf32>
        tpu.vector_store %arg10[%swap3A_3426, %swap3A_3427], %swap3A_3430 {strides = array<i32>} : memref<16x1024xf32, #tpu.memory_space<vmem>>, vector<1x16xf32>,
        %get3A_3431 = arith.index_cast %sub3A_2891 : i32 to index
        %get3A_3432 = arith.constant 784 : index
        %get3A_3433 = tpu.vector_load %arg10[%get3A_3431, %get3A_3432] {strides = array<i32>} : memref<16x1024xf32, #tpu.memory_space<vmem>>, vector<1x16xf32>,
        %get3A_3434 = vector.shape_cast %get3A_3433 : vector<1x16xf32> to vector<16xf32>
        %add3A_3435 = arith.constant 1 : i32
        %add3A_3436 = arith.addi %sub3A_2891, %add3A_3435 : i32
        %swap3A_3437 = arith.index_cast %add3A_3436 : i32 to index
        %swap3A_3438 = arith.constant 784 : index
        %swap3A_3439 = tpu.vector_load %arg10[%swap3A_3437, %swap3A_3438] {strides = array<i32>} : memref<16x1024xf32, #tpu.memory_space<vmem>>, vector<1x16xf32>,
        %swap3A_3440 = vector.shape_cast %swap3A_3439 : vector<1x16xf32> to vector<16xf32>
        %swap3A_3441 = vector.shape_cast %get3A_3434 : vector<16xf32> to vector<1x16xf32>
        tpu.vector_store %arg10[%swap3A_3437, %swap3A_3438], %swap3A_3441 {strides = array<i32>} : memref<16x1024xf32, #tpu.memory_space<vmem>>, vector<1x16xf32>,
        %get3A_3442 = arith.index_cast %sub3A_2891 : i32 to index
        %get3A_3443 = arith.constant 800 : index
        %get3A_3444 = tpu.vector_load %arg10[%get3A_3442, %get3A_3443] {strides = array<i32>} : memref<16x1024xf32, #tpu.memory_space<vmem>>, vector<1x16xf32>,
        %get3A_3445 = vector.shape_cast %get3A_3444 : vector<1x16xf32> to vector<16xf32>
        %add3A_3446 = arith.constant 1 : i32
        %add3A_3447 = arith.addi %sub3A_2891, %add3A_3446 : i32
        %swap3A_3448 = arith.index_cast %add3A_3447 : i32 to index
        %swap3A_3449 = arith.constant 800 : index
        %swap3A_3450 = tpu.vector_load %arg10[%swap3A_3448, %swap3A_3449] {strides = array<i32>} : memref<16x1024xf32, #tpu.memory_space<vmem>>, vector<1x16xf32>,
        %swap3A_3451 = vector.shape_cast %swap3A_3450 : vector<1x16xf32> to vector<16xf32>
        %swap3A_3452 = vector.shape_cast %get3A_3445 : vector<16xf32> to vector<1x16xf32>
        tpu.vector_store %arg10[%swap3A_3448, %swap3A_3449], %swap3A_3452 {strides = array<i32>} : memref<16x1024xf32, #tpu.memory_space<vmem>>, vector<1x16xf32>,
        %get3A_3453 = arith.index_cast %sub3A_2891 : i32 to index
        %get3A_3454 = arith.constant 816 : index
        %get3A_3455 = tpu.vector_load %arg10[%get3A_3453, %get3A_3454] {strides = array<i32>} : memref<16x1024xf32, #tpu.memory_space<vmem>>, vector<1x16xf32>,
        %get3A_3456 = vector.shape_cast %get3A_3455 : vector<1x16xf32> to vector<16xf32>
        %add3A_3457 = arith.constant 1 : i32
        %add3A_3458 = arith.addi %sub3A_2891, %add3A_3457 : i32
        %swap3A_3459 = arith.index_cast %add3A_3458 : i32 to index
        %swap3A_3460 = arith.constant 816 : index
        %swap3A_3461 = tpu.vector_load %arg10[%swap3A_3459, %swap3A_3460] {strides = array<i32>} : memref<16x1024xf32, #tpu.memory_space<vmem>>, vector<1x16xf32>,
        %swap3A_3462 = vector.shape_cast %swap3A_3461 : vector<1x16xf32> to vector<16xf32>
        %swap3A_3463 = vector.shape_cast %get3A_3456 : vector<16xf32> to vector<1x16xf32>
        tpu.vector_store %arg10[%swap3A_3459, %swap3A_3460], %swap3A_3463 {strides = array<i32>} : memref<16x1024xf32, #tpu.memory_space<vmem>>, vector<1x16xf32>,
        %get3A_3464 = arith.index_cast %sub3A_2891 : i32 to index
        %get3A_3465 = arith.constant 832 : index
        %get3A_3466 = tpu.vector_load %arg10[%get3A_3464, %get3A_3465] {strides = array<i32>} : memref<16x1024xf32, #tpu.memory_space<vmem>>, vector<1x16xf32>,
        %get3A_3467 = vector.shape_cast %get3A_3466 : vector<1x16xf32> to vector<16xf32>
        %add3A_3468 = arith.constant 1 : i32
        %add3A_3469 = arith.addi %sub3A_2891, %add3A_3468 : i32
        %swap3A_3470 = arith.index_cast %add3A_3469 : i32 to index
        %swap3A_3471 = arith.constant 832 : index
        %swap3A_3472 = tpu.vector_load %arg10[%swap3A_3470, %swap3A_3471] {strides = array<i32>} : memref<16x1024xf32, #tpu.memory_space<vmem>>, vector<1x16xf32>,
        %swap3A_3473 = vector.shape_cast %swap3A_3472 : vector<1x16xf32> to vector<16xf32>
        %swap3A_3474 = vector.shape_cast %get3A_3467 : vector<16xf32> to vector<1x16xf32>
        tpu.vector_store %arg10[%swap3A_3470, %swap3A_3471], %swap3A_3474 {strides = array<i32>} : memref<16x1024xf32, #tpu.memory_space<vmem>>, vector<1x16xf32>,
        %get3A_3475 = arith.index_cast %sub3A_2891 : i32 to index
        %get3A_3476 = arith.constant 848 : index
        %get3A_3477 = tpu.vector_load %arg10[%get3A_3475, %get3A_3476] {strides = array<i32>} : memref<16x1024xf32, #tpu.memory_space<vmem>>, vector<1x16xf32>,
        %get3A_3478 = vector.shape_cast %get3A_3477 : vector<1x16xf32> to vector<16xf32>
        %add3A_3479 = arith.constant 1 : i32
        %add3A_3480 = arith.addi %sub3A_2891, %add3A_3479 : i32
        %swap3A_3481 = arith.index_cast %add3A_3480 : i32 to index
        %swap3A_3482 = arith.constant 848 : index
        %swap3A_3483 = tpu.vector_load %arg10[%swap3A_3481, %swap3A_3482] {strides = array<i32>} : memref<16x1024xf32, #tpu.memory_space<vmem>>, vector<1x16xf32>,
        %swap3A_3484 = vector.shape_cast %swap3A_3483 : vector<1x16xf32> to vector<16xf32>
        %swap3A_3485 = vector.shape_cast %get3A_3478 : vector<16xf32> to vector<1x16xf32>
        tpu.vector_store %arg10[%swap3A_3481, %swap3A_3482], %swap3A_3485 {strides = array<i32>} : memref<16x1024xf32, #tpu.memory_space<vmem>>, vector<1x16xf32>,
        %get3A_3486 = arith.index_cast %sub3A_2891 : i32 to index
        %get3A_3487 = arith.constant 864 : index
        %get3A_3488 = tpu.vector_load %arg10[%get3A_3486, %get3A_3487] {strides = array<i32>} : memref<16x1024xf32, #tpu.memory_space<vmem>>, vector<1x16xf32>,
        %get3A_3489 = vector.shape_cast %get3A_3488 : vector<1x16xf32> to vector<16xf32>
        %add3A_3490 = arith.constant 1 : i32
        %add3A_3491 = arith.addi %sub3A_2891, %add3A_3490 : i32
        %swap3A_3492 = arith.index_cast %add3A_3491 : i32 to index
        %swap3A_3493 = arith.constant 864 : index
        %swap3A_3494 = tpu.vector_load %arg10[%swap3A_3492, %swap3A_3493] {strides = array<i32>} : memref<16x1024xf32, #tpu.memory_space<vmem>>, vector<1x16xf32>,
        %swap3A_3495 = vector.shape_cast %swap3A_3494 : vector<1x16xf32> to vector<16xf32>
        %swap3A_3496 = vector.shape_cast %get3A_3489 : vector<16xf32> to vector<1x16xf32>
        tpu.vector_store %arg10[%swap3A_3492, %swap3A_3493], %swap3A_3496 {strides = array<i32>} : memref<16x1024xf32, #tpu.memory_space<vmem>>, vector<1x16xf32>,
        %get3A_3497 = arith.index_cast %sub3A_2891 : i32 to index
        %get3A_3498 = arith.constant 880 : index
        %get3A_3499 = tpu.vector_load %arg10[%get3A_3497, %get3A_3498] {strides = array<i32>} : memref<16x1024xf32, #tpu.memory_space<vmem>>, vector<1x16xf32>,
        %get3A_3500 = vector.shape_cast %get3A_3499 : vector<1x16xf32> to vector<16xf32>
        %add3A_3501 = arith.constant 1 : i32
        %add3A_3502 = arith.addi %sub3A_2891, %add3A_3501 : i32
        %swap3A_3503 = arith.index_cast %add3A_3502 : i32 to index
        %swap3A_3504 = arith.constant 880 : index
        %swap3A_3505 = tpu.vector_load %arg10[%swap3A_3503, %swap3A_3504] {strides = array<i32>} : memref<16x1024xf32, #tpu.memory_space<vmem>>, vector<1x16xf32>,
        %swap3A_3506 = vector.shape_cast %swap3A_3505 : vector<1x16xf32> to vector<16xf32>
        %swap3A_3507 = vector.shape_cast %get3A_3500 : vector<16xf32> to vector<1x16xf32>
        tpu.vector_store %arg10[%swap3A_3503, %swap3A_3504], %swap3A_3507 {strides = array<i32>} : memref<16x1024xf32, #tpu.memory_space<vmem>>, vector<1x16xf32>,
        %get3A_3508 = arith.index_cast %sub3A_2891 : i32 to index
        %get3A_3509 = arith.constant 896 : index
        %get3A_3510 = tpu.vector_load %arg10[%get3A_3508, %get3A_3509] {strides = array<i32>} : memref<16x1024xf32, #tpu.memory_space<vmem>>, vector<1x16xf32>,
        %get3A_3511 = vector.shape_cast %get3A_3510 : vector<1x16xf32> to vector<16xf32>
        %add3A_3512 = arith.constant 1 : i32
        %add3A_3513 = arith.addi %sub3A_2891, %add3A_3512 : i32
        %swap3A_3514 = arith.index_cast %add3A_3513 : i32 to index
        %swap3A_3515 = arith.constant 896 : index
        %swap3A_3516 = tpu.vector_load %arg10[%swap3A_3514, %swap3A_3515] {strides = array<i32>} : memref<16x1024xf32, #tpu.memory_space<vmem>>, vector<1x16xf32>,
        %swap3A_3517 = vector.shape_cast %swap3A_3516 : vector<1x16xf32> to vector<16xf32>
        %swap3A_3518 = vector.shape_cast %get3A_3511 : vector<16xf32> to vector<1x16xf32>
        tpu.vector_store %arg10[%swap3A_3514, %swap3A_3515], %swap3A_3518 {strides = array<i32>} : memref<16x1024xf32, #tpu.memory_space<vmem>>, vector<1x16xf32>,
        %get3A_3519 = arith.index_cast %sub3A_2891 : i32 to index
        %get3A_3520 = arith.constant 912 : index
        %get3A_3521 = tpu.vector_load %arg10[%get3A_3519, %get3A_3520] {strides = array<i32>} : memref<16x1024xf32, #tpu.memory_space<vmem>>, vector<1x16xf32>,
        %get3A_3522 = vector.shape_cast %get3A_3521 : vector<1x16xf32> to vector<16xf32>
        %add3A_3523 = arith.constant 1 : i32
        %add3A_3524 = arith.addi %sub3A_2891, %add3A_3523 : i32
        %swap3A_3525 = arith.index_cast %add3A_3524 : i32 to index
        %swap3A_3526 = arith.constant 912 : index
        %swap3A_3527 = tpu.vector_load %arg10[%swap3A_3525, %swap3A_3526] {strides = array<i32>} : memref<16x1024xf32, #tpu.memory_space<vmem>>, vector<1x16xf32>,
        %swap3A_3528 = vector.shape_cast %swap3A_3527 : vector<1x16xf32> to vector<16xf32>
        %swap3A_3529 = vector.shape_cast %get3A_3522 : vector<16xf32> to vector<1x16xf32>
        tpu.vector_store %arg10[%swap3A_3525, %swap3A_3526], %swap3A_3529 {strides = array<i32>} : memref<16x1024xf32, #tpu.memory_space<vmem>>, vector<1x16xf32>,
        %get3A_3530 = arith.index_cast %sub3A_2891 : i32 to index
        %get3A_3531 = arith.constant 928 : index
        %get3A_3532 = tpu.vector_load %arg10[%get3A_3530, %get3A_3531] {strides = array<i32>} : memref<16x1024xf32, #tpu.memory_space<vmem>>, vector<1x16xf32>,
        %get3A_3533 = vector.shape_cast %get3A_3532 : vector<1x16xf32> to vector<16xf32>
        %add3A_3534 = arith.constant 1 : i32
        %add3A_3535 = arith.addi %sub3A_2891, %add3A_3534 : i32
        %swap3A_3536 = arith.index_cast %add3A_3535 : i32 to index
        %swap3A_3537 = arith.constant 928 : index
        %swap3A_3538 = tpu.vector_load %arg10[%swap3A_3536, %swap3A_3537] {strides = array<i32>} : memref<16x1024xf32, #tpu.memory_space<vmem>>, vector<1x16xf32>,
        %swap3A_3539 = vector.shape_cast %swap3A_3538 : vector<1x16xf32> to vector<16xf32>
        %swap3A_3540 = vector.shape_cast %get3A_3533 : vector<16xf32> to vector<1x16xf32>
        tpu.vector_store %arg10[%swap3A_3536, %swap3A_3537], %swap3A_3540 {strides = array<i32>} : memref<16x1024xf32, #tpu.memory_space<vmem>>, vector<1x16xf32>,
        %get3A_3541 = arith.index_cast %sub3A_2891 : i32 to index
        %get3A_3542 = arith.constant 944 : index
        %get3A_3543 = tpu.vector_load %arg10[%get3A_3541, %get3A_3542] {strides = array<i32>} : memref<16x1024xf32, #tpu.memory_space<vmem>>, vector<1x16xf32>,
        %get3A_3544 = vector.shape_cast %get3A_3543 : vector<1x16xf32> to vector<16xf32>
        %add3A_3545 = arith.constant 1 : i32
        %add3A_3546 = arith.addi %sub3A_2891, %add3A_3545 : i32
        %swap3A_3547 = arith.index_cast %add3A_3546 : i32 to index
        %swap3A_3548 = arith.constant 944 : index
        %swap3A_3549 = tpu.vector_load %arg10[%swap3A_3547, %swap3A_3548] {strides = array<i32>} : memref<16x1024xf32, #tpu.memory_space<vmem>>, vector<1x16xf32>,
        %swap3A_3550 = vector.shape_cast %swap3A_3549 : vector<1x16xf32> to vector<16xf32>
        %swap3A_3551 = vector.shape_cast %get3A_3544 : vector<16xf32> to vector<1x16xf32>
        tpu.vector_store %arg10[%swap3A_3547, %swap3A_3548], %swap3A_3551 {strides = array<i32>} : memref<16x1024xf32, #tpu.memory_space<vmem>>, vector<1x16xf32>,
        %get3A_3552 = arith.index_cast %sub3A_2891 : i32 to index
        %get3A_3553 = arith.constant 960 : index
        %get3A_3554 = tpu.vector_load %arg10[%get3A_3552, %get3A_3553] {strides = array<i32>} : memref<16x1024xf32, #tpu.memory_space<vmem>>, vector<1x16xf32>,
        %get3A_3555 = vector.shape_cast %get3A_3554 : vector<1x16xf32> to vector<16xf32>
        %add3A_3556 = arith.constant 1 : i32
        %add3A_3557 = arith.addi %sub3A_2891, %add3A_3556 : i32
        %swap3A_3558 = arith.index_cast %add3A_3557 : i32 to index
        %swap3A_3559 = arith.constant 960 : index
        %swap3A_3560 = tpu.vector_load %arg10[%swap3A_3558, %swap3A_3559] {strides = array<i32>} : memref<16x1024xf32, #tpu.memory_space<vmem>>, vector<1x16xf32>,
        %swap3A_3561 = vector.shape_cast %swap3A_3560 : vector<1x16xf32> to vector<16xf32>
        %swap3A_3562 = vector.shape_cast %get3A_3555 : vector<16xf32> to vector<1x16xf32>
        tpu.vector_store %arg10[%swap3A_3558, %swap3A_3559], %swap3A_3562 {strides = array<i32>} : memref<16x1024xf32, #tpu.memory_space<vmem>>, vector<1x16xf32>,
        %get3A_3563 = arith.index_cast %sub3A_2891 : i32 to index
        %get3A_3564 = arith.constant 976 : index
        %get3A_3565 = tpu.vector_load %arg10[%get3A_3563, %get3A_3564] {strides = array<i32>} : memref<16x1024xf32, #tpu.memory_space<vmem>>, vector<1x16xf32>,
        %get3A_3566 = vector.shape_cast %get3A_3565 : vector<1x16xf32> to vector<16xf32>
        %add3A_3567 = arith.constant 1 : i32
        %add3A_3568 = arith.addi %sub3A_2891, %add3A_3567 : i32
        %swap3A_3569 = arith.index_cast %add3A_3568 : i32 to index
        %swap3A_3570 = arith.constant 976 : index
        %swap3A_3571 = tpu.vector_load %arg10[%swap3A_3569, %swap3A_3570] {strides = array<i32>} : memref<16x1024xf32, #tpu.memory_space<vmem>>, vector<1x16xf32>,
        %swap3A_3572 = vector.shape_cast %swap3A_3571 : vector<1x16xf32> to vector<16xf32>
        %swap3A_3573 = vector.shape_cast %get3A_3566 : vector<16xf32> to vector<1x16xf32>
        tpu.vector_store %arg10[%swap3A_3569, %swap3A_3570], %swap3A_3573 {strides = array<i32>} : memref<16x1024xf32, #tpu.memory_space<vmem>>, vector<1x16xf32>,
        %get3A_3574 = arith.index_cast %sub3A_2891 : i32 to index
        %get3A_3575 = arith.constant 992 : index
        %get3A_3576 = tpu.vector_load %arg10[%get3A_3574, %get3A_3575] {strides = array<i32>} : memref<16x1024xf32, #tpu.memory_space<vmem>>, vector<1x16xf32>,
        %get3A_3577 = vector.shape_cast %get3A_3576 : vector<1x16xf32> to vector<16xf32>
        %add3A_3578 = arith.constant 1 : i32
        %add3A_3579 = arith.addi %sub3A_2891, %add3A_3578 : i32
        %swap3A_3580 = arith.index_cast %add3A_3579 : i32 to index
        %swap3A_3581 = arith.constant 992 : index
        %swap3A_3582 = tpu.vector_load %arg10[%swap3A_3580, %swap3A_3581] {strides = array<i32>} : memref<16x1024xf32, #tpu.memory_space<vmem>>, vector<1x16xf32>,
        %swap3A_3583 = vector.shape_cast %swap3A_3582 : vector<1x16xf32> to vector<16xf32>
        %swap3A_3584 = vector.shape_cast %get3A_3577 : vector<16xf32> to vector<1x16xf32>
        tpu.vector_store %arg10[%swap3A_3580, %swap3A_3581], %swap3A_3584 {strides = array<i32>} : memref<16x1024xf32, #tpu.memory_space<vmem>>, vector<1x16xf32>,
        %get3A_3585 = arith.index_cast %sub3A_2891 : i32 to index
        %get3A_3586 = arith.constant 1008 : index
        %get3A_3587 = tpu.vector_load %arg10[%get3A_3585, %get3A_3586] {strides = array<i32>} : memref<16x1024xf32, #tpu.memory_space<vmem>>, vector<1x16xf32>,
        %get3A_3588 = vector.shape_cast %get3A_3587 : vector<1x16xf32> to vector<16xf32>
        %add3A_3589 = arith.constant 1 : i32
        %add3A_3590 = arith.addi %sub3A_2891, %add3A_3589 : i32
        %swap3A_3591 = arith.index_cast %add3A_3590 : i32 to index
        %swap3A_3592 = arith.constant 1008 : index
        %swap3A_3593 = tpu.vector_load %arg10[%swap3A_3591, %swap3A_3592] {strides = array<i32>} : memref<16x1024xf32, #tpu.memory_space<vmem>>, vector<1x16xf32>,
        %swap3A_3594 = vector.shape_cast %swap3A_3593 : vector<1x16xf32> to vector<16xf32>
        %swap3A_3595 = vector.shape_cast %get3A_3588 : vector<16xf32> to vector<1x16xf32>
        tpu.vector_store %arg10[%swap3A_3591, %swap3A_3592], %swap3A_3595 {strides = array<i32>} : memref<16x1024xf32, #tpu.memory_space<vmem>>, vector<1x16xf32>,
      }
      %scan3A_2185 = arith.constant 15 : i32
      %get3A_2186 = arith.constant 0 : i32
      %get3A_2187 = arith.index_cast %get3A_2186 : i32 to index
      %get3A_2188 = arith.constant 0 : index
      %get3A_2189 = tpu.vector_load %arg9[%get3A_2187, %get3A_2188] {strides = array<i32>} : memref<32x1024xf32, #tpu.memory_space<vmem>>, vector<1x16xf32>,
      %get3A_2190 = vector.shape_cast %get3A_2189 : vector<1x16xf32> to vector<16xf32>
      %swap3A_2191 = arith.constant 0 : i32
      %swap3A_2192 = arith.index_cast %swap3A_2191 : i32 to index
      %swap3A_2193 = arith.constant 0 : index
      %swap3A_2194 = tpu.vector_load %arg10[%swap3A_2192, %swap3A_2193] {strides = array<i32>} : memref<16x1024xf32, #tpu.memory_space<vmem>>, vector<1x16xf32>,
      %swap3A_2195 = vector.shape_cast %swap3A_2194 : vector<1x16xf32> to vector<16xf32>
      %swap3A_2196 = vector.shape_cast %get3A_2190 : vector<16xf32> to vector<1x16xf32>
      tpu.vector_store %arg10[%swap3A_2192, %swap3A_2193], %swap3A_2196 {strides = array<i32>} : memref<16x1024xf32, #tpu.memory_space<vmem>>, vector<1x16xf32>,
      %get3A_2197 = arith.constant 0 : i32
      %get3A_2198 = arith.index_cast %get3A_2197 : i32 to index
      %get3A_2199 = arith.constant 16 : index
      %get3A_2200 = tpu.vector_load %arg9[%get3A_2198, %get3A_2199] {strides = array<i32>} : memref<32x1024xf32, #tpu.memory_space<vmem>>, vector<1x16xf32>,
      %get3A_2201 = vector.shape_cast %get3A_2200 : vector<1x16xf32> to vector<16xf32>
      %swap3A_2202 = arith.constant 0 : i32
      %swap3A_2203 = arith.index_cast %swap3A_2202 : i32 to index
      %swap3A_2204 = arith.constant 16 : index
      %swap3A_2205 = tpu.vector_load %arg10[%swap3A_2203, %swap3A_2204] {strides = array<i32>} : memref<16x1024xf32, #tpu.memory_space<vmem>>, vector<1x16xf32>,
      %swap3A_2206 = vector.shape_cast %swap3A_2205 : vector<1x16xf32> to vector<16xf32>
      %swap3A_2207 = vector.shape_cast %get3A_2201 : vector<16xf32> to vector<1x16xf32>
      tpu.vector_store %arg10[%swap3A_2203, %swap3A_2204], %swap3A_2207 {strides = array<i32>} : memref<16x1024xf32, #tpu.memory_space<vmem>>, vector<1x16xf32>,
      %get3A_2208 = arith.constant 0 : i32
      %get3A_2209 = arith.index_cast %get3A_2208 : i32 to index
      %get3A_2210 = arith.constant 32 : index
      %get3A_2211 = tpu.vector_load %arg9[%get3A_2209, %get3A_2210] {strides = array<i32>} : memref<32x1024xf32, #tpu.memory_space<vmem>>, vector<1x16xf32>,
      %get3A_2212 = vector.shape_cast %get3A_2211 : vector<1x16xf32> to vector<16xf32>
      %swap3A_2213 = arith.constant 0 : i32
      %swap3A_2214 = arith.index_cast %swap3A_2213 : i32 to index
      %swap3A_2215 = arith.constant 32 : index
      %swap3A_2216 = tpu.vector_load %arg10[%swap3A_2214, %swap3A_2215] {strides = array<i32>} : memref<16x1024xf32, #tpu.memory_space<vmem>>, vector<1x16xf32>,
      %swap3A_2217 = vector.shape_cast %swap3A_2216 : vector<1x16xf32> to vector<16xf32>
      %swap3A_2218 = vector.shape_cast %get3A_2212 : vector<16xf32> to vector<1x16xf32>
      tpu.vector_store %arg10[%swap3A_2214, %swap3A_2215], %swap3A_2218 {strides = array<i32>} : memref<16x1024xf32, #tpu.memory_space<vmem>>, vector<1x16xf32>,
      %get3A_2219 = arith.constant 0 : i32
      %get3A_2220 = arith.index_cast %get3A_2219 : i32 to index
      %get3A_2221 = arith.constant 48 : index
      %get3A_2222 = tpu.vector_load %arg9[%get3A_2220, %get3A_2221] {strides = array<i32>} : memref<32x1024xf32, #tpu.memory_space<vmem>>, vector<1x16xf32>,
      %get3A_2223 = vector.shape_cast %get3A_2222 : vector<1x16xf32> to vector<16xf32>
      %swap3A_2224 = arith.constant 0 : i32
      %swap3A_2225 = arith.index_cast %swap3A_2224 : i32 to index
      %swap3A_2226 = arith.constant 48 : index
      %swap3A_2227 = tpu.vector_load %arg10[%swap3A_2225, %swap3A_2226] {strides = array<i32>} : memref<16x1024xf32, #tpu.memory_space<vmem>>, vector<1x16xf32>,
      %swap3A_2228 = vector.shape_cast %swap3A_2227 : vector<1x16xf32> to vector<16xf32>
      %swap3A_2229 = vector.shape_cast %get3A_2223 : vector<16xf32> to vector<1x16xf32>
      tpu.vector_store %arg10[%swap3A_2225, %swap3A_2226], %swap3A_2229 {strides = array<i32>} : memref<16x1024xf32, #tpu.memory_space<vmem>>, vector<1x16xf32>,
      %get3A_2230 = arith.constant 0 : i32
      %get3A_2231 = arith.index_cast %get3A_2230 : i32 to index
      %get3A_2232 = arith.constant 64 : index
      %get3A_2233 = tpu.vector_load %arg9[%get3A_2231, %get3A_2232] {strides = array<i32>} : memref<32x1024xf32, #tpu.memory_space<vmem>>, vector<1x16xf32>,
      %get3A_2234 = vector.shape_cast %get3A_2233 : vector<1x16xf32> to vector<16xf32>
      %swap3A_2235 = arith.constant 0 : i32
      %swap3A_2236 = arith.index_cast %swap3A_2235 : i32 to index
      %swap3A_2237 = arith.constant 64 : index
      %swap3A_2238 = tpu.vector_load %arg10[%swap3A_2236, %swap3A_2237] {strides = array<i32>} : memref<16x1024xf32, #tpu.memory_space<vmem>>, vector<1x16xf32>,
      %swap3A_2239 = vector.shape_cast %swap3A_2238 : vector<1x16xf32> to vector<16xf32>
      %swap3A_2240 = vector.shape_cast %get3A_2234 : vector<16xf32> to vector<1x16xf32>
      tpu.vector_store %arg10[%swap3A_2236, %swap3A_2237], %swap3A_2240 {strides = array<i32>} : memref<16x1024xf32, #tpu.memory_space<vmem>>, vector<1x16xf32>,
      %get3A_2241 = arith.constant 0 : i32
      %get3A_2242 = arith.index_cast %get3A_2241 : i32 to index
      %get3A_2243 = arith.constant 80 : index
      %get3A_2244 = tpu.vector_load %arg9[%get3A_2242, %get3A_2243] {strides = array<i32>} : memref<32x1024xf32, #tpu.memory_space<vmem>>, vector<1x16xf32>,
      %get3A_2245 = vector.shape_cast %get3A_2244 : vector<1x16xf32> to vector<16xf32>
      %swap3A_2246 = arith.constant 0 : i32
      %swap3A_2247 = arith.index_cast %swap3A_2246 : i32 to index
      %swap3A_2248 = arith.constant 80 : index
      %swap3A_2249 = tpu.vector_load %arg10[%swap3A_2247, %swap3A_2248] {strides = array<i32>} : memref<16x1024xf32, #tpu.memory_space<vmem>>, vector<1x16xf32>,
      %swap3A_2250 = vector.shape_cast %swap3A_2249 : vector<1x16xf32> to vector<16xf32>
      %swap3A_2251 = vector.shape_cast %get3A_2245 : vector<16xf32> to vector<1x16xf32>
      tpu.vector_store %arg10[%swap3A_2247, %swap3A_2248], %swap3A_2251 {strides = array<i32>} : memref<16x1024xf32, #tpu.memory_space<vmem>>, vector<1x16xf32>,
      %get3A_2252 = arith.constant 0 : i32
      %get3A_2253 = arith.index_cast %get3A_2252 : i32 to index
      %get3A_2254 = arith.constant 96 : index
      %get3A_2255 = tpu.vector_load %arg9[%get3A_2253, %get3A_2254] {strides = array<i32>} : memref<32x1024xf32, #tpu.memory_space<vmem>>, vector<1x16xf32>,
      %get3A_2256 = vector.shape_cast %get3A_2255 : vector<1x16xf32> to vector<16xf32>
      %swap3A_2257 = arith.constant 0 : i32
      %swap3A_2258 = arith.index_cast %swap3A_2257 : i32 to index
      %swap3A_2259 = arith.constant 96 : index
      %swap3A_2260 = tpu.vector_load %arg10[%swap3A_2258, %swap3A_2259] {strides = array<i32>} : memref<16x1024xf32, #tpu.memory_space<vmem>>, vector<1x16xf32>,
      %swap3A_2261 = vector.shape_cast %swap3A_2260 : vector<1x16xf32> to vector<16xf32>
      %swap3A_2262 = vector.shape_cast %get3A_2256 : vector<16xf32> to vector<1x16xf32>
      tpu.vector_store %arg10[%swap3A_2258, %swap3A_2259], %swap3A_2262 {strides = array<i32>} : memref<16x1024xf32, #tpu.memory_space<vmem>>, vector<1x16xf32>,
      %get3A_2263 = arith.constant 0 : i32
      %get3A_2264 = arith.index_cast %get3A_2263 : i32 to index
      %get3A_2265 = arith.constant 112 : index
      %get3A_2266 = tpu.vector_load %arg9[%get3A_2264, %get3A_2265] {strides = array<i32>} : memref<32x1024xf32, #tpu.memory_space<vmem>>, vector<1x16xf32>,
      %get3A_2267 = vector.shape_cast %get3A_2266 : vector<1x16xf32> to vector<16xf32>
      %swap3A_2268 = arith.constant 0 : i32
      %swap3A_2269 = arith.index_cast %swap3A_2268 : i32 to index
      %swap3A_2270 = arith.constant 112 : index
      %swap3A_2271 = tpu.vector_load %arg10[%swap3A_2269, %swap3A_2270] {strides = array<i32>} : memref<16x1024xf32, #tpu.memory_space<vmem>>, vector<1x16xf32>,
      %swap3A_2272 = vector.shape_cast %swap3A_2271 : vector<1x16xf32> to vector<16xf32>
      %swap3A_2273 = vector.shape_cast %get3A_2267 : vector<16xf32> to vector<1x16xf32>
      tpu.vector_store %arg10[%swap3A_2269, %swap3A_2270], %swap3A_2273 {strides = array<i32>} : memref<16x1024xf32, #tpu.memory_space<vmem>>, vector<1x16xf32>,
      %get3A_2274 = arith.constant 0 : i32
      %get3A_2275 = arith.index_cast %get3A_2274 : i32 to index
      %get3A_2276 = arith.constant 128 : index
      %get3A_2277 = tpu.vector_load %arg9[%get3A_2275, %get3A_2276] {strides = array<i32>} : memref<32x1024xf32, #tpu.memory_space<vmem>>, vector<1x16xf32>,
      %get3A_2278 = vector.shape_cast %get3A_2277 : vector<1x16xf32> to vector<16xf32>
      %swap3A_2279 = arith.constant 0 : i32
      %swap3A_2280 = arith.index_cast %swap3A_2279 : i32 to index
      %swap3A_2281 = arith.constant 128 : index
      %swap3A_2282 = tpu.vector_load %arg10[%swap3A_2280, %swap3A_2281] {strides = array<i32>} : memref<16x1024xf32, #tpu.memory_space<vmem>>, vector<1x16xf32>,
      %swap3A_2283 = vector.shape_cast %swap3A_2282 : vector<1x16xf32> to vector<16xf32>
      %swap3A_2284 = vector.shape_cast %get3A_2278 : vector<16xf32> to vector<1x16xf32>
      tpu.vector_store %arg10[%swap3A_2280, %swap3A_2281], %swap3A_2284 {strides = array<i32>} : memref<16x1024xf32, #tpu.memory_space<vmem>>, vector<1x16xf32>,
      %get3A_2285 = arith.constant 0 : i32
      %get3A_2286 = arith.index_cast %get3A_2285 : i32 to index
      %get3A_2287 = arith.constant 144 : index
      %get3A_2288 = tpu.vector_load %arg9[%get3A_2286, %get3A_2287] {strides = array<i32>} : memref<32x1024xf32, #tpu.memory_space<vmem>>, vector<1x16xf32>,
      %get3A_2289 = vector.shape_cast %get3A_2288 : vector<1x16xf32> to vector<16xf32>
      %swap3A_2290 = arith.constant 0 : i32
      %swap3A_2291 = arith.index_cast %swap3A_2290 : i32 to index
      %swap3A_2292 = arith.constant 144 : index
      %swap3A_2293 = tpu.vector_load %arg10[%swap3A_2291, %swap3A_2292] {strides = array<i32>} : memref<16x1024xf32, #tpu.memory_space<vmem>>, vector<1x16xf32>,
      %swap3A_2294 = vector.shape_cast %swap3A_2293 : vector<1x16xf32> to vector<16xf32>
      %swap3A_2295 = vector.shape_cast %get3A_2289 : vector<16xf32> to vector<1x16xf32>
      tpu.vector_store %arg10[%swap3A_2291, %swap3A_2292], %swap3A_2295 {strides = array<i32>} : memref<16x1024xf32, #tpu.memory_space<vmem>>, vector<1x16xf32>,
      %get3A_2296 = arith.constant 0 : i32
      %get3A_2297 = arith.index_cast %get3A_2296 : i32 to index
      %get3A_2298 = arith.constant 160 : index
      %get3A_2299 = tpu.vector_load %arg9[%get3A_2297, %get3A_2298] {strides = array<i32>} : memref<32x1024xf32, #tpu.memory_space<vmem>>, vector<1x16xf32>,
      %get3A_2300 = vector.shape_cast %get3A_2299 : vector<1x16xf32> to vector<16xf32>
      %swap3A_2301 = arith.constant 0 : i32
      %swap3A_2302 = arith.index_cast %swap3A_2301 : i32 to index
      %swap3A_2303 = arith.constant 160 : index
      %swap3A_2304 = tpu.vector_load %arg10[%swap3A_2302, %swap3A_2303] {strides = array<i32>} : memref<16x1024xf32, #tpu.memory_space<vmem>>, vector<1x16xf32>,
      %swap3A_2305 = vector.shape_cast %swap3A_2304 : vector<1x16xf32> to vector<16xf32>
      %swap3A_2306 = vector.shape_cast %get3A_2300 : vector<16xf32> to vector<1x16xf32>
      tpu.vector_store %arg10[%swap3A_2302, %swap3A_2303], %swap3A_2306 {strides = array<i32>} : memref<16x1024xf32, #tpu.memory_space<vmem>>, vector<1x16xf32>,
      %get3A_2307 = arith.constant 0 : i32
      %get3A_2308 = arith.index_cast %get3A_2307 : i32 to index
      %get3A_2309 = arith.constant 176 : index
      %get3A_2310 = tpu.vector_load %arg9[%get3A_2308, %get3A_2309] {strides = array<i32>} : memref<32x1024xf32, #tpu.memory_space<vmem>>, vector<1x16xf32>,
      %get3A_2311 = vector.shape_cast %get3A_2310 : vector<1x16xf32> to vector<16xf32>
      %swap3A_2312 = arith.constant 0 : i32
      %swap3A_2313 = arith.index_cast %swap3A_2312 : i32 to index
      %swap3A_2314 = arith.constant 176 : index
      %swap3A_2315 = tpu.vector_load %arg10[%swap3A_2313, %swap3A_2314] {strides = array<i32>} : memref<16x1024xf32, #tpu.memory_space<vmem>>, vector<1x16xf32>,
      %swap3A_2316 = vector.shape_cast %swap3A_2315 : vector<1x16xf32> to vector<16xf32>
      %swap3A_2317 = vector.shape_cast %get3A_2311 : vector<16xf32> to vector<1x16xf32>
      tpu.vector_store %arg10[%swap3A_2313, %swap3A_2314], %swap3A_2317 {strides = array<i32>} : memref<16x1024xf32, #tpu.memory_space<vmem>>, vector<1x16xf32>,
      %get3A_2318 = arith.constant 0 : i32
      %get3A_2319 = arith.index_cast %get3A_2318 : i32 to index
      %get3A_2320 = arith.constant 192 : index
      %get3A_2321 = tpu.vector_load %arg9[%get3A_2319, %get3A_2320] {strides = array<i32>} : memref<32x1024xf32, #tpu.memory_space<vmem>>, vector<1x16xf32>,
      %get3A_2322 = vector.shape_cast %get3A_2321 : vector<1x16xf32> to vector<16xf32>
      %swap3A_2323 = arith.constant 0 : i32
      %swap3A_2324 = arith.index_cast %swap3A_2323 : i32 to index
      %swap3A_2325 = arith.constant 192 : index
      %swap3A_2326 = tpu.vector_load %arg10[%swap3A_2324, %swap3A_2325] {strides = array<i32>} : memref<16x1024xf32, #tpu.memory_space<vmem>>, vector<1x16xf32>,
      %swap3A_2327 = vector.shape_cast %swap3A_2326 : vector<1x16xf32> to vector<16xf32>
      %swap3A_2328 = vector.shape_cast %get3A_2322 : vector<16xf32> to vector<1x16xf32>
      tpu.vector_store %arg10[%swap3A_2324, %swap3A_2325], %swap3A_2328 {strides = array<i32>} : memref<16x1024xf32, #tpu.memory_space<vmem>>, vector<1x16xf32>,
      %get3A_2329 = arith.constant 0 : i32
      %get3A_2330 = arith.index_cast %get3A_2329 : i32 to index
      %get3A_2331 = arith.constant 208 : index
      %get3A_2332 = tpu.vector_load %arg9[%get3A_2330, %get3A_2331] {strides = array<i32>} : memref<32x1024xf32, #tpu.memory_space<vmem>>, vector<1x16xf32>,
      %get3A_2333 = vector.shape_cast %get3A_2332 : vector<1x16xf32> to vector<16xf32>
      %swap3A_2334 = arith.constant 0 : i32
      %swap3A_2335 = arith.index_cast %swap3A_2334 : i32 to index
      %swap3A_2336 = arith.constant 208 : index
      %swap3A_2337 = tpu.vector_load %arg10[%swap3A_2335, %swap3A_2336] {strides = array<i32>} : memref<16x1024xf32, #tpu.memory_space<vmem>>, vector<1x16xf32>,
      %swap3A_2338 = vector.shape_cast %swap3A_2337 : vector<1x16xf32> to vector<16xf32>
      %swap3A_2339 = vector.shape_cast %get3A_2333 : vector<16xf32> to vector<1x16xf32>
      tpu.vector_store %arg10[%swap3A_2335, %swap3A_2336], %swap3A_2339 {strides = array<i32>} : memref<16x1024xf32, #tpu.memory_space<vmem>>, vector<1x16xf32>,
      %get3A_2340 = arith.constant 0 : i32
      %get3A_2341 = arith.index_cast %get3A_2340 : i32 to index
      %get3A_2342 = arith.constant 224 : index
      %get3A_2343 = tpu.vector_load %arg9[%get3A_2341, %get3A_2342] {strides = array<i32>} : memref<32x1024xf32, #tpu.memory_space<vmem>>, vector<1x16xf32>,
      %get3A_2344 = vector.shape_cast %get3A_2343 : vector<1x16xf32> to vector<16xf32>
      %swap3A_2345 = arith.constant 0 : i32
      %swap3A_2346 = arith.index_cast %swap3A_2345 : i32 to index
      %swap3A_2347 = arith.constant 224 : index
      %swap3A_2348 = tpu.vector_load %arg10[%swap3A_2346, %swap3A_2347] {strides = array<i32>} : memref<16x1024xf32, #tpu.memory_space<vmem>>, vector<1x16xf32>,
      %swap3A_2349 = vector.shape_cast %swap3A_2348 : vector<1x16xf32> to vector<16xf32>
      %swap3A_2350 = vector.shape_cast %get3A_2344 : vector<16xf32> to vector<1x16xf32>
      tpu.vector_store %arg10[%swap3A_2346, %swap3A_2347], %swap3A_2350 {strides = array<i32>} : memref<16x1024xf32, #tpu.memory_space<vmem>>, vector<1x16xf32>,
      %get3A_2351 = arith.constant 0 : i32
      %get3A_2352 = arith.index_cast %get3A_2351 : i32 to index
      %get3A_2353 = arith.constant 240 : index
      %get3A_2354 = tpu.vector_load %arg9[%get3A_2352, %get3A_2353] {strides = array<i32>} : memref<32x1024xf32, #tpu.memory_space<vmem>>, vector<1x16xf32>,
      %get3A_2355 = vector.shape_cast %get3A_2354 : vector<1x16xf32> to vector<16xf32>
      %swap3A_2356 = arith.constant 0 : i32
      %swap3A_2357 = arith.index_cast %swap3A_2356 : i32 to index
      %swap3A_2358 = arith.constant 240 : index
      %swap3A_2359 = tpu.vector_load %arg10[%swap3A_2357, %swap3A_2358] {strides = array<i32>} : memref<16x1024xf32, #tpu.memory_space<vmem>>, vector<1x16xf32>,
      %swap3A_2360 = vector.shape_cast %swap3A_2359 : vector<1x16xf32> to vector<16xf32>
      %swap3A_2361 = vector.shape_cast %get3A_2355 : vector<16xf32> to vector<1x16xf32>
      tpu.vector_store %arg10[%swap3A_2357, %swap3A_2358], %swap3A_2361 {strides = array<i32>} : memref<16x1024xf32, #tpu.memory_space<vmem>>, vector<1x16xf32>,
      %get3A_2362 = arith.constant 0 : i32
      %get3A_2363 = arith.index_cast %get3A_2362 : i32 to index
      %get3A_2364 = arith.constant 256 : index
      %get3A_2365 = tpu.vector_load %arg9[%get3A_2363, %get3A_2364] {strides = array<i32>} : memref<32x1024xf32, #tpu.memory_space<vmem>>, vector<1x16xf32>,
      %get3A_2366 = vector.shape_cast %get3A_2365 : vector<1x16xf32> to vector<16xf32>
      %swap3A_2367 = arith.constant 0 : i32
      %swap3A_2368 = arith.index_cast %swap3A_2367 : i32 to index
      %swap3A_2369 = arith.constant 256 : index
      %swap3A_2370 = tpu.vector_load %arg10[%swap3A_2368, %swap3A_2369] {strides = array<i32>} : memref<16x1024xf32, #tpu.memory_space<vmem>>, vector<1x16xf32>,
      %swap3A_2371 = vector.shape_cast %swap3A_2370 : vector<1x16xf32> to vector<16xf32>
      %swap3A_2372 = vector.shape_cast %get3A_2366 : vector<16xf32> to vector<1x16xf32>
      tpu.vector_store %arg10[%swap3A_2368, %swap3A_2369], %swap3A_2372 {strides = array<i32>} : memref<16x1024xf32, #tpu.memory_space<vmem>>, vector<1x16xf32>,
      %get3A_2373 = arith.constant 0 : i32
      %get3A_2374 = arith.index_cast %get3A_2373 : i32 to index
      %get3A_2375 = arith.constant 272 : index
      %get3A_2376 = tpu.vector_load %arg9[%get3A_2374, %get3A_2375] {strides = array<i32>} : memref<32x1024xf32, #tpu.memory_space<vmem>>, vector<1x16xf32>,
      %get3A_2377 = vector.shape_cast %get3A_2376 : vector<1x16xf32> to vector<16xf32>
      %swap3A_2378 = arith.constant 0 : i32
      %swap3A_2379 = arith.index_cast %swap3A_2378 : i32 to index
      %swap3A_2380 = arith.constant 272 : index
      %swap3A_2381 = tpu.vector_load %arg10[%swap3A_2379, %swap3A_2380] {strides = array<i32>} : memref<16x1024xf32, #tpu.memory_space<vmem>>, vector<1x16xf32>,
      %swap3A_2382 = vector.shape_cast %swap3A_2381 : vector<1x16xf32> to vector<16xf32>
      %swap3A_2383 = vector.shape_cast %get3A_2377 : vector<16xf32> to vector<1x16xf32>
      tpu.vector_store %arg10[%swap3A_2379, %swap3A_2380], %swap3A_2383 {strides = array<i32>} : memref<16x1024xf32, #tpu.memory_space<vmem>>, vector<1x16xf32>,
      %get3A_2384 = arith.constant 0 : i32
      %get3A_2385 = arith.index_cast %get3A_2384 : i32 to index
      %get3A_2386 = arith.constant 288 : index
      %get3A_2387 = tpu.vector_load %arg9[%get3A_2385, %get3A_2386] {strides = array<i32>} : memref<32x1024xf32, #tpu.memory_space<vmem>>, vector<1x16xf32>,
      %get3A_2388 = vector.shape_cast %get3A_2387 : vector<1x16xf32> to vector<16xf32>
      %swap3A_2389 = arith.constant 0 : i32
      %swap3A_2390 = arith.index_cast %swap3A_2389 : i32 to index
      %swap3A_2391 = arith.constant 288 : index
      %swap3A_2392 = tpu.vector_load %arg10[%swap3A_2390, %swap3A_2391] {strides = array<i32>} : memref<16x1024xf32, #tpu.memory_space<vmem>>, vector<1x16xf32>,
      %swap3A_2393 = vector.shape_cast %swap3A_2392 : vector<1x16xf32> to vector<16xf32>
      %swap3A_2394 = vector.shape_cast %get3A_2388 : vector<16xf32> to vector<1x16xf32>
      tpu.vector_store %arg10[%swap3A_2390, %swap3A_2391], %swap3A_2394 {strides = array<i32>} : memref<16x1024xf32, #tpu.memory_space<vmem>>, vector<1x16xf32>,
      %get3A_2395 = arith.constant 0 : i32
      %get3A_2396 = arith.index_cast %get3A_2395 : i32 to index
      %get3A_2397 = arith.constant 304 : index
      %get3A_2398 = tpu.vector_load %arg9[%get3A_2396, %get3A_2397] {strides = array<i32>} : memref<32x1024xf32, #tpu.memory_space<vmem>>, vector<1x16xf32>,
      %get3A_2399 = vector.shape_cast %get3A_2398 : vector<1x16xf32> to vector<16xf32>
      %swap3A_2400 = arith.constant 0 : i32
      %swap3A_2401 = arith.index_cast %swap3A_2400 : i32 to index
      %swap3A_2402 = arith.constant 304 : index
      %swap3A_2403 = tpu.vector_load %arg10[%swap3A_2401, %swap3A_2402] {strides = array<i32>} : memref<16x1024xf32, #tpu.memory_space<vmem>>, vector<1x16xf32>,
      %swap3A_2404 = vector.shape_cast %swap3A_2403 : vector<1x16xf32> to vector<16xf32>
      %swap3A_2405 = vector.shape_cast %get3A_2399 : vector<16xf32> to vector<1x16xf32>
      tpu.vector_store %arg10[%swap3A_2401, %swap3A_2402], %swap3A_2405 {strides = array<i32>} : memref<16x1024xf32, #tpu.memory_space<vmem>>, vector<1x16xf32>,
      %get3A_2406 = arith.constant 0 : i32
      %get3A_2407 = arith.index_cast %get3A_2406 : i32 to index
      %get3A_2408 = arith.constant 320 : index
      %get3A_2409 = tpu.vector_load %arg9[%get3A_2407, %get3A_2408] {strides = array<i32>} : memref<32x1024xf32, #tpu.memory_space<vmem>>, vector<1x16xf32>,
      %get3A_2410 = vector.shape_cast %get3A_2409 : vector<1x16xf32> to vector<16xf32>
      %swap3A_2411 = arith.constant 0 : i32
      %swap3A_2412 = arith.index_cast %swap3A_2411 : i32 to index
      %swap3A_2413 = arith.constant 320 : index
      %swap3A_2414 = tpu.vector_load %arg10[%swap3A_2412, %swap3A_2413] {strides = array<i32>} : memref<16x1024xf32, #tpu.memory_space<vmem>>, vector<1x16xf32>,
      %swap3A_2415 = vector.shape_cast %swap3A_2414 : vector<1x16xf32> to vector<16xf32>
      %swap3A_2416 = vector.shape_cast %get3A_2410 : vector<16xf32> to vector<1x16xf32>
      tpu.vector_store %arg10[%swap3A_2412, %swap3A_2413], %swap3A_2416 {strides = array<i32>} : memref<16x1024xf32, #tpu.memory_space<vmem>>, vector<1x16xf32>,
      %get3A_2417 = arith.constant 0 : i32
      %get3A_2418 = arith.index_cast %get3A_2417 : i32 to index
      %get3A_2419 = arith.constant 336 : index
      %get3A_2420 = tpu.vector_load %arg9[%get3A_2418, %get3A_2419] {strides = array<i32>} : memref<32x1024xf32, #tpu.memory_space<vmem>>, vector<1x16xf32>,
      %get3A_2421 = vector.shape_cast %get3A_2420 : vector<1x16xf32> to vector<16xf32>
      %swap3A_2422 = arith.constant 0 : i32
      %swap3A_2423 = arith.index_cast %swap3A_2422 : i32 to index
      %swap3A_2424 = arith.constant 336 : index
      %swap3A_2425 = tpu.vector_load %arg10[%swap3A_2423, %swap3A_2424] {strides = array<i32>} : memref<16x1024xf32, #tpu.memory_space<vmem>>, vector<1x16xf32>,
      %swap3A_2426 = vector.shape_cast %swap3A_2425 : vector<1x16xf32> to vector<16xf32>
      %swap3A_2427 = vector.shape_cast %get3A_2421 : vector<16xf32> to vector<1x16xf32>
      tpu.vector_store %arg10[%swap3A_2423, %swap3A_2424], %swap3A_2427 {strides = array<i32>} : memref<16x1024xf32, #tpu.memory_space<vmem>>, vector<1x16xf32>,
      %get3A_2428 = arith.constant 0 : i32
      %get3A_2429 = arith.index_cast %get3A_2428 : i32 to index
      %get3A_2430 = arith.constant 352 : index
      %get3A_2431 = tpu.vector_load %arg9[%get3A_2429, %get3A_2430] {strides = array<i32>} : memref<32x1024xf32, #tpu.memory_space<vmem>>, vector<1x16xf32>,
      %get3A_2432 = vector.shape_cast %get3A_2431 : vector<1x16xf32> to vector<16xf32>
      %swap3A_2433 = arith.constant 0 : i32
      %swap3A_2434 = arith.index_cast %swap3A_2433 : i32 to index
      %swap3A_2435 = arith.constant 352 : index
      %swap3A_2436 = tpu.vector_load %arg10[%swap3A_2434, %swap3A_2435] {strides = array<i32>} : memref<16x1024xf32, #tpu.memory_space<vmem>>, vector<1x16xf32>,
      %swap3A_2437 = vector.shape_cast %swap3A_2436 : vector<1x16xf32> to vector<16xf32>
      %swap3A_2438 = vector.shape_cast %get3A_2432 : vector<16xf32> to vector<1x16xf32>
      tpu.vector_store %arg10[%swap3A_2434, %swap3A_2435], %swap3A_2438 {strides = array<i32>} : memref<16x1024xf32, #tpu.memory_space<vmem>>, vector<1x16xf32>,
      %get3A_2439 = arith.constant 0 : i32
      %get3A_2440 = arith.index_cast %get3A_2439 : i32 to index
      %get3A_2441 = arith.constant 368 : index
      %get3A_2442 = tpu.vector_load %arg9[%get3A_2440, %get3A_2441] {strides = array<i32>} : memref<32x1024xf32, #tpu.memory_space<vmem>>, vector<1x16xf32>,
      %get3A_2443 = vector.shape_cast %get3A_2442 : vector<1x16xf32> to vector<16xf32>
      %swap3A_2444 = arith.constant 0 : i32
      %swap3A_2445 = arith.index_cast %swap3A_2444 : i32 to index
      %swap3A_2446 = arith.constant 368 : index
      %swap3A_2447 = tpu.vector_load %arg10[%swap3A_2445, %swap3A_2446] {strides = array<i32>} : memref<16x1024xf32, #tpu.memory_space<vmem>>, vector<1x16xf32>,
      %swap3A_2448 = vector.shape_cast %swap3A_2447 : vector<1x16xf32> to vector<16xf32>
      %swap3A_2449 = vector.shape_cast %get3A_2443 : vector<16xf32> to vector<1x16xf32>
      tpu.vector_store %arg10[%swap3A_2445, %swap3A_2446], %swap3A_2449 {strides = array<i32>} : memref<16x1024xf32, #tpu.memory_space<vmem>>, vector<1x16xf32>,
      %get3A_2450 = arith.constant 0 : i32
      %get3A_2451 = arith.index_cast %get3A_2450 : i32 to index
      %get3A_2452 = arith.constant 384 : index
      %get3A_2453 = tpu.vector_load %arg9[%get3A_2451, %get3A_2452] {strides = array<i32>} : memref<32x1024xf32, #tpu.memory_space<vmem>>, vector<1x16xf32>,
      %get3A_2454 = vector.shape_cast %get3A_2453 : vector<1x16xf32> to vector<16xf32>
      %swap3A_2455 = arith.constant 0 : i32
      %swap3A_2456 = arith.index_cast %swap3A_2455 : i32 to index
      %swap3A_2457 = arith.constant 384 : index
      %swap3A_2458 = tpu.vector_load %arg10[%swap3A_2456, %swap3A_2457] {strides = array<i32>} : memref<16x1024xf32, #tpu.memory_space<vmem>>, vector<1x16xf32>,
      %swap3A_2459 = vector.shape_cast %swap3A_2458 : vector<1x16xf32> to vector<16xf32>
      %swap3A_2460 = vector.shape_cast %get3A_2454 : vector<16xf32> to vector<1x16xf32>
      tpu.vector_store %arg10[%swap3A_2456, %swap3A_2457], %swap3A_2460 {strides = array<i32>} : memref<16x1024xf32, #tpu.memory_space<vmem>>, vector<1x16xf32>,
      %get3A_2461 = arith.constant 0 : i32
      %get3A_2462 = arith.index_cast %get3A_2461 : i32 to index
      %get3A_2463 = arith.constant 400 : index
      %get3A_2464 = tpu.vector_load %arg9[%get3A_2462, %get3A_2463] {strides = array<i32>} : memref<32x1024xf32, #tpu.memory_space<vmem>>, vector<1x16xf32>,
      %get3A_2465 = vector.shape_cast %get3A_2464 : vector<1x16xf32> to vector<16xf32>
      %swap3A_2466 = arith.constant 0 : i32
      %swap3A_2467 = arith.index_cast %swap3A_2466 : i32 to index
      %swap3A_2468 = arith.constant 400 : index
      %swap3A_2469 = tpu.vector_load %arg10[%swap3A_2467, %swap3A_2468] {strides = array<i32>} : memref<16x1024xf32, #tpu.memory_space<vmem>>, vector<1x16xf32>,
      %swap3A_2470 = vector.shape_cast %swap3A_2469 : vector<1x16xf32> to vector<16xf32>
      %swap3A_2471 = vector.shape_cast %get3A_2465 : vector<16xf32> to vector<1x16xf32>
      tpu.vector_store %arg10[%swap3A_2467, %swap3A_2468], %swap3A_2471 {strides = array<i32>} : memref<16x1024xf32, #tpu.memory_space<vmem>>, vector<1x16xf32>,
      %get3A_2472 = arith.constant 0 : i32
      %get3A_2473 = arith.index_cast %get3A_2472 : i32 to index
      %get3A_2474 = arith.constant 416 : index
      %get3A_2475 = tpu.vector_load %arg9[%get3A_2473, %get3A_2474] {strides = array<i32>} : memref<32x1024xf32, #tpu.memory_space<vmem>>, vector<1x16xf32>,
      %get3A_2476 = vector.shape_cast %get3A_2475 : vector<1x16xf32> to vector<16xf32>
      %swap3A_2477 = arith.constant 0 : i32
      %swap3A_2478 = arith.index_cast %swap3A_2477 : i32 to index
      %swap3A_2479 = arith.constant 416 : index
      %swap3A_2480 = tpu.vector_load %arg10[%swap3A_2478, %swap3A_2479] {strides = array<i32>} : memref<16x1024xf32, #tpu.memory_space<vmem>>, vector<1x16xf32>,
      %swap3A_2481 = vector.shape_cast %swap3A_2480 : vector<1x16xf32> to vector<16xf32>
      %swap3A_2482 = vector.shape_cast %get3A_2476 : vector<16xf32> to vector<1x16xf32>
      tpu.vector_store %arg10[%swap3A_2478, %swap3A_2479], %swap3A_2482 {strides = array<i32>} : memref<16x1024xf32, #tpu.memory_space<vmem>>, vector<1x16xf32>,
      %get3A_2483 = arith.constant 0 : i32
      %get3A_2484 = arith.index_cast %get3A_2483 : i32 to index
      %get3A_2485 = arith.constant 432 : index
      %get3A_2486 = tpu.vector_load %arg9[%get3A_2484, %get3A_2485] {strides = array<i32>} : memref<32x1024xf32, #tpu.memory_space<vmem>>, vector<1x16xf32>,
      %get3A_2487 = vector.shape_cast %get3A_2486 : vector<1x16xf32> to vector<16xf32>
      %swap3A_2488 = arith.constant 0 : i32
      %swap3A_2489 = arith.index_cast %swap3A_2488 : i32 to index
      %swap3A_2490 = arith.constant 432 : index
      %swap3A_2491 = tpu.vector_load %arg10[%swap3A_2489, %swap3A_2490] {strides = array<i32>} : memref<16x1024xf32, #tpu.memory_space<vmem>>, vector<1x16xf32>,
      %swap3A_2492 = vector.shape_cast %swap3A_2491 : vector<1x16xf32> to vector<16xf32>
      %swap3A_2493 = vector.shape_cast %get3A_2487 : vector<16xf32> to vector<1x16xf32>
      tpu.vector_store %arg10[%swap3A_2489, %swap3A_2490], %swap3A_2493 {strides = array<i32>} : memref<16x1024xf32, #tpu.memory_space<vmem>>, vector<1x16xf32>,
      %get3A_2494 = arith.constant 0 : i32
      %get3A_2495 = arith.index_cast %get3A_2494 : i32 to index
      %get3A_2496 = arith.constant 448 : index
      %get3A_2497 = tpu.vector_load %arg9[%get3A_2495, %get3A_2496] {strides = array<i32>} : memref<32x1024xf32, #tpu.memory_space<vmem>>, vector<1x16xf32>,
      %get3A_2498 = vector.shape_cast %get3A_2497 : vector<1x16xf32> to vector<16xf32>
      %swap3A_2499 = arith.constant 0 : i32
      %swap3A_2500 = arith.index_cast %swap3A_2499 : i32 to index
      %swap3A_2501 = arith.constant 448 : index
      %swap3A_2502 = tpu.vector_load %arg10[%swap3A_2500, %swap3A_2501] {strides = array<i32>} : memref<16x1024xf32, #tpu.memory_space<vmem>>, vector<1x16xf32>,
      %swap3A_2503 = vector.shape_cast %swap3A_2502 : vector<1x16xf32> to vector<16xf32>
      %swap3A_2504 = vector.shape_cast %get3A_2498 : vector<16xf32> to vector<1x16xf32>
      tpu.vector_store %arg10[%swap3A_2500, %swap3A_2501], %swap3A_2504 {strides = array<i32>} : memref<16x1024xf32, #tpu.memory_space<vmem>>, vector<1x16xf32>,
      %get3A_2505 = arith.constant 0 : i32
      %get3A_2506 = arith.index_cast %get3A_2505 : i32 to index
      %get3A_2507 = arith.constant 464 : index
      %get3A_2508 = tpu.vector_load %arg9[%get3A_2506, %get3A_2507] {strides = array<i32>} : memref<32x1024xf32, #tpu.memory_space<vmem>>, vector<1x16xf32>,
      %get3A_2509 = vector.shape_cast %get3A_2508 : vector<1x16xf32> to vector<16xf32>
      %swap3A_2510 = arith.constant 0 : i32
      %swap3A_2511 = arith.index_cast %swap3A_2510 : i32 to index
      %swap3A_2512 = arith.constant 464 : index
      %swap3A_2513 = tpu.vector_load %arg10[%swap3A_2511, %swap3A_2512] {strides = array<i32>} : memref<16x1024xf32, #tpu.memory_space<vmem>>, vector<1x16xf32>,
      %swap3A_2514 = vector.shape_cast %swap3A_2513 : vector<1x16xf32> to vector<16xf32>
      %swap3A_2515 = vector.shape_cast %get3A_2509 : vector<16xf32> to vector<1x16xf32>
      tpu.vector_store %arg10[%swap3A_2511, %swap3A_2512], %swap3A_2515 {strides = array<i32>} : memref<16x1024xf32, #tpu.memory_space<vmem>>, vector<1x16xf32>,
      %get3A_2516 = arith.constant 0 : i32
      %get3A_2517 = arith.index_cast %get3A_2516 : i32 to index
      %get3A_2518 = arith.constant 480 : index
      %get3A_2519 = tpu.vector_load %arg9[%get3A_2517, %get3A_2518] {strides = array<i32>} : memref<32x1024xf32, #tpu.memory_space<vmem>>, vector<1x16xf32>,
      %get3A_2520 = vector.shape_cast %get3A_2519 : vector<1x16xf32> to vector<16xf32>
      %swap3A_2521 = arith.constant 0 : i32
      %swap3A_2522 = arith.index_cast %swap3A_2521 : i32 to index
      %swap3A_2523 = arith.constant 480 : index
      %swap3A_2524 = tpu.vector_load %arg10[%swap3A_2522, %swap3A_2523] {strides = array<i32>} : memref<16x1024xf32, #tpu.memory_space<vmem>>, vector<1x16xf32>,
      %swap3A_2525 = vector.shape_cast %swap3A_2524 : vector<1x16xf32> to vector<16xf32>
      %swap3A_2526 = vector.shape_cast %get3A_2520 : vector<16xf32> to vector<1x16xf32>
      tpu.vector_store %arg10[%swap3A_2522, %swap3A_2523], %swap3A_2526 {strides = array<i32>} : memref<16x1024xf32, #tpu.memory_space<vmem>>, vector<1x16xf32>,
      %get3A_2527 = arith.constant 0 : i32
      %get3A_2528 = arith.index_cast %get3A_2527 : i32 to index
      %get3A_2529 = arith.constant 496 : index
      %get3A_2530 = tpu.vector_load %arg9[%get3A_2528, %get3A_2529] {strides = array<i32>} : memref<32x1024xf32, #tpu.memory_space<vmem>>, vector<1x16xf32>,
      %get3A_2531 = vector.shape_cast %get3A_2530 : vector<1x16xf32> to vector<16xf32>
      %swap3A_2532 = arith.constant 0 : i32
      %swap3A_2533 = arith.index_cast %swap3A_2532 : i32 to index
      %swap3A_2534 = arith.constant 496 : index
      %swap3A_2535 = tpu.vector_load %arg10[%swap3A_2533, %swap3A_2534] {strides = array<i32>} : memref<16x1024xf32, #tpu.memory_space<vmem>>, vector<1x16xf32>,
      %swap3A_2536 = vector.shape_cast %swap3A_2535 : vector<1x16xf32> to vector<16xf32>
      %swap3A_2537 = vector.shape_cast %get3A_2531 : vector<16xf32> to vector<1x16xf32>
      tpu.vector_store %arg10[%swap3A_2533, %swap3A_2534], %swap3A_2537 {strides = array<i32>} : memref<16x1024xf32, #tpu.memory_space<vmem>>, vector<1x16xf32>,
      %get3A_2538 = arith.constant 0 : i32
      %get3A_2539 = arith.index_cast %get3A_2538 : i32 to index
      %get3A_2540 = arith.constant 512 : index
      %get3A_2541 = tpu.vector_load %arg9[%get3A_2539, %get3A_2540] {strides = array<i32>} : memref<32x1024xf32, #tpu.memory_space<vmem>>, vector<1x16xf32>,
      %get3A_2542 = vector.shape_cast %get3A_2541 : vector<1x16xf32> to vector<16xf32>
      %swap3A_2543 = arith.constant 0 : i32
      %swap3A_2544 = arith.index_cast %swap3A_2543 : i32 to index
      %swap3A_2545 = arith.constant 512 : index
      %swap3A_2546 = tpu.vector_load %arg10[%swap3A_2544, %swap3A_2545] {strides = array<i32>} : memref<16x1024xf32, #tpu.memory_space<vmem>>, vector<1x16xf32>,
      %swap3A_2547 = vector.shape_cast %swap3A_2546 : vector<1x16xf32> to vector<16xf32>
      %swap3A_2548 = vector.shape_cast %get3A_2542 : vector<16xf32> to vector<1x16xf32>
      tpu.vector_store %arg10[%swap3A_2544, %swap3A_2545], %swap3A_2548 {strides = array<i32>} : memref<16x1024xf32, #tpu.memory_space<vmem>>, vector<1x16xf32>,
      %get3A_2549 = arith.constant 0 : i32
      %get3A_2550 = arith.index_cast %get3A_2549 : i32 to index
      %get3A_2551 = arith.constant 528 : index
      %get3A_2552 = tpu.vector_load %arg9[%get3A_2550, %get3A_2551] {strides = array<i32>} : memref<32x1024xf32, #tpu.memory_space<vmem>>, vector<1x16xf32>,
      %get3A_2553 = vector.shape_cast %get3A_2552 : vector<1x16xf32> to vector<16xf32>
      %swap3A_2554 = arith.constant 0 : i32
      %swap3A_2555 = arith.index_cast %swap3A_2554 : i32 to index
      %swap3A_2556 = arith.constant 528 : index
      %swap3A_2557 = tpu.vector_load %arg10[%swap3A_2555, %swap3A_2556] {strides = array<i32>} : memref<16x1024xf32, #tpu.memory_space<vmem>>, vector<1x16xf32>,
      %swap3A_2558 = vector.shape_cast %swap3A_2557 : vector<1x16xf32> to vector<16xf32>
      %swap3A_2559 = vector.shape_cast %get3A_2553 : vector<16xf32> to vector<1x16xf32>
      tpu.vector_store %arg10[%swap3A_2555, %swap3A_2556], %swap3A_2559 {strides = array<i32>} : memref<16x1024xf32, #tpu.memory_space<vmem>>, vector<1x16xf32>,
      %get3A_2560 = arith.constant 0 : i32
      %get3A_2561 = arith.index_cast %get3A_2560 : i32 to index
      %get3A_2562 = arith.constant 544 : index
      %get3A_2563 = tpu.vector_load %arg9[%get3A_2561, %get3A_2562] {strides = array<i32>} : memref<32x1024xf32, #tpu.memory_space<vmem>>, vector<1x16xf32>,
      %get3A_2564 = vector.shape_cast %get3A_2563 : vector<1x16xf32> to vector<16xf32>
      %swap3A_2565 = arith.constant 0 : i32
      %swap3A_2566 = arith.index_cast %swap3A_2565 : i32 to index
      %swap3A_2567 = arith.constant 544 : index
      %swap3A_2568 = tpu.vector_load %arg10[%swap3A_2566, %swap3A_2567] {strides = array<i32>} : memref<16x1024xf32, #tpu.memory_space<vmem>>, vector<1x16xf32>,
      %swap3A_2569 = vector.shape_cast %swap3A_2568 : vector<1x16xf32> to vector<16xf32>
      %swap3A_2570 = vector.shape_cast %get3A_2564 : vector<16xf32> to vector<1x16xf32>
      tpu.vector_store %arg10[%swap3A_2566, %swap3A_2567], %swap3A_2570 {strides = array<i32>} : memref<16x1024xf32, #tpu.memory_space<vmem>>, vector<1x16xf32>,
      %get3A_2571 = arith.constant 0 : i32
      %get3A_2572 = arith.index_cast %get3A_2571 : i32 to index
      %get3A_2573 = arith.constant 560 : index
      %get3A_2574 = tpu.vector_load %arg9[%get3A_2572, %get3A_2573] {strides = array<i32>} : memref<32x1024xf32, #tpu.memory_space<vmem>>, vector<1x16xf32>,
      %get3A_2575 = vector.shape_cast %get3A_2574 : vector<1x16xf32> to vector<16xf32>
      %swap3A_2576 = arith.constant 0 : i32
      %swap3A_2577 = arith.index_cast %swap3A_2576 : i32 to index
      %swap3A_2578 = arith.constant 560 : index
      %swap3A_2579 = tpu.vector_load %arg10[%swap3A_2577, %swap3A_2578] {strides = array<i32>} : memref<16x1024xf32, #tpu.memory_space<vmem>>, vector<1x16xf32>,
      %swap3A_2580 = vector.shape_cast %swap3A_2579 : vector<1x16xf32> to vector<16xf32>
      %swap3A_2581 = vector.shape_cast %get3A_2575 : vector<16xf32> to vector<1x16xf32>
      tpu.vector_store %arg10[%swap3A_2577, %swap3A_2578], %swap3A_2581 {strides = array<i32>} : memref<16x1024xf32, #tpu.memory_space<vmem>>, vector<1x16xf32>,
      %get3A_2582 = arith.constant 0 : i32
      %get3A_2583 = arith.index_cast %get3A_2582 : i32 to index
      %get3A_2584 = arith.constant 576 : index
      %get3A_2585 = tpu.vector_load %arg9[%get3A_2583, %get3A_2584] {strides = array<i32>} : memref<32x1024xf32, #tpu.memory_space<vmem>>, vector<1x16xf32>,
      %get3A_2586 = vector.shape_cast %get3A_2585 : vector<1x16xf32> to vector<16xf32>
      %swap3A_2587 = arith.constant 0 : i32
      %swap3A_2588 = arith.index_cast %swap3A_2587 : i32 to index
      %swap3A_2589 = arith.constant 576 : index
      %swap3A_2590 = tpu.vector_load %arg10[%swap3A_2588, %swap3A_2589] {strides = array<i32>} : memref<16x1024xf32, #tpu.memory_space<vmem>>, vector<1x16xf32>,
      %swap3A_2591 = vector.shape_cast %swap3A_2590 : vector<1x16xf32> to vector<16xf32>
      %swap3A_2592 = vector.shape_cast %get3A_2586 : vector<16xf32> to vector<1x16xf32>
      tpu.vector_store %arg10[%swap3A_2588, %swap3A_2589], %swap3A_2592 {strides = array<i32>} : memref<16x1024xf32, #tpu.memory_space<vmem>>, vector<1x16xf32>,
      %get3A_2593 = arith.constant 0 : i32
      %get3A_2594 = arith.index_cast %get3A_2593 : i32 to index
      %get3A_2595 = arith.constant 592 : index
      %get3A_2596 = tpu.vector_load %arg9[%get3A_2594, %get3A_2595] {strides = array<i32>} : memref<32x1024xf32, #tpu.memory_space<vmem>>, vector<1x16xf32>,
      %get3A_2597 = vector.shape_cast %get3A_2596 : vector<1x16xf32> to vector<16xf32>
      %swap3A_2598 = arith.constant 0 : i32
      %swap3A_2599 = arith.index_cast %swap3A_2598 : i32 to index
      %swap3A_2600 = arith.constant 592 : index
      %swap3A_2601 = tpu.vector_load %arg10[%swap3A_2599, %swap3A_2600] {strides = array<i32>} : memref<16x1024xf32, #tpu.memory_space<vmem>>, vector<1x16xf32>,
      %swap3A_2602 = vector.shape_cast %swap3A_2601 : vector<1x16xf32> to vector<16xf32>
      %swap3A_2603 = vector.shape_cast %get3A_2597 : vector<16xf32> to vector<1x16xf32>
      tpu.vector_store %arg10[%swap3A_2599, %swap3A_2600], %swap3A_2603 {strides = array<i32>} : memref<16x1024xf32, #tpu.memory_space<vmem>>, vector<1x16xf32>,
      %get3A_2604 = arith.constant 0 : i32
      %get3A_2605 = arith.index_cast %get3A_2604 : i32 to index
      %get3A_2606 = arith.constant 608 : index
      %get3A_2607 = tpu.vector_load %arg9[%get3A_2605, %get3A_2606] {strides = array<i32>} : memref<32x1024xf32, #tpu.memory_space<vmem>>, vector<1x16xf32>,
      %get3A_2608 = vector.shape_cast %get3A_2607 : vector<1x16xf32> to vector<16xf32>
      %swap3A_2609 = arith.constant 0 : i32
      %swap3A_2610 = arith.index_cast %swap3A_2609 : i32 to index
      %swap3A_2611 = arith.constant 608 : index
      %swap3A_2612 = tpu.vector_load %arg10[%swap3A_2610, %swap3A_2611] {strides = array<i32>} : memref<16x1024xf32, #tpu.memory_space<vmem>>, vector<1x16xf32>,
      %swap3A_2613 = vector.shape_cast %swap3A_2612 : vector<1x16xf32> to vector<16xf32>
      %swap3A_2614 = vector.shape_cast %get3A_2608 : vector<16xf32> to vector<1x16xf32>
      tpu.vector_store %arg10[%swap3A_2610, %swap3A_2611], %swap3A_2614 {strides = array<i32>} : memref<16x1024xf32, #tpu.memory_space<vmem>>, vector<1x16xf32>,
      %get3A_2615 = arith.constant 0 : i32
      %get3A_2616 = arith.index_cast %get3A_2615 : i32 to index
      %get3A_2617 = arith.constant 624 : index
      %get3A_2618 = tpu.vector_load %arg9[%get3A_2616, %get3A_2617] {strides = array<i32>} : memref<32x1024xf32, #tpu.memory_space<vmem>>, vector<1x16xf32>,
      %get3A_2619 = vector.shape_cast %get3A_2618 : vector<1x16xf32> to vector<16xf32>
      %swap3A_2620 = arith.constant 0 : i32
      %swap3A_2621 = arith.index_cast %swap3A_2620 : i32 to index
      %swap3A_2622 = arith.constant 624 : index
      %swap3A_2623 = tpu.vector_load %arg10[%swap3A_2621, %swap3A_2622] {strides = array<i32>} : memref<16x1024xf32, #tpu.memory_space<vmem>>, vector<1x16xf32>,
      %swap3A_2624 = vector.shape_cast %swap3A_2623 : vector<1x16xf32> to vector<16xf32>
      %swap3A_2625 = vector.shape_cast %get3A_2619 : vector<16xf32> to vector<1x16xf32>
      tpu.vector_store %arg10[%swap3A_2621, %swap3A_2622], %swap3A_2625 {strides = array<i32>} : memref<16x1024xf32, #tpu.memory_space<vmem>>, vector<1x16xf32>,
      %get3A_2626 = arith.constant 0 : i32
      %get3A_2627 = arith.index_cast %get3A_2626 : i32 to index
      %get3A_2628 = arith.constant 640 : index
      %get3A_2629 = tpu.vector_load %arg9[%get3A_2627, %get3A_2628] {strides = array<i32>} : memref<32x1024xf32, #tpu.memory_space<vmem>>, vector<1x16xf32>,
      %get3A_2630 = vector.shape_cast %get3A_2629 : vector<1x16xf32> to vector<16xf32>
      %swap3A_2631 = arith.constant 0 : i32
      %swap3A_2632 = arith.index_cast %swap3A_2631 : i32 to index
      %swap3A_2633 = arith.constant 640 : index
      %swap3A_2634 = tpu.vector_load %arg10[%swap3A_2632, %swap3A_2633] {strides = array<i32>} : memref<16x1024xf32, #tpu.memory_space<vmem>>, vector<1x16xf32>,
      %swap3A_2635 = vector.shape_cast %swap3A_2634 : vector<1x16xf32> to vector<16xf32>
      %swap3A_2636 = vector.shape_cast %get3A_2630 : vector<16xf32> to vector<1x16xf32>
      tpu.vector_store %arg10[%swap3A_2632, %swap3A_2633], %swap3A_2636 {strides = array<i32>} : memref<16x1024xf32, #tpu.memory_space<vmem>>, vector<1x16xf32>,
      %get3A_2637 = arith.constant 0 : i32
      %get3A_2638 = arith.index_cast %get3A_2637 : i32 to index
      %get3A_2639 = arith.constant 656 : index
      %get3A_2640 = tpu.vector_load %arg9[%get3A_2638, %get3A_2639] {strides = array<i32>} : memref<32x1024xf32, #tpu.memory_space<vmem>>, vector<1x16xf32>,
      %get3A_2641 = vector.shape_cast %get3A_2640 : vector<1x16xf32> to vector<16xf32>
      %swap3A_2642 = arith.constant 0 : i32
      %swap3A_2643 = arith.index_cast %swap3A_2642 : i32 to index
      %swap3A_2644 = arith.constant 656 : index
      %swap3A_2645 = tpu.vector_load %arg10[%swap3A_2643, %swap3A_2644] {strides = array<i32>} : memref<16x1024xf32, #tpu.memory_space<vmem>>, vector<1x16xf32>,
      %swap3A_2646 = vector.shape_cast %swap3A_2645 : vector<1x16xf32> to vector<16xf32>
      %swap3A_2647 = vector.shape_cast %get3A_2641 : vector<16xf32> to vector<1x16xf32>
      tpu.vector_store %arg10[%swap3A_2643, %swap3A_2644], %swap3A_2647 {strides = array<i32>} : memref<16x1024xf32, #tpu.memory_space<vmem>>, vector<1x16xf32>,
      %get3A_2648 = arith.constant 0 : i32
      %get3A_2649 = arith.index_cast %get3A_2648 : i32 to index
      %get3A_2650 = arith.constant 672 : index
      %get3A_2651 = tpu.vector_load %arg9[%get3A_2649, %get3A_2650] {strides = array<i32>} : memref<32x1024xf32, #tpu.memory_space<vmem>>, vector<1x16xf32>,
      %get3A_2652 = vector.shape_cast %get3A_2651 : vector<1x16xf32> to vector<16xf32>
      %swap3A_2653 = arith.constant 0 : i32
      %swap3A_2654 = arith.index_cast %swap3A_2653 : i32 to index
      %swap3A_2655 = arith.constant 672 : index
      %swap3A_2656 = tpu.vector_load %arg10[%swap3A_2654, %swap3A_2655] {strides = array<i32>} : memref<16x1024xf32, #tpu.memory_space<vmem>>, vector<1x16xf32>,
      %swap3A_2657 = vector.shape_cast %swap3A_2656 : vector<1x16xf32> to vector<16xf32>
      %swap3A_2658 = vector.shape_cast %get3A_2652 : vector<16xf32> to vector<1x16xf32>
      tpu.vector_store %arg10[%swap3A_2654, %swap3A_2655], %swap3A_2658 {strides = array<i32>} : memref<16x1024xf32, #tpu.memory_space<vmem>>, vector<1x16xf32>,
      %get3A_2659 = arith.constant 0 : i32
      %get3A_2660 = arith.index_cast %get3A_2659 : i32 to index
      %get3A_2661 = arith.constant 688 : index
      %get3A_2662 = tpu.vector_load %arg9[%get3A_2660, %get3A_2661] {strides = array<i32>} : memref<32x1024xf32, #tpu.memory_space<vmem>>, vector<1x16xf32>,
      %get3A_2663 = vector.shape_cast %get3A_2662 : vector<1x16xf32> to vector<16xf32>
      %swap3A_2664 = arith.constant 0 : i32
      %swap3A_2665 = arith.index_cast %swap3A_2664 : i32 to index
      %swap3A_2666 = arith.constant 688 : index
      %swap3A_2667 = tpu.vector_load %arg10[%swap3A_2665, %swap3A_2666] {strides = array<i32>} : memref<16x1024xf32, #tpu.memory_space<vmem>>, vector<1x16xf32>,
      %swap3A_2668 = vector.shape_cast %swap3A_2667 : vector<1x16xf32> to vector<16xf32>
      %swap3A_2669 = vector.shape_cast %get3A_2663 : vector<16xf32> to vector<1x16xf32>
      tpu.vector_store %arg10[%swap3A_2665, %swap3A_2666], %swap3A_2669 {strides = array<i32>} : memref<16x1024xf32, #tpu.memory_space<vmem>>, vector<1x16xf32>,
      %get3A_2670 = arith.constant 0 : i32
      %get3A_2671 = arith.index_cast %get3A_2670 : i32 to index
      %get3A_2672 = arith.constant 704 : index
      %get3A_2673 = tpu.vector_load %arg9[%get3A_2671, %get3A_2672] {strides = array<i32>} : memref<32x1024xf32, #tpu.memory_space<vmem>>, vector<1x16xf32>,
      %get3A_2674 = vector.shape_cast %get3A_2673 : vector<1x16xf32> to vector<16xf32>
      %swap3A_2675 = arith.constant 0 : i32
      %swap3A_2676 = arith.index_cast %swap3A_2675 : i32 to index
      %swap3A_2677 = arith.constant 704 : index
      %swap3A_2678 = tpu.vector_load %arg10[%swap3A_2676, %swap3A_2677] {strides = array<i32>} : memref<16x1024xf32, #tpu.memory_space<vmem>>, vector<1x16xf32>,
      %swap3A_2679 = vector.shape_cast %swap3A_2678 : vector<1x16xf32> to vector<16xf32>
      %swap3A_2680 = vector.shape_cast %get3A_2674 : vector<16xf32> to vector<1x16xf32>
      tpu.vector_store %arg10[%swap3A_2676, %swap3A_2677], %swap3A_2680 {strides = array<i32>} : memref<16x1024xf32, #tpu.memory_space<vmem>>, vector<1x16xf32>,
      %get3A_2681 = arith.constant 0 : i32
      %get3A_2682 = arith.index_cast %get3A_2681 : i32 to index
      %get3A_2683 = arith.constant 720 : index
      %get3A_2684 = tpu.vector_load %arg9[%get3A_2682, %get3A_2683] {strides = array<i32>} : memref<32x1024xf32, #tpu.memory_space<vmem>>, vector<1x16xf32>,
      %get3A_2685 = vector.shape_cast %get3A_2684 : vector<1x16xf32> to vector<16xf32>
      %swap3A_2686 = arith.constant 0 : i32
      %swap3A_2687 = arith.index_cast %swap3A_2686 : i32 to index
      %swap3A_2688 = arith.constant 720 : index
      %swap3A_2689 = tpu.vector_load %arg10[%swap3A_2687, %swap3A_2688] {strides = array<i32>} : memref<16x1024xf32, #tpu.memory_space<vmem>>, vector<1x16xf32>,
      %swap3A_2690 = vector.shape_cast %swap3A_2689 : vector<1x16xf32> to vector<16xf32>
      %swap3A_2691 = vector.shape_cast %get3A_2685 : vector<16xf32> to vector<1x16xf32>
      tpu.vector_store %arg10[%swap3A_2687, %swap3A_2688], %swap3A_2691 {strides = array<i32>} : memref<16x1024xf32, #tpu.memory_space<vmem>>, vector<1x16xf32>,
      %get3A_2692 = arith.constant 0 : i32
      %get3A_2693 = arith.index_cast %get3A_2692 : i32 to index
      %get3A_2694 = arith.constant 736 : index
      %get3A_2695 = tpu.vector_load %arg9[%get3A_2693, %get3A_2694] {strides = array<i32>} : memref<32x1024xf32, #tpu.memory_space<vmem>>, vector<1x16xf32>,
      %get3A_2696 = vector.shape_cast %get3A_2695 : vector<1x16xf32> to vector<16xf32>
      %swap3A_2697 = arith.constant 0 : i32
      %swap3A_2698 = arith.index_cast %swap3A_2697 : i32 to index
      %swap3A_2699 = arith.constant 736 : index
      %swap3A_2700 = tpu.vector_load %arg10[%swap3A_2698, %swap3A_2699] {strides = array<i32>} : memref<16x1024xf32, #tpu.memory_space<vmem>>, vector<1x16xf32>,
      %swap3A_2701 = vector.shape_cast %swap3A_2700 : vector<1x16xf32> to vector<16xf32>
      %swap3A_2702 = vector.shape_cast %get3A_2696 : vector<16xf32> to vector<1x16xf32>
      tpu.vector_store %arg10[%swap3A_2698, %swap3A_2699], %swap3A_2702 {strides = array<i32>} : memref<16x1024xf32, #tpu.memory_space<vmem>>, vector<1x16xf32>,
      %get3A_2703 = arith.constant 0 : i32
      %get3A_2704 = arith.index_cast %get3A_2703 : i32 to index
      %get3A_2705 = arith.constant 752 : index
      %get3A_2706 = tpu.vector_load %arg9[%get3A_2704, %get3A_2705] {strides = array<i32>} : memref<32x1024xf32, #tpu.memory_space<vmem>>, vector<1x16xf32>,
      %get3A_2707 = vector.shape_cast %get3A_2706 : vector<1x16xf32> to vector<16xf32>
      %swap3A_2708 = arith.constant 0 : i32
      %swap3A_2709 = arith.index_cast %swap3A_2708 : i32 to index
      %swap3A_2710 = arith.constant 752 : index
      %swap3A_2711 = tpu.vector_load %arg10[%swap3A_2709, %swap3A_2710] {strides = array<i32>} : memref<16x1024xf32, #tpu.memory_space<vmem>>, vector<1x16xf32>,
      %swap3A_2712 = vector.shape_cast %swap3A_2711 : vector<1x16xf32> to vector<16xf32>
      %swap3A_2713 = vector.shape_cast %get3A_2707 : vector<16xf32> to vector<1x16xf32>
      tpu.vector_store %arg10[%swap3A_2709, %swap3A_2710], %swap3A_2713 {strides = array<i32>} : memref<16x1024xf32, #tpu.memory_space<vmem>>, vector<1x16xf32>,
      %get3A_2714 = arith.constant 0 : i32
      %get3A_2715 = arith.index_cast %get3A_2714 : i32 to index
      %get3A_2716 = arith.constant 768 : index
      %get3A_2717 = tpu.vector_load %arg9[%get3A_2715, %get3A_2716] {strides = array<i32>} : memref<32x1024xf32, #tpu.memory_space<vmem>>, vector<1x16xf32>,
      %get3A_2718 = vector.shape_cast %get3A_2717 : vector<1x16xf32> to vector<16xf32>
      %swap3A_2719 = arith.constant 0 : i32
      %swap3A_2720 = arith.index_cast %swap3A_2719 : i32 to index
      %swap3A_2721 = arith.constant 768 : index
      %swap3A_2722 = tpu.vector_load %arg10[%swap3A_2720, %swap3A_2721] {strides = array<i32>} : memref<16x1024xf32, #tpu.memory_space<vmem>>, vector<1x16xf32>,
      %swap3A_2723 = vector.shape_cast %swap3A_2722 : vector<1x16xf32> to vector<16xf32>
      %swap3A_2724 = vector.shape_cast %get3A_2718 : vector<16xf32> to vector<1x16xf32>
      tpu.vector_store %arg10[%swap3A_2720, %swap3A_2721], %swap3A_2724 {strides = array<i32>} : memref<16x1024xf32, #tpu.memory_space<vmem>>, vector<1x16xf32>,
      %get3A_2725 = arith.constant 0 : i32
      %get3A_2726 = arith.index_cast %get3A_2725 : i32 to index
      %get3A_2727 = arith.constant 784 : index
      %get3A_2728 = tpu.vector_load %arg9[%get3A_2726, %get3A_2727] {strides = array<i32>} : memref<32x1024xf32, #tpu.memory_space<vmem>>, vector<1x16xf32>,
      %get3A_2729 = vector.shape_cast %get3A_2728 : vector<1x16xf32> to vector<16xf32>
      %swap3A_2730 = arith.constant 0 : i32
      %swap3A_2731 = arith.index_cast %swap3A_2730 : i32 to index
      %swap3A_2732 = arith.constant 784 : index
      %swap3A_2733 = tpu.vector_load %arg10[%swap3A_2731, %swap3A_2732] {strides = array<i32>} : memref<16x1024xf32, #tpu.memory_space<vmem>>, vector<1x16xf32>,
      %swap3A_2734 = vector.shape_cast %swap3A_2733 : vector<1x16xf32> to vector<16xf32>
      %swap3A_2735 = vector.shape_cast %get3A_2729 : vector<16xf32> to vector<1x16xf32>
      tpu.vector_store %arg10[%swap3A_2731, %swap3A_2732], %swap3A_2735 {strides = array<i32>} : memref<16x1024xf32, #tpu.memory_space<vmem>>, vector<1x16xf32>,
      %get3A_2736 = arith.constant 0 : i32
      %get3A_2737 = arith.index_cast %get3A_2736 : i32 to index
      %get3A_2738 = arith.constant 800 : index
      %get3A_2739 = tpu.vector_load %arg9[%get3A_2737, %get3A_2738] {strides = array<i32>} : memref<32x1024xf32, #tpu.memory_space<vmem>>, vector<1x16xf32>,
      %get3A_2740 = vector.shape_cast %get3A_2739 : vector<1x16xf32> to vector<16xf32>
      %swap3A_2741 = arith.constant 0 : i32
      %swap3A_2742 = arith.index_cast %swap3A_2741 : i32 to index
      %swap3A_2743 = arith.constant 800 : index
      %swap3A_2744 = tpu.vector_load %arg10[%swap3A_2742, %swap3A_2743] {strides = array<i32>} : memref<16x1024xf32, #tpu.memory_space<vmem>>, vector<1x16xf32>,
      %swap3A_2745 = vector.shape_cast %swap3A_2744 : vector<1x16xf32> to vector<16xf32>
      %swap3A_2746 = vector.shape_cast %get3A_2740 : vector<16xf32> to vector<1x16xf32>
      tpu.vector_store %arg10[%swap3A_2742, %swap3A_2743], %swap3A_2746 {strides = array<i32>} : memref<16x1024xf32, #tpu.memory_space<vmem>>, vector<1x16xf32>,
      %get3A_2747 = arith.constant 0 : i32
      %get3A_2748 = arith.index_cast %get3A_2747 : i32 to index
      %get3A_2749 = arith.constant 816 : index
      %get3A_2750 = tpu.vector_load %arg9[%get3A_2748, %get3A_2749] {strides = array<i32>} : memref<32x1024xf32, #tpu.memory_space<vmem>>, vector<1x16xf32>,
      %get3A_2751 = vector.shape_cast %get3A_2750 : vector<1x16xf32> to vector<16xf32>
      %swap3A_2752 = arith.constant 0 : i32
      %swap3A_2753 = arith.index_cast %swap3A_2752 : i32 to index
      %swap3A_2754 = arith.constant 816 : index
      %swap3A_2755 = tpu.vector_load %arg10[%swap3A_2753, %swap3A_2754] {strides = array<i32>} : memref<16x1024xf32, #tpu.memory_space<vmem>>, vector<1x16xf32>,
      %swap3A_2756 = vector.shape_cast %swap3A_2755 : vector<1x16xf32> to vector<16xf32>
      %swap3A_2757 = vector.shape_cast %get3A_2751 : vector<16xf32> to vector<1x16xf32>
      tpu.vector_store %arg10[%swap3A_2753, %swap3A_2754], %swap3A_2757 {strides = array<i32>} : memref<16x1024xf32, #tpu.memory_space<vmem>>, vector<1x16xf32>,
      %get3A_2758 = arith.constant 0 : i32
      %get3A_2759 = arith.index_cast %get3A_2758 : i32 to index
      %get3A_2760 = arith.constant 832 : index
      %get3A_2761 = tpu.vector_load %arg9[%get3A_2759, %get3A_2760] {strides = array<i32>} : memref<32x1024xf32, #tpu.memory_space<vmem>>, vector<1x16xf32>,
      %get3A_2762 = vector.shape_cast %get3A_2761 : vector<1x16xf32> to vector<16xf32>
      %swap3A_2763 = arith.constant 0 : i32
      %swap3A_2764 = arith.index_cast %swap3A_2763 : i32 to index
      %swap3A_2765 = arith.constant 832 : index
      %swap3A_2766 = tpu.vector_load %arg10[%swap3A_2764, %swap3A_2765] {strides = array<i32>} : memref<16x1024xf32, #tpu.memory_space<vmem>>, vector<1x16xf32>,
      %swap3A_2767 = vector.shape_cast %swap3A_2766 : vector<1x16xf32> to vector<16xf32>
      %swap3A_2768 = vector.shape_cast %get3A_2762 : vector<16xf32> to vector<1x16xf32>
      tpu.vector_store %arg10[%swap3A_2764, %swap3A_2765], %swap3A_2768 {strides = array<i32>} : memref<16x1024xf32, #tpu.memory_space<vmem>>, vector<1x16xf32>,
      %get3A_2769 = arith.constant 0 : i32
      %get3A_2770 = arith.index_cast %get3A_2769 : i32 to index
      %get3A_2771 = arith.constant 848 : index
      %get3A_2772 = tpu.vector_load %arg9[%get3A_2770, %get3A_2771] {strides = array<i32>} : memref<32x1024xf32, #tpu.memory_space<vmem>>, vector<1x16xf32>,
      %get3A_2773 = vector.shape_cast %get3A_2772 : vector<1x16xf32> to vector<16xf32>
      %swap3A_2774 = arith.constant 0 : i32
      %swap3A_2775 = arith.index_cast %swap3A_2774 : i32 to index
      %swap3A_2776 = arith.constant 848 : index
      %swap3A_2777 = tpu.vector_load %arg10[%swap3A_2775, %swap3A_2776] {strides = array<i32>} : memref<16x1024xf32, #tpu.memory_space<vmem>>, vector<1x16xf32>,
      %swap3A_2778 = vector.shape_cast %swap3A_2777 : vector<1x16xf32> to vector<16xf32>
      %swap3A_2779 = vector.shape_cast %get3A_2773 : vector<16xf32> to vector<1x16xf32>
      tpu.vector_store %arg10[%swap3A_2775, %swap3A_2776], %swap3A_2779 {strides = array<i32>} : memref<16x1024xf32, #tpu.memory_space<vmem>>, vector<1x16xf32>,
      %get3A_2780 = arith.constant 0 : i32
      %get3A_2781 = arith.index_cast %get3A_2780 : i32 to index
      %get3A_2782 = arith.constant 864 : index
      %get3A_2783 = tpu.vector_load %arg9[%get3A_2781, %get3A_2782] {strides = array<i32>} : memref<32x1024xf32, #tpu.memory_space<vmem>>, vector<1x16xf32>,
      %get3A_2784 = vector.shape_cast %get3A_2783 : vector<1x16xf32> to vector<16xf32>
      %swap3A_2785 = arith.constant 0 : i32
      %swap3A_2786 = arith.index_cast %swap3A_2785 : i32 to index
      %swap3A_2787 = arith.constant 864 : index
      %swap3A_2788 = tpu.vector_load %arg10[%swap3A_2786, %swap3A_2787] {strides = array<i32>} : memref<16x1024xf32, #tpu.memory_space<vmem>>, vector<1x16xf32>,
      %swap3A_2789 = vector.shape_cast %swap3A_2788 : vector<1x16xf32> to vector<16xf32>
      %swap3A_2790 = vector.shape_cast %get3A_2784 : vector<16xf32> to vector<1x16xf32>
      tpu.vector_store %arg10[%swap3A_2786, %swap3A_2787], %swap3A_2790 {strides = array<i32>} : memref<16x1024xf32, #tpu.memory_space<vmem>>, vector<1x16xf32>,
      %get3A_2791 = arith.constant 0 : i32
      %get3A_2792 = arith.index_cast %get3A_2791 : i32 to index
      %get3A_2793 = arith.constant 880 : index
      %get3A_2794 = tpu.vector_load %arg9[%get3A_2792, %get3A_2793] {strides = array<i32>} : memref<32x1024xf32, #tpu.memory_space<vmem>>, vector<1x16xf32>,
      %get3A_2795 = vector.shape_cast %get3A_2794 : vector<1x16xf32> to vector<16xf32>
      %swap3A_2796 = arith.constant 0 : i32
      %swap3A_2797 = arith.index_cast %swap3A_2796 : i32 to index
      %swap3A_2798 = arith.constant 880 : index
      %swap3A_2799 = tpu.vector_load %arg10[%swap3A_2797, %swap3A_2798] {strides = array<i32>} : memref<16x1024xf32, #tpu.memory_space<vmem>>, vector<1x16xf32>,
      %swap3A_2800 = vector.shape_cast %swap3A_2799 : vector<1x16xf32> to vector<16xf32>
      %swap3A_2801 = vector.shape_cast %get3A_2795 : vector<16xf32> to vector<1x16xf32>
      tpu.vector_store %arg10[%swap3A_2797, %swap3A_2798], %swap3A_2801 {strides = array<i32>} : memref<16x1024xf32, #tpu.memory_space<vmem>>, vector<1x16xf32>,
      %get3A_2802 = arith.constant 0 : i32
      %get3A_2803 = arith.index_cast %get3A_2802 : i32 to index
      %get3A_2804 = arith.constant 896 : index
      %get3A_2805 = tpu.vector_load %arg9[%get3A_2803, %get3A_2804] {strides = array<i32>} : memref<32x1024xf32, #tpu.memory_space<vmem>>, vector<1x16xf32>,
      %get3A_2806 = vector.shape_cast %get3A_2805 : vector<1x16xf32> to vector<16xf32>
      %swap3A_2807 = arith.constant 0 : i32
      %swap3A_2808 = arith.index_cast %swap3A_2807 : i32 to index
      %swap3A_2809 = arith.constant 896 : index
      %swap3A_2810 = tpu.vector_load %arg10[%swap3A_2808, %swap3A_2809] {strides = array<i32>} : memref<16x1024xf32, #tpu.memory_space<vmem>>, vector<1x16xf32>,
      %swap3A_2811 = vector.shape_cast %swap3A_2810 : vector<1x16xf32> to vector<16xf32>
      %swap3A_2812 = vector.shape_cast %get3A_2806 : vector<16xf32> to vector<1x16xf32>
      tpu.vector_store %arg10[%swap3A_2808, %swap3A_2809], %swap3A_2812 {strides = array<i32>} : memref<16x1024xf32, #tpu.memory_space<vmem>>, vector<1x16xf32>,
      %get3A_2813 = arith.constant 0 : i32
      %get3A_2814 = arith.index_cast %get3A_2813 : i32 to index
      %get3A_2815 = arith.constant 912 : index
      %get3A_2816 = tpu.vector_load %arg9[%get3A_2814, %get3A_2815] {strides = array<i32>} : memref<32x1024xf32, #tpu.memory_space<vmem>>, vector<1x16xf32>,
      %get3A_2817 = vector.shape_cast %get3A_2816 : vector<1x16xf32> to vector<16xf32>
      %swap3A_2818 = arith.constant 0 : i32
      %swap3A_2819 = arith.index_cast %swap3A_2818 : i32 to index
      %swap3A_2820 = arith.constant 912 : index
      %swap3A_2821 = tpu.vector_load %arg10[%swap3A_2819, %swap3A_2820] {strides = array<i32>} : memref<16x1024xf32, #tpu.memory_space<vmem>>, vector<1x16xf32>,
      %swap3A_2822 = vector.shape_cast %swap3A_2821 : vector<1x16xf32> to vector<16xf32>
      %swap3A_2823 = vector.shape_cast %get3A_2817 : vector<16xf32> to vector<1x16xf32>
      tpu.vector_store %arg10[%swap3A_2819, %swap3A_2820], %swap3A_2823 {strides = array<i32>} : memref<16x1024xf32, #tpu.memory_space<vmem>>, vector<1x16xf32>,
      %get3A_2824 = arith.constant 0 : i32
      %get3A_2825 = arith.index_cast %get3A_2824 : i32 to index
      %get3A_2826 = arith.constant 928 : index
      %get3A_2827 = tpu.vector_load %arg9[%get3A_2825, %get3A_2826] {strides = array<i32>} : memref<32x1024xf32, #tpu.memory_space<vmem>>, vector<1x16xf32>,
      %get3A_2828 = vector.shape_cast %get3A_2827 : vector<1x16xf32> to vector<16xf32>
      %swap3A_2829 = arith.constant 0 : i32
      %swap3A_2830 = arith.index_cast %swap3A_2829 : i32 to index
      %swap3A_2831 = arith.constant 928 : index
      %swap3A_2832 = tpu.vector_load %arg10[%swap3A_2830, %swap3A_2831] {strides = array<i32>} : memref<16x1024xf32, #tpu.memory_space<vmem>>, vector<1x16xf32>,
      %swap3A_2833 = vector.shape_cast %swap3A_2832 : vector<1x16xf32> to vector<16xf32>
      %swap3A_2834 = vector.shape_cast %get3A_2828 : vector<16xf32> to vector<1x16xf32>
      tpu.vector_store %arg10[%swap3A_2830, %swap3A_2831], %swap3A_2834 {strides = array<i32>} : memref<16x1024xf32, #tpu.memory_space<vmem>>, vector<1x16xf32>,
      %get3A_2835 = arith.constant 0 : i32
      %get3A_2836 = arith.index_cast %get3A_2835 : i32 to index
      %get3A_2837 = arith.constant 944 : index
      %get3A_2838 = tpu.vector_load %arg9[%get3A_2836, %get3A_2837] {strides = array<i32>} : memref<32x1024xf32, #tpu.memory_space<vmem>>, vector<1x16xf32>,
      %get3A_2839 = vector.shape_cast %get3A_2838 : vector<1x16xf32> to vector<16xf32>
      %swap3A_2840 = arith.constant 0 : i32
      %swap3A_2841 = arith.index_cast %swap3A_2840 : i32 to index
      %swap3A_2842 = arith.constant 944 : index
      %swap3A_2843 = tpu.vector_load %arg10[%swap3A_2841, %swap3A_2842] {strides = array<i32>} : memref<16x1024xf32, #tpu.memory_space<vmem>>, vector<1x16xf32>,
      %swap3A_2844 = vector.shape_cast %swap3A_2843 : vector<1x16xf32> to vector<16xf32>
      %swap3A_2845 = vector.shape_cast %get3A_2839 : vector<16xf32> to vector<1x16xf32>
      tpu.vector_store %arg10[%swap3A_2841, %swap3A_2842], %swap3A_2845 {strides = array<i32>} : memref<16x1024xf32, #tpu.memory_space<vmem>>, vector<1x16xf32>,
      %get3A_2846 = arith.constant 0 : i32
      %get3A_2847 = arith.index_cast %get3A_2846 : i32 to index
      %get3A_2848 = arith.constant 960 : index
      %get3A_2849 = tpu.vector_load %arg9[%get3A_2847, %get3A_2848] {strides = array<i32>} : memref<32x1024xf32, #tpu.memory_space<vmem>>, vector<1x16xf32>,
      %get3A_2850 = vector.shape_cast %get3A_2849 : vector<1x16xf32> to vector<16xf32>
      %swap3A_2851 = arith.constant 0 : i32
      %swap3A_2852 = arith.index_cast %swap3A_2851 : i32 to index
      %swap3A_2853 = arith.constant 960 : index
      %swap3A_2854 = tpu.vector_load %arg10[%swap3A_2852, %swap3A_2853] {strides = array<i32>} : memref<16x1024xf32, #tpu.memory_space<vmem>>, vector<1x16xf32>,
      %swap3A_2855 = vector.shape_cast %swap3A_2854 : vector<1x16xf32> to vector<16xf32>
      %swap3A_2856 = vector.shape_cast %get3A_2850 : vector<16xf32> to vector<1x16xf32>
      tpu.vector_store %arg10[%swap3A_2852, %swap3A_2853], %swap3A_2856 {strides = array<i32>} : memref<16x1024xf32, #tpu.memory_space<vmem>>, vector<1x16xf32>,
      %get3A_2857 = arith.constant 0 : i32
      %get3A_2858 = arith.index_cast %get3A_2857 : i32 to index
      %get3A_2859 = arith.constant 976 : index
      %get3A_2860 = tpu.vector_load %arg9[%get3A_2858, %get3A_2859] {strides = array<i32>} : memref<32x1024xf32, #tpu.memory_space<vmem>>, vector<1x16xf32>,
      %get3A_2861 = vector.shape_cast %get3A_2860 : vector<1x16xf32> to vector<16xf32>
      %swap3A_2862 = arith.constant 0 : i32
      %swap3A_2863 = arith.index_cast %swap3A_2862 : i32 to index
      %swap3A_2864 = arith.constant 976 : index
      %swap3A_2865 = tpu.vector_load %arg10[%swap3A_2863, %swap3A_2864] {strides = array<i32>} : memref<16x1024xf32, #tpu.memory_space<vmem>>, vector<1x16xf32>,
      %swap3A_2866 = vector.shape_cast %swap3A_2865 : vector<1x16xf32> to vector<16xf32>
      %swap3A_2867 = vector.shape_cast %get3A_2861 : vector<16xf32> to vector<1x16xf32>
      tpu.vector_store %arg10[%swap3A_2863, %swap3A_2864], %swap3A_2867 {strides = array<i32>} : memref<16x1024xf32, #tpu.memory_space<vmem>>, vector<1x16xf32>,
      %get3A_2868 = arith.constant 0 : i32
      %get3A_2869 = arith.index_cast %get3A_2868 : i32 to index
      %get3A_2870 = arith.constant 992 : index
      %get3A_2871 = tpu.vector_load %arg9[%get3A_2869, %get3A_2870] {strides = array<i32>} : memref<32x1024xf32, #tpu.memory_space<vmem>>, vector<1x16xf32>,
      %get3A_2872 = vector.shape_cast %get3A_2871 : vector<1x16xf32> to vector<16xf32>
      %swap3A_2873 = arith.constant 0 : i32
      %swap3A_2874 = arith.index_cast %swap3A_2873 : i32 to index
      %swap3A_2875 = arith.constant 992 : index
      %swap3A_2876 = tpu.vector_load %arg10[%swap3A_2874, %swap3A_2875] {strides = array<i32>} : memref<16x1024xf32, #tpu.memory_space<vmem>>, vector<1x16xf32>,
      %swap3A_2877 = vector.shape_cast %swap3A_2876 : vector<1x16xf32> to vector<16xf32>
      %swap3A_2878 = vector.shape_cast %get3A_2872 : vector<16xf32> to vector<1x16xf32>
      tpu.vector_store %arg10[%swap3A_2874, %swap3A_2875], %swap3A_2878 {strides = array<i32>} : memref<16x1024xf32, #tpu.memory_space<vmem>>, vector<1x16xf32>,
      %get3A_2879 = arith.constant 0 : i32
      %get3A_2880 = arith.index_cast %get3A_2879 : i32 to index
      %get3A_2881 = arith.constant 1008 : index
      %get3A_2882 = tpu.vector_load %arg9[%get3A_2880, %get3A_2881] {strides = array<i32>} : memref<32x1024xf32, #tpu.memory_space<vmem>>, vector<1x16xf32>,
      %get3A_2883 = vector.shape_cast %get3A_2882 : vector<1x16xf32> to vector<16xf32>
      %swap3A_2884 = arith.constant 0 : i32
      %swap3A_2885 = arith.index_cast %swap3A_2884 : i32 to index
      %swap3A_2886 = arith.constant 1008 : index
      %swap3A_2887 = tpu.vector_load %arg10[%swap3A_2885, %swap3A_2886] {strides = array<i32>} : memref<16x1024xf32, #tpu.memory_space<vmem>>, vector<1x16xf32>,
      %swap3A_2888 = vector.shape_cast %swap3A_2887 : vector<1x16xf32> to vector<16xf32>
      %swap3A_2889 = vector.shape_cast %get3A_2883 : vector<16xf32> to vector<1x16xf32>
      tpu.vector_store %arg10[%swap3A_2885, %swap3A_2886], %swap3A_2889 {strides = array<i32>} : memref<16x1024xf32, #tpu.memory_space<vmem>>, vector<1x16xf32>,
      "tpu.region"() ({
        %run_scoped3A = tpu.sem_alloc : memref<!tpu.dma_semaphore, #tpu.memory_space<semaphore_mem>>
        %dma_start3A_2890 = arith.constant 0 : i32
        %dma_start3A_2891 = arith.constant 0 : i32
        %dma_start3A_2892 = tpu.memref_slice %arg6[%dma_start3A_2890, %dma_start3A_2891] : memref<8208x1024xf32, #tpu.memory_space<hbm>> -> memref<16x1024xf32, #tpu.memory_space<hbm>>
        %dma_start3A_2893 = arith.constant 0 : i32
        %dma_start3A_2894 = arith.constant 0 : i32
        %dma_start3A_2895 = tpu.memref_slice %arg6[%dma_start3A_2893, %dma_start3A_2894] : memref<8208x1024xf32, #tpu.memory_space<hbm>> -> memref<16x1024xf32, #tpu.memory_space<hbm>>
        tpu.enqueue_dma source(%arg10 : memref<16x1024xf32, #tpu.memory_space<vmem>>) target(%dma_start3A_2895 : memref<16x1024xf32, #tpu.memory_space<hbm>>) target_semaphore(%run_scoped3A : memref<!tpu.dma_semaphore, #tpu.memory_space<semaphore_mem>>)
        %dma_wait3A_2896 = arith.constant 0 : i32
        %dma_wait3A_2897 = arith.constant 0 : i32
        %dma_wait3A_2898 = tpu.memref_slice %arg6[%dma_wait3A_2896, %dma_wait3A_2897] : memref<8208x1024xf32, #tpu.memory_space<hbm>> -> memref<16x1024xf32, #tpu.memory_space<hbm>>
        %dma_wait3A_2899 = arith.constant 0 : i32
        %dma_wait3A_2900 = arith.constant 0 : i32
        %dma_wait3A_2901 = tpu.memref_slice %arg6[%dma_wait3A_2899, %dma_wait3A_2900] : memref<8208x1024xf32, #tpu.memory_space<hbm>> -> memref<16x1024xf32, #tpu.memory_space<hbm>>
        tpu.wait_dma2 semaphore(%run_scoped3A : memref<!tpu.dma_semaphore, #tpu.memory_space<semaphore_mem>>) src(%arg10 : memref<16x1024xf32, #tpu.memory_space<vmem>>) dst(%dma_wait3A_2901 : memref<16x1024xf32, #tpu.memory_space<hbm>>)
        tpu.yield
      }) : () -> ()
    } else {
    }
    %ne3A = arith.constant 0 : i32
    %ne3A_54 = arith.cmpi ne, %add3A, %ne3A : i32
    %convert_element_type3A_55 = arith.extui %ne3A_54 : i1 to i32
    %cond3A_56 = arith.constant 0 : i32
    %cond3A_57 = arith.cmpi ne, %convert_element_type3A_55, %cond3A_56 : i32
    scf.if %cond3A_57 {
      %add3A_504 = arith.constant 16 : i32
      %add3A_505 = arith.addi %mul3A_2, %add3A_504 : i32
      %dma_start3A_506 = arith.constant 0 : i32
      %dma_start3A_507 = arith.constant 0 : i32
      %dma_start3A_508 = arith.constant 0 : i32
      %dma_start3A_509 = tpu.memref_slice %arg8[%dma_start3A_506, %dma_start3A_507, %dma_start3A_508] : memref<2x32x1024xf32, #tpu.memory_space<vmem>> -> memref<1x32x1024xf32, #tpu.memory_space<vmem>>
      %dma_start3A_510 = tpu.memref_squeeze %dma_start3A_509 : memref<1x32x1024xf32, #tpu.memory_space<vmem>> -> memref<32x1024xf32, #tpu.memory_space<vmem>>
      %dma_start3A_511 = arith.constant 0 : i32
      %dma_start3A_512 = tpu.memref_slice %arg6[%add3A_505, %dma_start3A_511] : memref<8208x1024xf32, #tpu.memory_space<hbm>> -> memref<32x1024xf32, #tpu.memory_space<hbm>>
      %dma_start3A_513 = arith.constant 0 : i32
      %dma_start3A_514 = tpu.memref_slice %arg6[%add3A_505, %dma_start3A_513] : memref<8208x1024xf32, #tpu.memory_space<hbm>> -> memref<32x1024xf32, #tpu.memory_space<hbm>>
      %dma_start3A_515 = arith.constant 0 : i32
      %dma_start3A_516 = arith.constant 0 : i32
      %dma_start3A_517 = tpu.memref_slice %arg8[%dma_start3A_506, %dma_start3A_515, %dma_start3A_516] : memref<2x32x1024xf32, #tpu.memory_space<vmem>> -> memref<1x32x1024xf32, #tpu.memory_space<vmem>>
      %dma_start3A_518 = tpu.memref_squeeze %dma_start3A_517 : memref<1x32x1024xf32, #tpu.memory_space<vmem>> -> memref<32x1024xf32, #tpu.memory_space<vmem>>
      tpu.enqueue_dma source(%dma_start3A_518 : memref<32x1024xf32, #tpu.memory_space<vmem>>) target(%dma_start3A_514 : memref<32x1024xf32, #tpu.memory_space<hbm>>) target_semaphore(%arg14 : memref<!tpu.dma_semaphore, #tpu.memory_space<semaphore_mem>>)
    } else {
    }
    %add3A_58 = arith.constant 16 : i32
    %add3A_59 = arith.addi %mul3A_2, %add3A_58 : i32
    %add3A_60 = arith.constant 32 : i32
    %add3A_61 = arith.addi %mul3A_2, %add3A_60 : i32
    %dma_start3A_62 = arith.constant 0 : i32
    %dma_start3A_63 = tpu.memref_slice %arg4[%add3A_61, %dma_start3A_62] : memref<8192x1024xf32, #tpu.memory_space<hbm>> -> memref<32x1024xf32, #tpu.memory_space<hbm>>
    %dma_start3A_64 = arith.constant 0 : i32
    %dma_start3A_65 = tpu.memref_slice %arg4[%add3A_61, %dma_start3A_64] : memref<8192x1024xf32, #tpu.memory_space<hbm>> -> memref<32x1024xf32, #tpu.memory_space<hbm>>
    tpu.enqueue_dma source(%dma_start3A_65 : memref<32x1024xf32, #tpu.memory_space<hbm>>) target(%arg9 : memref<32x1024xf32, #tpu.memory_space<vmem>>) target_semaphore(%arg13 : memref<!tpu.dma_semaphore, #tpu.memory_space<semaphore_mem>>)
    %add3A_66 = arith.constant 32 : i32
    %add3A_67 = arith.addi %mul3A_2, %add3A_66 : i32
    %dma_wait3A_68 = arith.constant 0 : i32
    %dma_wait3A_69 = arith.constant 0 : i32
    %dma_wait3A_70 = arith.constant 0 : i32
    %dma_wait3A_71 = tpu.memref_slice %arg8[%dma_wait3A_68, %dma_wait3A_69, %dma_wait3A_70] : memref<2x32x1024xf32, #tpu.memory_space<vmem>> -> memref<1x32x1024xf32, #tpu.memory_space<vmem>>
    %dma_wait3A_72 = tpu.memref_squeeze %dma_wait3A_71 : memref<1x32x1024xf32, #tpu.memory_space<vmem>> -> memref<32x1024xf32, #tpu.memory_space<vmem>>
    %dma_wait3A_73 = arith.constant 0 : i32
    %dma_wait3A_74 = tpu.memref_slice %arg6[%add3A_59, %dma_wait3A_73] : memref<8208x1024xf32, #tpu.memory_space<hbm>> -> memref<32x1024xf32, #tpu.memory_space<hbm>>
    %dma_wait3A_75 = arith.constant 0 : i32
    %dma_wait3A_76 = tpu.memref_slice %arg6[%add3A_59, %dma_wait3A_75] : memref<8208x1024xf32, #tpu.memory_space<hbm>> -> memref<32x1024xf32, #tpu.memory_space<hbm>>
    %dma_wait3A_77 = arith.constant 0 : i32
    %dma_wait3A_78 = arith.constant 0 : i32
    %dma_wait3A_79 = tpu.memref_slice %arg8[%dma_wait3A_68, %dma_wait3A_77, %dma_wait3A_78] : memref<2x32x1024xf32, #tpu.memory_space<vmem>> -> memref<1x32x1024xf32, #tpu.memory_space<vmem>>
    %dma_wait3A_80 = tpu.memref_squeeze %dma_wait3A_79 : memref<1x32x1024xf32, #tpu.memory_space<vmem>> -> memref<32x1024xf32, #tpu.memory_space<vmem>>
    tpu.wait_dma2 semaphore(%arg14 : memref<!tpu.dma_semaphore, #tpu.memory_space<semaphore_mem>>) src(%dma_wait3A_80 : memref<32x1024xf32, #tpu.memory_space<vmem>>) dst(%dma_wait3A_76 : memref<32x1024xf32, #tpu.memory_space<hbm>>)
    %dma_start3A_81 = arith.constant 0 : i32
    %dma_start3A_82 = arith.constant 0 : i32
    %dma_start3A_83 = arith.constant 0 : i32
    %dma_start3A_84 = tpu.memref_slice %arg8[%dma_start3A_81, %dma_start3A_82, %dma_start3A_83] : memref<2x32x1024xf32, #tpu.memory_space<vmem>> -> memref<1x32x1024xf32, #tpu.memory_space<vmem>>
    %dma_start3A_85 = tpu.memref_squeeze %dma_start3A_84 : memref<1x32x1024xf32, #tpu.memory_space<vmem>> -> memref<32x1024xf32, #tpu.memory_space<vmem>>
    %dma_start3A_86 = arith.constant 64 : i32
    %dma_start3A_87 = tpu.memref_slice %arg7[%dma_start3A_86] : memref<256xi32, #tpu.memory_space<vmem>> -> memref<32xi32, #tpu.memory_space<vmem>>
    %dma_start3A_88 = arith.constant 0 : i32
    %dma_start3A_89 = arith.constant 0 : i32
    %dma_start3A_90 = tpu.memref_slice %arg3[%dma_start3A_88, %dma_start3A_89] : memref<49408x1024xf32, #tpu.memory_space<hbm>> -> memref<49408x1024xf32, #tpu.memory_space<hbm>>
    tpu.enqueue_indirect_dma source(%dma_start3A_90 : memref<49408x1024xf32, #tpu.memory_space<hbm>>) target(%dma_start3A_85 : memref<32x1024xf32, #tpu.memory_space<vmem>>) offsets(%dma_start3A_87 : memref<32xi32, #tpu.memory_space<vmem>>) semaphore(%arg11 : memref<!tpu.dma_semaphore, #tpu.memory_space<semaphore_mem>>)
    %dma_wait3A_91 = arith.constant 1 : i32
    %dma_wait3A_92 = arith.constant 0 : i32
    %dma_wait3A_93 = arith.constant 0 : i32
    %dma_wait3A_94 = tpu.memref_slice %arg8[%dma_wait3A_91, %dma_wait3A_92, %dma_wait3A_93] : memref<2x32x1024xf32, #tpu.memory_space<vmem>> -> memref<1x32x1024xf32, #tpu.memory_space<vmem>>
    %dma_wait3A_95 = tpu.memref_squeeze %dma_wait3A_94 : memref<1x32x1024xf32, #tpu.memory_space<vmem>> -> memref<32x1024xf32, #tpu.memory_space<vmem>>
    %dma_wait3A_96 = arith.constant 32 : i32
    %dma_wait3A_97 = tpu.memref_slice %arg7[%dma_wait3A_96] : memref<256xi32, #tpu.memory_space<vmem>> -> memref<32xi32, #tpu.memory_space<vmem>>
    %dma_wait3A_98 = arith.constant 0 : i32
    %dma_wait3A_99 = arith.constant 0 : i32
    %dma_wait3A_100 = tpu.memref_slice %arg3[%dma_wait3A_98, %dma_wait3A_99] : memref<49408x1024xf32, #tpu.memory_space<hbm>> -> memref<49408x1024xf32, #tpu.memory_space<hbm>>
    tpu.wait_indirect_dma semaphore(%arg12 : memref<!tpu.dma_semaphore, #tpu.memory_space<semaphore_mem>>) src(%dma_wait3A_100 : memref<49408x1024xf32, #tpu.memory_space<hbm>>) dst(%dma_wait3A_95 : memref<32x1024xf32, #tpu.memory_space<vmem>>)
    %dma_wait3A_101 = arith.constant 0 : i32
    %dma_wait3A_102 = tpu.memref_slice %arg4[%add3A_61, %dma_wait3A_101] : memref<8192x1024xf32, #tpu.memory_space<hbm>> -> memref<32x1024xf32, #tpu.memory_space<hbm>>
    %dma_wait3A_103 = arith.constant 0 : i32
    %dma_wait3A_104 = tpu.memref_slice %arg4[%add3A_61, %dma_wait3A_103] : memref<8192x1024xf32, #tpu.memory_space<hbm>> -> memref<32x1024xf32, #tpu.memory_space<hbm>>
    tpu.wait_dma2 semaphore(%arg13 : memref<!tpu.dma_semaphore, #tpu.memory_space<semaphore_mem>>) src(%dma_wait3A_104 : memref<32x1024xf32, #tpu.memory_space<hbm>>) dst(%arg9 : memref<32x1024xf32, #tpu.memory_space<vmem>>)
    %parallel_loop3A_105 = arith.constant 0 : i32
    %parallel_loop3A_106 = arith.constant 2048 : i32
    %parallel_loop3A_107 = arith.constant 1 : i32
    scf.for %parallel_loop3A_504 = %parallel_loop3A_105 to %parallel_loop3A_106 step %parallel_loop3A_107  : i32 {
      %parallel_loop3A_505 = arith.constant 6 : i32
      %parallel_loop3A_506 = arith.shrsi %parallel_loop3A_504, %parallel_loop3A_505 : i32
      %parallel_loop3A_507 = arith.constant 63 : i32
      %parallel_loop3A_508 = arith.andi %parallel_loop3A_504, %parallel_loop3A_507 : i32
      %parallel_loop3A_509 = arith.constant 16 : i32
      %parallel_loop3A_510 = arith.muli %parallel_loop3A_508, %parallel_loop3A_509 : i32
      %parallel_loop3A_511 = arith.index_cast %parallel_loop3A_506 : i32 to index
      %parallel_loop3A_512 = arith.index_cast %parallel_loop3A_510 : i32 to index
      %parallel_loop3A_513 = tpu.vector_load %arg9[%parallel_loop3A_511, %parallel_loop3A_512] {strides = array<i32>} : memref<32x1024xf32, #tpu.memory_space<vmem>>, vector<1x16xf32>,
      %parallel_loop3A_514 = vector.shape_cast %parallel_loop3A_513 : vector<1x16xf32> to vector<16xf32>
      %parallel_loop3A_515 = arith.constant 1 : i32
      %parallel_loop3A_516 = arith.index_cast %parallel_loop3A_515 : i32 to index
      %parallel_loop3A_517 = arith.index_cast %parallel_loop3A_506 : i32 to index
      %parallel_loop3A_518 = arith.index_cast %parallel_loop3A_510 : i32 to index
      %parallel_loop3A_519 = tpu.vector_load %arg8[%parallel_loop3A_516, %parallel_loop3A_517, %parallel_loop3A_518] {strides = array<i32>} : memref<2x32x1024xf32, #tpu.memory_space<vmem>>, vector<1x1x16xf32>,
      %parallel_loop3A_520 = vector.shape_cast %parallel_loop3A_519 : vector<1x1x16xf32> to vector<16xf32>
      %parallel_loop3A_521 = vector.shape_cast %parallel_loop3A_514 : vector<16xf32> to vector<1x1x16xf32>
      tpu.vector_store %arg8[%parallel_loop3A_516, %parallel_loop3A_517, %parallel_loop3A_518], %parallel_loop3A_521 {add = true, strides = array<i32>} : memref<2x32x1024xf32, #tpu.memory_space<vmem>>, vector<1x1x16xf32>,
    } {sc.loop_unroll_factor = 16 : i64, sc.parallel_access}
    %add3A_108 = arith.constant 16 : i32
    %add3A_109 = arith.addi %add3A_67, %add3A_108 : i32
    %dma_start3A_110 = arith.constant 1 : i32
    %dma_start3A_111 = arith.constant 0 : i32
    %dma_start3A_112 = arith.constant 0 : i32
    %dma_start3A_113 = tpu.memref_slice %arg8[%dma_start3A_110, %dma_start3A_111, %dma_start3A_112] : memref<2x32x1024xf32, #tpu.memory_space<vmem>> -> memref<1x32x1024xf32, #tpu.memory_space<vmem>>
    %dma_start3A_114 = tpu.memref_squeeze %dma_start3A_113 : memref<1x32x1024xf32, #tpu.memory_space<vmem>> -> memref<32x1024xf32, #tpu.memory_space<vmem>>
    %dma_start3A_115 = arith.constant 0 : i32
    %dma_start3A_116 = tpu.memref_slice %arg6[%add3A_109, %dma_start3A_115] : memref<8208x1024xf32, #tpu.memory_space<hbm>> -> memref<32x1024xf32, #tpu.memory_space<hbm>>
    %dma_start3A_117 = arith.constant 0 : i32
    %dma_start3A_118 = tpu.memref_slice %arg6[%add3A_109, %dma_start3A_117] : memref<8208x1024xf32, #tpu.memory_space<hbm>> -> memref<32x1024xf32, #tpu.memory_space<hbm>>
    %dma_start3A_119 = arith.constant 0 : i32
    %dma_start3A_120 = arith.constant 0 : i32
    %dma_start3A_121 = tpu.memref_slice %arg8[%dma_start3A_110, %dma_start3A_119, %dma_start3A_120] : memref<2x32x1024xf32, #tpu.memory_space<vmem>> -> memref<1x32x1024xf32, #tpu.memory_space<vmem>>
    %dma_start3A_122 = tpu.memref_squeeze %dma_start3A_121 : memref<1x32x1024xf32, #tpu.memory_space<vmem>> -> memref<32x1024xf32, #tpu.memory_space<vmem>>
    tpu.enqueue_dma source(%dma_start3A_122 : memref<32x1024xf32, #tpu.memory_space<vmem>>) target(%dma_start3A_118 : memref<32x1024xf32, #tpu.memory_space<hbm>>) target_semaphore(%arg15 : memref<!tpu.dma_semaphore, #tpu.memory_space<semaphore_mem>>)
    %add3A_123 = arith.constant 64 : i32
    %add3A_124 = arith.addi %mul3A_2, %add3A_123 : i32
    %dma_start3A_125 = arith.constant 0 : i32
    %dma_start3A_126 = tpu.memref_slice %arg4[%add3A_124, %dma_start3A_125] : memref<8192x1024xf32, #tpu.memory_space<hbm>> -> memref<32x1024xf32, #tpu.memory_space<hbm>>
    %dma_start3A_127 = arith.constant 0 : i32
    %dma_start3A_128 = tpu.memref_slice %arg4[%add3A_124, %dma_start3A_127] : memref<8192x1024xf32, #tpu.memory_space<hbm>> -> memref<32x1024xf32, #tpu.memory_space<hbm>>
    tpu.enqueue_dma source(%dma_start3A_128 : memref<32x1024xf32, #tpu.memory_space<hbm>>) target(%arg9 : memref<32x1024xf32, #tpu.memory_space<vmem>>) target_semaphore(%arg13 : memref<!tpu.dma_semaphore, #tpu.memory_space<semaphore_mem>>)
    %add3A_129 = arith.constant 64 : i32
    %add3A_130 = arith.addi %mul3A_2, %add3A_129 : i32
    %dma_wait3A_131 = arith.constant 1 : i32
    %dma_wait3A_132 = arith.constant 0 : i32
    %dma_wait3A_133 = arith.constant 0 : i32
    %dma_wait3A_134 = tpu.memref_slice %arg8[%dma_wait3A_131, %dma_wait3A_132, %dma_wait3A_133] : memref<2x32x1024xf32, #tpu.memory_space<vmem>> -> memref<1x32x1024xf32, #tpu.memory_space<vmem>>
    %dma_wait3A_135 = tpu.memref_squeeze %dma_wait3A_134 : memref<1x32x1024xf32, #tpu.memory_space<vmem>> -> memref<32x1024xf32, #tpu.memory_space<vmem>>
    %dma_wait3A_136 = arith.constant 0 : i32
    %dma_wait3A_137 = tpu.memref_slice %arg6[%add3A_109, %dma_wait3A_136] : memref<8208x1024xf32, #tpu.memory_space<hbm>> -> memref<32x1024xf32, #tpu.memory_space<hbm>>
    %dma_wait3A_138 = arith.constant 0 : i32
    %dma_wait3A_139 = tpu.memref_slice %arg6[%add3A_109, %dma_wait3A_138] : memref<8208x1024xf32, #tpu.memory_space<hbm>> -> memref<32x1024xf32, #tpu.memory_space<hbm>>
    %dma_wait3A_140 = arith.constant 0 : i32
    %dma_wait3A_141 = arith.constant 0 : i32
    %dma_wait3A_142 = tpu.memref_slice %arg8[%dma_wait3A_131, %dma_wait3A_140, %dma_wait3A_141] : memref<2x32x1024xf32, #tpu.memory_space<vmem>> -> memref<1x32x1024xf32, #tpu.memory_space<vmem>>
    %dma_wait3A_143 = tpu.memref_squeeze %dma_wait3A_142 : memref<1x32x1024xf32, #tpu.memory_space<vmem>> -> memref<32x1024xf32, #tpu.memory_space<vmem>>
    tpu.wait_dma2 semaphore(%arg15 : memref<!tpu.dma_semaphore, #tpu.memory_space<semaphore_mem>>) src(%dma_wait3A_143 : memref<32x1024xf32, #tpu.memory_space<vmem>>) dst(%dma_wait3A_139 : memref<32x1024xf32, #tpu.memory_space<hbm>>)
    %dma_start3A_144 = arith.constant 1 : i32
    %dma_start3A_145 = arith.constant 0 : i32
    %dma_start3A_146 = arith.constant 0 : i32
    %dma_start3A_147 = tpu.memref_slice %arg8[%dma_start3A_144, %dma_start3A_145, %dma_start3A_146] : memref<2x32x1024xf32, #tpu.memory_space<vmem>> -> memref<1x32x1024xf32, #tpu.memory_space<vmem>>
    %dma_start3A_148 = tpu.memref_squeeze %dma_start3A_147 : memref<1x32x1024xf32, #tpu.memory_space<vmem>> -> memref<32x1024xf32, #tpu.memory_space<vmem>>
    %dma_start3A_149 = arith.constant 96 : i32
    %dma_start3A_150 = tpu.memref_slice %arg7[%dma_start3A_149] : memref<256xi32, #tpu.memory_space<vmem>> -> memref<32xi32, #tpu.memory_space<vmem>>
    %dma_start3A_151 = arith.constant 0 : i32
    %dma_start3A_152 = arith.constant 0 : i32
    %dma_start3A_153 = tpu.memref_slice %arg3[%dma_start3A_151, %dma_start3A_152] : memref<49408x1024xf32, #tpu.memory_space<hbm>> -> memref<49408x1024xf32, #tpu.memory_space<hbm>>
    tpu.enqueue_indirect_dma source(%dma_start3A_153 : memref<49408x1024xf32, #tpu.memory_space<hbm>>) target(%dma_start3A_148 : memref<32x1024xf32, #tpu.memory_space<vmem>>) offsets(%dma_start3A_150 : memref<32xi32, #tpu.memory_space<vmem>>) semaphore(%arg12 : memref<!tpu.dma_semaphore, #tpu.memory_space<semaphore_mem>>)
    %dma_wait3A_154 = arith.constant 0 : i32
    %dma_wait3A_155 = arith.constant 0 : i32
    %dma_wait3A_156 = arith.constant 0 : i32
    %dma_wait3A_157 = tpu.memref_slice %arg8[%dma_wait3A_154, %dma_wait3A_155, %dma_wait3A_156] : memref<2x32x1024xf32, #tpu.memory_space<vmem>> -> memref<1x32x1024xf32, #tpu.memory_space<vmem>>
    %dma_wait3A_158 = tpu.memref_squeeze %dma_wait3A_157 : memref<1x32x1024xf32, #tpu.memory_space<vmem>> -> memref<32x1024xf32, #tpu.memory_space<vmem>>
    %dma_wait3A_159 = arith.constant 64 : i32
    %dma_wait3A_160 = tpu.memref_slice %arg7[%dma_wait3A_159] : memref<256xi32, #tpu.memory_space<vmem>> -> memref<32xi32, #tpu.memory_space<vmem>>
    %dma_wait3A_161 = arith.constant 0 : i32
    %dma_wait3A_162 = arith.constant 0 : i32
    %dma_wait3A_163 = tpu.memref_slice %arg3[%dma_wait3A_161, %dma_wait3A_162] : memref<49408x1024xf32, #tpu.memory_space<hbm>> -> memref<49408x1024xf32, #tpu.memory_space<hbm>>
    tpu.wait_indirect_dma semaphore(%arg11 : memref<!tpu.dma_semaphore, #tpu.memory_space<semaphore_mem>>) src(%dma_wait3A_163 : memref<49408x1024xf32, #tpu.memory_space<hbm>>) dst(%dma_wait3A_158 : memref<32x1024xf32, #tpu.memory_space<vmem>>)
    %dma_wait3A_164 = arith.constant 0 : i32
    %dma_wait3A_165 = tpu.memref_slice %arg4[%add3A_124, %dma_wait3A_164] : memref<8192x1024xf32, #tpu.memory_space<hbm>> -> memref<32x1024xf32, #tpu.memory_space<hbm>>
    %dma_wait3A_166 = arith.constant 0 : i32
    %dma_wait3A_167 = tpu.memref_slice %arg4[%add3A_124, %dma_wait3A_166] : memref<8192x1024xf32, #tpu.memory_space<hbm>> -> memref<32x1024xf32, #tpu.memory_space<hbm>>
    tpu.wait_dma2 semaphore(%arg13 : memref<!tpu.dma_semaphore, #tpu.memory_space<semaphore_mem>>) src(%dma_wait3A_167 : memref<32x1024xf32, #tpu.memory_space<hbm>>) dst(%arg9 : memref<32x1024xf32, #tpu.memory_space<vmem>>)
    %parallel_loop3A_168 = arith.constant 0 : i32
    %parallel_loop3A_169 = arith.constant 2048 : i32
    %parallel_loop3A_170 = arith.constant 1 : i32
    scf.for %parallel_loop3A_504 = %parallel_loop3A_168 to %parallel_loop3A_169 step %parallel_loop3A_170  : i32 {
      %parallel_loop3A_505 = arith.constant 6 : i32
      %parallel_loop3A_506 = arith.shrsi %parallel_loop3A_504, %parallel_loop3A_505 : i32
      %parallel_loop3A_507 = arith.constant 63 : i32
      %parallel_loop3A_508 = arith.andi %parallel_loop3A_504, %parallel_loop3A_507 : i32
      %parallel_loop3A_509 = arith.constant 16 : i32
      %parallel_loop3A_510 = arith.muli %parallel_loop3A_508, %parallel_loop3A_509 : i32
      %parallel_loop3A_511 = arith.index_cast %parallel_loop3A_506 : i32 to index
      %parallel_loop3A_512 = arith.index_cast %parallel_loop3A_510 : i32 to index
      %parallel_loop3A_513 = tpu.vector_load %arg9[%parallel_loop3A_511, %parallel_loop3A_512] {strides = array<i32>} : memref<32x1024xf32, #tpu.memory_space<vmem>>, vector<1x16xf32>,
      %parallel_loop3A_514 = vector.shape_cast %parallel_loop3A_513 : vector<1x16xf32> to vector<16xf32>
      %parallel_loop3A_515 = arith.constant 0 : i32
      %parallel_loop3A_516 = arith.index_cast %parallel_loop3A_515 : i32 to index
      %parallel_loop3A_517 = arith.index_cast %parallel_loop3A_506 : i32 to index
      %parallel_loop3A_518 = arith.index_cast %parallel_loop3A_510 : i32 to index
      %parallel_loop3A_519 = tpu.vector_load %arg8[%parallel_loop3A_516, %parallel_loop3A_517, %parallel_loop3A_518] {strides = array<i32>} : memref<2x32x1024xf32, #tpu.memory_space<vmem>>, vector<1x1x16xf32>,
      %parallel_loop3A_520 = vector.shape_cast %parallel_loop3A_519 : vector<1x1x16xf32> to vector<16xf32>
      %parallel_loop3A_521 = vector.shape_cast %parallel_loop3A_514 : vector<16xf32> to vector<1x1x16xf32>
      tpu.vector_store %arg8[%parallel_loop3A_516, %parallel_loop3A_517, %parallel_loop3A_518], %parallel_loop3A_521 {add = true, strides = array<i32>} : memref<2x32x1024xf32, #tpu.memory_space<vmem>>, vector<1x1x16xf32>,
    } {sc.loop_unroll_factor = 16 : i64, sc.parallel_access}
    %add3A_171 = arith.constant 16 : i32
    %add3A_172 = arith.addi %add3A_130, %add3A_171 : i32
    %dma_start3A_173 = arith.constant 0 : i32
    %dma_start3A_174 = arith.constant 0 : i32
    %dma_start3A_175 = arith.constant 0 : i32
    %dma_start3A_176 = tpu.memref_slice %arg8[%dma_start3A_173, %dma_start3A_174, %dma_start3A_175] : memref<2x32x1024xf32, #tpu.memory_space<vmem>> -> memref<1x32x1024xf32, #tpu.memory_space<vmem>>
    %dma_start3A_177 = tpu.memref_squeeze %dma_start3A_176 : memref<1x32x1024xf32, #tpu.memory_space<vmem>> -> memref<32x1024xf32, #tpu.memory_space<vmem>>
    %dma_start3A_178 = arith.constant 0 : i32
    %dma_start3A_179 = tpu.memref_slice %arg6[%add3A_172, %dma_start3A_178] : memref<8208x1024xf32, #tpu.memory_space<hbm>> -> memref<32x1024xf32, #tpu.memory_space<hbm>>
    %dma_start3A_180 = arith.constant 0 : i32
    %dma_start3A_181 = tpu.memref_slice %arg6[%add3A_172, %dma_start3A_180] : memref<8208x1024xf32, #tpu.memory_space<hbm>> -> memref<32x1024xf32, #tpu.memory_space<hbm>>
    %dma_start3A_182 = arith.constant 0 : i32
    %dma_start3A_183 = arith.constant 0 : i32
    %dma_start3A_184 = tpu.memref_slice %arg8[%dma_start3A_173, %dma_start3A_182, %dma_start3A_183] : memref<2x32x1024xf32, #tpu.memory_space<vmem>> -> memref<1x32x1024xf32, #tpu.memory_space<vmem>>
    %dma_start3A_185 = tpu.memref_squeeze %dma_start3A_184 : memref<1x32x1024xf32, #tpu.memory_space<vmem>> -> memref<32x1024xf32, #tpu.memory_space<vmem>>
    tpu.enqueue_dma source(%dma_start3A_185 : memref<32x1024xf32, #tpu.memory_space<vmem>>) target(%dma_start3A_181 : memref<32x1024xf32, #tpu.memory_space<hbm>>) target_semaphore(%arg14 : memref<!tpu.dma_semaphore, #tpu.memory_space<semaphore_mem>>)
    %add3A_186 = arith.constant 96 : i32
    %add3A_187 = arith.addi %mul3A_2, %add3A_186 : i32
    %dma_start3A_188 = arith.constant 0 : i32
    %dma_start3A_189 = tpu.memref_slice %arg4[%add3A_187, %dma_start3A_188] : memref<8192x1024xf32, #tpu.memory_space<hbm>> -> memref<32x1024xf32, #tpu.memory_space<hbm>>
    %dma_start3A_190 = arith.constant 0 : i32
    %dma_start3A_191 = tpu.memref_slice %arg4[%add3A_187, %dma_start3A_190] : memref<8192x1024xf32, #tpu.memory_space<hbm>> -> memref<32x1024xf32, #tpu.memory_space<hbm>>
    tpu.enqueue_dma source(%dma_start3A_191 : memref<32x1024xf32, #tpu.memory_space<hbm>>) target(%arg9 : memref<32x1024xf32, #tpu.memory_space<vmem>>) target_semaphore(%arg13 : memref<!tpu.dma_semaphore, #tpu.memory_space<semaphore_mem>>)
    %add3A_192 = arith.constant 96 : i32
    %add3A_193 = arith.addi %mul3A_2, %add3A_192 : i32
    %dma_wait3A_194 = arith.constant 0 : i32
    %dma_wait3A_195 = arith.constant 0 : i32
    %dma_wait3A_196 = arith.constant 0 : i32
    %dma_wait3A_197 = tpu.memref_slice %arg8[%dma_wait3A_194, %dma_wait3A_195, %dma_wait3A_196] : memref<2x32x1024xf32, #tpu.memory_space<vmem>> -> memref<1x32x1024xf32, #tpu.memory_space<vmem>>
    %dma_wait3A_198 = tpu.memref_squeeze %dma_wait3A_197 : memref<1x32x1024xf32, #tpu.memory_space<vmem>> -> memref<32x1024xf32, #tpu.memory_space<vmem>>
    %dma_wait3A_199 = arith.constant 0 : i32
    %dma_wait3A_200 = tpu.memref_slice %arg6[%add3A_172, %dma_wait3A_199] : memref<8208x1024xf32, #tpu.memory_space<hbm>> -> memref<32x1024xf32, #tpu.memory_space<hbm>>
    %dma_wait3A_201 = arith.constant 0 : i32
    %dma_wait3A_202 = tpu.memref_slice %arg6[%add3A_172, %dma_wait3A_201] : memref<8208x1024xf32, #tpu.memory_space<hbm>> -> memref<32x1024xf32, #tpu.memory_space<hbm>>
    %dma_wait3A_203 = arith.constant 0 : i32
    %dma_wait3A_204 = arith.constant 0 : i32
    %dma_wait3A_205 = tpu.memref_slice %arg8[%dma_wait3A_194, %dma_wait3A_203, %dma_wait3A_204] : memref<2x32x1024xf32, #tpu.memory_space<vmem>> -> memref<1x32x1024xf32, #tpu.memory_space<vmem>>
    %dma_wait3A_206 = tpu.memref_squeeze %dma_wait3A_205 : memref<1x32x1024xf32, #tpu.memory_space<vmem>> -> memref<32x1024xf32, #tpu.memory_space<vmem>>
    tpu.wait_dma2 semaphore(%arg14 : memref<!tpu.dma_semaphore, #tpu.memory_space<semaphore_mem>>) src(%dma_wait3A_206 : memref<32x1024xf32, #tpu.memory_space<vmem>>) dst(%dma_wait3A_202 : memref<32x1024xf32, #tpu.memory_space<hbm>>)
    %dma_start3A_207 = arith.constant 0 : i32
    %dma_start3A_208 = arith.constant 0 : i32
    %dma_start3A_209 = arith.constant 0 : i32
    %dma_start3A_210 = tpu.memref_slice %arg8[%dma_start3A_207, %dma_start3A_208, %dma_start3A_209] : memref<2x32x1024xf32, #tpu.memory_space<vmem>> -> memref<1x32x1024xf32, #tpu.memory_space<vmem>>
    %dma_start3A_211 = tpu.memref_squeeze %dma_start3A_210 : memref<1x32x1024xf32, #tpu.memory_space<vmem>> -> memref<32x1024xf32, #tpu.memory_space<vmem>>
    %dma_start3A_212 = arith.constant 128 : i32
    %dma_start3A_213 = tpu.memref_slice %arg7[%dma_start3A_212] : memref<256xi32, #tpu.memory_space<vmem>> -> memref<32xi32, #tpu.memory_space<vmem>>
    %dma_start3A_214 = arith.constant 0 : i32
    %dma_start3A_215 = arith.constant 0 : i32
    %dma_start3A_216 = tpu.memref_slice %arg3[%dma_start3A_214, %dma_start3A_215] : memref<49408x1024xf32, #tpu.memory_space<hbm>> -> memref<49408x1024xf32, #tpu.memory_space<hbm>>
    tpu.enqueue_indirect_dma source(%dma_start3A_216 : memref<49408x1024xf32, #tpu.memory_space<hbm>>) target(%dma_start3A_211 : memref<32x1024xf32, #tpu.memory_space<vmem>>) offsets(%dma_start3A_213 : memref<32xi32, #tpu.memory_space<vmem>>) semaphore(%arg11 : memref<!tpu.dma_semaphore, #tpu.memory_space<semaphore_mem>>)
    %dma_wait3A_217 = arith.constant 1 : i32
    %dma_wait3A_218 = arith.constant 0 : i32
    %dma_wait3A_219 = arith.constant 0 : i32
    %dma_wait3A_220 = tpu.memref_slice %arg8[%dma_wait3A_217, %dma_wait3A_218, %dma_wait3A_219] : memref<2x32x1024xf32, #tpu.memory_space<vmem>> -> memref<1x32x1024xf32, #tpu.memory_space<vmem>>
    %dma_wait3A_221 = tpu.memref_squeeze %dma_wait3A_220 : memref<1x32x1024xf32, #tpu.memory_space<vmem>> -> memref<32x1024xf32, #tpu.memory_space<vmem>>
    %dma_wait3A_222 = arith.constant 96 : i32
    %dma_wait3A_223 = tpu.memref_slice %arg7[%dma_wait3A_222] : memref<256xi32, #tpu.memory_space<vmem>> -> memref<32xi32, #tpu.memory_space<vmem>>
    %dma_wait3A_224 = arith.constant 0 : i32
    %dma_wait3A_225 = arith.constant 0 : i32
    %dma_wait3A_226 = tpu.memref_slice %arg3[%dma_wait3A_224, %dma_wait3A_225] : memref<49408x1024xf32, #tpu.memory_space<hbm>> -> memref<49408x1024xf32, #tpu.memory_space<hbm>>
    tpu.wait_indirect_dma semaphore(%arg12 : memref<!tpu.dma_semaphore, #tpu.memory_space<semaphore_mem>>) src(%dma_wait3A_226 : memref<49408x1024xf32, #tpu.memory_space<hbm>>) dst(%dma_wait3A_221 : memref<32x1024xf32, #tpu.memory_space<vmem>>)
    %dma_wait3A_227 = arith.constant 0 : i32
    %dma_wait3A_228 = tpu.memref_slice %arg4[%add3A_187, %dma_wait3A_227] : memref<8192x1024xf32, #tpu.memory_space<hbm>> -> memref<32x1024xf32, #tpu.memory_space<hbm>>
    %dma_wait3A_229 = arith.constant 0 : i32
    %dma_wait3A_230 = tpu.memref_slice %arg4[%add3A_187, %dma_wait3A_229] : memref<8192x1024xf32, #tpu.memory_space<hbm>> -> memref<32x1024xf32, #tpu.memory_space<hbm>>
    tpu.wait_dma2 semaphore(%arg13 : memref<!tpu.dma_semaphore, #tpu.memory_space<semaphore_mem>>) src(%dma_wait3A_230 : memref<32x1024xf32, #tpu.memory_space<hbm>>) dst(%arg9 : memref<32x1024xf32, #tpu.memory_space<vmem>>)
    %parallel_loop3A_231 = arith.constant 0 : i32
    %parallel_loop3A_232 = arith.constant 2048 : i32
    %parallel_loop3A_233 = arith.constant 1 : i32
    scf.for %parallel_loop3A_504 = %parallel_loop3A_231 to %parallel_loop3A_232 step %parallel_loop3A_233  : i32 {
      %parallel_loop3A_505 = arith.constant 6 : i32
      %parallel_loop3A_506 = arith.shrsi %parallel_loop3A_504, %parallel_loop3A_505 : i32
      %parallel_loop3A_507 = arith.constant 63 : i32
      %parallel_loop3A_508 = arith.andi %parallel_loop3A_504, %parallel_loop3A_507 : i32
      %parallel_loop3A_509 = arith.constant 16 : i32
      %parallel_loop3A_510 = arith.muli %parallel_loop3A_508, %parallel_loop3A_509 : i32
      %parallel_loop3A_511 = arith.index_cast %parallel_loop3A_506 : i32 to index
      %parallel_loop3A_512 = arith.index_cast %parallel_loop3A_510 : i32 to index
      %parallel_loop3A_513 = tpu.vector_load %arg9[%parallel_loop3A_511, %parallel_loop3A_512] {strides = array<i32>} : memref<32x1024xf32, #tpu.memory_space<vmem>>, vector<1x16xf32>,
      %parallel_loop3A_514 = vector.shape_cast %parallel_loop3A_513 : vector<1x16xf32> to vector<16xf32>
      %parallel_loop3A_515 = arith.constant 1 : i32
      %parallel_loop3A_516 = arith.index_cast %parallel_loop3A_515 : i32 to index
      %parallel_loop3A_517 = arith.index_cast %parallel_loop3A_506 : i32 to index
      %parallel_loop3A_518 = arith.index_cast %parallel_loop3A_510 : i32 to index
      %parallel_loop3A_519 = tpu.vector_load %arg8[%parallel_loop3A_516, %parallel_loop3A_517, %parallel_loop3A_518] {strides = array<i32>} : memref<2x32x1024xf32, #tpu.memory_space<vmem>>, vector<1x1x16xf32>,
      %parallel_loop3A_520 = vector.shape_cast %parallel_loop3A_519 : vector<1x1x16xf32> to vector<16xf32>
      %parallel_loop3A_521 = vector.shape_cast %parallel_loop3A_514 : vector<16xf32> to vector<1x1x16xf32>
      tpu.vector_store %arg8[%parallel_loop3A_516, %parallel_loop3A_517, %parallel_loop3A_518], %parallel_loop3A_521 {add = true, strides = array<i32>} : memref<2x32x1024xf32, #tpu.memory_space<vmem>>, vector<1x1x16xf32>,
    } {sc.loop_unroll_factor = 16 : i64, sc.parallel_access}
    %add3A_234 = arith.constant 16 : i32
    %add3A_235 = arith.addi %add3A_193, %add3A_234 : i32
    %dma_start3A_236 = arith.constant 1 : i32
    %dma_start3A_237 = arith.constant 0 : i32
    %dma_start3A_238 = arith.constant 0 : i32
    %dma_start3A_239 = tpu.memref_slice %arg8[%dma_start3A_236, %dma_start3A_237, %dma_start3A_238] : memref<2x32x1024xf32, #tpu.memory_space<vmem>> -> memref<1x32x1024xf32, #tpu.memory_space<vmem>>
    %dma_start3A_240 = tpu.memref_squeeze %dma_start3A_239 : memref<1x32x1024xf32, #tpu.memory_space<vmem>> -> memref<32x1024xf32, #tpu.memory_space<vmem>>
    %dma_start3A_241 = arith.constant 0 : i32
    %dma_start3A_242 = tpu.memref_slice %arg6[%add3A_235, %dma_start3A_241] : memref<8208x1024xf32, #tpu.memory_space<hbm>> -> memref<32x1024xf32, #tpu.memory_space<hbm>>
    %dma_start3A_243 = arith.constant 0 : i32
    %dma_start3A_244 = tpu.memref_slice %arg6[%add3A_235, %dma_start3A_243] : memref<8208x1024xf32, #tpu.memory_space<hbm>> -> memref<32x1024xf32, #tpu.memory_space<hbm>>
    %dma_start3A_245 = arith.constant 0 : i32
    %dma_start3A_246 = arith.constant 0 : i32
    %dma_start3A_247 = tpu.memref_slice %arg8[%dma_start3A_236, %dma_start3A_245, %dma_start3A_246] : memref<2x32x1024xf32, #tpu.memory_space<vmem>> -> memref<1x32x1024xf32, #tpu.memory_space<vmem>>
    %dma_start3A_248 = tpu.memref_squeeze %dma_start3A_247 : memref<1x32x1024xf32, #tpu.memory_space<vmem>> -> memref<32x1024xf32, #tpu.memory_space<vmem>>
    tpu.enqueue_dma source(%dma_start3A_248 : memref<32x1024xf32, #tpu.memory_space<vmem>>) target(%dma_start3A_244 : memref<32x1024xf32, #tpu.memory_space<hbm>>) target_semaphore(%arg15 : memref<!tpu.dma_semaphore, #tpu.memory_space<semaphore_mem>>)
    %add3A_249 = arith.constant 128 : i32
    %add3A_250 = arith.addi %mul3A_2, %add3A_249 : i32
    %dma_start3A_251 = arith.constant 0 : i32
    %dma_start3A_252 = tpu.memref_slice %arg4[%add3A_250, %dma_start3A_251] : memref<8192x1024xf32, #tpu.memory_space<hbm>> -> memref<32x1024xf32, #tpu.memory_space<hbm>>
    %dma_start3A_253 = arith.constant 0 : i32
    %dma_start3A_254 = tpu.memref_slice %arg4[%add3A_250, %dma_start3A_253] : memref<8192x1024xf32, #tpu.memory_space<hbm>> -> memref<32x1024xf32, #tpu.memory_space<hbm>>
    tpu.enqueue_dma source(%dma_start3A_254 : memref<32x1024xf32, #tpu.memory_space<hbm>>) target(%arg9 : memref<32x1024xf32, #tpu.memory_space<vmem>>) target_semaphore(%arg13 : memref<!tpu.dma_semaphore, #tpu.memory_space<semaphore_mem>>)
    %add3A_255 = arith.constant 128 : i32
    %add3A_256 = arith.addi %mul3A_2, %add3A_255 : i32
    %dma_wait3A_257 = arith.constant 1 : i32
    %dma_wait3A_258 = arith.constant 0 : i32
    %dma_wait3A_259 = arith.constant 0 : i32
    %dma_wait3A_260 = tpu.memref_slice %arg8[%dma_wait3A_257, %dma_wait3A_258, %dma_wait3A_259] : memref<2x32x1024xf32, #tpu.memory_space<vmem>> -> memref<1x32x1024xf32, #tpu.memory_space<vmem>>
    %dma_wait3A_261 = tpu.memref_squeeze %dma_wait3A_260 : memref<1x32x1024xf32, #tpu.memory_space<vmem>> -> memref<32x1024xf32, #tpu.memory_space<vmem>>
    %dma_wait3A_262 = arith.constant 0 : i32
    %dma_wait3A_263 = tpu.memref_slice %arg6[%add3A_235, %dma_wait3A_262] : memref<8208x1024xf32, #tpu.memory_space<hbm>> -> memref<32x1024xf32, #tpu.memory_space<hbm>>
    %dma_wait3A_264 = arith.constant 0 : i32
    %dma_wait3A_265 = tpu.memref_slice %arg6[%add3A_235, %dma_wait3A_264] : memref<8208x1024xf32, #tpu.memory_space<hbm>> -> memref<32x1024xf32, #tpu.memory_space<hbm>>
    %dma_wait3A_266 = arith.constant 0 : i32
    %dma_wait3A_267 = arith.constant 0 : i32
    %dma_wait3A_268 = tpu.memref_slice %arg8[%dma_wait3A_257, %dma_wait3A_266, %dma_wait3A_267] : memref<2x32x1024xf32, #tpu.memory_space<vmem>> -> memref<1x32x1024xf32, #tpu.memory_space<vmem>>
    %dma_wait3A_269 = tpu.memref_squeeze %dma_wait3A_268 : memref<1x32x1024xf32, #tpu.memory_space<vmem>> -> memref<32x1024xf32, #tpu.memory_space<vmem>>
    tpu.wait_dma2 semaphore(%arg15 : memref<!tpu.dma_semaphore, #tpu.memory_space<semaphore_mem>>) src(%dma_wait3A_269 : memref<32x1024xf32, #tpu.memory_space<vmem>>) dst(%dma_wait3A_265 : memref<32x1024xf32, #tpu.memory_space<hbm>>)
    %dma_start3A_270 = arith.constant 1 : i32
    %dma_start3A_271 = arith.constant 0 : i32
    %dma_start3A_272 = arith.constant 0 : i32
    %dma_start3A_273 = tpu.memref_slice %arg8[%dma_start3A_270, %dma_start3A_271, %dma_start3A_272] : memref<2x32x1024xf32, #tpu.memory_space<vmem>> -> memref<1x32x1024xf32, #tpu.memory_space<vmem>>
    %dma_start3A_274 = tpu.memref_squeeze %dma_start3A_273 : memref<1x32x1024xf32, #tpu.memory_space<vmem>> -> memref<32x1024xf32, #tpu.memory_space<vmem>>
    %dma_start3A_275 = arith.constant 160 : i32
    %dma_start3A_276 = tpu.memref_slice %arg7[%dma_start3A_275] : memref<256xi32, #tpu.memory_space<vmem>> -> memref<32xi32, #tpu.memory_space<vmem>>
    %dma_start3A_277 = arith.constant 0 : i32
    %dma_start3A_278 = arith.constant 0 : i32
    %dma_start3A_279 = tpu.memref_slice %arg3[%dma_start3A_277, %dma_start3A_278] : memref<49408x1024xf32, #tpu.memory_space<hbm>> -> memref<49408x1024xf32, #tpu.memory_space<hbm>>
    tpu.enqueue_indirect_dma source(%dma_start3A_279 : memref<49408x1024xf32, #tpu.memory_space<hbm>>) target(%dma_start3A_274 : memref<32x1024xf32, #tpu.memory_space<vmem>>) offsets(%dma_start3A_276 : memref<32xi32, #tpu.memory_space<vmem>>) semaphore(%arg12 : memref<!tpu.dma_semaphore, #tpu.memory_space<semaphore_mem>>)
    %dma_wait3A_280 = arith.constant 0 : i32
    %dma_wait3A_281 = arith.constant 0 : i32
    %dma_wait3A_282 = arith.constant 0 : i32
    %dma_wait3A_283 = tpu.memref_slice %arg8[%dma_wait3A_280, %dma_wait3A_281, %dma_wait3A_282] : memref<2x32x1024xf32, #tpu.memory_space<vmem>> -> memref<1x32x1024xf32, #tpu.memory_space<vmem>>
    %dma_wait3A_284 = tpu.memref_squeeze %dma_wait3A_283 : memref<1x32x1024xf32, #tpu.memory_space<vmem>> -> memref<32x1024xf32, #tpu.memory_space<vmem>>
    %dma_wait3A_285 = arith.constant 128 : i32
    %dma_wait3A_286 = tpu.memref_slice %arg7[%dma_wait3A_285] : memref<256xi32, #tpu.memory_space<vmem>> -> memref<32xi32, #tpu.memory_space<vmem>>
    %dma_wait3A_287 = arith.constant 0 : i32
    %dma_wait3A_288 = arith.constant 0 : i32
    %dma_wait3A_289 = tpu.memref_slice %arg3[%dma_wait3A_287, %dma_wait3A_288] : memref<49408x1024xf32, #tpu.memory_space<hbm>> -> memref<49408x1024xf32, #tpu.memory_space<hbm>>
    tpu.wait_indirect_dma semaphore(%arg11 : memref<!tpu.dma_semaphore, #tpu.memory_space<semaphore_mem>>) src(%dma_wait3A_289 : memref<49408x1024xf32, #tpu.memory_space<hbm>>) dst(%dma_wait3A_284 : memref<32x1024xf32, #tpu.memory_space<vmem>>)
    %dma_wait3A_290 = arith.constant 0 : i32
    %dma_wait3A_291 = tpu.memref_slice %arg4[%add3A_250, %dma_wait3A_290] : memref<8192x1024xf32, #tpu.memory_space<hbm>> -> memref<32x1024xf32, #tpu.memory_space<hbm>>
    %dma_wait3A_292 = arith.constant 0 : i32
    %dma_wait3A_293 = tpu.memref_slice %arg4[%add3A_250, %dma_wait3A_292] : memref<8192x1024xf32, #tpu.memory_space<hbm>> -> memref<32x1024xf32, #tpu.memory_space<hbm>>
    tpu.wait_dma2 semaphore(%arg13 : memref<!tpu.dma_semaphore, #tpu.memory_space<semaphore_mem>>) src(%dma_wait3A_293 : memref<32x1024xf32, #tpu.memory_space<hbm>>) dst(%arg9 : memref<32x1024xf32, #tpu.memory_space<vmem>>)
    %parallel_loop3A_294 = arith.constant 0 : i32
    %parallel_loop3A_295 = arith.constant 2048 : i32
    %parallel_loop3A_296 = arith.constant 1 : i32
    scf.for %parallel_loop3A_504 = %parallel_loop3A_294 to %parallel_loop3A_295 step %parallel_loop3A_296  : i32 {
      %parallel_loop3A_505 = arith.constant 6 : i32
      %parallel_loop3A_506 = arith.shrsi %parallel_loop3A_504, %parallel_loop3A_505 : i32
      %parallel_loop3A_507 = arith.constant 63 : i32
      %parallel_loop3A_508 = arith.andi %parallel_loop3A_504, %parallel_loop3A_507 : i32
      %parallel_loop3A_509 = arith.constant 16 : i32
      %parallel_loop3A_510 = arith.muli %parallel_loop3A_508, %parallel_loop3A_509 : i32
      %parallel_loop3A_511 = arith.index_cast %parallel_loop3A_506 : i32 to index
      %parallel_loop3A_512 = arith.index_cast %parallel_loop3A_510 : i32 to index
      %parallel_loop3A_513 = tpu.vector_load %arg9[%parallel_loop3A_511, %parallel_loop3A_512] {strides = array<i32>} : memref<32x1024xf32, #tpu.memory_space<vmem>>, vector<1x16xf32>,
      %parallel_loop3A_514 = vector.shape_cast %parallel_loop3A_513 : vector<1x16xf32> to vector<16xf32>
      %parallel_loop3A_515 = arith.constant 0 : i32
      %parallel_loop3A_516 = arith.index_cast %parallel_loop3A_515 : i32 to index
      %parallel_loop3A_517 = arith.index_cast %parallel_loop3A_506 : i32 to index
      %parallel_loop3A_518 = arith.index_cast %parallel_loop3A_510 : i32 to index
      %parallel_loop3A_519 = tpu.vector_load %arg8[%parallel_loop3A_516, %parallel_loop3A_517, %parallel_loop3A_518] {strides = array<i32>} : memref<2x32x1024xf32, #tpu.memory_space<vmem>>, vector<1x1x16xf32>,
      %parallel_loop3A_520 = vector.shape_cast %parallel_loop3A_519 : vector<1x1x16xf32> to vector<16xf32>
      %parallel_loop3A_521 = vector.shape_cast %parallel_loop3A_514 : vector<16xf32> to vector<1x1x16xf32>
      tpu.vector_store %arg8[%parallel_loop3A_516, %parallel_loop3A_517, %parallel_loop3A_518], %parallel_loop3A_521 {add = true, strides = array<i32>} : memref<2x32x1024xf32, #tpu.memory_space<vmem>>, vector<1x1x16xf32>,
    } {sc.loop_unroll_factor = 16 : i64, sc.parallel_access}
    %add3A_297 = arith.constant 16 : i32
    %add3A_298 = arith.addi %add3A_256, %add3A_297 : i32
    %dma_start3A_299 = arith.constant 0 : i32
    %dma_start3A_300 = arith.constant 0 : i32
    %dma_start3A_301 = arith.constant 0 : i32
    %dma_start3A_302 = tpu.memref_slice %arg8[%dma_start3A_299, %dma_start3A_300, %dma_start3A_301] : memref<2x32x1024xf32, #tpu.memory_space<vmem>> -> memref<1x32x1024xf32, #tpu.memory_space<vmem>>
    %dma_start3A_303 = tpu.memref_squeeze %dma_start3A_302 : memref<1x32x1024xf32, #tpu.memory_space<vmem>> -> memref<32x1024xf32, #tpu.memory_space<vmem>>
    %dma_start3A_304 = arith.constant 0 : i32
    %dma_start3A_305 = tpu.memref_slice %arg6[%add3A_298, %dma_start3A_304] : memref<8208x1024xf32, #tpu.memory_space<hbm>> -> memref<32x1024xf32, #tpu.memory_space<hbm>>
    %dma_start3A_306 = arith.constant 0 : i32
    %dma_start3A_307 = tpu.memref_slice %arg6[%add3A_298, %dma_start3A_306] : memref<8208x1024xf32, #tpu.memory_space<hbm>> -> memref<32x1024xf32, #tpu.memory_space<hbm>>
    %dma_start3A_308 = arith.constant 0 : i32
    %dma_start3A_309 = arith.constant 0 : i32
    %dma_start3A_310 = tpu.memref_slice %arg8[%dma_start3A_299, %dma_start3A_308, %dma_start3A_309] : memref<2x32x1024xf32, #tpu.memory_space<vmem>> -> memref<1x32x1024xf32, #tpu.memory_space<vmem>>
    %dma_start3A_311 = tpu.memref_squeeze %dma_start3A_310 : memref<1x32x1024xf32, #tpu.memory_space<vmem>> -> memref<32x1024xf32, #tpu.memory_space<vmem>>
    tpu.enqueue_dma source(%dma_start3A_311 : memref<32x1024xf32, #tpu.memory_space<vmem>>) target(%dma_start3A_307 : memref<32x1024xf32, #tpu.memory_space<hbm>>) target_semaphore(%arg14 : memref<!tpu.dma_semaphore, #tpu.memory_space<semaphore_mem>>)
    %add3A_312 = arith.constant 160 : i32
    %add3A_313 = arith.addi %mul3A_2, %add3A_312 : i32
    %dma_start3A_314 = arith.constant 0 : i32
    %dma_start3A_315 = tpu.memref_slice %arg4[%add3A_313, %dma_start3A_314] : memref<8192x1024xf32, #tpu.memory_space<hbm>> -> memref<32x1024xf32, #tpu.memory_space<hbm>>
    %dma_start3A_316 = arith.constant 0 : i32
    %dma_start3A_317 = tpu.memref_slice %arg4[%add3A_313, %dma_start3A_316] : memref<8192x1024xf32, #tpu.memory_space<hbm>> -> memref<32x1024xf32, #tpu.memory_space<hbm>>
    tpu.enqueue_dma source(%dma_start3A_317 : memref<32x1024xf32, #tpu.memory_space<hbm>>) target(%arg9 : memref<32x1024xf32, #tpu.memory_space<vmem>>) target_semaphore(%arg13 : memref<!tpu.dma_semaphore, #tpu.memory_space<semaphore_mem>>)
    %add3A_318 = arith.constant 160 : i32
    %add3A_319 = arith.addi %mul3A_2, %add3A_318 : i32
    %dma_wait3A_320 = arith.constant 0 : i32
    %dma_wait3A_321 = arith.constant 0 : i32
    %dma_wait3A_322 = arith.constant 0 : i32
    %dma_wait3A_323 = tpu.memref_slice %arg8[%dma_wait3A_320, %dma_wait3A_321, %dma_wait3A_322] : memref<2x32x1024xf32, #tpu.memory_space<vmem>> -> memref<1x32x1024xf32, #tpu.memory_space<vmem>>
    %dma_wait3A_324 = tpu.memref_squeeze %dma_wait3A_323 : memref<1x32x1024xf32, #tpu.memory_space<vmem>> -> memref<32x1024xf32, #tpu.memory_space<vmem>>
    %dma_wait3A_325 = arith.constant 0 : i32
    %dma_wait3A_326 = tpu.memref_slice %arg6[%add3A_298, %dma_wait3A_325] : memref<8208x1024xf32, #tpu.memory_space<hbm>> -> memref<32x1024xf32, #tpu.memory_space<hbm>>
    %dma_wait3A_327 = arith.constant 0 : i32
    %dma_wait3A_328 = tpu.memref_slice %arg6[%add3A_298, %dma_wait3A_327] : memref<8208x1024xf32, #tpu.memory_space<hbm>> -> memref<32x1024xf32, #tpu.memory_space<hbm>>
    %dma_wait3A_329 = arith.constant 0 : i32
    %dma_wait3A_330 = arith.constant 0 : i32
    %dma_wait3A_331 = tpu.memref_slice %arg8[%dma_wait3A_320, %dma_wait3A_329, %dma_wait3A_330] : memref<2x32x1024xf32, #tpu.memory_space<vmem>> -> memref<1x32x1024xf32, #tpu.memory_space<vmem>>
    %dma_wait3A_332 = tpu.memref_squeeze %dma_wait3A_331 : memref<1x32x1024xf32, #tpu.memory_space<vmem>> -> memref<32x1024xf32, #tpu.memory_space<vmem>>
    tpu.wait_dma2 semaphore(%arg14 : memref<!tpu.dma_semaphore, #tpu.memory_space<semaphore_mem>>) src(%dma_wait3A_332 : memref<32x1024xf32, #tpu.memory_space<vmem>>) dst(%dma_wait3A_328 : memref<32x1024xf32, #tpu.memory_space<hbm>>)
    %dma_start3A_333 = arith.constant 0 : i32
    %dma_start3A_334 = arith.constant 0 : i32
    %dma_start3A_335 = arith.constant 0 : i32
    %dma_start3A_336 = tpu.memref_slice %arg8[%dma_start3A_333, %dma_start3A_334, %dma_start3A_335] : memref<2x32x1024xf32, #tpu.memory_space<vmem>> -> memref<1x32x1024xf32, #tpu.memory_space<vmem>>
    %dma_start3A_337 = tpu.memref_squeeze %dma_start3A_336 : memref<1x32x1024xf32, #tpu.memory_space<vmem>> -> memref<32x1024xf32, #tpu.memory_space<vmem>>
    %dma_start3A_338 = arith.constant 192 : i32
    %dma_start3A_339 = tpu.memref_slice %arg7[%dma_start3A_338] : memref<256xi32, #tpu.memory_space<vmem>> -> memref<32xi32, #tpu.memory_space<vmem>>
    %dma_start3A_340 = arith.constant 0 : i32
    %dma_start3A_341 = arith.constant 0 : i32
    %dma_start3A_342 = tpu.memref_slice %arg3[%dma_start3A_340, %dma_start3A_341] : memref<49408x1024xf32, #tpu.memory_space<hbm>> -> memref<49408x1024xf32, #tpu.memory_space<hbm>>
    tpu.enqueue_indirect_dma source(%dma_start3A_342 : memref<49408x1024xf32, #tpu.memory_space<hbm>>) target(%dma_start3A_337 : memref<32x1024xf32, #tpu.memory_space<vmem>>) offsets(%dma_start3A_339 : memref<32xi32, #tpu.memory_space<vmem>>) semaphore(%arg11 : memref<!tpu.dma_semaphore, #tpu.memory_space<semaphore_mem>>)
    %dma_wait3A_343 = arith.constant 1 : i32
    %dma_wait3A_344 = arith.constant 0 : i32
    %dma_wait3A_345 = arith.constant 0 : i32
    %dma_wait3A_346 = tpu.memref_slice %arg8[%dma_wait3A_343, %dma_wait3A_344, %dma_wait3A_345] : memref<2x32x1024xf32, #tpu.memory_space<vmem>> -> memref<1x32x1024xf32, #tpu.memory_space<vmem>>
    %dma_wait3A_347 = tpu.memref_squeeze %dma_wait3A_346 : memref<1x32x1024xf32, #tpu.memory_space<vmem>> -> memref<32x1024xf32, #tpu.memory_space<vmem>>
    %dma_wait3A_348 = arith.constant 160 : i32
    %dma_wait3A_349 = tpu.memref_slice %arg7[%dma_wait3A_348] : memref<256xi32, #tpu.memory_space<vmem>> -> memref<32xi32, #tpu.memory_space<vmem>>
    %dma_wait3A_350 = arith.constant 0 : i32
    %dma_wait3A_351 = arith.constant 0 : i32
    %dma_wait3A_352 = tpu.memref_slice %arg3[%dma_wait3A_350, %dma_wait3A_351] : memref<49408x1024xf32, #tpu.memory_space<hbm>> -> memref<49408x1024xf32, #tpu.memory_space<hbm>>
    tpu.wait_indirect_dma semaphore(%arg12 : memref<!tpu.dma_semaphore, #tpu.memory_space<semaphore_mem>>) src(%dma_wait3A_352 : memref<49408x1024xf32, #tpu.memory_space<hbm>>) dst(%dma_wait3A_347 : memref<32x1024xf32, #tpu.memory_space<vmem>>)
    %dma_wait3A_353 = arith.constant 0 : i32
    %dma_wait3A_354 = tpu.memref_slice %arg4[%add3A_313, %dma_wait3A_353] : memref<8192x1024xf32, #tpu.memory_space<hbm>> -> memref<32x1024xf32, #tpu.memory_space<hbm>>
    %dma_wait3A_355 = arith.constant 0 : i32
    %dma_wait3A_356 = tpu.memref_slice %arg4[%add3A_313, %dma_wait3A_355] : memref<8192x1024xf32, #tpu.memory_space<hbm>> -> memref<32x1024xf32, #tpu.memory_space<hbm>>
    tpu.wait_dma2 semaphore(%arg13 : memref<!tpu.dma_semaphore, #tpu.memory_space<semaphore_mem>>) src(%dma_wait3A_356 : memref<32x1024xf32, #tpu.memory_space<hbm>>) dst(%arg9 : memref<32x1024xf32, #tpu.memory_space<vmem>>)
    %parallel_loop3A_357 = arith.constant 0 : i32
    %parallel_loop3A_358 = arith.constant 2048 : i32
    %parallel_loop3A_359 = arith.constant 1 : i32
    scf.for %parallel_loop3A_504 = %parallel_loop3A_357 to %parallel_loop3A_358 step %parallel_loop3A_359  : i32 {
      %parallel_loop3A_505 = arith.constant 6 : i32
      %parallel_loop3A_506 = arith.shrsi %parallel_loop3A_504, %parallel_loop3A_505 : i32
      %parallel_loop3A_507 = arith.constant 63 : i32
      %parallel_loop3A_508 = arith.andi %parallel_loop3A_504, %parallel_loop3A_507 : i32
      %parallel_loop3A_509 = arith.constant 16 : i32
      %parallel_loop3A_510 = arith.muli %parallel_loop3A_508, %parallel_loop3A_509 : i32
      %parallel_loop3A_511 = arith.index_cast %parallel_loop3A_506 : i32 to index
      %parallel_loop3A_512 = arith.index_cast %parallel_loop3A_510 : i32 to index
      %parallel_loop3A_513 = tpu.vector_load %arg9[%parallel_loop3A_511, %parallel_loop3A_512] {strides = array<i32>} : memref<32x1024xf32, #tpu.memory_space<vmem>>, vector<1x16xf32>,
      %parallel_loop3A_514 = vector.shape_cast %parallel_loop3A_513 : vector<1x16xf32> to vector<16xf32>
      %parallel_loop3A_515 = arith.constant 1 : i32
      %parallel_loop3A_516 = arith.index_cast %parallel_loop3A_515 : i32 to index
      %parallel_loop3A_517 = arith.index_cast %parallel_loop3A_506 : i32 to index
      %parallel_loop3A_518 = arith.index_cast %parallel_loop3A_510 : i32 to index
      %parallel_loop3A_519 = tpu.vector_load %arg8[%parallel_loop3A_516, %parallel_loop3A_517, %parallel_loop3A_518] {strides = array<i32>} : memref<2x32x1024xf32, #tpu.memory_space<vmem>>, vector<1x1x16xf32>,
      %parallel_loop3A_520 = vector.shape_cast %parallel_loop3A_519 : vector<1x1x16xf32> to vector<16xf32>
      %parallel_loop3A_521 = vector.shape_cast %parallel_loop3A_514 : vector<16xf32> to vector<1x1x16xf32>
      tpu.vector_store %arg8[%parallel_loop3A_516, %parallel_loop3A_517, %parallel_loop3A_518], %parallel_loop3A_521 {add = true, strides = array<i32>} : memref<2x32x1024xf32, #tpu.memory_space<vmem>>, vector<1x1x16xf32>,
    } {sc.loop_unroll_factor = 16 : i64, sc.parallel_access}
    %add3A_360 = arith.constant 16 : i32
    %add3A_361 = arith.addi %add3A_319, %add3A_360 : i32
    %dma_start3A_362 = arith.constant 1 : i32
    %dma_start3A_363 = arith.constant 0 : i32
    %dma_start3A_364 = arith.constant 0 : i32
    %dma_start3A_365 = tpu.memref_slice %arg8[%dma_start3A_362, %dma_start3A_363, %dma_start3A_364] : memref<2x32x1024xf32, #tpu.memory_space<vmem>> -> memref<1x32x1024xf32, #tpu.memory_space<vmem>>
    %dma_start3A_366 = tpu.memref_squeeze %dma_start3A_365 : memref<1x32x1024xf32, #tpu.memory_space<vmem>> -> memref<32x1024xf32, #tpu.memory_space<vmem>>
    %dma_start3A_367 = arith.constant 0 : i32
    %dma_start3A_368 = tpu.memref_slice %arg6[%add3A_361, %dma_start3A_367] : memref<8208x1024xf32, #tpu.memory_space<hbm>> -> memref<32x1024xf32, #tpu.memory_space<hbm>>
    %dma_start3A_369 = arith.constant 0 : i32
    %dma_start3A_370 = tpu.memref_slice %arg6[%add3A_361, %dma_start3A_369] : memref<8208x1024xf32, #tpu.memory_space<hbm>> -> memref<32x1024xf32, #tpu.memory_space<hbm>>
    %dma_start3A_371 = arith.constant 0 : i32
    %dma_start3A_372 = arith.constant 0 : i32
    %dma_start3A_373 = tpu.memref_slice %arg8[%dma_start3A_362, %dma_start3A_371, %dma_start3A_372] : memref<2x32x1024xf32, #tpu.memory_space<vmem>> -> memref<1x32x1024xf32, #tpu.memory_space<vmem>>
    %dma_start3A_374 = tpu.memref_squeeze %dma_start3A_373 : memref<1x32x1024xf32, #tpu.memory_space<vmem>> -> memref<32x1024xf32, #tpu.memory_space<vmem>>
    tpu.enqueue_dma source(%dma_start3A_374 : memref<32x1024xf32, #tpu.memory_space<vmem>>) target(%dma_start3A_370 : memref<32x1024xf32, #tpu.memory_space<hbm>>) target_semaphore(%arg15 : memref<!tpu.dma_semaphore, #tpu.memory_space<semaphore_mem>>)
    %add3A_375 = arith.constant 192 : i32
    %add3A_376 = arith.addi %mul3A_2, %add3A_375 : i32
    %dma_start3A_377 = arith.constant 0 : i32
    %dma_start3A_378 = tpu.memref_slice %arg4[%add3A_376, %dma_start3A_377] : memref<8192x1024xf32, #tpu.memory_space<hbm>> -> memref<32x1024xf32, #tpu.memory_space<hbm>>
    %dma_start3A_379 = arith.constant 0 : i32
    %dma_start3A_380 = tpu.memref_slice %arg4[%add3A_376, %dma_start3A_379] : memref<8192x1024xf32, #tpu.memory_space<hbm>> -> memref<32x1024xf32, #tpu.memory_space<hbm>>
    tpu.enqueue_dma source(%dma_start3A_380 : memref<32x1024xf32, #tpu.memory_space<hbm>>) target(%arg9 : memref<32x1024xf32, #tpu.memory_space<vmem>>) target_semaphore(%arg13 : memref<!tpu.dma_semaphore, #tpu.memory_space<semaphore_mem>>)
    %add3A_381 = arith.constant 192 : i32
    %add3A_382 = arith.addi %mul3A_2, %add3A_381 : i32
    %dma_wait3A_383 = arith.constant 1 : i32
    %dma_wait3A_384 = arith.constant 0 : i32
    %dma_wait3A_385 = arith.constant 0 : i32
    %dma_wait3A_386 = tpu.memref_slice %arg8[%dma_wait3A_383, %dma_wait3A_384, %dma_wait3A_385] : memref<2x32x1024xf32, #tpu.memory_space<vmem>> -> memref<1x32x1024xf32, #tpu.memory_space<vmem>>
    %dma_wait3A_387 = tpu.memref_squeeze %dma_wait3A_386 : memref<1x32x1024xf32, #tpu.memory_space<vmem>> -> memref<32x1024xf32, #tpu.memory_space<vmem>>
    %dma_wait3A_388 = arith.constant 0 : i32
    %dma_wait3A_389 = tpu.memref_slice %arg6[%add3A_361, %dma_wait3A_388] : memref<8208x1024xf32, #tpu.memory_space<hbm>> -> memref<32x1024xf32, #tpu.memory_space<hbm>>
    %dma_wait3A_390 = arith.constant 0 : i32
    %dma_wait3A_391 = tpu.memref_slice %arg6[%add3A_361, %dma_wait3A_390] : memref<8208x1024xf32, #tpu.memory_space<hbm>> -> memref<32x1024xf32, #tpu.memory_space<hbm>>
    %dma_wait3A_392 = arith.constant 0 : i32
    %dma_wait3A_393 = arith.constant 0 : i32
    %dma_wait3A_394 = tpu.memref_slice %arg8[%dma_wait3A_383, %dma_wait3A_392, %dma_wait3A_393] : memref<2x32x1024xf32, #tpu.memory_space<vmem>> -> memref<1x32x1024xf32, #tpu.memory_space<vmem>>
    %dma_wait3A_395 = tpu.memref_squeeze %dma_wait3A_394 : memref<1x32x1024xf32, #tpu.memory_space<vmem>> -> memref<32x1024xf32, #tpu.memory_space<vmem>>
    tpu.wait_dma2 semaphore(%arg15 : memref<!tpu.dma_semaphore, #tpu.memory_space<semaphore_mem>>) src(%dma_wait3A_395 : memref<32x1024xf32, #tpu.memory_space<vmem>>) dst(%dma_wait3A_391 : memref<32x1024xf32, #tpu.memory_space<hbm>>)
    %dma_start3A_396 = arith.constant 1 : i32
    %dma_start3A_397 = arith.constant 0 : i32
    %dma_start3A_398 = arith.constant 0 : i32
    %dma_start3A_399 = tpu.memref_slice %arg8[%dma_start3A_396, %dma_start3A_397, %dma_start3A_398] : memref<2x32x1024xf32, #tpu.memory_space<vmem>> -> memref<1x32x1024xf32, #tpu.memory_space<vmem>>
    %dma_start3A_400 = tpu.memref_squeeze %dma_start3A_399 : memref<1x32x1024xf32, #tpu.memory_space<vmem>> -> memref<32x1024xf32, #tpu.memory_space<vmem>>
    %dma_start3A_401 = arith.constant 224 : i32
    %dma_start3A_402 = tpu.memref_slice %arg7[%dma_start3A_401] : memref<256xi32, #tpu.memory_space<vmem>> -> memref<32xi32, #tpu.memory_space<vmem>>
    %dma_start3A_403 = arith.constant 0 : i32
    %dma_start3A_404 = arith.constant 0 : i32
    %dma_start3A_405 = tpu.memref_slice %arg3[%dma_start3A_403, %dma_start3A_404] : memref<49408x1024xf32, #tpu.memory_space<hbm>> -> memref<49408x1024xf32, #tpu.memory_space<hbm>>
    tpu.enqueue_indirect_dma source(%dma_start3A_405 : memref<49408x1024xf32, #tpu.memory_space<hbm>>) target(%dma_start3A_400 : memref<32x1024xf32, #tpu.memory_space<vmem>>) offsets(%dma_start3A_402 : memref<32xi32, #tpu.memory_space<vmem>>) semaphore(%arg12 : memref<!tpu.dma_semaphore, #tpu.memory_space<semaphore_mem>>)
    %dma_wait3A_406 = arith.constant 0 : i32
    %dma_wait3A_407 = arith.constant 0 : i32
    %dma_wait3A_408 = arith.constant 0 : i32
    %dma_wait3A_409 = tpu.memref_slice %arg8[%dma_wait3A_406, %dma_wait3A_407, %dma_wait3A_408] : memref<2x32x1024xf32, #tpu.memory_space<vmem>> -> memref<1x32x1024xf32, #tpu.memory_space<vmem>>
    %dma_wait3A_410 = tpu.memref_squeeze %dma_wait3A_409 : memref<1x32x1024xf32, #tpu.memory_space<vmem>> -> memref<32x1024xf32, #tpu.memory_space<vmem>>
    %dma_wait3A_411 = arith.constant 192 : i32
    %dma_wait3A_412 = tpu.memref_slice %arg7[%dma_wait3A_411] : memref<256xi32, #tpu.memory_space<vmem>> -> memref<32xi32, #tpu.memory_space<vmem>>
    %dma_wait3A_413 = arith.constant 0 : i32
    %dma_wait3A_414 = arith.constant 0 : i32
    %dma_wait3A_415 = tpu.memref_slice %arg3[%dma_wait3A_413, %dma_wait3A_414] : memref<49408x1024xf32, #tpu.memory_space<hbm>> -> memref<49408x1024xf32, #tpu.memory_space<hbm>>
    tpu.wait_indirect_dma semaphore(%arg11 : memref<!tpu.dma_semaphore, #tpu.memory_space<semaphore_mem>>) src(%dma_wait3A_415 : memref<49408x1024xf32, #tpu.memory_space<hbm>>) dst(%dma_wait3A_410 : memref<32x1024xf32, #tpu.memory_space<vmem>>)
    %dma_wait3A_416 = arith.constant 0 : i32
    %dma_wait3A_417 = tpu.memref_slice %arg4[%add3A_376, %dma_wait3A_416] : memref<8192x1024xf32, #tpu.memory_space<hbm>> -> memref<32x1024xf32, #tpu.memory_space<hbm>>
    %dma_wait3A_418 = arith.constant 0 : i32
    %dma_wait3A_419 = tpu.memref_slice %arg4[%add3A_376, %dma_wait3A_418] : memref<8192x1024xf32, #tpu.memory_space<hbm>> -> memref<32x1024xf32, #tpu.memory_space<hbm>>
    tpu.wait_dma2 semaphore(%arg13 : memref<!tpu.dma_semaphore, #tpu.memory_space<semaphore_mem>>) src(%dma_wait3A_419 : memref<32x1024xf32, #tpu.memory_space<hbm>>) dst(%arg9 : memref<32x1024xf32, #tpu.memory_space<vmem>>)
    %parallel_loop3A_420 = arith.constant 0 : i32
    %parallel_loop3A_421 = arith.constant 2048 : i32
    %parallel_loop3A_422 = arith.constant 1 : i32
    scf.for %parallel_loop3A_504 = %parallel_loop3A_420 to %parallel_loop3A_421 step %parallel_loop3A_422  : i32 {
      %parallel_loop3A_505 = arith.constant 6 : i32
      %parallel_loop3A_506 = arith.shrsi %parallel_loop3A_504, %parallel_loop3A_505 : i32
      %parallel_loop3A_507 = arith.constant 63 : i32
      %parallel_loop3A_508 = arith.andi %parallel_loop3A_504, %parallel_loop3A_507 : i32
      %parallel_loop3A_509 = arith.constant 16 : i32
      %parallel_loop3A_510 = arith.muli %parallel_loop3A_508, %parallel_loop3A_509 : i32
      %parallel_loop3A_511 = arith.index_cast %parallel_loop3A_506 : i32 to index
      %parallel_loop3A_512 = arith.index_cast %parallel_loop3A_510 : i32 to index
      %parallel_loop3A_513 = tpu.vector_load %arg9[%parallel_loop3A_511, %parallel_loop3A_512] {strides = array<i32>} : memref<32x1024xf32, #tpu.memory_space<vmem>>, vector<1x16xf32>,
      %parallel_loop3A_514 = vector.shape_cast %parallel_loop3A_513 : vector<1x16xf32> to vector<16xf32>
      %parallel_loop3A_515 = arith.constant 0 : i32
      %parallel_loop3A_516 = arith.index_cast %parallel_loop3A_515 : i32 to index
      %parallel_loop3A_517 = arith.index_cast %parallel_loop3A_506 : i32 to index
      %parallel_loop3A_518 = arith.index_cast %parallel_loop3A_510 : i32 to index
      %parallel_loop3A_519 = tpu.vector_load %arg8[%parallel_loop3A_516, %parallel_loop3A_517, %parallel_loop3A_518] {strides = array<i32>} : memref<2x32x1024xf32, #tpu.memory_space<vmem>>, vector<1x1x16xf32>,
      %parallel_loop3A_520 = vector.shape_cast %parallel_loop3A_519 : vector<1x1x16xf32> to vector<16xf32>
      %parallel_loop3A_521 = vector.shape_cast %parallel_loop3A_514 : vector<16xf32> to vector<1x1x16xf32>
      tpu.vector_store %arg8[%parallel_loop3A_516, %parallel_loop3A_517, %parallel_loop3A_518], %parallel_loop3A_521 {add = true, strides = array<i32>} : memref<2x32x1024xf32, #tpu.memory_space<vmem>>, vector<1x1x16xf32>,
    } {sc.loop_unroll_factor = 16 : i64, sc.parallel_access}
    %add3A_423 = arith.constant 16 : i32
    %add3A_424 = arith.addi %add3A_382, %add3A_423 : i32
    %dma_start3A_425 = arith.constant 0 : i32
    %dma_start3A_426 = arith.constant 0 : i32
    %dma_start3A_427 = arith.constant 0 : i32
    %dma_start3A_428 = tpu.memref_slice %arg8[%dma_start3A_425, %dma_start3A_426, %dma_start3A_427] : memref<2x32x1024xf32, #tpu.memory_space<vmem>> -> memref<1x32x1024xf32, #tpu.memory_space<vmem>>
    %dma_start3A_429 = tpu.memref_squeeze %dma_start3A_428 : memref<1x32x1024xf32, #tpu.memory_space<vmem>> -> memref<32x1024xf32, #tpu.memory_space<vmem>>
    %dma_start3A_430 = arith.constant 0 : i32
    %dma_start3A_431 = tpu.memref_slice %arg6[%add3A_424, %dma_start3A_430] : memref<8208x1024xf32, #tpu.memory_space<hbm>> -> memref<32x1024xf32, #tpu.memory_space<hbm>>
    %dma_start3A_432 = arith.constant 0 : i32
    %dma_start3A_433 = tpu.memref_slice %arg6[%add3A_424, %dma_start3A_432] : memref<8208x1024xf32, #tpu.memory_space<hbm>> -> memref<32x1024xf32, #tpu.memory_space<hbm>>
    %dma_start3A_434 = arith.constant 0 : i32
    %dma_start3A_435 = arith.constant 0 : i32
    %dma_start3A_436 = tpu.memref_slice %arg8[%dma_start3A_425, %dma_start3A_434, %dma_start3A_435] : memref<2x32x1024xf32, #tpu.memory_space<vmem>> -> memref<1x32x1024xf32, #tpu.memory_space<vmem>>
    %dma_start3A_437 = tpu.memref_squeeze %dma_start3A_436 : memref<1x32x1024xf32, #tpu.memory_space<vmem>> -> memref<32x1024xf32, #tpu.memory_space<vmem>>
    tpu.enqueue_dma source(%dma_start3A_437 : memref<32x1024xf32, #tpu.memory_space<vmem>>) target(%dma_start3A_433 : memref<32x1024xf32, #tpu.memory_space<hbm>>) target_semaphore(%arg14 : memref<!tpu.dma_semaphore, #tpu.memory_space<semaphore_mem>>)
    %add3A_438 = arith.constant 224 : i32
    %add3A_439 = arith.addi %mul3A_2, %add3A_438 : i32
    %dma_start3A_440 = arith.constant 0 : i32
    %dma_start3A_441 = tpu.memref_slice %arg4[%add3A_439, %dma_start3A_440] : memref<8192x1024xf32, #tpu.memory_space<hbm>> -> memref<32x1024xf32, #tpu.memory_space<hbm>>
    %dma_start3A_442 = arith.constant 0 : i32
    %dma_start3A_443 = tpu.memref_slice %arg4[%add3A_439, %dma_start3A_442] : memref<8192x1024xf32, #tpu.memory_space<hbm>> -> memref<32x1024xf32, #tpu.memory_space<hbm>>
    tpu.enqueue_dma source(%dma_start3A_443 : memref<32x1024xf32, #tpu.memory_space<hbm>>) target(%arg9 : memref<32x1024xf32, #tpu.memory_space<vmem>>) target_semaphore(%arg13 : memref<!tpu.dma_semaphore, #tpu.memory_space<semaphore_mem>>)
    %add3A_444 = arith.constant 224 : i32
    %add3A_445 = arith.addi %mul3A_2, %add3A_444 : i32
    %dma_wait3A_446 = arith.constant 1 : i32
    %dma_wait3A_447 = arith.constant 0 : i32
    %dma_wait3A_448 = arith.constant 0 : i32
    %dma_wait3A_449 = tpu.memref_slice %arg8[%dma_wait3A_446, %dma_wait3A_447, %dma_wait3A_448] : memref<2x32x1024xf32, #tpu.memory_space<vmem>> -> memref<1x32x1024xf32, #tpu.memory_space<vmem>>
    %dma_wait3A_450 = tpu.memref_squeeze %dma_wait3A_449 : memref<1x32x1024xf32, #tpu.memory_space<vmem>> -> memref<32x1024xf32, #tpu.memory_space<vmem>>
    %dma_wait3A_451 = arith.constant 224 : i32
    %dma_wait3A_452 = tpu.memref_slice %arg7[%dma_wait3A_451] : memref<256xi32, #tpu.memory_space<vmem>> -> memref<32xi32, #tpu.memory_space<vmem>>
    %dma_wait3A_453 = arith.constant 0 : i32
    %dma_wait3A_454 = arith.constant 0 : i32
    %dma_wait3A_455 = tpu.memref_slice %arg3[%dma_wait3A_453, %dma_wait3A_454] : memref<49408x1024xf32, #tpu.memory_space<hbm>> -> memref<49408x1024xf32, #tpu.memory_space<hbm>>
    tpu.wait_indirect_dma semaphore(%arg12 : memref<!tpu.dma_semaphore, #tpu.memory_space<semaphore_mem>>) src(%dma_wait3A_455 : memref<49408x1024xf32, #tpu.memory_space<hbm>>) dst(%dma_wait3A_450 : memref<32x1024xf32, #tpu.memory_space<vmem>>)
    %dma_wait3A_456 = arith.constant 0 : i32
    %dma_wait3A_457 = tpu.memref_slice %arg4[%add3A_439, %dma_wait3A_456] : memref<8192x1024xf32, #tpu.memory_space<hbm>> -> memref<32x1024xf32, #tpu.memory_space<hbm>>
    %dma_wait3A_458 = arith.constant 0 : i32
    %dma_wait3A_459 = tpu.memref_slice %arg4[%add3A_439, %dma_wait3A_458] : memref<8192x1024xf32, #tpu.memory_space<hbm>> -> memref<32x1024xf32, #tpu.memory_space<hbm>>
    tpu.wait_dma2 semaphore(%arg13 : memref<!tpu.dma_semaphore, #tpu.memory_space<semaphore_mem>>) src(%dma_wait3A_459 : memref<32x1024xf32, #tpu.memory_space<hbm>>) dst(%arg9 : memref<32x1024xf32, #tpu.memory_space<vmem>>)
    %parallel_loop3A_460 = arith.constant 0 : i32
    %parallel_loop3A_461 = arith.constant 2048 : i32
    %parallel_loop3A_462 = arith.constant 1 : i32
    scf.for %parallel_loop3A_504 = %parallel_loop3A_460 to %parallel_loop3A_461 step %parallel_loop3A_462  : i32 {
      %parallel_loop3A_505 = arith.constant 6 : i32
      %parallel_loop3A_506 = arith.shrsi %parallel_loop3A_504, %parallel_loop3A_505 : i32
      %parallel_loop3A_507 = arith.constant 63 : i32
      %parallel_loop3A_508 = arith.andi %parallel_loop3A_504, %parallel_loop3A_507 : i32
      %parallel_loop3A_509 = arith.constant 16 : i32
      %parallel_loop3A_510 = arith.muli %parallel_loop3A_508, %parallel_loop3A_509 : i32
      %parallel_loop3A_511 = arith.index_cast %parallel_loop3A_506 : i32 to index
      %parallel_loop3A_512 = arith.index_cast %parallel_loop3A_510 : i32 to index
      %parallel_loop3A_513 = tpu.vector_load %arg9[%parallel_loop3A_511, %parallel_loop3A_512] {strides = array<i32>} : memref<32x1024xf32, #tpu.memory_space<vmem>>, vector<1x16xf32>,
      %parallel_loop3A_514 = vector.shape_cast %parallel_loop3A_513 : vector<1x16xf32> to vector<16xf32>
      %parallel_loop3A_515 = arith.constant 1 : i32
      %parallel_loop3A_516 = arith.index_cast %parallel_loop3A_515 : i32 to index
      %parallel_loop3A_517 = arith.index_cast %parallel_loop3A_506 : i32 to index
      %parallel_loop3A_518 = arith.index_cast %parallel_loop3A_510 : i32 to index
      %parallel_loop3A_519 = tpu.vector_load %arg8[%parallel_loop3A_516, %parallel_loop3A_517, %parallel_loop3A_518] {strides = array<i32>} : memref<2x32x1024xf32, #tpu.memory_space<vmem>>, vector<1x1x16xf32>,
      %parallel_loop3A_520 = vector.shape_cast %parallel_loop3A_519 : vector<1x1x16xf32> to vector<16xf32>
      %parallel_loop3A_521 = vector.shape_cast %parallel_loop3A_514 : vector<16xf32> to vector<1x1x16xf32>
      tpu.vector_store %arg8[%parallel_loop3A_516, %parallel_loop3A_517, %parallel_loop3A_518], %parallel_loop3A_521 {add = true, strides = array<i32>} : memref<2x32x1024xf32, #tpu.memory_space<vmem>>, vector<1x1x16xf32>,
    } {sc.loop_unroll_factor = 16 : i64, sc.parallel_access}
    %add3A_463 = arith.constant 16 : i32
    %add3A_464 = arith.addi %add3A_445, %add3A_463 : i32
    %dma_start3A_465 = arith.constant 1 : i32
    %dma_start3A_466 = arith.constant 0 : i32
    %dma_start3A_467 = arith.constant 0 : i32
    %dma_start3A_468 = tpu.memref_slice %arg8[%dma_start3A_465, %dma_start3A_466, %dma_start3A_467] : memref<2x32x1024xf32, #tpu.memory_space<vmem>> -> memref<1x32x1024xf32, #tpu.memory_space<vmem>>
    %dma_start3A_469 = tpu.memref_squeeze %dma_start3A_468 : memref<1x32x1024xf32, #tpu.memory_space<vmem>> -> memref<32x1024xf32, #tpu.memory_space<vmem>>
    %dma_start3A_470 = arith.constant 0 : i32
    %dma_start3A_471 = tpu.memref_slice %arg6[%add3A_464, %dma_start3A_470] : memref<8208x1024xf32, #tpu.memory_space<hbm>> -> memref<32x1024xf32, #tpu.memory_space<hbm>>
    %dma_start3A_472 = arith.constant 0 : i32
    %dma_start3A_473 = tpu.memref_slice %arg6[%add3A_464, %dma_start3A_472] : memref<8208x1024xf32, #tpu.memory_space<hbm>> -> memref<32x1024xf32, #tpu.memory_space<hbm>>
    %dma_start3A_474 = arith.constant 0 : i32
    %dma_start3A_475 = arith.constant 0 : i32
    %dma_start3A_476 = tpu.memref_slice %arg8[%dma_start3A_465, %dma_start3A_474, %dma_start3A_475] : memref<2x32x1024xf32, #tpu.memory_space<vmem>> -> memref<1x32x1024xf32, #tpu.memory_space<vmem>>
    %dma_start3A_477 = tpu.memref_squeeze %dma_start3A_476 : memref<1x32x1024xf32, #tpu.memory_space<vmem>> -> memref<32x1024xf32, #tpu.memory_space<vmem>>
    tpu.enqueue_dma source(%dma_start3A_477 : memref<32x1024xf32, #tpu.memory_space<vmem>>) target(%dma_start3A_473 : memref<32x1024xf32, #tpu.memory_space<hbm>>) target_semaphore(%arg15 : memref<!tpu.dma_semaphore, #tpu.memory_space<semaphore_mem>>)
    %dma_wait3A_478 = arith.constant 0 : i32
    %dma_wait3A_479 = arith.constant 0 : i32
    %dma_wait3A_480 = arith.constant 0 : i32
    %dma_wait3A_481 = tpu.memref_slice %arg8[%dma_wait3A_478, %dma_wait3A_479, %dma_wait3A_480] : memref<2x32x1024xf32, #tpu.memory_space<vmem>> -> memref<1x32x1024xf32, #tpu.memory_space<vmem>>
    %dma_wait3A_482 = tpu.memref_squeeze %dma_wait3A_481 : memref<1x32x1024xf32, #tpu.memory_space<vmem>> -> memref<32x1024xf32, #tpu.memory_space<vmem>>
    %dma_wait3A_483 = arith.constant 0 : i32
    %dma_wait3A_484 = tpu.memref_slice %arg6[%add3A_424, %dma_wait3A_483] : memref<8208x1024xf32, #tpu.memory_space<hbm>> -> memref<32x1024xf32, #tpu.memory_space<hbm>>
    %dma_wait3A_485 = arith.constant 0 : i32
    %dma_wait3A_486 = tpu.memref_slice %arg6[%add3A_424, %dma_wait3A_485] : memref<8208x1024xf32, #tpu.memory_space<hbm>> -> memref<32x1024xf32, #tpu.memory_space<hbm>>
    %dma_wait3A_487 = arith.constant 0 : i32
    %dma_wait3A_488 = arith.constant 0 : i32
    %dma_wait3A_489 = tpu.memref_slice %arg8[%dma_wait3A_478, %dma_wait3A_487, %dma_wait3A_488] : memref<2x32x1024xf32, #tpu.memory_space<vmem>> -> memref<1x32x1024xf32, #tpu.memory_space<vmem>>
    %dma_wait3A_490 = tpu.memref_squeeze %dma_wait3A_489 : memref<1x32x1024xf32, #tpu.memory_space<vmem>> -> memref<32x1024xf32, #tpu.memory_space<vmem>>
    tpu.wait_dma2 semaphore(%arg14 : memref<!tpu.dma_semaphore, #tpu.memory_space<semaphore_mem>>) src(%dma_wait3A_490 : memref<32x1024xf32, #tpu.memory_space<vmem>>) dst(%dma_wait3A_486 : memref<32x1024xf32, #tpu.memory_space<hbm>>)
    %dma_wait3A_491 = arith.constant 1 : i32
    %dma_wait3A_492 = arith.constant 0 : i32
    %dma_wait3A_493 = arith.constant 0 : i32
    %dma_wait3A_494 = tpu.memref_slice %arg8[%dma_wait3A_491, %dma_wait3A_492, %dma_wait3A_493] : memref<2x32x1024xf32, #tpu.memory_space<vmem>> -> memref<1x32x1024xf32, #tpu.memory_space<vmem>>
    %dma_wait3A_495 = tpu.memref_squeeze %dma_wait3A_494 : memref<1x32x1024xf32, #tpu.memory_space<vmem>> -> memref<32x1024xf32, #tpu.memory_space<vmem>>
    %dma_wait3A_496 = arith.constant 0 : i32
    %dma_wait3A_497 = tpu.memref_slice %arg6[%add3A_464, %dma_wait3A_496] : memref<8208x1024xf32, #tpu.memory_space<hbm>> -> memref<32x1024xf32, #tpu.memory_space<hbm>>
    %dma_wait3A_498 = arith.constant 0 : i32
    %dma_wait3A_499 = tpu.memref_slice %arg6[%add3A_464, %dma_wait3A_498] : memref<8208x1024xf32, #tpu.memory_space<hbm>> -> memref<32x1024xf32, #tpu.memory_space<hbm>>
    %dma_wait3A_500 = arith.constant 0 : i32
    %dma_wait3A_501 = arith.constant 0 : i32
    %dma_wait3A_502 = tpu.memref_slice %arg8[%dma_wait3A_491, %dma_wait3A_500, %dma_wait3A_501] : memref<2x32x1024xf32, #tpu.memory_space<vmem>> -> memref<1x32x1024xf32, #tpu.memory_space<vmem>>
    %dma_wait3A_503 = tpu.memref_squeeze %dma_wait3A_502 : memref<1x32x1024xf32, #tpu.memory_space<vmem>> -> memref<32x1024xf32, #tpu.memory_space<vmem>>
    tpu.wait_dma2 semaphore(%arg15 : memref<!tpu.dma_semaphore, #tpu.memory_space<semaphore_mem>>) src(%dma_wait3A_503 : memref<32x1024xf32, #tpu.memory_space<vmem>>) dst(%dma_wait3A_499 : memref<32x1024xf32, #tpu.memory_space<hbm>>)
    return
  }
}

</mosaic_0001>

<sc_bundles>
// kernel: kernel.3.cloned.1.call-start
scs
__scs_entry_jumppad:
0x0: {  	(pc) =	sbr.rel $0x88, $3  }
0x1: {  	(tag) =	ssettag $0x0;
	lr =	simm.s32 $0x1  }
0x2: {  	[smem:$0x3F9D] =	sst lr;
	_ =	strace $0xD0000000  }
0x3: {  	_ = 	snop  }
0x4: {  	_ = 	snop  }
0x5: {  	_ = 	snop  }
0x6: {  	_ = 	snop  }
0x7: {  	_ = 	snop  }
__scs_overlays_trampoline_lowered:
0x8: {  	[smem:$0x3FAC] =	sst s0  }
0x9: {  	[smem:$0x3FAD] =	sst s1  }
0xa: {  	[smem:$0x3FAE] =	sst s2  }
0xb: {  	[smem:$0x3FAF] =	sst s3  }
0xc: {  	[smem:$0x3FB0] =	sst s4  }
0xd: {  	[smem:$0x3FB1] =	sst s5  }
0xe: {  	[smem:$0x3FB2] =	sst s6  }
0xf: {  	[smem:$0x3FB3] =	sst s7  }
0x10: {  	[smem:$0x3FB4] =	sst s8  }
0x11: {  	[smem:$0x3FB5] =	sst s9;
	s0 =	simm.s32 @!p0 $0x0  }
0x12: {  	s1 =	sld [smem:$0x3F9B];
	s0 =	simm.s32 @p0 $0x1  }
0x13: {  	[smem:$0x3FB6] =	sst s0;
	s0 =	simm.s32 @!p1 $0x0  }
0x14: {  	s2 =	sld [smem:$0x3F9A];
	s0 =	simm.s32 @p1 $0x1  }
0x15: {  	[smem:$0x3FB7] =	sst s0;
	s0 =	simm.s32 @!p2 $0x0  }
0x16: {  	s3 =	sld [smem:$0x3FDB];
	s0 =	simm.s32 @p2 $0x1  }
0x17: {  	s4 =	simm.s32 $0x1BF5;
	[smem:$0x3FB9] =	sst s0  }
0x18: {  	s0 =	sld [smem:$0x3F9C];
	_ =	swait.ge [sflag:s4], $0x0  }
0x19: {  	s7 =	sld [smem:$0x3F9D]  }
0x1a: {  	s8 =	sadd.s32 $0xFFFFE003, lr  }
0x1b: {  	s9 =	sadd.s32 $0xFFFFFEF7, lr;
	s5 =	simm.s32 $0xFFFFFFFF;
	p2 =	slt.u32 s8, $0xFFFFF086  }
0x1c: {  	p1 =	slt.u32 s9, $0xF7A;
	s5 =	simm.s32 @!p2 $0x0  }
0x1d: {  	s5 =	simm.s32 @p1 $0x1;
	p0 =	seq.s32 s7, s2  }
0x1e: {  	s7 =	smul.u32 @!p0 $0xF7A, s2;
	p2 =	seq.s32 @!p0 s5, $0x0  }
0x1f: {  	s9 =	smul.u32 $0xF7A, s1;
	s8 =	simm.s32 @!p0 $0x1BF5;
	p2 =	por !p2, p0  }
0x20: {  	[sflag:s8] =	ssyncset.s32 @!p0 $0xFFFFF086;
	s6 =	sadd.s32 @!p0 s3, s7;
	s7 =	simm.s32 @!p0 $0x108  }
0x21: {  	s3 =	sadd.s32 s3, s9;
	s6 =	sadd.s32 @!p0 $0x88, s6;
	s7 =	simm.s32 @p2 $0x1082  }
0x22: {  	[simem:s7], [sflag:s8] =	dma.local @!p0 [hbm:s6], $0xF7A  }
0x23: {  	s9 =	sor.u32 $0xD0000000, s2;
	s6 =	simm.s32 $0x108;
	_ =	swait.ge @!p0 [sflag:s8], $0x0  }
0x24: {  	s3 =	sadd.s32 $0x88, s3;
	s6 =	simm.s32 @!p1 $0x1082;
	[sflag:s4] =	ssyncset.s32 $0xFFFFF086  }
0x25: {  	[simem:s6], [sflag:s4] =	dma.local [hbm:s3], $0xF7A  }
0x26: {  	[smem:$0x3F9D] =	sst s1;
	(tag) =	ssettag s2;
	_ =	strace s9  }
0x27: {  	s1 =	sld [smem:$0x3FAD]  }
0x28: {  	s2 =	sld [smem:$0x3FAE]  }
0x29: {  	s4 =	sld [smem:$0x3FB0]  }
0x2a: {  	p0 =	seq.s32 s5, $0x0;
	s5 =	sld [smem:$0x3FB1]  }
0x2b: {  	s6 =	sld [smem:$0x3FB2]  }
0x2c: {  	s7 =	sld [smem:$0x3FB3]  }
0x2d: {  	s3 =	simm.s32 $0x108;
	s8 =	sld [smem:$0x3FB4]  }
0x2e: {  	s3 =	simm.s32 @!p0 $0x1082;
	s9 =	sld [smem:$0x3FB5]  }
0x2f: {  	lr =	sadd.s32 s0, s3;
	s0 =	sld [smem:$0x3FAC]  }
0x30: {  	s3 =	sld [smem:$0x3FAF]  }
0x31: {  	[smem:$0x3FB8] =	sst s10  }
0x32: {  	s10 =	sld [smem:$0x3FB6];
	_ =	sdelay $0x3  }
0x33: {  	p0 =	seq.s32 s10, $0x1;
	s10 =	sld [smem:$0x3FB8];
	_ =	sdelay $0x3  }
0x34: {  	[smem:$0x3FB8] =	sst s10  }
0x35: {  	s10 =	sld [smem:$0x3FB7];
	_ =	sdelay $0x3  }
0x36: {  	p1 =	seq.s32 s10, $0x1;
	s10 =	sld [smem:$0x3FB8];
	_ =	sdelay $0x3  }
0x37: {  	[smem:$0x3FB8] =	sst s10  }
0x38: {  	s10 =	sld [smem:$0x3FB9]  }
0x39: {  	_ = 	snop;
	(pc) =	sbr.ind lr, $3  }
0x3a: {  	_ = 	snop  }
0x3b: {  	_ = 	snop  }
0x3c: {  	p2 =	seq.s32 s10, $0x1;
	s10 =	sld [smem:$0x3FB8]  }
0x3d: {  	_ =	shalt  }
0x3e: {  	_ =	shalt  }
0x3f: {  	_ =	shalt  }
0x40: {  	_ =	shalt  }
0x41: {  	_ =	shalt  }
0x42: {  	_ =	shalt  }
0x43: {  	_ =	shalt  }
0x44: {  	_ =	shalt  }
0x45: {  	_ =	shalt  }
0x46: {  	_ =	shalt  }
0x47: {  	_ =	shalt  }
0x48: {  	_ =	shalt  }
0x49: {  	_ =	shalt  }
0x4a: {  	_ =	shalt  }
0x4b: {  	_ =	shalt  }
0x4c: {  	_ =	shalt  }
0x4d: {  	_ =	shalt  }
0x4e: {  	_ =	shalt  }
0x4f: {  	_ =	shalt  }
0x50: {  	_ =	shalt  }
0x51: {  	_ =	shalt  }
0x52: {  	_ =	shalt  }
0x53: {  	_ =	shalt  }
0x54: {  	_ =	shalt  }
0x55: {  	_ =	shalt  }
0x56: {  	_ =	shalt  }
0x57: {  	_ =	shalt  }
0x58: {  	_ =	shalt  }
0x59: {  	_ =	shalt  }
0x5a: {  	_ =	shalt  }
0x5b: {  	_ =	shalt  }
0x5c: {  	_ =	shalt  }
0x5d: {  	_ =	shalt  }
0x5e: {  	_ =	shalt  }
0x5f: {  	_ =	shalt  }
0x60: {  	_ =	shalt  }
0x61: {  	_ =	shalt  }
0x62: {  	_ =	shalt  }
0x63: {  	_ =	shalt  }
0x64: {  	_ =	shalt  }
0x65: {  	_ =	shalt  }
0x66: {  	_ =	shalt  }
0x67: {  	_ =	shalt  }
0x68: {  	_ =	shalt  }
0x69: {  	_ =	shalt  }
0x6a: {  	_ =	shalt  }
0x6b: {  	_ =	shalt  }
0x6c: {  	_ =	shalt  }
0x6d: {  	_ =	shalt  }
0x6e: {  	_ =	shalt  }
0x6f: {  	_ =	shalt  }
0x70: {  	_ =	shalt  }
0x71: {  	_ =	shalt  }
0x72: {  	_ =	shalt  }
0x73: {  	_ =	shalt  }
0x74: {  	_ =	shalt  }
0x75: {  	_ =	shalt  }
0x76: {  	_ =	shalt  }
0x77: {  	_ =	shalt  }
0x78: {  	_ =	shalt  }
0x79: {  	_ =	shalt  }
0x7a: {  	_ =	shalt  }
0x7b: {  	_ =	shalt  }
0x7c: {  	_ =	shalt  }
0x7d: {  	_ =	shalt  }
0x7e: {  	_ =	shalt  }
0x7f: {  	_ =	shalt  }
0x80: {  	_ =	shalt  }
0x81: {  	_ =	shalt  }
0x82: {  	_ =	shalt  }
0x83: {  	_ =	shalt  }
0x84: {  	_ =	shalt  }
0x85: {  	_ =	shalt  }
0x86: {  	_ =	shalt  }
0x87: {  	_ =	shalt  }
.Lfunc_end0:
.L_simem_size_0:
called_computation_lowered:
.L_overlay_start_0:
0x88: {  	s2 =	sld [smem:$0x3FD9]  }
0x89: {  	s3 =	sld [smem:$0x3FFE];
	_ =	sdelay $0x1  }
0x8a: {  	s1 =	srdreg.scid  }
0x8b: {  	s0 =	sand.u32 $0x1, s1  }
0x8c: {  	s17 =	sshll.u32 s0, $0xA;
	s2 =	sadd.s32 s3, s2  }
0x8d: {  	s2 =	sadd.s32 s2, s17  }
0x8e: {  	[smem:$0x3FC4] =	sst s2  }
0x8f: {  	_ = 	snop  }
0x90: {  	s2 =	sld [smem:$0x3FC8]  }
0x91: {  	s18 =	sld [smem:$0x3FC7]  }
0x92: {  	s4 =	sld [smem:$0x3FC6]  }
0x93: {  	s5 =	sld [smem:$0x3FD0];
	(tm) =	ssettm $0x1  }
0x94: {  	s6 =	sld [smem:$0x3FFB];
	_ =	sdelay $0x3  }
0x95: {  	_ =	strace s6  }
0x96: {  	s6 =	sld [smem:$0x3FFC];
	_ =	sdelay $0x3  }
0x97: {  	_ =	strace s6  }
0x98: {  	s6 =	sld [smem:$0x3FFD];
	_ =	sdelay $0x3  }
0x99: {  	_ =	strace s6  }
0x9a: {  	_ =	strace $0x8FFFFFFF  }
0x9b: {  	s19 =	sld [smem:$0x3FDB];
	_ =	sdelay $0x1  }
0x9c: {  	s7 =	simm.s32 $_scs_section_size  }
0x9d: {  	s8 =	simm.s32 $_size__tile_overlayer_lowered;
	s9 =	simm.s32 $_tile_overlayer_lowered  }
0x9e: {  	s22 =	simm.s32 $0x1BFF;
	s21 =	sshll.u32 s9, $0x1;
	s6 =	sadd.s32 s7, s19  }
0x9f: {  	s10 =	simm.s32 $0x0;
	s20 =	sshll.u32 s8, $0x1;
	s8 =	sadd.s32 s21, s6  }
0xa0: {  	[timem:s10], [sflag:s22] =	dma.local [hbm:s8], s20  }
0xa1: {  	_ =	swait.ge [sflag:s22], s20  }
0xa2: {  	s7 =	ssub.s32 $0x0, s20;
	[sflag:s22] =	ssyncset.done $0x0  }
0xa3: {  	[sflag:s22] =	ssyncadd.s32 s7;
	_ =	sdelay $0x1  }
0xa4: {  	s23 =	simm.s32 $0x1B8B  }
0xa5: {  	_ =	swait.ge [sflag:s23], $0x1  }
0xa6: {  	[sflag:s23] =	ssyncset.done $0x0  }
0xa7: {  	s25 =	simm.s32 $0x1B8E;
	s24 =	sld [smem:$0x3FFE];
	[sflag:s23] =	ssyncadd.s32 $0xFFFFFFFF  }
0xa8: {  	s26 =	simm.s32 $execute0_lowered;
	[smem:$0x3FD2] =	sst s25  }
0xa9: {  	s8 =	sshll.u32 s26, $0x1;
	_ =	strace $0x80000046;
	[dreg:$0x1] =	wrdreg $0xFFFFFFFF  }
0xaa: {  	s28 =	simm.s32 $_size_execute0_lowered;
	s6 =	sadd.s32 s6, s8;
	[dreg:$0x0] =	wrdreg $0x0  }
0xab: {  	s8 =	sshll.u32 s28, $0x1;
	[dreg:$0x2] =	wrdreg s6  }
0xac: {  	[dreg:$0x3] =	wrdreg s8  }
0xad: {  	[dreg:$0x4] =	wrdreg $0xC0  }
0xae: {  	_ =	task [dreg:s10], $0x5FFFF  }
0xaf: {  	[dreg:$0x1] =	wrdreg $0xFFFFFFFF  }
0xb0: {  	[dreg:$0x0] =	wrdreg $0x60  }
0xb1: {  	[dreg:$0x2] =	wrdreg s24  }
0xb2: {  	[dreg:$0x3] =	wrdreg s2  }
0xb3: {  	[dreg:$0x4] =	wrdreg s18  }
0xb4: {  	[dreg:$0x5] =	wrdreg s4  }
0xb5: {  	[dreg:$0x6] =	wrdreg s5  }
0xb6: {  	[dreg:$0x7] =	wrdreg $0x9  }
0xb7: {  	_ =	task.clear_ibuf [dreg:s10], $0x8FFFF;
	_ =	strace $0x90000046  }
0xb8: {  	s29 =	simm.s32 $0x9;
	_ =	strace $0x80000048  }
0xb9: {  	_ =	swait.ge [sflag:s29], $0x1  }
0xba: {  	[sflag:s29] =	ssyncadd.s32 $0xFFFFFFFF  }
0xbb: {  	_ =	strace $0x90000048  }
0xbc: {  	_ =	sfence  }
0xbd: {  	s30 =	sld [smem:$0x0];
	_ =	sdelay $0x2  }
0xbe: {  	s31 =	sshll.u32 s1, $0xD;
	s1 =	sshrl.u32 s1, $0x2  }
0xbf: {  	s3 =	sand.u32 $0x4000, s31;
	s1 =	sadd.s32 s1, s30  }
0xc0: {  	s0 =	sor.u32 s3, s0;
	s1 =	sshll.u32 s1, $0x11  }
0xc1: {  	s0 =	sor.u32 s1, s0  }
0xc2: {  	s0 =	sadd.s32 $0x8F2B, s0  }
0xc3: {  	[sflag:s0] =	ssyncadd.remote.s32 $0x1  }
0xc4: {  	_ =	sfence.sel $0xFFFF  }
0xc5: {  	[dreg:$0x0] =	wrdreg $0xFFFFFFFF;
	(pc) =	sbr.abs _section_cstart, $3  }
0xc6: {  	[dreg:$0x1] =	wrdreg $0xFFFFFFFF  }
0xc7: {  	_ =	task.clear_ibuf [dreg:s10], $0x2FFFF;
	_ =	strace $0x9FFFFFFF  }
0xc8: {  	(tm) =	ssettm $0x7FFFFFFF  }
0xc9: {  	_ =	shalt  }
tec
execute0_lowered:
.L_overlay_start_1:
0x0: {  	(tag) =	ssettag $0x1  }
0x1: {  	s0 =	rddreg [dreg:$0x0]  }
0x2: {  	s1 =	rddreg [dreg:$0x1]  }
0x3: {  	s2 =	rddreg [dreg:$0x2];
	s3 =	srdreg.scid  }
0x4: {  	s4 =	stileid.u32;
	s10 =	rddreg [dreg:$0x4]  }
0x5: {  	s5 =	simm.s32 $0x0;
	s3 =	sand.u32 $0x1, s3;
	s4 =	sshll.u32 s4, $0x1  }
0x6: {  	s29 =	simm.s32 $0x6;
	s30 =	simm.s32 $0x100;
	s4 =	sor.u32 s3, s4  }
0x7: {  	[smem:$0x7FF] =	sst s5;
	s14 =	sadd.s32 $0x800, s10;
	s12 =	sshll.u32 s4, $0xF  }
0x8: {  	_ =	strace $0x80000047;
	[dreg:$0x9] =	wrdreg s14;
	s11 =	sadd.s32 s2, s12  }
0x9: {  	s9 =	sadd.s32 $0x300, s1;
	s15 =	sadd.s32 $0x1000, s11;
	[dreg:$0x7] =	wrdreg s11  }
0xa: {  	s3 =	ssub.s32 $0x2, s3;
	s17 =	sadd.s32 $0x2000, s11;
	[dreg:$0xa] =	wrdreg s15  }
0xb: {  	s14 =	simm.s32 $0x3;
	s19 =	sadd.s32 $0x3000, s11;
	[dreg:$0xc] =	wrdreg s17  }
0xc: {  	s7 =	sshrl.u32 s3, $0x1;
	s21 =	sadd.s32 $0x4000, s11;
	[dreg:$0xe] =	wrdreg s19  }
0xd: {  	s3 =	ssub.s32 s3, s7;
	s23 =	sadd.s32 $0x5000, s11;
	[dreg:$0x10] =	wrdreg s21  }
0xe: {  	s6 =	sshll.u32 s4, $0x8;
	s26 =	smax.u32 s3, $0x1;
	[dreg:$0x12] =	wrdreg s23  }
0xf: {  	s6 =	sor.u32 $0x10, s6;
	s28 =	sadd.s32 $0x6000, s11;
	[dreg:$0x16] =	wrdreg s26  }
0x10: {  	s8 =	sshrl.u32 s6, $0x3;
	s31 =	sadd.s32 $0x7000, s11;
	[dreg:$0x17] =	wrdreg s28  }
0x11: {  	s13 =	sshll.u32 s6, $0x7;
	s0 =	sadd.s32 s0, s8;
	[dreg:$0x18] =	wrdreg s31  }
0x12: {  	s2 =	sadd.s32 s10, s13;
	[dreg:$0x6] =	wrdreg s0;
	s0 =	sadd.s32 s12, s10  }
0x13: {  	p0 =	sne.s32 s4, $0x0;
	[dreg:$0x8] =	wrdreg s2;
	s16 =	sadd.s32 $0x1800, s0  }
0x14: {  	s7 =	sadd.s32 $0x100, s1;
	s18 =	sadd.s32 $0x2800, s0;
	[dreg:$0xb] =	wrdreg s16  }
0x15: {  	s11 =	simm.s32 $0xF100;
	s20 =	sadd.s32 $0x3800, s0;
	[dreg:$0xd] =	wrdreg s18  }
0x16: {  	s6 =	simm.s32 $0xF900;
	s22 =	sadd.s32 $0x4800, s0;
	[dreg:$0xf] =	wrdreg s20  }
0x17: {  	s8 =	sadd.s32 $0x200, s1;
	s24 =	sadd.s32 $0x5800, s0;
	[dreg:$0x11] =	wrdreg s22  }
0x18: {  	s21 =	simm.s32 $0x8100;
	s25 =	sadd.s32 $0x6800, s0;
	[dreg:$0x13] =	wrdreg s24  }
0x19: {  	v2 =	vlaneseq.u32;
	s13 =	simm.s32 $0x1;
	s0 =	sadd.s32 $0x7800, s0;
	[dreg:$0x14] =	wrdreg s25  }
0x1a: {  	vm0 =	vmmov $0xffff;
	v1 =	vshrl.u32 v2, $0x3;
	s15 =	simm.s32 $0x4;
	s17 =	simm.s32 $0x5;
	[dreg:$0x15] =	wrdreg s0  }
0x1b: {  	v0 =	vand.u32 $0x7, v2;
	v2 =	vor.u32 $0x8, v2;
	v1 =	vmul.u32 $0x8, v1;
	s20 =	simm.s32 $0x10100;
	s16 =	simm.s32 $0x2;
	s18 =	simm.s32 $0x0  }
.LBB2_1:
0x1c: {  	s0 =	rddreg [dreg:$0x6]  }
0x1d: {  	[tilespmem:s5], [sflag:$0x6] =	stream.linear.gather [hbm4b:s0+s5], $0x100, $0x38;
	[tilespmem:$0x1C100] =	vst v63  }
0x1e: {  	_ =	swait.ge [sflag:s29], $0x100  }
0x1f: {  	[sflag:s29] =	ssyncset.done $0x0  }
0x20: {  	[sflag:s29] =	ssyncadd.s32 $0xFFFFFF00  }
0x21: {  	v3 =	vld [tilespmem:$0x0];
	_ =	sdelay $0x4  }
0x22: {  	v4 =	vshll.u32 v3, $0x3  }
0x23: {  	v3 =	vand.u32 $0x7, v3;
	v4 =	vand.u32 $0xFFFFFFC0, v4  }
0x24: {  	v3 =	vor.u32 v3, v4  }
0x25: {  	v4 =	vperm.xlane v3, v0;
	_ =	sdelay $0x1  }
0x26: {  	v4 =	vadd.s32 v1, v4;
	_ =	sdelay $0x4  }
0x27: {  	[tilespmem:s30], [sflag:$0x1] =	stream.indirect_vreg.gather [hbm4b:s1+s5], $0x80, v4, vm0, $0xb8;
	[tilespmem:$0x1C100] =	vst v63  }
0x28: {  	s23 =	simm.s32 $0x900;
	v3 =	vperm.xlane v3, v2  }
0x29: {  	[tilespmem:s23], [sflag:$0x1] =	stream.indirect_vreg.gather [hbm4b:s7+s5], $0x80, v4, vm0, $0xb8;
	[tilespmem:$0x1C100] =	vst v63  }
0x2a: {  	s24 =	simm.s32 $0x1100;
	v3 =	vadd.s32 v1, v3  }
0x2b: {  	[tilespmem:s24], [sflag:$0x1] =	stream.indirect_vreg.gather [hbm4b:s8+s5], $0x80, v4, vm0, $0xb8;
	[tilespmem:$0x1C100] =	vst v63  }
0x2c: {  	s25 =	simm.s32 $0x1900  }
0x2d: {  	[tilespmem:s25], [sflag:$0x1] =	stream.indirect_vreg.gather [hbm4b:s9+s5], $0x80, v4, vm0, $0xb8;
	[tilespmem:$0x1C100] =	vst v63  }
0x2e: {  	s26 =	simm.s32 $0x2100  }
0x2f: {  	[tilespmem:s26], [sflag:$0x1] =	stream.indirect_vreg.gather [hbm4b:s1+s5], $0x80, v3, vm0, $0xb8;
	[tilespmem:$0x1C100] =	vst v63  }
0x30: {  	s28 =	simm.s32 $0x2900  }
0x31: {  	[tilespmem:s28], [sflag:$0x1] =	stream.indirect_vreg.gather [hbm4b:s7+s5], $0x80, v3, vm0, $0xb8;
	[tilespmem:$0x1C100] =	vst v63  }
0x32: {  	s31 =	simm.s32 $0x3100  }
0x33: {  	[tilespmem:s31], [sflag:$0x1] =	stream.indirect_vreg.gather [hbm4b:s8+s5], $0x80, v3, vm0, $0xb8;
	[tilespmem:$0x1C100] =	vst v63  }
0x34: {  	s2 =	simm.s32 $0x3900  }
0x35: {  	[tilespmem:s2], [sflag:$0x1] =	stream.indirect_vreg.gather [hbm4b:s9+s5], $0x80, v3, vm0, $0xb8;
	[tilespmem:$0x1C100] =	vst v63  }
0x36: {  	v3 =	vld [tilespmem:$0x10];
	_ =	sdelay $0x4  }
0x37: {  	v4 =	vshll.u32 v3, $0x3  }
0x38: {  	v3 =	vand.u32 $0x7, v3;
	v4 =	vand.u32 $0xFFFFFFC0, v4  }
0x39: {  	v3 =	vor.u32 v3, v4  }
0x3a: {  	v4 =	vperm.xlane v3, v0;
	_ =	sdelay $0x1  }
0x3b: {  	v4 =	vadd.s32 v1, v4;
	_ =	sdelay $0x3  }
0x3c: {  	s3 =	simm.s32 $0x4100  }
0x3d: {  	[tilespmem:s3], [sflag:$0x1] =	stream.indirect_vreg.gather [hbm4b:s1+s5], $0x80, v4, vm0, $0xb8;
	[tilespmem:$0x1C100] =	vst v63  }
0x3e: {  	s4 =	simm.s32 $0x4900;
	v3 =	vperm.xlane v3, v2  }
0x3f: {  	[tilespmem:s4], [sflag:$0x1] =	stream.indirect_vreg.gather [hbm4b:s7+s5], $0x80, v4, vm0, $0xb8;
	[tilespmem:$0x1C100] =	vst v63  }
0x40: {  	s10 =	simm.s32 $0x5100;
	v3 =	vadd.s32 v1, v3  }
0x41: {  	[tilespmem:s10], [sflag:$0x1] =	stream.indirect_vreg.gather [hbm4b:s8+s5], $0x80, v4, vm0, $0xb8;
	[tilespmem:$0x1C100] =	vst v63  }
0x42: {  	s12 =	simm.s32 $0x5900  }
0x43: {  	[tilespmem:s12], [sflag:$0x1] =	stream.indirect_vreg.gather [hbm4b:s9+s5], $0x80, v4, vm0, $0xb8;
	[tilespmem:$0x1C100] =	vst v63  }
0x44: {  	s19 =	simm.s32 $0x6100  }
0x45: {  	[tilespmem:s19], [sflag:$0x1] =	stream.indirect_vreg.gather [hbm4b:s1+s5], $0x80, v3, vm0, $0xb8;
	[tilespmem:$0x1C100] =	vst v63  }
0x46: {  	s22 =	simm.s32 $0x6900  }
0x47: {  	[tilespmem:s22], [sflag:$0x1] =	stream.indirect_vreg.gather [hbm4b:s7+s5], $0x80, v3, vm0, $0xb8;
	[tilespmem:$0x1C100] =	vst v63  }
0x48: {  	s23 =	simm.s32 $0x7100  }
0x49: {  	[tilespmem:s23], [sflag:$0x1] =	stream.indirect_vreg.gather [hbm4b:s8+s5], $0x80, v3, vm0, $0xb8;
	[tilespmem:$0x1C100] =	vst v63  }
0x4a: {  	s24 =	simm.s32 $0x7900  }
0x4b: {  	[tilespmem:s24], [sflag:$0x1] =	stream.indirect_vreg.gather [hbm4b:s9+s5], $0x80, v3, vm0, $0xb8;
	[tilespmem:$0x1C100] =	vst v63  }
0x4c: {  	s25 =	rddreg [dreg:$0x7]  }
0x4d: {  	[tilespmem:s20], [sflag:$0x3] =	stream.linear.gather [hbm4b:s25+s5], $0x8000, $0x38;
	[tilespmem:$0x1C100] =	vst v63  }
0x4e: {  	s0 =	rddreg [dreg:$0x3];
	s10 =	simm.s32 @!p0 $0x0;
	s19 =	simm.s32 @!p0 $0x18100  }
0x4f: {  	[tilespmem:s19], [sflag:$0x6] =	stream.linear.gather @!p0 [hbm4b:s0+s10], $0x4000, $0x38;
	[tilespmem:$0x1C100] =	vst v63  }
0x50: {  	s10 =	simm.s32 @!p0 $0x6  }
0x51: {  	_ =	swait.ge @!p0 [sflag:s10], $0x4000  }
0x52: {  	[sflag:s10] =	ssyncset.done @!p0 $0x0  }
0x53: {  	[sflag:s10] =	ssyncadd.s32 @!p0 $0xFFFFC000  }
0x54: {  	v3 =	vld [tilespmem:$0x20];
	_ =	sdelay $0x4  }
0x55: {  	v4 =	vshll.u32 v3, $0x3  }
0x56: {  	v3 =	vand.u32 $0x7, v3;
	v4 =	vand.u32 $0xFFFFFFC0, v4  }
0x57: {  	v3 =	vor.u32 v3, v4  }
0x58: {  	v4 =	vperm.xlane v3, v0;
	_ =	sdelay $0x1  }
0x59: {  	v4 =	vadd.s32 v1, v4;
	_ =	sdelay $0x4  }
0x5a: {  	[tilespmem:s21], [sflag:$0x2] =	stream.indirect_vreg.gather [hbm4b:s1+s5], $0x80, v4, vm0, $0xb8;
	[tilespmem:$0x1C100] =	vst v63  }
0x5b: {  	s26 =	simm.s32 $0x8900;
	v3 =	vperm.xlane v3, v2  }
0x5c: {  	[tilespmem:s26], [sflag:$0x2] =	stream.indirect_vreg.gather [hbm4b:s7+s5], $0x80, v4, vm0, $0xb8;
	[tilespmem:$0x1C100] =	vst v63  }
0x5d: {  	s28 =	simm.s32 $0x9100;
	v3 =	vadd.s32 v1, v3  }
0x5e: {  	[tilespmem:s28], [sflag:$0x2] =	stream.indirect_vreg.gather [hbm4b:s8+s5], $0x80, v4, vm0, $0xb8;
	[tilespmem:$0x1C100] =	vst v63  }
0x5f: {  	s31 =	simm.s32 $0x9900  }
0x60: {  	[tilespmem:s31], [sflag:$0x2] =	stream.indirect_vreg.gather [hbm4b:s9+s5], $0x80, v4, vm0, $0xb8;
	[tilespmem:$0x1C100] =	vst v63  }
0x61: {  	s2 =	simm.s32 $0xA100  }
0x62: {  	[tilespmem:s2], [sflag:$0x2] =	stream.indirect_vreg.gather [hbm4b:s1+s5], $0x80, v3, vm0, $0xb8;
	[tilespmem:$0x1C100] =	vst v63  }
0x63: {  	s3 =	simm.s32 $0xA900  }
0x64: {  	[tilespmem:s3], [sflag:$0x2] =	stream.indirect_vreg.gather [hbm4b:s7+s5], $0x80, v3, vm0, $0xb8;
	[tilespmem:$0x1C100] =	vst v63  }
0x65: {  	s4 =	simm.s32 $0xB100  }
0x66: {  	[tilespmem:s4], [sflag:$0x2] =	stream.indirect_vreg.gather [hbm4b:s8+s5], $0x80, v3, vm0, $0xb8;
	[tilespmem:$0x1C100] =	vst v63  }
0x67: {  	s10 =	simm.s32 $0xB900  }
0x68: {  	[tilespmem:s10], [sflag:$0x2] =	stream.indirect_vreg.gather [hbm4b:s9+s5], $0x80, v3, vm0, $0xb8;
	[tilespmem:$0x1C100] =	vst v63  }
0x69: {  	v3 =	vld [tilespmem:$0x30];
	_ =	sdelay $0x4  }
0x6a: {  	v4 =	vshll.u32 v3, $0x3  }
0x6b: {  	v3 =	vand.u32 $0x7, v3;
	v4 =	vand.u32 $0xFFFFFFC0, v4  }
0x6c: {  	v3 =	vor.u32 v3, v4  }
0x6d: {  	v4 =	vperm.xlane v3, v0;
	_ =	sdelay $0x1  }
0x6e: {  	v4 =	vadd.s32 v1, v4;
	_ =	sdelay $0x3  }
0x6f: {  	s12 =	simm.s32 $0xC100  }
0x70: {  	[tilespmem:s12], [sflag:$0x2] =	stream.indirect_vreg.gather [hbm4b:s1+s5], $0x80, v4, vm0, $0xb8;
	[tilespmem:$0x1C100] =	vst v63  }
0x71: {  	s19 =	simm.s32 $0xC900;
	v3 =	vperm.xlane v3, v2  }
0x72: {  	[tilespmem:s19], [sflag:$0x2] =	stream.indirect_vreg.gather [hbm4b:s7+s5], $0x80, v4, vm0, $0xb8;
	[tilespmem:$0x1C100] =	vst v63  }
0x73: {  	s22 =	simm.s32 $0xD100;
	v3 =	vadd.s32 v1, v3  }
0x74: {  	[tilespmem:s22], [sflag:$0x2] =	stream.indirect_vreg.gather [hbm4b:s8+s5], $0x80, v4, vm0, $0xb8;
	[tilespmem:$0x1C100] =	vst v63  }
0x75: {  	s23 =	simm.s32 $0xD900  }
0x76: {  	[tilespmem:s23], [sflag:$0x2] =	stream.indirect_vreg.gather [hbm4b:s9+s5], $0x80, v4, vm0, $0xb8;
	[tilespmem:$0x1C100] =	vst v63  }
0x77: {  	s24 =	simm.s32 $0xE100  }
0x78: {  	[tilespmem:s24], [sflag:$0x2] =	stream.indirect_vreg.gather [hbm4b:s1+s5], $0x80, v3, vm0, $0xb8;
	[tilespmem:$0x1C100] =	vst v63  }
0x79: {  	s25 =	simm.s32 $0xE900  }
0x7a: {  	[tilespmem:s25], [sflag:$0x2] =	stream.indirect_vreg.gather [hbm4b:s7+s5], $0x80, v3, vm0, $0xb8;
	[tilespmem:$0x1C100] =	vst v63  }
0x7b: {  	_ = 	snop  }
0x7c: {  	[tilespmem:s11], [sflag:$0x2] =	stream.indirect_vreg.gather [hbm4b:s8+s5], $0x80, v3, vm0, $0xb8;
	[tilespmem:$0x1C100] =	vst v63  }
0x7d: {  	_ = 	snop  }
0x7e: {  	[tilespmem:s6], [sflag:$0x2] =	stream.indirect_vreg.gather [hbm4b:s9+s5], $0x80, v3, vm0, $0xb8;
	[tilespmem:$0x1C100] =	vst v63  }
0x7f: {  	_ =	swait.ge [sflag:s13], $0x8000  }
0x80: {  	[sflag:s13] =	ssyncset.done $0x0  }
0x81: {  	s26 =	simm.s32 $0x0;
	s28 =	sand.u32 $0x1800, s5;
	[sflag:s13] =	ssyncadd.s32 $0xFFFF8000  }
0x82: {  	s10 =	sand.u32 $0x6000, s26;
	s22 =	simm.s32 $0x0;
	_ =	swait.ge [sflag:s14], $0x8000  }
0x83: {  	s10 =	sor.u32 s28, s10;
	s31 =	sand.u32 $0x380, s22;
	[sflag:s14] =	ssyncset.done $0x0  }
0x84: {  	s10 =	sor.u32 s31, s10;
	[sflag:s14] =	ssyncadd.s32 $0xFFFF8000  }
0x85: {  	v3 =	vld [tilespmem:s10+$0x10570]  }
0x86: {  	v8 =	vld [tilespmem:s10+$0x10100]  }
0x87: {  	v9 =	vld [tilespmem:s10+$0x10110]  }
0x88: {  	v10 =	vld [tilespmem:s10+$0x10120]  }
0x89: {  	v11 =	vld [tilespmem:s10+$0x10130]  }
0x8a: {  	v12 =	vld [tilespmem:s10+$0x10140]  }
0x8b: {  	v13 =	vld [tilespmem:s10+$0x10150]  }
0x8c: {  	v14 =	vld [tilespmem:s10+$0x10160]  }
0x8d: {  	v15 =	vld [tilespmem:s10+$0x10170]  }
0x8e: {  	v16 =	vld [tilespmem:s10+$0x10500]  }
0x8f: {  	v17 =	vld [tilespmem:s10+$0x10510]  }
0x90: {  	v7 =	vld [tilespmem:s10+$0x10520]  }
0x91: {  	v6 =	vld [tilespmem:s10+$0x10530]  }
0x92: {  	v5 =	vld [tilespmem:s10+$0x10540]  }
0x93: {  	v4 =	vld [tilespmem:s10+$0x10560]  }
0x94: {  	[tilespmem:s10+$0x570] =	vst.add.f32.msk $0xffff, v3  }
0x95: {  	v3 =	vld [tilespmem:s10+$0x10550]  }
0x96: {  	[tilespmem:s10+$0x100] =	vst.add.f32.msk $0xffff, v8  }
0x97: {  	[tilespmem:s10+$0x110] =	vst.add.f32.msk $0xffff, v9  }
0x98: {  	[tilespmem:s10+$0x120] =	vst.add.f32.msk $0xffff, v10  }
0x99: {  	[tilespmem:s10+$0x130] =	vst.add.f32.msk $0xffff, v11  }
0x9a: {  	[tilespmem:s10+$0x140] =	vst.add.f32.msk $0xffff, v12  }
0x9b: {  	[tilespmem:s10+$0x150] =	vst.add.f32.msk $0xffff, v13  }
0x9c: {  	[tilespmem:s10+$0x160] =	vst.add.f32.msk $0xffff, v14  }
0x9d: {  	[tilespmem:s10+$0x170] =	vst.add.f32.msk $0xffff, v15  }
0x9e: {  	[tilespmem:s10+$0x500] =	vst.add.f32.msk $0xffff, v16  }
0x9f: {  	s19 =	simm.s32 $0x0;
	s22 =	simm.s32 $0x0;
	[tilespmem:s10+$0x510] =	vst.add.f32.msk $0xffff, v17  }
.LBB2_2:
0xa0: {  	s19 =	sadd.s32 $0x10, s19;
	[tilespmem:s10+$0x520] =	vst.add.f32.msk $0xffff, v7  }
0xa1: {  	s22 =	sadd.s32 $0x800, s22;
	s23 =	sshll.u32 s19, $0x4;
	p1 =	slt.u32 s19, $0x7F0;
	[tilespmem:s10+$0x530] =	vst.add.f32.msk $0xffff, v6  }
0xa2: {  	s24 =	sand.u32 $0x1800, s22;
	s25 =	sshll.u32 s19, $0x1;
	s23 =	sand.u32 $0x6000, s23;
	[tilespmem:s10+$0x540] =	vst.add.f32.msk $0xffff, v5  }
0xa3: {  	s23 =	sor.u32 s24, s23;
	s24 =	sand.u32 $0x380, s25;
	[tilespmem:s10+$0x550] =	vst.add.f32.msk $0xffff, v3  }
0xa4: {  	[tilespmem:s10+$0x560] =	vst.add.f32.msk $0xffff, v4;
	s10 =	sor.u32 s24, s23  }
0xa5: {  	v3 =	vld [tilespmem:s10+$0x10570]  }
0xa6: {  	v8 =	vld [tilespmem:s10+$0x10100]  }
0xa7: {  	v9 =	vld [tilespmem:s10+$0x10110]  }
0xa8: {  	v10 =	vld [tilespmem:s10+$0x10120]  }
0xa9: {  	v11 =	vld [tilespmem:s10+$0x10130]  }
0xaa: {  	[tilespmem:s10+$0x570] =	vst.add.f32.msk $0xffff, v3  }
0xab: {  	v12 =	vld [tilespmem:s10+$0x10140]  }
0xac: {  	v13 =	vld [tilespmem:s10+$0x10150]  }
0xad: {  	v14 =	vld [tilespmem:s10+$0x10160]  }
0xae: {  	v15 =	vld [tilespmem:s10+$0x10170]  }
0xaf: {  	v16 =	vld [tilespmem:s10+$0x10500]  }
0xb0: {  	v17 =	vld [tilespmem:s10+$0x10510]  }
0xb1: {  	v7 =	vld [tilespmem:s10+$0x10520]  }
0xb2: {  	v6 =	vld [tilespmem:s10+$0x10530]  }
0xb3: {  	v5 =	vld [tilespmem:s10+$0x10540]  }
0xb4: {  	v3 =	vld [tilespmem:s10+$0x10550]  }
0xb5: {  	v4 =	vld [tilespmem:s10+$0x10560]  }
0xb6: {  	[tilespmem:s10+$0x100] =	vst.add.f32.msk $0xffff, v8  }
0xb7: {  	[tilespmem:s10+$0x110] =	vst.add.f32.msk $0xffff, v9  }
0xb8: {  	[tilespmem:s10+$0x120] =	vst.add.f32.msk $0xffff, v10  }
0xb9: {  	[tilespmem:s10+$0x130] =	vst.add.f32.msk $0xffff, v11  }
0xba: {  	[tilespmem:s10+$0x140] =	vst.add.f32.msk $0xffff, v12  }
.Ltmp0:
0xbb: {  	[tilespmem:s10+$0x150] =	vst.add.f32.msk $0xffff, v13;
	(pc) =	sbr.rel @p1 .LBB2_2-.Ltmp0, $4  }
0xbc: {  	[tilespmem:s10+$0x160] =	vst.add.f32.msk $0xffff, v14  }
0xbd: {  	[tilespmem:s10+$0x170] =	vst.add.f32.msk $0xffff, v15  }
0xbe: {  	[tilespmem:s10+$0x500] =	vst.add.f32.msk $0xffff, v16  }
0xbf: {  	[tilespmem:s10+$0x510] =	vst.add.f32.msk $0xffff, v17  }
.Ltmp1:
0xc0: {  	[tilespmem:s10+$0x520] =	vst.add.f32.msk $0xffff, v7;
	(pc) =	sbr.rel @!p0 .LBB2_4-.Ltmp1, $4  }
0xc1: {  	[tilespmem:s10+$0x530] =	vst.add.f32.msk $0xffff, v6  }
0xc2: {  	[tilespmem:s10+$0x540] =	vst.add.f32.msk $0xffff, v5  }
0xc3: {  	[tilespmem:s10+$0x550] =	vst.add.f32.msk $0xffff, v3  }
0xc4: {  	[tilespmem:s10+$0x560] =	vst.add.f32.msk $0xffff, v4  }
.Ltmp2:
0xc5: {  	(pc) =	sbr.rel .LBB2_8-.Ltmp2, $3  }
0xc6: {  	_ =	sdelay $0x1  }
0xc7: {  	s0 =	rddreg [dreg:$0x8]  }
0xc8: {  	[hbm4b:s0+s5] =	stream.linear.scatter [tilespmem:s30], [sflag:$0x4], $0x8000, $0x38;
	[tilespmem:$0x1C100] =	vst v63  }
.LBB2_4:
0xc9: {  	v3 =	vld [tilespmem:$0x100]  }
0xca: {  	v4 =	vld [tilespmem:$0x1A480]  }
0xcb: {  	v5 =	vld [tilespmem:$0x110]  }
0xcc: {  	v6 =	vld [tilespmem:$0x1A490]  }
0xcd: {  	v7 =	vld [tilespmem:$0x120]  }
0xce: {  	v21 =	vld [tilespmem:$0x130];
	[tilespmem:$0x10100] =	vst v3  }
0xcf: {  	v22 =	vld [tilespmem:$0x1A4B0];
	[tilespmem:$0x100] =	vst v4  }
0xd0: {  	v3 =	vld [tilespmem:$0x1A4A0];
	[tilespmem:$0x10110] =	vst v5  }
0xd1: {  	v23 =	vld [tilespmem:$0x140];
	[tilespmem:$0x110] =	vst v6  }
0xd2: {  	v24 =	vld [tilespmem:$0x1A4C0];
	[tilespmem:$0x10120] =	vst v7  }
0xd3: {  	v26 =	vld [tilespmem:$0x160];
	[tilespmem:$0x10130] =	vst v21  }
0xd4: {  	v27 =	vld [tilespmem:$0x1A4E0];
	[tilespmem:$0x130] =	vst v22  }
0xd5: {  	[tilespmem:$0x120] =	vst v3;
	v3 =	vld [tilespmem:$0x150]  }
0xd6: {  	v28 =	vld [tilespmem:$0x170];
	[tilespmem:$0x10140] =	vst v23  }
0xd7: {  	v29 =	vld [tilespmem:$0x500];
	[tilespmem:$0x140] =	vst v24  }
0xd8: {  	v30 =	vld [tilespmem:$0x1A880];
	[tilespmem:$0x10160] =	vst v26  }
0xd9: {  	v31 =	vld [tilespmem:$0x510];
	[tilespmem:$0x160] =	vst v27  }
0xda: {  	[tilespmem:$0x10150] =	vst v3;
	v3 =	vld [tilespmem:$0x1A4F0]  }
0xdb: {  	v32 =	vld [tilespmem:$0x1A890];
	[tilespmem:$0x10170] =	vst v28  }
0xdc: {  	v34 =	vld [tilespmem:$0x530];
	[tilespmem:$0x10500] =	vst v29  }
0xdd: {  	v35 =	vld [tilespmem:$0x1A8B0];
	[tilespmem:$0x500] =	vst v30  }
0xde: {  	v36 =	vld [tilespmem:$0x540];
	[tilespmem:$0x10510] =	vst v31  }
0xdf: {  	[tilespmem:$0x170] =	vst v3;
	v3 =	vld [tilespmem:$0x520]  }
0xe0: {  	v37 =	vld [tilespmem:$0x550];
	[tilespmem:$0x510] =	vst v32  }
0xe1: {  	v38 =	vld [tilespmem:$0x1A8D0];
	[tilespmem:$0x10530] =	vst v34  }
0xe2: {  	v39 =	vld [tilespmem:$0x560];
	[tilespmem:$0x530] =	vst v35  }
0xe3: {  	v40 =	vld [tilespmem:$0x1A8E0];
	[tilespmem:$0x10540] =	vst v36  }
0xe4: {  	[tilespmem:$0x10520] =	vst v3;
	v3 =	vld [tilespmem:$0x1A8C0]  }
0xe5: {  	v42 =	vld [tilespmem:$0x900];
	[tilespmem:$0x10550] =	vst v37  }
0xe6: {  	v43 =	vld [tilespmem:$0x1AC80];
	[tilespmem:$0x550] =	vst v38  }
0xe7: {  	v44 =	vld [tilespmem:$0x910];
	[tilespmem:$0x10560] =	vst v39  }
0xe8: {  	v45 =	vld [tilespmem:$0x920];
	[tilespmem:$0x560] =	vst v40  }
0xe9: {  	[tilespmem:$0x540] =	vst v3;
	v3 =	vld [tilespmem:$0x570]  }
0xea: {  	v46 =	vld [tilespmem:$0x1ACA0];
	[tilespmem:$0x10900] =	vst v42  }
0xeb: {  	v47 =	vld [tilespmem:$0x930];
	[tilespmem:$0x900] =	vst v43  }
0xec: {  	v48 =	vld [tilespmem:$0x1ACB0];
	[tilespmem:$0x10910] =	vst v44  }
0xed: {  	v50 =	vld [tilespmem:$0x950];
	[tilespmem:$0x10920] =	vst v45  }
0xee: {  	[tilespmem:$0x10570] =	vst v3;
	v3 =	vld [tilespmem:$0x1AC90]  }
0xef: {  	v51 =	vld [tilespmem:$0x1ACD0];
	[tilespmem:$0x920] =	vst v46  }
0xf0: {  	v52 =	vld [tilespmem:$0x960];
	[tilespmem:$0x10930] =	vst v47  }
0xf1: {  	v53 =	vld [tilespmem:$0x970];
	[tilespmem:$0x930] =	vst v48  }
0xf2: {  	v54 =	vld [tilespmem:$0x1ACF0];
	[tilespmem:$0x10950] =	vst v50  }
0xf3: {  	[tilespmem:$0x910] =	vst v3;
	v3 =	vld [tilespmem:$0x940]  }
0xf4: {  	v55 =	vld [tilespmem:$0xD00];
	[tilespmem:$0x950] =	vst v51  }
0xf5: {  	v56 =	vld [tilespmem:$0x1B080];
	[tilespmem:$0x10960] =	vst v52  }
0xf6: {  	v58 =	vld [tilespmem:$0xD20];
	[tilespmem:$0x10970] =	vst v53  }
0xf7: {  	v59 =	vld [tilespmem:$0x1B0A0];
	[tilespmem:$0x970] =	vst v54  }
0xf8: {  	[tilespmem:$0x10940] =	vst v3;
	v3 =	vld [tilespmem:$0x1ACE0]  }
0xf9: {  	v60 =	vld [tilespmem:$0xD30];
	[tilespmem:$0x10D00] =	vst v55  }
0xfa: {  	v61 =	vld [tilespmem:$0xD40];
	[tilespmem:$0xD00] =	vst v56  }
0xfb: {  	v62 =	vld [tilespmem:$0x1B0C0];
	[tilespmem:$0x10D20] =	vst v58  }
0xfc: {  	v63 =	vld [tilespmem:$0xD50];
	[tilespmem:$0xD20] =	vst v59  }
0xfd: {  	[tilespmem:$0x960] =	vst v3;
	v3 =	vld [tilespmem:$0xD10]  }
0xfe: {  	v9 =	vld [tilespmem:$0x1B0D0];
	[tilespmem:$0x10D30] =	vst v60  }
0xff: {  	v11 =	vld [tilespmem:$0xD70];
	[tilespmem:$0x10D40] =	vst v61  }
0x100: {  	v12 =	vld [tilespmem:$0x1B0F0];
	[tilespmem:$0xD40] =	vst v62  }
0x101: {  	v13 =	vld [tilespmem:$0x1100];
	[tilespmem:$0x10D50] =	vst v63  }
0x102: {  	[tilespmem:$0x10D10] =	vst v3;
	v3 =	vld [tilespmem:$0x1B0B0]  }
0x103: {  	v14 =	vld [tilespmem:$0x1110];
	[tilespmem:$0xD50] =	vst v9  }
0x104: {  	v15 =	vld [tilespmem:$0x1B490];
	[tilespmem:$0x10D70] =	vst v11  }
0x105: {  	v16 =	vld [tilespmem:$0x1120];
	[tilespmem:$0xD70] =	vst v12  }
0x106: {  	v17 =	vld [tilespmem:$0x1B4A0];
	[tilespmem:$0x11100] =	vst v13  }
0x107: {  	[tilespmem:$0xD30] =	vst v3;
	v3 =	vld [tilespmem:$0xD60]  }
0x108: {  	v19 =	vld [tilespmem:$0x1140];
	[tilespmem:$0x11110] =	vst v14  }
0x109: {  	v20 =	vld [tilespmem:$0x1B4C0];
	[tilespmem:$0x1110] =	vst v15  }
0x10a: {  	v25 =	vld [tilespmem:$0x1A4D0];
	[tilespmem:$0x11120] =	vst v16  }
0x10b: {  	[tilespmem:$0x1120] =	vst v17;
	v21 =	vld [tilespmem:$0x1150]  }
0x10c: {  	[tilespmem:$0x10D60] =	vst v3;
	v3 =	vld [tilespmem:$0x1B480]  }
0x10d: {  	v22 =	vld [tilespmem:$0x1160];
	[tilespmem:$0x11140] =	vst v19  }
0x10e: {  	v23 =	vld [tilespmem:$0x1B4E0];
	[tilespmem:$0x1140] =	vst v20  }
0x10f: {  	v24 =	vld [tilespmem:$0x1170];
	[tilespmem:$0x150] =	vst v25  }
0x110: {  	v27 =	vld [tilespmem:$0x1510];
	[tilespmem:$0x11150] =	vst v21  }
0x111: {  	[tilespmem:$0x1100] =	vst v3;
	v3 =	vld [tilespmem:$0x1130]  }
0x112: {  	v28 =	vld [tilespmem:$0x1B890];
	[tilespmem:$0x11160] =	vst v22  }
0x113: {  	v29 =	vld [tilespmem:$0x1520];
	[tilespmem:$0x1160] =	vst v23  }
0x114: {  	v30 =	vld [tilespmem:$0x1530];
	[tilespmem:$0x11170] =	vst v24  }
0x115: {  	v31 =	vld [tilespmem:$0x1B8B0];
	[tilespmem:$0x11510] =	vst v27  }
0x116: {  	[tilespmem:$0x11130] =	vst v3;
	v3 =	vld [tilespmem:$0x1B4D0]  }
0x117: {  	v32 =	vld [tilespmem:$0x1540];
	[tilespmem:$0x1510] =	vst v28  }
0x118: {  	v35 =	vld [tilespmem:$0x1560];
	[tilespmem:$0x11520] =	vst v29  }
0x119: {  	v36 =	vld [tilespmem:$0x1B8E0];
	[tilespmem:$0x11530] =	vst v30  }
0x11a: {  	v37 =	vld [tilespmem:$0x1570];
	[tilespmem:$0x1530] =	vst v31  }
0x11b: {  	[tilespmem:$0x1150] =	vst v3;
	v3 =	vld [tilespmem:$0x1500]  }
0x11c: {  	v38 =	vld [tilespmem:$0x1900];
	[tilespmem:$0x11540] =	vst v32  }
0x11d: {  	v39 =	vld [tilespmem:$0x1BC80];
	[tilespmem:$0x11560] =	vst v35  }
0x11e: {  	v40 =	vld [tilespmem:$0x1910];
	[tilespmem:$0x1560] =	vst v36  }
0x11f: {  	v43 =	vld [tilespmem:$0x1930];
	[tilespmem:$0x11570] =	vst v37  }
0x120: {  	[tilespmem:$0x11500] =	vst v3;
	v3 =	vld [tilespmem:$0x1B8A0]  }
0x121: {  	v44 =	vld [tilespmem:$0x1BCB0];
	[tilespmem:$0x11900] =	vst v38  }
0x122: {  	v45 =	vld [tilespmem:$0x1940];
	[tilespmem:$0x1900] =	vst v39  }
0x123: {  	v46 =	vld [tilespmem:$0x1950];
	[tilespmem:$0x11910] =	vst v40  }
0x124: {  	v47 =	vld [tilespmem:$0x1BCD0];
	[tilespmem:$0x11930] =	vst v43  }
0x125: {  	[tilespmem:$0x1520] =	vst v3;
	v3 =	vld [tilespmem:$0x1550]  }
0x126: {  	v48 =	vld [tilespmem:$0x1960];
	[tilespmem:$0x1930] =	vst v44  }
0x127: {  	v51 =	vld [tilespmem:$0x1D00];
	[tilespmem:$0x11940] =	vst v45  }
0x128: {  	v52 =	vld [tilespmem:$0x1C080];
	[tilespmem:$0x11950] =	vst v46  }
0x129: {  	v53 =	vld [tilespmem:$0x1D10];
	[tilespmem:$0x1950] =	vst v47  }
0x12a: {  	[tilespmem:$0x11550] =	vst v3;
	v3 =	vld [tilespmem:$0x1B8F0]  }
0x12b: {  	v54 =	vld [tilespmem:$0x1D20];
	[tilespmem:$0x11960] =	vst v48  }
0x12c: {  	v55 =	vld [tilespmem:$0x1C0A0];
	[tilespmem:$0x11D00] =	vst v51  }
0x12d: {  	v56 =	vld [tilespmem:$0x1D30];
	[tilespmem:$0x1D00] =	vst v52  }
0x12e: {  	v59 =	vld [tilespmem:$0x1D50];
	[tilespmem:$0x11D10] =	vst v53  }
0x12f: {  	[tilespmem:$0x1570] =	vst v3;
	v3 =	vld [tilespmem:$0x1920]  }
0x130: {  	v60 =	vld [tilespmem:$0x1C0D0];
	[tilespmem:$0x11D20] =	vst v54  }
0x131: {  	v61 =	vld [tilespmem:$0x1D60];
	[tilespmem:$0x1D20] =	vst v55  }
0x132: {  	v62 =	vld [tilespmem:$0x1D70];
	[tilespmem:$0x11D30] =	vst v56  }
0x133: {  	v63 =	vld [tilespmem:$0x1C0F0];
	[tilespmem:$0x11D50] =	vst v59  }
0x134: {  	[tilespmem:$0x11920] =	vst v3;
	v3 =	vld [tilespmem:$0x1BCC0]  }
0x135: {  	v25 =	vld [tilespmem:$0x1B4F0];
	[tilespmem:$0x1D50] =	vst v60  }
0x136: {  	v33 =	vld [tilespmem:$0x1A8A0];
	[tilespmem:$0x11D60] =	vst v61  }
0x137: {  	v41 =	vld [tilespmem:$0x1A8F0];
	[tilespmem:$0x11D70] =	vst v62  }
0x138: {  	v49 =	vld [tilespmem:$0x1ACC0];
	[tilespmem:$0x1D70] =	vst v63  }
0x139: {  	[tilespmem:$0x1940] =	vst v3;
	v3 =	vld [tilespmem:$0x1970]  }
0x13a: {  	v57 =	vld [tilespmem:$0x1B090];
	[tilespmem:$0x1170] =	vst v25  }
0x13b: {  	[tilespmem:$0x520] =	vst v33;
	v33 =	vld [tilespmem:$0x1B8C0]  }
0x13c: {  	[tilespmem:$0x570] =	vst v41;
	v41 =	vld [tilespmem:$0x1BC90]  }
0x13d: {  	[tilespmem:$0x940] =	vst v49;
	v49 =	vld [tilespmem:$0x1BCE0]  }
0x13e: {  	[tilespmem:$0x11970] =	vst v3;
	v3 =	vld [tilespmem:$0x1C090]  }
0x13f: {  	[tilespmem:$0xD10] =	vst v57;
	v57 =	vld [tilespmem:$0x1C0B0]  }
0x140: {  	v10 =	vld [tilespmem:$0x1B0E0];
	[tilespmem:$0x1540] =	vst v33  }
0x141: {  	v18 =	vld [tilespmem:$0x1B4B0];
	[tilespmem:$0x1910] =	vst v41  }
0x142: {  	v26 =	vld [tilespmem:$0x1B880];
	[tilespmem:$0x1960] =	vst v49  }
0x143: {  	[tilespmem:$0x1D10] =	vst v3;
	v3 =	vld [tilespmem:$0x1D40]  }
0x144: {  	v34 =	vld [tilespmem:$0x1B8D0];
	[tilespmem:$0x1D30] =	vst v57  }
0x145: {  	v42 =	vld [tilespmem:$0x1BCA0];
	[tilespmem:$0xD60] =	vst v10  }
0x146: {  	v50 =	vld [tilespmem:$0x1BCF0];
	[tilespmem:$0x1130] =	vst v18  }
0x147: {  	v58 =	vld [tilespmem:$0x1C0C0];
	[tilespmem:$0x1500] =	vst v26  }
0x148: {  	[tilespmem:$0x11D40] =	vst v3;
	v3 =	vld [tilespmem:$0x1C0E0]  }
0x149: {  	[tilespmem:$0x1550] =	vst v34  }
0x14a: {  	[tilespmem:$0x1920] =	vst v42  }
0x14b: {  	[tilespmem:$0x1970] =	vst v50  }
0x14c: {  	s0 =	rddreg [dreg:$0x9];
	[tilespmem:$0x1D40] =	vst v58  }
0x14d: {  	s22 =	simm.s32 $0x780;
	s23 =	simm.s32 $0x3C00;
	s19 =	simm.s32 $0x700;
	[tilespmem:$0x1D60] =	vst v3  }
0x14e: {  	[hbm4b:s0+s5] =	stream.linear.scatter [tilespmem:s30], [sflag:$0x4], $0x8000, $0x38;
	[tilespmem:$0x1C100] =	vst v63  }
.LBB2_5:
0x14f: {  	s25 =	sadd.s32 $0xFFFFFC00, s23;
	s24 =	sadd.s32 $0xFFFFFF80, s22  }
0x150: {  	s10 =	sand.u32 $0x2000, s25;
	s26 =	sand.u32 $0x380, s24  }
0x151: {  	s10 =	sor.u32 s26, s10  }
0x152: {  	v3 =	vld [tilespmem:s10+$0x18100];
	_ =	sdelay $0x2  }
0x153: {  	s4 =	sand.u32 $0x380, s22;
	s28 =	sand.u32 $0x2000, s23  }
0x154: {  	s31 =	sor.u32 s4, s28  }
0x155: {  	s10 =	sadd.s32 $0x18100, s10;
	[tilespmem:s31+$0x18100] =	vst v3  }
0x156: {  	v3 =	vld [tilespmem:s10+$0x10];
	_ =	sdelay $0x3  }
0x157: {  	s12 =	sadd.s32 $0x18100, s31  }
0x158: {  	[tilespmem:s12+$0x10] =	vst v3  }
0x159: {  	v3 =	vld [tilespmem:s10+$0x20];
	_ =	sdelay $0x4  }
0x15a: {  	[tilespmem:s12+$0x20] =	vst v3  }
0x15b: {  	v3 =	vld [tilespmem:s10+$0x30];
	_ =	sdelay $0x4  }
0x15c: {  	[tilespmem:s12+$0x30] =	vst v3  }
0x15d: {  	v3 =	vld [tilespmem:s10+$0x40];
	_ =	sdelay $0x4  }
0x15e: {  	[tilespmem:s12+$0x40] =	vst v3  }
0x15f: {  	v3 =	vld [tilespmem:s10+$0x50];
	_ =	sdelay $0x4  }
0x160: {  	[tilespmem:s12+$0x50] =	vst v3  }
0x161: {  	v3 =	vld [tilespmem:s10+$0x60];
	_ =	sdelay $0x4  }
0x162: {  	[tilespmem:s12+$0x60] =	vst v3  }
0x163: {  	v3 =	vld [tilespmem:s10+$0x70];
	_ =	sdelay $0x4  }
0x164: {  	[tilespmem:s12+$0x70] =	vst v3  }
0x165: {  	v3 =	vld [tilespmem:s10+$0x400];
	_ =	sdelay $0x4  }
0x166: {  	[tilespmem:s12+$0x400] =	vst v3  }
0x167: {  	v3 =	vld [tilespmem:s10+$0x410];
	_ =	sdelay $0x4  }
0x168: {  	[tilespmem:s12+$0x410] =	vst v3  }
0x169: {  	v3 =	vld [tilespmem:s10+$0x420];
	_ =	sdelay $0x4  }
0x16a: {  	[tilespmem:s12+$0x420] =	vst v3  }
0x16b: {  	v3 =	vld [tilespmem:s10+$0x430];
	_ =	sdelay $0x4  }
0x16c: {  	[tilespmem:s12+$0x430] =	vst v3  }
0x16d: {  	v3 =	vld [tilespmem:s10+$0x440];
	_ =	sdelay $0x4  }
0x16e: {  	[tilespmem:s12+$0x440] =	vst v3  }
0x16f: {  	v3 =	vld [tilespmem:s10+$0x450];
	_ =	sdelay $0x4  }
0x170: {  	[tilespmem:s12+$0x450] =	vst v3  }
0x171: {  	v3 =	vld [tilespmem:s10+$0x460];
	_ =	sdelay $0x4  }
0x172: {  	[tilespmem:s12+$0x460] =	vst v3  }
0x173: {  	v3 =	vld [tilespmem:s10+$0x470];
	_ =	sdelay $0x4  }
0x174: {  	[tilespmem:s12+$0x470] =	vst v3  }
0x175: {  	v3 =	vld [tilespmem:s10+$0x800];
	_ =	sdelay $0x4  }
0x176: {  	[tilespmem:s12+$0x800] =	vst v3  }
0x177: {  	v3 =	vld [tilespmem:s10+$0x810];
	_ =	sdelay $0x4  }
0x178: {  	[tilespmem:s12+$0x810] =	vst v3  }
0x179: {  	v3 =	vld [tilespmem:s10+$0x820];
	_ =	sdelay $0x4  }
0x17a: {  	[tilespmem:s12+$0x820] =	vst v3  }
0x17b: {  	v3 =	vld [tilespmem:s10+$0x830];
	_ =	sdelay $0x4  }
0x17c: {  	[tilespmem:s12+$0x830] =	vst v3  }
0x17d: {  	v3 =	vld [tilespmem:s10+$0x840];
	_ =	sdelay $0x4  }
0x17e: {  	[tilespmem:s12+$0x840] =	vst v3  }
0x17f: {  	v3 =	vld [tilespmem:s10+$0x850];
	_ =	sdelay $0x4  }
0x180: {  	[tilespmem:s12+$0x850] =	vst v3  }
0x181: {  	v3 =	vld [tilespmem:s10+$0x860];
	_ =	sdelay $0x4  }
0x182: {  	[tilespmem:s12+$0x860] =	vst v3  }
0x183: {  	v3 =	vld [tilespmem:s10+$0x870];
	_ =	sdelay $0x4  }
0x184: {  	[tilespmem:s12+$0x870] =	vst v3  }
0x185: {  	v3 =	vld [tilespmem:s10+$0xC00];
	_ =	sdelay $0x4  }
0x186: {  	[tilespmem:s12+$0xC00] =	vst v3  }
0x187: {  	v3 =	vld [tilespmem:s10+$0xC10];
	_ =	sdelay $0x4  }
0x188: {  	[tilespmem:s12+$0xC10] =	vst v3  }
0x189: {  	v3 =	vld [tilespmem:s10+$0xC20];
	_ =	sdelay $0x4  }
0x18a: {  	[tilespmem:s12+$0xC20] =	vst v3  }
0x18b: {  	v3 =	vld [tilespmem:s10+$0xC30];
	_ =	sdelay $0x4  }
0x18c: {  	[tilespmem:s12+$0xC30] =	vst v3  }
0x18d: {  	v3 =	vld [tilespmem:s10+$0xC40];
	_ =	sdelay $0x4  }
0x18e: {  	[tilespmem:s12+$0xC40] =	vst v3  }
0x18f: {  	v3 =	vld [tilespmem:s10+$0xC50];
	_ =	sdelay $0x4  }
0x190: {  	[tilespmem:s12+$0xC50] =	vst v3  }
0x191: {  	v3 =	vld [tilespmem:s10+$0xC60];
	_ =	sdelay $0x4  }
0x192: {  	[tilespmem:s12+$0xC60] =	vst v3  }
0x193: {  	v3 =	vld [tilespmem:s10+$0xC70];
	_ =	sdelay $0x4  }
0x194: {  	[tilespmem:s12+$0xC70] =	vst v3  }
0x195: {  	v3 =	vld [tilespmem:s10+$0x1000];
	_ =	sdelay $0x4  }
0x196: {  	[tilespmem:s12+$0x1000] =	vst v3  }
0x197: {  	v3 =	vld [tilespmem:s10+$0x1010];
	_ =	sdelay $0x4  }
0x198: {  	[tilespmem:s12+$0x1010] =	vst v3  }
0x199: {  	v3 =	vld [tilespmem:s10+$0x1020];
	_ =	sdelay $0x4  }
0x19a: {  	[tilespmem:s12+$0x1020] =	vst v3  }
0x19b: {  	v3 =	vld [tilespmem:s10+$0x1030];
	_ =	sdelay $0x4  }
0x19c: {  	[tilespmem:s12+$0x1030] =	vst v3  }
0x19d: {  	v3 =	vld [tilespmem:s10+$0x1040];
	_ =	sdelay $0x4  }
0x19e: {  	[tilespmem:s12+$0x1040] =	vst v3  }
0x19f: {  	v3 =	vld [tilespmem:s10+$0x1050];
	_ =	sdelay $0x4  }
0x1a0: {  	[tilespmem:s12+$0x1050] =	vst v3  }
0x1a1: {  	v3 =	vld [tilespmem:s10+$0x1060];
	_ =	sdelay $0x4  }
0x1a2: {  	[tilespmem:s12+$0x1060] =	vst v3  }
0x1a3: {  	v3 =	vld [tilespmem:s10+$0x1070];
	_ =	sdelay $0x4  }
0x1a4: {  	[tilespmem:s12+$0x1070] =	vst v3  }
0x1a5: {  	v3 =	vld [tilespmem:s10+$0x1400];
	_ =	sdelay $0x4  }
0x1a6: {  	[tilespmem:s12+$0x1400] =	vst v3  }
0x1a7: {  	v3 =	vld [tilespmem:s10+$0x1410];
	_ =	sdelay $0x4  }
0x1a8: {  	[tilespmem:s12+$0x1410] =	vst v3  }
0x1a9: {  	v3 =	vld [tilespmem:s10+$0x1420];
	_ =	sdelay $0x4  }
0x1aa: {  	[tilespmem:s12+$0x1420] =	vst v3  }
0x1ab: {  	v3 =	vld [tilespmem:s10+$0x1430];
	_ =	sdelay $0x4  }
0x1ac: {  	[tilespmem:s12+$0x1430] =	vst v3  }
0x1ad: {  	v3 =	vld [tilespmem:s10+$0x1440];
	_ =	sdelay $0x4  }
0x1ae: {  	[tilespmem:s12+$0x1440] =	vst v3  }
0x1af: {  	v3 =	vld [tilespmem:s10+$0x1450];
	_ =	sdelay $0x4  }
0x1b0: {  	[tilespmem:s12+$0x1450] =	vst v3  }
0x1b1: {  	v3 =	vld [tilespmem:s10+$0x1460];
	_ =	sdelay $0x4  }
0x1b2: {  	[tilespmem:s12+$0x1460] =	vst v3  }
0x1b3: {  	v3 =	vld [tilespmem:s10+$0x1470];
	_ =	sdelay $0x4  }
0x1b4: {  	[tilespmem:s12+$0x1470] =	vst v3  }
0x1b5: {  	v3 =	vld [tilespmem:s10+$0x1800];
	_ =	sdelay $0x4  }
0x1b6: {  	[tilespmem:s12+$0x1800] =	vst v3  }
0x1b7: {  	v3 =	vld [tilespmem:s10+$0x1810];
	_ =	sdelay $0x4  }
0x1b8: {  	[tilespmem:s12+$0x1810] =	vst v3  }
0x1b9: {  	v3 =	vld [tilespmem:s10+$0x1820];
	_ =	sdelay $0x4  }
0x1ba: {  	[tilespmem:s12+$0x1820] =	vst v3  }
0x1bb: {  	v3 =	vld [tilespmem:s10+$0x1830];
	_ =	sdelay $0x4  }
0x1bc: {  	[tilespmem:s12+$0x1830] =	vst v3  }
0x1bd: {  	v3 =	vld [tilespmem:s10+$0x1840];
	_ =	sdelay $0x4  }
0x1be: {  	[tilespmem:s12+$0x1840] =	vst v3  }
0x1bf: {  	v3 =	vld [tilespmem:s10+$0x1850];
	_ =	sdelay $0x4  }
0x1c0: {  	[tilespmem:s12+$0x1850] =	vst v3  }
0x1c1: {  	v3 =	vld [tilespmem:s10+$0x1860];
	_ =	sdelay $0x4  }
0x1c2: {  	[tilespmem:s12+$0x1860] =	vst v3  }
0x1c3: {  	v3 =	vld [tilespmem:s10+$0x1870];
	_ =	sdelay $0x2  }
0x1c4: {  	s31 =	sand.u32 $0x380, s19  }
0x1c5: {  	s28 =	sadd.s32 s31, s25  }
0x1c6: {  	s0 =	sor.u32 $0x1C00, s28;
	[tilespmem:s12+$0x1870] =	vst v3  }
0x1c7: {  	v3 =	vld [tilespmem:s0+$0x18100];
	_ =	sdelay $0x2  }
0x1c8: {  	s10 =	sadd.s32 s4, s23  }
0x1c9: {  	s23 =	sor.u32 $0x1C00, s10  }
0x1ca: {  	s2 =	sor.u32 $0x1C10, s28;
	[tilespmem:s23+$0x18100] =	vst v3  }
0x1cb: {  	v3 =	vld [tilespmem:s2+$0x18100];
	_ =	sdelay $0x3  }
0x1cc: {  	s3 =	sor.u32 $0x1C10, s10  }
0x1cd: {  	s4 =	sor.u32 $0x1C20, s28;
	[tilespmem:s3+$0x18100] =	vst v3  }
0x1ce: {  	v3 =	vld [tilespmem:s4+$0x18100];
	_ =	sdelay $0x3  }
0x1cf: {  	s12 =	sor.u32 $0x1C20, s10  }
0x1d0: {  	s26 =	sor.u32 $0x1C30, s28;
	[tilespmem:s12+$0x18100] =	vst v3  }
0x1d1: {  	v3 =	vld [tilespmem:s26+$0x18100];
	_ =	sdelay $0x3  }
0x1d2: {  	s31 =	sor.u32 $0x1C30, s10  }
0x1d3: {  	s0 =	sor.u32 $0x1C40, s28;
	[tilespmem:s31+$0x18100] =	vst v3  }
0x1d4: {  	v3 =	vld [tilespmem:s0+$0x18100];
	_ =	sdelay $0x3  }
0x1d5: {  	s2 =	sor.u32 $0x1C40, s10  }
0x1d6: {  	s3 =	sor.u32 $0x1C50, s28;
	[tilespmem:s2+$0x18100] =	vst v3  }
0x1d7: {  	v3 =	vld [tilespmem:s3+$0x18100];
	_ =	sdelay $0x3  }
0x1d8: {  	s4 =	sor.u32 $0x1C50, s10  }
0x1d9: {  	s12 =	sor.u32 $0x1C60, s28;
	[tilespmem:s4+$0x18100] =	vst v3  }
0x1da: {  	v3 =	vld [tilespmem:s12+$0x18100];
	_ =	sdelay $0x3  }
0x1db: {  	s26 =	sor.u32 $0x1C60, s10  }
0x1dc: {  	s31 =	sor.u32 $0x1C70, s28;
	[tilespmem:s26+$0x18100] =	vst v3  }
0x1dd: {  	p1 =	sne.s32 s22, $0x80;
	v3 =	vld [tilespmem:s31+$0x18100]  }
.Ltmp3:
0x1de: {  	_ = 	snop;
	(pc) =	sbr.rel @p1 .LBB2_5-.Ltmp3, $3  }
0x1df: {  	_ =	sdelay $0x1  }
0x1e0: {  	s10 =	sor.u32 $0x1C70, s10  }
0x1e1: {  	s22 =	smov.u32 s24;
	s19 =	sadd.s32 $0xFFFFFF80, s19;
	s23 =	smov.u32 s25;
	[tilespmem:s10+$0x18100] =	vst v3  }
0x1e2: {  	v3 =	vld [tilespmem:$0x10100]  }
0x1e3: {  	v4 =	vld [tilespmem:$0x10110]  }
0x1e4: {  	v5 =	vld [tilespmem:$0x10120]  }
0x1e5: {  	v6 =	vld [tilespmem:$0x10130]  }
0x1e6: {  	v7 =	vld [tilespmem:$0x10140]  }
0x1e7: {  	v17 =	vld [tilespmem:$0x10160];
	[tilespmem:$0x18100] =	vst v3  }
0x1e8: {  	v18 =	vld [tilespmem:$0x10170];
	[tilespmem:$0x18110] =	vst v4  }
0x1e9: {  	v19 =	vld [tilespmem:$0x10500];
	[tilespmem:$0x18120] =	vst v5  }
0x1ea: {  	v3 =	vld [tilespmem:$0x10150];
	[tilespmem:$0x18130] =	vst v6  }
0x1eb: {  	v20 =	vld [tilespmem:$0x10510];
	[tilespmem:$0x18140] =	vst v7  }
0x1ec: {  	v21 =	vld [tilespmem:$0x10530];
	[tilespmem:$0x18160] =	vst v17  }
0x1ed: {  	v22 =	vld [tilespmem:$0x10540];
	[tilespmem:$0x18170] =	vst v18  }
0x1ee: {  	v23 =	vld [tilespmem:$0x10550];
	[tilespmem:$0x18500] =	vst v19  }
0x1ef: {  	[tilespmem:$0x18150] =	vst v3;
	v3 =	vld [tilespmem:$0x10520]  }
0x1f0: {  	v24 =	vld [tilespmem:$0x10560];
	[tilespmem:$0x18510] =	vst v20  }
0x1f1: {  	v25 =	vld [tilespmem:$0x10900];
	[tilespmem:$0x18530] =	vst v21  }
0x1f2: {  	v26 =	vld [tilespmem:$0x10910];
	[tilespmem:$0x18540] =	vst v22  }
0x1f3: {  	v27 =	vld [tilespmem:$0x10920];
	[tilespmem:$0x18550] =	vst v23  }
0x1f4: {  	[tilespmem:$0x18520] =	vst v3;
	v3 =	vld [tilespmem:$0x10570]  }
0x1f5: {  	v28 =	vld [tilespmem:$0x10930];
	[tilespmem:$0x18560] =	vst v24  }
0x1f6: {  	v29 =	vld [tilespmem:$0x10950];
	[tilespmem:$0x18900] =	vst v25  }
0x1f7: {  	v30 =	vld [tilespmem:$0x10960];
	[tilespmem:$0x18910] =	vst v26  }
0x1f8: {  	v31 =	vld [tilespmem:$0x10970];
	[tilespmem:$0x18920] =	vst v27  }
0x1f9: {  	[tilespmem:$0x18570] =	vst v3;
	v3 =	vld [tilespmem:$0x10940]  }
0x1fa: {  	v32 =	vld [tilespmem:$0x10D00];
	[tilespmem:$0x18930] =	vst v28  }
0x1fb: {  	v33 =	vld [tilespmem:$0x10D20];
	[tilespmem:$0x18950] =	vst v29  }
0x1fc: {  	v34 =	vld [tilespmem:$0x10D30];
	[tilespmem:$0x18960] =	vst v30  }
0x1fd: {  	v35 =	vld [tilespmem:$0x10D40];
	[tilespmem:$0x18970] =	vst v31  }
0x1fe: {  	[tilespmem:$0x18940] =	vst v3;
	v3 =	vld [tilespmem:$0x10D10]  }
0x1ff: {  	v36 =	vld [tilespmem:$0x10D50];
	[tilespmem:$0x18D00] =	vst v32  }
0x200: {  	v37 =	vld [tilespmem:$0x10D70];
	[tilespmem:$0x18D20] =	vst v33  }
0x201: {  	v38 =	vld [tilespmem:$0x11100];
	[tilespmem:$0x18D30] =	vst v34  }
0x202: {  	v39 =	vld [tilespmem:$0x11110];
	[tilespmem:$0x18D40] =	vst v35  }
0x203: {  	[tilespmem:$0x18D10] =	vst v3;
	v3 =	vld [tilespmem:$0x10D60]  }
0x204: {  	v40 =	vld [tilespmem:$0x11120];
	[tilespmem:$0x18D50] =	vst v36  }
0x205: {  	v41 =	vld [tilespmem:$0x11140];
	[tilespmem:$0x18D70] =	vst v37  }
0x206: {  	v42 =	vld [tilespmem:$0x11150];
	[tilespmem:$0x19100] =	vst v38  }
0x207: {  	v43 =	vld [tilespmem:$0x11160];
	[tilespmem:$0x19110] =	vst v39  }
0x208: {  	[tilespmem:$0x18D60] =	vst v3;
	v3 =	vld [tilespmem:$0x11130]  }
0x209: {  	v44 =	vld [tilespmem:$0x11170];
	[tilespmem:$0x19120] =	vst v40  }
0x20a: {  	v45 =	vld [tilespmem:$0x11510];
	[tilespmem:$0x19140] =	vst v41  }
0x20b: {  	v46 =	vld [tilespmem:$0x11520];
	[tilespmem:$0x19150] =	vst v42  }
0x20c: {  	v47 =	vld [tilespmem:$0x11530];
	[tilespmem:$0x19160] =	vst v43  }
0x20d: {  	[tilespmem:$0x19130] =	vst v3;
	v3 =	vld [tilespmem:$0x11500]  }
0x20e: {  	v48 =	vld [tilespmem:$0x11540];
	[tilespmem:$0x19170] =	vst v44  }
0x20f: {  	v49 =	vld [tilespmem:$0x11560];
	[tilespmem:$0x19510] =	vst v45  }
0x210: {  	v50 =	vld [tilespmem:$0x11570];
	[tilespmem:$0x19520] =	vst v46  }
0x211: {  	v51 =	vld [tilespmem:$0x11900];
	[tilespmem:$0x19530] =	vst v47  }
0x212: {  	[tilespmem:$0x19500] =	vst v3;
	v3 =	vld [tilespmem:$0x11550]  }
0x213: {  	v52 =	vld [tilespmem:$0x11910];
	[tilespmem:$0x19540] =	vst v48  }
0x214: {  	v53 =	vld [tilespmem:$0x11930];
	[tilespmem:$0x19560] =	vst v49  }
0x215: {  	v54 =	vld [tilespmem:$0x11940];
	[tilespmem:$0x19570] =	vst v50  }
0x216: {  	v55 =	vld [tilespmem:$0x11950];
	[tilespmem:$0x19900] =	vst v51  }
0x217: {  	[tilespmem:$0x19550] =	vst v3;
	v3 =	vld [tilespmem:$0x11920]  }
0x218: {  	v56 =	vld [tilespmem:$0x11960];
	[tilespmem:$0x19910] =	vst v52  }
0x219: {  	v57 =	vld [tilespmem:$0x11D00];
	[tilespmem:$0x19930] =	vst v53  }
0x21a: {  	v58 =	vld [tilespmem:$0x11D10];
	[tilespmem:$0x19940] =	vst v54  }
0x21b: {  	v59 =	vld [tilespmem:$0x11D20];
	[tilespmem:$0x19950] =	vst v55  }
0x21c: {  	[tilespmem:$0x19920] =	vst v3;
	v3 =	vld [tilespmem:$0x11970]  }
0x21d: {  	v60 =	vld [tilespmem:$0x11D30];
	[tilespmem:$0x19960] =	vst v56  }
0x21e: {  	v61 =	vld [tilespmem:$0x11D50];
	[tilespmem:$0x19D00] =	vst v57  }
0x21f: {  	v62 =	vld [tilespmem:$0x11D60];
	[tilespmem:$0x19D10] =	vst v58  }
0x220: {  	v63 =	vld [tilespmem:$0x11D70];
	[tilespmem:$0x19D20] =	vst v59  }
0x221: {  	[tilespmem:$0x19970] =	vst v3;
	v3 =	vld [tilespmem:$0x11D40]  }
0x222: {  	[tilespmem:$0x19D30] =	vst v60  }
0x223: {  	[tilespmem:$0x19D50] =	vst v61  }
0x224: {  	[tilespmem:$0x19D60] =	vst v62  }
0x225: {  	[tilespmem:$0x19D70] =	vst v63  }
0x226: {  	s0 =	rddreg [dreg:$0x4];
	s2 =	simm.s32 $0x18100;
	[tilespmem:$0x19D40] =	vst v3  }
0x227: {  	[hbm4b:s0+s5] =	stream.linear.scatter [tilespmem:s2], [sflag:$0x6], $0x4000, $0x38;
	[tilespmem:$0x1C100] =	vst v63  }
0x228: {  	_ =	swait.ge [sflag:s29], $0x4000  }
0x229: {  	[sflag:s29] =	ssyncset.done $0x0  }
0x22a: {  	[sflag:s29] =	ssyncadd.s32 $0xFFFFC000  }
.LBB2_8:
0x22b: {  	s19 =	simm.s32 $0x0;
	s0 =	rddreg [dreg:$0xa]  }
0x22c: {  	[tilespmem:s20], [sflag:$0x3] =	stream.linear.gather [hbm4b:s0+s19], $0x8000, $0x38;
	[tilespmem:$0x1C100] =	vst v63  }
0x22d: {  	_ =	swait.ge [sflag:s15], $0x8000  }
0x22e: {  	[sflag:s15] =	ssyncset.done $0x0  }
0x22f: {  	[sflag:s15] =	ssyncadd.s32 $0xFFFF8000  }
0x230: {  	v3 =	vld [tilespmem:$0x40];
	_ =	sdelay $0x4  }
0x231: {  	v4 =	vshll.u32 v3, $0x3  }
0x232: {  	v3 =	vand.u32 $0x7, v3;
	v4 =	vand.u32 $0xFFFFFFC0, v4  }
0x233: {  	v3 =	vor.u32 v3, v4  }
0x234: {  	v4 =	vperm.xlane v3, v0;
	_ =	sdelay $0x1  }
0x235: {  	v4 =	vadd.s32 v1, v4;
	_ =	sdelay $0x4  }
0x236: {  	[tilespmem:s30], [sflag:$0x1] =	stream.indirect_vreg.gather [hbm4b:s1+s19], $0x80, v4, vm0, $0xb8;
	[tilespmem:$0x1C100] =	vst v63  }
0x237: {  	s25 =	simm.s32 $0x900;
	v3 =	vperm.xlane v3, v2  }
0x238: {  	[tilespmem:s25], [sflag:$0x1] =	stream.indirect_vreg.gather [hbm4b:s7+s19], $0x80, v4, vm0, $0xb8;
	[tilespmem:$0x1C100] =	vst v63  }
0x239: {  	s26 =	simm.s32 $0x1100;
	v3 =	vadd.s32 v1, v3  }
0x23a: {  	[tilespmem:s26], [sflag:$0x1] =	stream.indirect_vreg.gather [hbm4b:s8+s19], $0x80, v4, vm0, $0xb8;
	[tilespmem:$0x1C100] =	vst v63  }
0x23b: {  	s28 =	simm.s32 $0x1900  }
0x23c: {  	[tilespmem:s28], [sflag:$0x1] =	stream.indirect_vreg.gather [hbm4b:s9+s19], $0x80, v4, vm0, $0xb8;
	[tilespmem:$0x1C100] =	vst v63  }
0x23d: {  	s31 =	simm.s32 $0x2100  }
0x23e: {  	[tilespmem:s31], [sflag:$0x1] =	stream.indirect_vreg.gather [hbm4b:s1+s19], $0x80, v3, vm0, $0xb8;
	[tilespmem:$0x1C100] =	vst v63  }
0x23f: {  	s2 =	simm.s32 $0x2900  }
0x240: {  	[tilespmem:s2], [sflag:$0x1] =	stream.indirect_vreg.gather [hbm4b:s7+s19], $0x80, v3, vm0, $0xb8;
	[tilespmem:$0x1C100] =	vst v63  }
0x241: {  	s3 =	simm.s32 $0x3100  }
0x242: {  	[tilespmem:s3], [sflag:$0x1] =	stream.indirect_vreg.gather [hbm4b:s8+s19], $0x80, v3, vm0, $0xb8;
	[tilespmem:$0x1C100] =	vst v63  }
0x243: {  	s4 =	simm.s32 $0x3900  }
0x244: {  	[tilespmem:s4], [sflag:$0x1] =	stream.indirect_vreg.gather [hbm4b:s9+s19], $0x80, v3, vm0, $0xb8;
	[tilespmem:$0x1C100] =	vst v63  }
0x245: {  	v3 =	vld [tilespmem:$0x50];
	_ =	sdelay $0x4  }
0x246: {  	v4 =	vshll.u32 v3, $0x3  }
0x247: {  	v3 =	vand.u32 $0x7, v3;
	v4 =	vand.u32 $0xFFFFFFC0, v4  }
0x248: {  	v3 =	vor.u32 v3, v4  }
0x249: {  	v4 =	vperm.xlane v3, v0;
	_ =	sdelay $0x1  }
0x24a: {  	v4 =	vadd.s32 v1, v4;
	_ =	sdelay $0x3  }
0x24b: {  	s10 =	simm.s32 $0x4100  }
0x24c: {  	[tilespmem:s10], [sflag:$0x1] =	stream.indirect_vreg.gather [hbm4b:s1+s19], $0x80, v4, vm0, $0xb8;
	[tilespmem:$0x1C100] =	vst v63  }
0x24d: {  	s12 =	simm.s32 $0x4900;
	v3 =	vperm.xlane v3, v2  }
0x24e: {  	[tilespmem:s12], [sflag:$0x1] =	stream.indirect_vreg.gather [hbm4b:s7+s19], $0x80, v4, vm0, $0xb8;
	[tilespmem:$0x1C100] =	vst v63  }
0x24f: {  	s22 =	simm.s32 $0x5100;
	v3 =	vadd.s32 v1, v3  }
0x250: {  	[tilespmem:s22], [sflag:$0x1] =	stream.indirect_vreg.gather [hbm4b:s8+s19], $0x80, v4, vm0, $0xb8;
	[tilespmem:$0x1C100] =	vst v63  }
0x251: {  	s23 =	simm.s32 $0x5900  }
0x252: {  	[tilespmem:s23], [sflag:$0x1] =	stream.indirect_vreg.gather [hbm4b:s9+s19], $0x80, v4, vm0, $0xb8;
	[tilespmem:$0x1C100] =	vst v63  }
0x253: {  	s24 =	simm.s32 $0x6100  }
0x254: {  	[tilespmem:s24], [sflag:$0x1] =	stream.indirect_vreg.gather [hbm4b:s1+s19], $0x80, v3, vm0, $0xb8;
	[tilespmem:$0x1C100] =	vst v63  }
0x255: {  	s25 =	simm.s32 $0x6900  }
0x256: {  	[tilespmem:s25], [sflag:$0x1] =	stream.indirect_vreg.gather [hbm4b:s7+s19], $0x80, v3, vm0, $0xb8;
	[tilespmem:$0x1C100] =	vst v63  }
0x257: {  	s26 =	simm.s32 $0x7100  }
0x258: {  	[tilespmem:s26], [sflag:$0x1] =	stream.indirect_vreg.gather [hbm4b:s8+s19], $0x80, v3, vm0, $0xb8;
	[tilespmem:$0x1C100] =	vst v63  }
0x259: {  	s28 =	simm.s32 $0x7900  }
0x25a: {  	[tilespmem:s28], [sflag:$0x1] =	stream.indirect_vreg.gather [hbm4b:s9+s19], $0x80, v3, vm0, $0xb8;
	[tilespmem:$0x1C100] =	vst v63  }
0x25b: {  	_ =	swait.ge [sflag:s16], $0x8000  }
0x25c: {  	s10 =	simm.s32 $0x0;
	[sflag:s16] =	ssyncset.done $0x0  }
0x25d: {  	s10 =	sand.u32 $0x6000, s10;
	s22 =	sand.u32 $0x1800, s19;
	[sflag:s16] =	ssyncadd.s32 $0xFFFF8000  }
0x25e: {  	s23 =	simm.s32 $0x0;
	s24 =	sor.u32 $0x10100, s10;
	_ =	swait.ge [sflag:s14], $0x8000  }
0x25f: {  	s23 =	sand.u32 $0x380, s23;
	s25 =	sor.u32 s22, s24;
	[sflag:s14] =	ssyncset.done $0x0  }
0x260: {  	s25 =	sadd.s32 s23, s25;
	[sflag:s14] =	ssyncadd.s32 $0xFFFF8000  }
0x261: {  	v3 =	vld [tilespmem:s25+$0x0]  }
0x262: {  	v9 =	vld [tilespmem:s25+$0x10]  }
0x263: {  	v10 =	vld [tilespmem:s25+$0x20]  }
0x264: {  	v11 =	vld [tilespmem:s25+$0x30]  }
0x265: {  	v12 =	vld [tilespmem:s25+$0x40]  }
0x266: {  	s28 =	sor.u32 $0x400, s22;
	v13 =	vld [tilespmem:s25+$0x50]  }
0x267: {  	s24 =	sor.u32 s28, s24;
	v14 =	vld [tilespmem:s25+$0x60]  }
0x268: {  	s24 =	sadd.s32 s23, s24;
	v15 =	vld [tilespmem:s25+$0x70]  }
0x269: {  	v16 =	vld [tilespmem:s24+$0x70]  }
0x26a: {  	v17 =	vld [tilespmem:s24+$0x0]  }
0x26b: {  	v8 =	vld [tilespmem:s24+$0x10]  }
0x26c: {  	v7 =	vld [tilespmem:s24+$0x20]  }
0x26d: {  	s26 =	sor.u32 $0x8100, s10;
	v6 =	vld [tilespmem:s24+$0x30]  }
0x26e: {  	s10 =	sor.u32 $0x100, s10;
	s31 =	sor.u32 s22, s26;
	v5 =	vld [tilespmem:s24+$0x40]  }
0x26f: {  	s31 =	sadd.s32 s23, s31;
	s22 =	sor.u32 s22, s10;
	v4 =	vld [tilespmem:s24+$0x50]  }
0x270: {  	s22 =	sadd.s32 s23, s22;
	[tilespmem:s31+$0x0] =	vst.add.f32.msk $0xffff, v3  }
0x271: {  	s0 =	sor.u32 $0x8010, s22;
	v3 =	vld [tilespmem:s24+$0x60]  }
0x272: {  	s2 =	sor.u32 $0x8020, s22;
	[tilespmem:s0+$0x0] =	vst.add.f32.msk $0xffff, v9  }
0x273: {  	s3 =	sor.u32 $0x8030, s22;
	[tilespmem:s2+$0x0] =	vst.add.f32.msk $0xffff, v10  }
0x274: {  	s4 =	sor.u32 $0x8040, s22;
	[tilespmem:s3+$0x0] =	vst.add.f32.msk $0xffff, v11  }
0x275: {  	s12 =	sor.u32 $0x8050, s22;
	[tilespmem:s4+$0x0] =	vst.add.f32.msk $0xffff, v12  }
0x276: {  	s25 =	sor.u32 $0x8060, s22;
	[tilespmem:s12+$0x0] =	vst.add.f32.msk $0xffff, v13  }
0x277: {  	s10 =	sor.u32 s28, s10;
	s22 =	sor.u32 $0x8070, s22;
	[tilespmem:s25+$0x0] =	vst.add.f32.msk $0xffff, v14  }
0x278: {  	s31 =	sor.u32 s28, s26;
	[tilespmem:s22+$0x0] =	vst.add.f32.msk $0xffff, v15;
	s22 =	sadd.s32 s23, s10  }
0x279: {  	s24 =	sadd.s32 s23, s31;
	[tilespmem:s22+$0x8070] =	vst.add.f32.msk $0xffff, v16  }
0x27a: {  	s10 =	simm.s32 $0x0;
	[tilespmem:s24+$0x0] =	vst.add.f32.msk $0xffff, v17  }
.LBB2_9:
0x27b: {  	s10 =	sadd.s32 $0x10, s10;
	[tilespmem:s22+$0x8010] =	vst.add.f32.msk $0xffff, v8  }
0x27c: {  	s19 =	sadd.s32 $0x800, s19;
	s23 =	sshll.u32 s10, $0x4;
	p1 =	slt.u32 s10, $0x7F0;
	[tilespmem:s22+$0x8020] =	vst.add.f32.msk $0xffff, v7  }
0x27d: {  	s24 =	sand.u32 $0x1800, s19;
	s23 =	sand.u32 $0x6000, s23;
	[tilespmem:s22+$0x8030] =	vst.add.f32.msk $0xffff, v6  }
0x27e: {  	s25 =	sshll.u32 s10, $0x1;
	s28 =	sor.u32 $0x400, s24;
	s26 =	sor.u32 $0x10100, s23;
	[tilespmem:s22+$0x8040] =	vst.add.f32.msk $0xffff, v5  }
0x27f: {  	s25 =	sand.u32 $0x380, s25;
	s31 =	sor.u32 s24, s26;
	s26 =	sor.u32 s28, s26;
	[tilespmem:s22+$0x8050] =	vst.add.f32.msk $0xffff, v4  }
0x280: {  	s2 =	sor.u32 $0x8100, s23;
	s31 =	sadd.s32 s25, s31;
	s26 =	sadd.s32 s25, s26;
	[tilespmem:s22+$0x8060] =	vst.add.f32.msk $0xffff, v3  }
0x281: {  	s22 =	sor.u32 s24, s2;
	s2 =	sor.u32 s28, s2;
	v3 =	vld [tilespmem:s26+$0x70]  }
0x282: {  	s0 =	sadd.s32 s25, s22;
	s2 =	sadd.s32 s25, s2;
	v9 =	vld [tilespmem:s31+$0x0]  }
0x283: {  	s22 =	sor.u32 $0x100, s23;
	v10 =	vld [tilespmem:s31+$0x10]  }
0x284: {  	s23 =	sor.u32 s24, s22;
	s22 =	sor.u32 s28, s22;
	v11 =	vld [tilespmem:s31+$0x20]  }
0x285: {  	s23 =	sadd.s32 s25, s23;
	s22 =	sadd.s32 s25, s22;
	v12 =	vld [tilespmem:s31+$0x30]  }
0x286: {  	s24 =	sor.u32 $0x8010, s23;
	s25 =	sor.u32 $0x8020, s23;
	s28 =	sor.u32 $0x8030, s23;
	[tilespmem:s22+$0x8070] =	vst.add.f32.msk $0xffff, v3  }
0x287: {  	s4 =	sor.u32 $0x8040, s23;
	s12 =	sor.u32 $0x8050, s23;
	s3 =	sor.u32 $0x8060, s23;
	v13 =	vld [tilespmem:s31+$0x40]  }
0x288: {  	s23 =	sor.u32 $0x8070, s23;
	v14 =	vld [tilespmem:s31+$0x50]  }
0x289: {  	v15 =	vld [tilespmem:s31+$0x60]  }
0x28a: {  	v16 =	vld [tilespmem:s31+$0x70]  }
0x28b: {  	v17 =	vld [tilespmem:s26+$0x0]  }
0x28c: {  	v8 =	vld [tilespmem:s26+$0x10]  }
0x28d: {  	v7 =	vld [tilespmem:s26+$0x20]  }
0x28e: {  	v6 =	vld [tilespmem:s26+$0x30]  }
0x28f: {  	v5 =	vld [tilespmem:s26+$0x40]  }
0x290: {  	v4 =	vld [tilespmem:s26+$0x50]  }
0x291: {  	v3 =	vld [tilespmem:s26+$0x60]  }
0x292: {  	[tilespmem:s0+$0x0] =	vst.add.f32.msk $0xffff, v9  }
0x293: {  	[tilespmem:s24+$0x0] =	vst.add.f32.msk $0xffff, v10  }
0x294: {  	[tilespmem:s25+$0x0] =	vst.add.f32.msk $0xffff, v11  }
0x295: {  	[tilespmem:s28+$0x0] =	vst.add.f32.msk $0xffff, v12  }
.Ltmp4:
0x296: {  	[tilespmem:s4+$0x0] =	vst.add.f32.msk $0xffff, v13;
	(pc) =	sbr.rel @p1 .LBB2_9-.Ltmp4, $4  }
0x297: {  	[tilespmem:s12+$0x0] =	vst.add.f32.msk $0xffff, v14  }
0x298: {  	[tilespmem:s3+$0x0] =	vst.add.f32.msk $0xffff, v15  }
0x299: {  	[tilespmem:s23+$0x0] =	vst.add.f32.msk $0xffff, v16  }
0x29a: {  	[tilespmem:s2+$0x0] =	vst.add.f32.msk $0xffff, v17  }
0x29b: {  	[tilespmem:s22+$0x8010] =	vst.add.f32.msk $0xffff, v8  }
0x29c: {  	[tilespmem:s22+$0x8020] =	vst.add.f32.msk $0xffff, v7  }
0x29d: {  	[tilespmem:s22+$0x8030] =	vst.add.f32.msk $0xffff, v6  }
0x29e: {  	[tilespmem:s22+$0x8040] =	vst.add.f32.msk $0xffff, v5  }
0x29f: {  	[tilespmem:s22+$0x8050] =	vst.add.f32.msk $0xffff, v4  }
0x2a0: {  	[tilespmem:s22+$0x8060] =	vst.add.f32.msk $0xffff, v3  }
0x2a1: {  	s19 =	simm.s32 $0x0;
	s0 =	rddreg [dreg:$0xb]  }
0x2a2: {  	[hbm4b:s0+s19] =	stream.linear.scatter [tilespmem:s21], [sflag:$0x5], $0x8000, $0x38;
	[tilespmem:$0x1C100] =	vst v63  }
0x2a3: {  	s25 =	rddreg [dreg:$0xc]  }
0x2a4: {  	[tilespmem:s20], [sflag:$0x3] =	stream.linear.gather [hbm4b:s25+s19], $0x8000, $0x38;
	[tilespmem:$0x1C100] =	vst v63  }
0x2a5: {  	_ =	swait.ge [sflag:s17], $0x8000  }
0x2a6: {  	[sflag:s17] =	ssyncset.done $0x0  }
0x2a7: {  	[sflag:s17] =	ssyncadd.s32 $0xFFFF8000  }
0x2a8: {  	v3 =	vld [tilespmem:$0x60];
	_ =	sdelay $0x4  }
0x2a9: {  	v4 =	vshll.u32 v3, $0x3  }
0x2aa: {  	v3 =	vand.u32 $0x7, v3;
	v4 =	vand.u32 $0xFFFFFFC0, v4  }
0x2ab: {  	v3 =	vor.u32 v3, v4  }
0x2ac: {  	v4 =	vperm.xlane v3, v0;
	_ =	sdelay $0x1  }
0x2ad: {  	v4 =	vadd.s32 v1, v4;
	_ =	sdelay $0x4  }
0x2ae: {  	[tilespmem:s21], [sflag:$0x2] =	stream.indirect_vreg.gather [hbm4b:s1+s19], $0x80, v4, vm0, $0xb8;
	[tilespmem:$0x1C100] =	vst v63  }
0x2af: {  	s26 =	simm.s32 $0x8900;
	v3 =	vperm.xlane v3, v2  }
0x2b0: {  	[tilespmem:s26], [sflag:$0x2] =	stream.indirect_vreg.gather [hbm4b:s7+s19], $0x80, v4, vm0, $0xb8;
	[tilespmem:$0x1C100] =	vst v63  }
0x2b1: {  	s28 =	simm.s32 $0x9100;
	v3 =	vadd.s32 v1, v3  }
0x2b2: {  	[tilespmem:s28], [sflag:$0x2] =	stream.indirect_vreg.gather [hbm4b:s8+s19], $0x80, v4, vm0, $0xb8;
	[tilespmem:$0x1C100] =	vst v63  }
0x2b3: {  	s31 =	simm.s32 $0x9900  }
0x2b4: {  	[tilespmem:s31], [sflag:$0x2] =	stream.indirect_vreg.gather [hbm4b:s9+s19], $0x80, v4, vm0, $0xb8;
	[tilespmem:$0x1C100] =	vst v63  }
0x2b5: {  	s2 =	simm.s32 $0xA100  }
0x2b6: {  	[tilespmem:s2], [sflag:$0x2] =	stream.indirect_vreg.gather [hbm4b:s1+s19], $0x80, v3, vm0, $0xb8;
	[tilespmem:$0x1C100] =	vst v63  }
0x2b7: {  	s3 =	simm.s32 $0xA900  }
0x2b8: {  	[tilespmem:s3], [sflag:$0x2] =	stream.indirect_vreg.gather [hbm4b:s7+s19], $0x80, v3, vm0, $0xb8;
	[tilespmem:$0x1C100] =	vst v63  }
0x2b9: {  	s4 =	simm.s32 $0xB100  }
0x2ba: {  	[tilespmem:s4], [sflag:$0x2] =	stream.indirect_vreg.gather [hbm4b:s8+s19], $0x80, v3, vm0, $0xb8;
	[tilespmem:$0x1C100] =	vst v63  }
0x2bb: {  	s10 =	simm.s32 $0xB900  }
0x2bc: {  	[tilespmem:s10], [sflag:$0x2] =	stream.indirect_vreg.gather [hbm4b:s9+s19], $0x80, v3, vm0, $0xb8;
	[tilespmem:$0x1C100] =	vst v63  }
0x2bd: {  	v3 =	vld [tilespmem:$0x70];
	_ =	sdelay $0x4  }
0x2be: {  	v4 =	vshll.u32 v3, $0x3  }
0x2bf: {  	v3 =	vand.u32 $0x7, v3;
	v4 =	vand.u32 $0xFFFFFFC0, v4  }
0x2c0: {  	v3 =	vor.u32 v3, v4  }
0x2c1: {  	v4 =	vperm.xlane v3, v0;
	_ =	sdelay $0x1  }
0x2c2: {  	v4 =	vadd.s32 v1, v4;
	_ =	sdelay $0x3  }
0x2c3: {  	s12 =	simm.s32 $0xC100  }
0x2c4: {  	[tilespmem:s12], [sflag:$0x2] =	stream.indirect_vreg.gather [hbm4b:s1+s19], $0x80, v4, vm0, $0xb8;
	[tilespmem:$0x1C100] =	vst v63  }
0x2c5: {  	s22 =	simm.s32 $0xC900;
	v3 =	vperm.xlane v3, v2  }
0x2c6: {  	[tilespmem:s22], [sflag:$0x2] =	stream.indirect_vreg.gather [hbm4b:s7+s19], $0x80, v4, vm0, $0xb8;
	[tilespmem:$0x1C100] =	vst v63  }
0x2c7: {  	s23 =	simm.s32 $0xD100;
	v3 =	vadd.s32 v1, v3  }
0x2c8: {  	[tilespmem:s23], [sflag:$0x2] =	stream.indirect_vreg.gather [hbm4b:s8+s19], $0x80, v4, vm0, $0xb8;
	[tilespmem:$0x1C100] =	vst v63  }
0x2c9: {  	s24 =	simm.s32 $0xD900  }
0x2ca: {  	[tilespmem:s24], [sflag:$0x2] =	stream.indirect_vreg.gather [hbm4b:s9+s19], $0x80, v4, vm0, $0xb8;
	[tilespmem:$0x1C100] =	vst v63  }
0x2cb: {  	s25 =	simm.s32 $0xE100  }
0x2cc: {  	[tilespmem:s25], [sflag:$0x2] =	stream.indirect_vreg.gather [hbm4b:s1+s19], $0x80, v3, vm0, $0xb8;
	[tilespmem:$0x1C100] =	vst v63  }
0x2cd: {  	s26 =	simm.s32 $0xE900  }
0x2ce: {  	[tilespmem:s26], [sflag:$0x2] =	stream.indirect_vreg.gather [hbm4b:s7+s19], $0x80, v3, vm0, $0xb8;
	[tilespmem:$0x1C100] =	vst v63  }
0x2cf: {  	_ = 	snop  }
0x2d0: {  	[tilespmem:s11], [sflag:$0x2] =	stream.indirect_vreg.gather [hbm4b:s8+s19], $0x80, v3, vm0, $0xb8;
	[tilespmem:$0x1C100] =	vst v63  }
0x2d1: {  	_ = 	snop  }
0x2d2: {  	[tilespmem:s6], [sflag:$0x2] =	stream.indirect_vreg.gather [hbm4b:s9+s19], $0x80, v3, vm0, $0xb8;
	[tilespmem:$0x1C100] =	vst v63  }
0x2d3: {  	_ =	swait.ge [sflag:s13], $0x8000  }
0x2d4: {  	s28 =	simm.s32 $0x0;
	[sflag:s13] =	ssyncset.done $0x0  }
0x2d5: {  	s0 =	sand.u32 $0x6000, s28;
	[sflag:s13] =	ssyncadd.s32 $0xFFFF8000  }
0x2d6: {  	s2 =	sand.u32 $0x1800, s19;
	s3 =	simm.s32 $0x0;
	_ =	swait.ge [sflag:s14], $0x8000  }
0x2d7: {  	s0 =	sor.u32 s2, s0;
	s31 =	sand.u32 $0x380, s3;
	[sflag:s14] =	ssyncset.done $0x0  }
0x2d8: {  	s10 =	sor.u32 s31, s0;
	[sflag:s14] =	ssyncadd.s32 $0xFFFF8000  }
0x2d9: {  	v3 =	vld [tilespmem:s10+$0x10570]  }
0x2da: {  	v8 =	vld [tilespmem:s10+$0x10100]  }
0x2db: {  	v9 =	vld [tilespmem:s10+$0x10110]  }
0x2dc: {  	v10 =	vld [tilespmem:s10+$0x10120]  }
0x2dd: {  	v11 =	vld [tilespmem:s10+$0x10130]  }
0x2de: {  	v12 =	vld [tilespmem:s10+$0x10140]  }
0x2df: {  	v13 =	vld [tilespmem:s10+$0x10150]  }
0x2e0: {  	v14 =	vld [tilespmem:s10+$0x10160]  }
0x2e1: {  	v15 =	vld [tilespmem:s10+$0x10170]  }
0x2e2: {  	v16 =	vld [tilespmem:s10+$0x10500]  }
0x2e3: {  	v17 =	vld [tilespmem:s10+$0x10510]  }
0x2e4: {  	v7 =	vld [tilespmem:s10+$0x10520]  }
0x2e5: {  	v6 =	vld [tilespmem:s10+$0x10530]  }
0x2e6: {  	v5 =	vld [tilespmem:s10+$0x10540]  }
0x2e7: {  	v4 =	vld [tilespmem:s10+$0x10560]  }
0x2e8: {  	[tilespmem:s10+$0x570] =	vst.add.f32.msk $0xffff, v3  }
0x2e9: {  	v3 =	vld [tilespmem:s10+$0x10550]  }
0x2ea: {  	[tilespmem:s10+$0x100] =	vst.add.f32.msk $0xffff, v8  }
0x2eb: {  	[tilespmem:s10+$0x110] =	vst.add.f32.msk $0xffff, v9  }
0x2ec: {  	[tilespmem:s10+$0x120] =	vst.add.f32.msk $0xffff, v10  }
0x2ed: {  	[tilespmem:s10+$0x130] =	vst.add.f32.msk $0xffff, v11  }
0x2ee: {  	[tilespmem:s10+$0x140] =	vst.add.f32.msk $0xffff, v12  }
0x2ef: {  	[tilespmem:s10+$0x150] =	vst.add.f32.msk $0xffff, v13  }
0x2f0: {  	[tilespmem:s10+$0x160] =	vst.add.f32.msk $0xffff, v14  }
0x2f1: {  	[tilespmem:s10+$0x170] =	vst.add.f32.msk $0xffff, v15  }
0x2f2: {  	[tilespmem:s10+$0x500] =	vst.add.f32.msk $0xffff, v16  }
0x2f3: {  	s22 =	simm.s32 $0x0;
	[tilespmem:s10+$0x510] =	vst.add.f32.msk $0xffff, v17  }
.LBB2_11:
0x2f4: {  	s22 =	sadd.s32 $0x10, s22;
	[tilespmem:s10+$0x520] =	vst.add.f32.msk $0xffff, v7  }
0x2f5: {  	s19 =	sadd.s32 $0x800, s19;
	s0 =	sshll.u32 s22, $0x4;
	p1 =	slt.u32 s22, $0x7F0;
	[tilespmem:s10+$0x530] =	vst.add.f32.msk $0xffff, v6  }
0x2f6: {  	s2 =	sand.u32 $0x1800, s19;
	s3 =	sshll.u32 s22, $0x1;
	s0 =	sand.u32 $0x6000, s0;
	[tilespmem:s10+$0x540] =	vst.add.f32.msk $0xffff, v5  }
0x2f7: {  	s0 =	sor.u32 s2, s0;
	s2 =	sand.u32 $0x380, s3;
	[tilespmem:s10+$0x550] =	vst.add.f32.msk $0xffff, v3  }
0x2f8: {  	[tilespmem:s10+$0x560] =	vst.add.f32.msk $0xffff, v4;
	s10 =	sor.u32 s2, s0  }
0x2f9: {  	v3 =	vld [tilespmem:s10+$0x10570]  }
0x2fa: {  	v8 =	vld [tilespmem:s10+$0x10100]  }
0x2fb: {  	v9 =	vld [tilespmem:s10+$0x10110]  }
0x2fc: {  	v10 =	vld [tilespmem:s10+$0x10120]  }
0x2fd: {  	v11 =	vld [tilespmem:s10+$0x10130]  }
0x2fe: {  	[tilespmem:s10+$0x570] =	vst.add.f32.msk $0xffff, v3  }
0x2ff: {  	v12 =	vld [tilespmem:s10+$0x10140]  }
0x300: {  	v13 =	vld [tilespmem:s10+$0x10150]  }
0x301: {  	v14 =	vld [tilespmem:s10+$0x10160]  }
0x302: {  	v15 =	vld [tilespmem:s10+$0x10170]  }
0x303: {  	v16 =	vld [tilespmem:s10+$0x10500]  }
0x304: {  	v17 =	vld [tilespmem:s10+$0x10510]  }
0x305: {  	v7 =	vld [tilespmem:s10+$0x10520]  }
0x306: {  	v6 =	vld [tilespmem:s10+$0x10530]  }
0x307: {  	v5 =	vld [tilespmem:s10+$0x10540]  }
0x308: {  	v3 =	vld [tilespmem:s10+$0x10550]  }
0x309: {  	v4 =	vld [tilespmem:s10+$0x10560]  }
0x30a: {  	[tilespmem:s10+$0x100] =	vst.add.f32.msk $0xffff, v8  }
0x30b: {  	[tilespmem:s10+$0x110] =	vst.add.f32.msk $0xffff, v9  }
0x30c: {  	[tilespmem:s10+$0x120] =	vst.add.f32.msk $0xffff, v10  }
0x30d: {  	[tilespmem:s10+$0x130] =	vst.add.f32.msk $0xffff, v11  }
0x30e: {  	[tilespmem:s10+$0x140] =	vst.add.f32.msk $0xffff, v12  }
.Ltmp5:
0x30f: {  	[tilespmem:s10+$0x150] =	vst.add.f32.msk $0xffff, v13;
	(pc) =	sbr.rel @p1 .LBB2_11-.Ltmp5, $4  }
0x310: {  	[tilespmem:s10+$0x160] =	vst.add.f32.msk $0xffff, v14  }
0x311: {  	[tilespmem:s10+$0x170] =	vst.add.f32.msk $0xffff, v15  }
0x312: {  	[tilespmem:s10+$0x500] =	vst.add.f32.msk $0xffff, v16  }
0x313: {  	[tilespmem:s10+$0x510] =	vst.add.f32.msk $0xffff, v17  }
0x314: {  	[tilespmem:s10+$0x520] =	vst.add.f32.msk $0xffff, v7  }
0x315: {  	[tilespmem:s10+$0x530] =	vst.add.f32.msk $0xffff, v6  }
0x316: {  	[tilespmem:s10+$0x540] =	vst.add.f32.msk $0xffff, v5  }
0x317: {  	[tilespmem:s10+$0x550] =	vst.add.f32.msk $0xffff, v3  }
0x318: {  	[tilespmem:s10+$0x560] =	vst.add.f32.msk $0xffff, v4  }
0x319: {  	s19 =	simm.s32 $0x0;
	s0 =	rddreg [dreg:$0xd]  }
0x31a: {  	[hbm4b:s0+s19] =	stream.linear.scatter [tilespmem:s30], [sflag:$0x4], $0x8000, $0x38;
	[tilespmem:$0x1C100] =	vst v63  }
0x31b: {  	s12 =	rddreg [dreg:$0xe]  }
0x31c: {  	[tilespmem:s20], [sflag:$0x3] =	stream.linear.gather [hbm4b:s12+s19], $0x8000, $0x38;
	[tilespmem:$0x1C100] =	vst v63  }
0x31d: {  	_ =	swait.ge [sflag:s15], $0x8000  }
0x31e: {  	[sflag:s15] =	ssyncset.done $0x0  }
0x31f: {  	[sflag:s15] =	ssyncadd.s32 $0xFFFF8000  }
0x320: {  	v3 =	vld [tilespmem:$0x80];
	_ =	sdelay $0x4  }
0x321: {  	v4 =	vshll.u32 v3, $0x3  }
0x322: {  	v3 =	vand.u32 $0x7, v3;
	v4 =	vand.u32 $0xFFFFFFC0, v4  }
0x323: {  	v3 =	vor.u32 v3, v4  }
0x324: {  	v4 =	vperm.xlane v3, v0;
	_ =	sdelay $0x1  }
0x325: {  	v4 =	vadd.s32 v1, v4;
	_ =	sdelay $0x4  }
0x326: {  	[tilespmem:s30], [sflag:$0x1] =	stream.indirect_vreg.gather [hbm4b:s1+s19], $0x80, v4, vm0, $0xb8;
	[tilespmem:$0x1C100] =	vst v63  }
0x327: {  	s22 =	simm.s32 $0x900;
	v3 =	vperm.xlane v3, v2  }
0x328: {  	[tilespmem:s22], [sflag:$0x1] =	stream.indirect_vreg.gather [hbm4b:s7+s19], $0x80, v4, vm0, $0xb8;
	[tilespmem:$0x1C100] =	vst v63  }
0x329: {  	s23 =	simm.s32 $0x1100;
	v3 =	vadd.s32 v1, v3  }
0x32a: {  	[tilespmem:s23], [sflag:$0x1] =	stream.indirect_vreg.gather [hbm4b:s8+s19], $0x80, v4, vm0, $0xb8;
	[tilespmem:$0x1C100] =	vst v63  }
0x32b: {  	s24 =	simm.s32 $0x1900  }
0x32c: {  	[tilespmem:s24], [sflag:$0x1] =	stream.indirect_vreg.gather [hbm4b:s9+s19], $0x80, v4, vm0, $0xb8;
	[tilespmem:$0x1C100] =	vst v63  }
0x32d: {  	s25 =	simm.s32 $0x2100  }
0x32e: {  	[tilespmem:s25], [sflag:$0x1] =	stream.indirect_vreg.gather [hbm4b:s1+s19], $0x80, v3, vm0, $0xb8;
	[tilespmem:$0x1C100] =	vst v63  }
0x32f: {  	s26 =	simm.s32 $0x2900  }
0x330: {  	[tilespmem:s26], [sflag:$0x1] =	stream.indirect_vreg.gather [hbm4b:s7+s19], $0x80, v3, vm0, $0xb8;
	[tilespmem:$0x1C100] =	vst v63  }
0x331: {  	s28 =	simm.s32 $0x3100  }
0x332: {  	[tilespmem:s28], [sflag:$0x1] =	stream.indirect_vreg.gather [hbm4b:s8+s19], $0x80, v3, vm0, $0xb8;
	[tilespmem:$0x1C100] =	vst v63  }
0x333: {  	s31 =	simm.s32 $0x3900  }
0x334: {  	[tilespmem:s31], [sflag:$0x1] =	stream.indirect_vreg.gather [hbm4b:s9+s19], $0x80, v3, vm0, $0xb8;
	[tilespmem:$0x1C100] =	vst v63  }
0x335: {  	v3 =	vld [tilespmem:$0x90];
	_ =	sdelay $0x4  }
0x336: {  	v4 =	vshll.u32 v3, $0x3  }
0x337: {  	v3 =	vand.u32 $0x7, v3;
	v4 =	vand.u32 $0xFFFFFFC0, v4  }
0x338: {  	v3 =	vor.u32 v3, v4  }
0x339: {  	v4 =	vperm.xlane v3, v0;
	_ =	sdelay $0x1  }
0x33a: {  	v4 =	vadd.s32 v1, v4;
	_ =	sdelay $0x3  }
0x33b: {  	s2 =	simm.s32 $0x4100  }
0x33c: {  	[tilespmem:s2], [sflag:$0x1] =	stream.indirect_vreg.gather [hbm4b:s1+s19], $0x80, v4, vm0, $0xb8;
	[tilespmem:$0x1C100] =	vst v63  }
0x33d: {  	s3 =	simm.s32 $0x4900;
	v3 =	vperm.xlane v3, v2  }
0x33e: {  	[tilespmem:s3], [sflag:$0x1] =	stream.indirect_vreg.gather [hbm4b:s7+s19], $0x80, v4, vm0, $0xb8;
	[tilespmem:$0x1C100] =	vst v63  }
0x33f: {  	s4 =	simm.s32 $0x5100;
	v3 =	vadd.s32 v1, v3  }
0x340: {  	[tilespmem:s4], [sflag:$0x1] =	stream.indirect_vreg.gather [hbm4b:s8+s19], $0x80, v4, vm0, $0xb8;
	[tilespmem:$0x1C100] =	vst v63  }
0x341: {  	s10 =	simm.s32 $0x5900  }
0x342: {  	[tilespmem:s10], [sflag:$0x1] =	stream.indirect_vreg.gather [hbm4b:s9+s19], $0x80, v4, vm0, $0xb8;
	[tilespmem:$0x1C100] =	vst v63  }
0x343: {  	s12 =	simm.s32 $0x6100  }
0x344: {  	[tilespmem:s12], [sflag:$0x1] =	stream.indirect_vreg.gather [hbm4b:s1+s19], $0x80, v3, vm0, $0xb8;
	[tilespmem:$0x1C100] =	vst v63  }
0x345: {  	s22 =	simm.s32 $0x6900  }
0x346: {  	[tilespmem:s22], [sflag:$0x1] =	stream.indirect_vreg.gather [hbm4b:s7+s19], $0x80, v3, vm0, $0xb8;
	[tilespmem:$0x1C100] =	vst v63  }
0x347: {  	s23 =	simm.s32 $0x7100  }
0x348: {  	[tilespmem:s23], [sflag:$0x1] =	stream.indirect_vreg.gather [hbm4b:s8+s19], $0x80, v3, vm0, $0xb8;
	[tilespmem:$0x1C100] =	vst v63  }
0x349: {  	s24 =	simm.s32 $0x7900  }
0x34a: {  	[tilespmem:s24], [sflag:$0x1] =	stream.indirect_vreg.gather [hbm4b:s9+s19], $0x80, v3, vm0, $0xb8;
	[tilespmem:$0x1C100] =	vst v63  }
0x34b: {  	_ =	swait.ge [sflag:s16], $0x8000  }
0x34c: {  	s25 =	simm.s32 $0x0;
	[sflag:s16] =	ssyncset.done $0x0  }
0x34d: {  	s0 =	sand.u32 $0x6000, s25;
	s2 =	sand.u32 $0x1800, s19;
	[sflag:s16] =	ssyncadd.s32 $0xFFFF8000  }
0x34e: {  	s3 =	simm.s32 $0x0;
	s4 =	sor.u32 $0x10100, s0;
	_ =	swait.ge [sflag:s14], $0x8000  }
0x34f: {  	s3 =	sand.u32 $0x380, s3;
	s26 =	sor.u32 s2, s4;
	[sflag:s14] =	ssyncset.done $0x0  }
0x350: {  	s10 =	sadd.s32 s3, s26;
	[sflag:s14] =	ssyncadd.s32 $0xFFFF8000  }
0x351: {  	v3 =	vld [tilespmem:s10+$0x0]  }
0x352: {  	v9 =	vld [tilespmem:s10+$0x10]  }
0x353: {  	v10 =	vld [tilespmem:s10+$0x20]  }
0x354: {  	v11 =	vld [tilespmem:s10+$0x30]  }
0x355: {  	v12 =	vld [tilespmem:s10+$0x40]  }
0x356: {  	s22 =	sor.u32 $0x400, s2;
	v13 =	vld [tilespmem:s10+$0x50]  }
0x357: {  	s4 =	sor.u32 s22, s4;
	v14 =	vld [tilespmem:s10+$0x60]  }
0x358: {  	s4 =	sadd.s32 s3, s4;
	v15 =	vld [tilespmem:s10+$0x70]  }
0x359: {  	v16 =	vld [tilespmem:s4+$0x70]  }
0x35a: {  	v17 =	vld [tilespmem:s4+$0x0]  }
0x35b: {  	v8 =	vld [tilespmem:s4+$0x10]  }
0x35c: {  	v7 =	vld [tilespmem:s4+$0x20]  }
0x35d: {  	s12 =	sor.u32 $0x8100, s0;
	v6 =	vld [tilespmem:s4+$0x30]  }
0x35e: {  	s0 =	sor.u32 $0x100, s0;
	s23 =	sor.u32 s2, s12;
	v5 =	vld [tilespmem:s4+$0x40]  }
0x35f: {  	s2 =	sor.u32 s2, s0;
	s28 =	sadd.s32 s3, s23;
	v4 =	vld [tilespmem:s4+$0x50]  }
0x360: {  	s2 =	sadd.s32 s3, s2;
	[tilespmem:s28+$0x0] =	vst.add.f32.msk $0xffff, v3  }
0x361: {  	s31 =	sor.u32 $0x8010, s2;
	v3 =	vld [tilespmem:s4+$0x60]  }
0x362: {  	s10 =	sor.u32 $0x8020, s2;
	[tilespmem:s31+$0x0] =	vst.add.f32.msk $0xffff, v9  }
0x363: {  	s23 =	sor.u32 $0x8030, s2;
	[tilespmem:s10+$0x0] =	vst.add.f32.msk $0xffff, v10  }
0x364: {  	s24 =	sor.u32 $0x8040, s2;
	[tilespmem:s23+$0x0] =	vst.add.f32.msk $0xffff, v11  }
0x365: {  	s25 =	sor.u32 $0x8050, s2;
	[tilespmem:s24+$0x0] =	vst.add.f32.msk $0xffff, v12  }
0x366: {  	s26 =	sor.u32 $0x8060, s2;
	[tilespmem:s25+$0x0] =	vst.add.f32.msk $0xffff, v13  }
0x367: {  	s0 =	sor.u32 s22, s0;
	s2 =	sor.u32 $0x8070, s2;
	[tilespmem:s26+$0x0] =	vst.add.f32.msk $0xffff, v14  }
0x368: {  	s28 =	sor.u32 s22, s12;
	[tilespmem:s2+$0x0] =	vst.add.f32.msk $0xffff, v15;
	s22 =	sadd.s32 s3, s0  }
0x369: {  	s31 =	sadd.s32 s3, s28;
	[tilespmem:s22+$0x8070] =	vst.add.f32.msk $0xffff, v16  }
0x36a: {  	s10 =	simm.s32 $0x0;
	[tilespmem:s31+$0x0] =	vst.add.f32.msk $0xffff, v17  }
.LBB2_13:
0x36b: {  	s10 =	sadd.s32 $0x10, s10;
	[tilespmem:s22+$0x8010] =	vst.add.f32.msk $0xffff, v8  }
0x36c: {  	s19 =	sadd.s32 $0x800, s19;
	s0 =	sshll.u32 s10, $0x4;
	p1 =	slt.u32 s10, $0x7F0;
	[tilespmem:s22+$0x8020] =	vst.add.f32.msk $0xffff, v7  }
0x36d: {  	s2 =	sand.u32 $0x1800, s19;
	s0 =	sand.u32 $0x6000, s0;
	[tilespmem:s22+$0x8030] =	vst.add.f32.msk $0xffff, v6  }
0x36e: {  	s3 =	sshll.u32 s10, $0x1;
	s12 =	sor.u32 $0x400, s2;
	s4 =	sor.u32 $0x10100, s0;
	[tilespmem:s22+$0x8040] =	vst.add.f32.msk $0xffff, v5  }
0x36f: {  	s3 =	sand.u32 $0x380, s3;
	s23 =	sor.u32 s2, s4;
	s4 =	sor.u32 s12, s4;
	[tilespmem:s22+$0x8050] =	vst.add.f32.msk $0xffff, v4  }
0x370: {  	s24 =	sor.u32 $0x8100, s0;
	s23 =	sadd.s32 s3, s23;
	s4 =	sadd.s32 s3, s4;
	[tilespmem:s22+$0x8060] =	vst.add.f32.msk $0xffff, v3  }
0x371: {  	s22 =	sor.u32 s2, s24;
	s24 =	sor.u32 s12, s24;
	v3 =	vld [tilespmem:s4+$0x70]  }
0x372: {  	s25 =	sadd.s32 s3, s22;
	s24 =	sadd.s32 s3, s24;
	v9 =	vld [tilespmem:s23+$0x0]  }
0x373: {  	s0 =	sor.u32 $0x100, s0;
	v10 =	vld [tilespmem:s23+$0x10]  }
0x374: {  	s2 =	sor.u32 s2, s0;
	s0 =	sor.u32 s12, s0;
	v11 =	vld [tilespmem:s23+$0x20]  }
0x375: {  	s2 =	sadd.s32 s3, s2;
	s22 =	sadd.s32 s3, s0;
	v12 =	vld [tilespmem:s23+$0x30]  }
0x376: {  	s0 =	sor.u32 $0x8010, s2;
	s3 =	sor.u32 $0x8020, s2;
	s12 =	sor.u32 $0x8030, s2;
	[tilespmem:s22+$0x8070] =	vst.add.f32.msk $0xffff, v3  }
0x377: {  	s26 =	sor.u32 $0x8040, s2;
	s28 =	sor.u32 $0x8050, s2;
	s31 =	sor.u32 $0x8060, s2;
	v13 =	vld [tilespmem:s23+$0x40]  }
0x378: {  	s2 =	sor.u32 $0x8070, s2;
	v14 =	vld [tilespmem:s23+$0x50]  }
0x379: {  	v15 =	vld [tilespmem:s23+$0x60]  }
0x37a: {  	v16 =	vld [tilespmem:s23+$0x70]  }
0x37b: {  	v17 =	vld [tilespmem:s4+$0x0]  }
0x37c: {  	v8 =	vld [tilespmem:s4+$0x10]  }
0x37d: {  	v7 =	vld [tilespmem:s4+$0x20]  }
0x37e: {  	v6 =	vld [tilespmem:s4+$0x30]  }
0x37f: {  	v5 =	vld [tilespmem:s4+$0x40]  }
0x380: {  	v4 =	vld [tilespmem:s4+$0x50]  }
0x381: {  	v3 =	vld [tilespmem:s4+$0x60]  }
0x382: {  	[tilespmem:s25+$0x0] =	vst.add.f32.msk $0xffff, v9  }
0x383: {  	[tilespmem:s0+$0x0] =	vst.add.f32.msk $0xffff, v10  }
0x384: {  	[tilespmem:s3+$0x0] =	vst.add.f32.msk $0xffff, v11  }
0x385: {  	[tilespmem:s12+$0x0] =	vst.add.f32.msk $0xffff, v12  }
.Ltmp6:
0x386: {  	[tilespmem:s26+$0x0] =	vst.add.f32.msk $0xffff, v13;
	(pc) =	sbr.rel @p1 .LBB2_13-.Ltmp6, $4  }
0x387: {  	[tilespmem:s28+$0x0] =	vst.add.f32.msk $0xffff, v14  }
0x388: {  	[tilespmem:s31+$0x0] =	vst.add.f32.msk $0xffff, v15  }
0x389: {  	[tilespmem:s2+$0x0] =	vst.add.f32.msk $0xffff, v16  }
0x38a: {  	[tilespmem:s24+$0x0] =	vst.add.f32.msk $0xffff, v17  }
0x38b: {  	[tilespmem:s22+$0x8010] =	vst.add.f32.msk $0xffff, v8  }
0x38c: {  	[tilespmem:s22+$0x8020] =	vst.add.f32.msk $0xffff, v7  }
0x38d: {  	[tilespmem:s22+$0x8030] =	vst.add.f32.msk $0xffff, v6  }
0x38e: {  	[tilespmem:s22+$0x8040] =	vst.add.f32.msk $0xffff, v5  }
0x38f: {  	[tilespmem:s22+$0x8050] =	vst.add.f32.msk $0xffff, v4  }
0x390: {  	[tilespmem:s22+$0x8060] =	vst.add.f32.msk $0xffff, v3  }
0x391: {  	s19 =	simm.s32 $0x0;
	s0 =	rddreg [dreg:$0xf]  }
0x392: {  	[hbm4b:s0+s19] =	stream.linear.scatter [tilespmem:s21], [sflag:$0x5], $0x8000, $0x38;
	[tilespmem:$0x1C100] =	vst v63  }
0x393: {  	s25 =	rddreg [dreg:$0x10]  }
0x394: {  	[tilespmem:s20], [sflag:$0x3] =	stream.linear.gather [hbm4b:s25+s19], $0x8000, $0x38;
	[tilespmem:$0x1C100] =	vst v63  }
0x395: {  	_ =	swait.ge [sflag:s17], $0x8000  }
0x396: {  	[sflag:s17] =	ssyncset.done $0x0  }
0x397: {  	[sflag:s17] =	ssyncadd.s32 $0xFFFF8000  }
0x398: {  	v3 =	vld [tilespmem:$0xA0];
	_ =	sdelay $0x4  }
0x399: {  	v4 =	vshll.u32 v3, $0x3  }
0x39a: {  	v3 =	vand.u32 $0x7, v3;
	v4 =	vand.u32 $0xFFFFFFC0, v4  }
0x39b: {  	v3 =	vor.u32 v3, v4  }
0x39c: {  	v4 =	vperm.xlane v3, v0;
	_ =	sdelay $0x1  }
0x39d: {  	v4 =	vadd.s32 v1, v4;
	_ =	sdelay $0x4  }
0x39e: {  	[tilespmem:s21], [sflag:$0x2] =	stream.indirect_vreg.gather [hbm4b:s1+s19], $0x80, v4, vm0, $0xb8;
	[tilespmem:$0x1C100] =	vst v63  }
0x39f: {  	s26 =	simm.s32 $0x8900;
	v3 =	vperm.xlane v3, v2  }
0x3a0: {  	[tilespmem:s26], [sflag:$0x2] =	stream.indirect_vreg.gather [hbm4b:s7+s19], $0x80, v4, vm0, $0xb8;
	[tilespmem:$0x1C100] =	vst v63  }
0x3a1: {  	s28 =	simm.s32 $0x9100;
	v3 =	vadd.s32 v1, v3  }
0x3a2: {  	[tilespmem:s28], [sflag:$0x2] =	stream.indirect_vreg.gather [hbm4b:s8+s19], $0x80, v4, vm0, $0xb8;
	[tilespmem:$0x1C100] =	vst v63  }
0x3a3: {  	s31 =	simm.s32 $0x9900  }
0x3a4: {  	[tilespmem:s31], [sflag:$0x2] =	stream.indirect_vreg.gather [hbm4b:s9+s19], $0x80, v4, vm0, $0xb8;
	[tilespmem:$0x1C100] =	vst v63  }
0x3a5: {  	s2 =	simm.s32 $0xA100  }
0x3a6: {  	[tilespmem:s2], [sflag:$0x2] =	stream.indirect_vreg.gather [hbm4b:s1+s19], $0x80, v3, vm0, $0xb8;
	[tilespmem:$0x1C100] =	vst v63  }
0x3a7: {  	s3 =	simm.s32 $0xA900  }
0x3a8: {  	[tilespmem:s3], [sflag:$0x2] =	stream.indirect_vreg.gather [hbm4b:s7+s19], $0x80, v3, vm0, $0xb8;
	[tilespmem:$0x1C100] =	vst v63  }
0x3a9: {  	s4 =	simm.s32 $0xB100  }
0x3aa: {  	[tilespmem:s4], [sflag:$0x2] =	stream.indirect_vreg.gather [hbm4b:s8+s19], $0x80, v3, vm0, $0xb8;
	[tilespmem:$0x1C100] =	vst v63  }
0x3ab: {  	s10 =	simm.s32 $0xB900  }
0x3ac: {  	[tilespmem:s10], [sflag:$0x2] =	stream.indirect_vreg.gather [hbm4b:s9+s19], $0x80, v3, vm0, $0xb8;
	[tilespmem:$0x1C100] =	vst v63  }
0x3ad: {  	v3 =	vld [tilespmem:$0xB0];
	_ =	sdelay $0x4  }
0x3ae: {  	v4 =	vshll.u32 v3, $0x3  }
0x3af: {  	v3 =	vand.u32 $0x7, v3;
	v4 =	vand.u32 $0xFFFFFFC0, v4  }
0x3b0: {  	v3 =	vor.u32 v3, v4  }
0x3b1: {  	v4 =	vperm.xlane v3, v0;
	_ =	sdelay $0x1  }
0x3b2: {  	v4 =	vadd.s32 v1, v4;
	_ =	sdelay $0x3  }
0x3b3: {  	s12 =	simm.s32 $0xC100  }
0x3b4: {  	[tilespmem:s12], [sflag:$0x2] =	stream.indirect_vreg.gather [hbm4b:s1+s19], $0x80, v4, vm0, $0xb8;
	[tilespmem:$0x1C100] =	vst v63  }
0x3b5: {  	s22 =	simm.s32 $0xC900;
	v3 =	vperm.xlane v3, v2  }
0x3b6: {  	[tilespmem:s22], [sflag:$0x2] =	stream.indirect_vreg.gather [hbm4b:s7+s19], $0x80, v4, vm0, $0xb8;
	[tilespmem:$0x1C100] =	vst v63  }
0x3b7: {  	s23 =	simm.s32 $0xD100;
	v3 =	vadd.s32 v1, v3  }
0x3b8: {  	[tilespmem:s23], [sflag:$0x2] =	stream.indirect_vreg.gather [hbm4b:s8+s19], $0x80, v4, vm0, $0xb8;
	[tilespmem:$0x1C100] =	vst v63  }
0x3b9: {  	s24 =	simm.s32 $0xD900  }
0x3ba: {  	[tilespmem:s24], [sflag:$0x2] =	stream.indirect_vreg.gather [hbm4b:s9+s19], $0x80, v4, vm0, $0xb8;
	[tilespmem:$0x1C100] =	vst v63  }
0x3bb: {  	s25 =	simm.s32 $0xE100  }
0x3bc: {  	[tilespmem:s25], [sflag:$0x2] =	stream.indirect_vreg.gather [hbm4b:s1+s19], $0x80, v3, vm0, $0xb8;
	[tilespmem:$0x1C100] =	vst v63  }
0x3bd: {  	s26 =	simm.s32 $0xE900  }
0x3be: {  	[tilespmem:s26], [sflag:$0x2] =	stream.indirect_vreg.gather [hbm4b:s7+s19], $0x80, v3, vm0, $0xb8;
	[tilespmem:$0x1C100] =	vst v63  }
0x3bf: {  	_ = 	snop  }
0x3c0: {  	[tilespmem:s11], [sflag:$0x2] =	stream.indirect_vreg.gather [hbm4b:s8+s19], $0x80, v3, vm0, $0xb8;
	[tilespmem:$0x1C100] =	vst v63  }
0x3c1: {  	_ = 	snop  }
0x3c2: {  	[tilespmem:s6], [sflag:$0x2] =	stream.indirect_vreg.gather [hbm4b:s9+s19], $0x80, v3, vm0, $0xb8;
	[tilespmem:$0x1C100] =	vst v63  }
0x3c3: {  	_ =	swait.ge [sflag:s13], $0x8000  }
0x3c4: {  	s28 =	simm.s32 $0x0;
	[sflag:s13] =	ssyncset.done $0x0  }
0x3c5: {  	s0 =	sand.u32 $0x6000, s28;
	[sflag:s13] =	ssyncadd.s32 $0xFFFF8000  }
0x3c6: {  	s2 =	sand.u32 $0x1800, s19;
	s3 =	simm.s32 $0x0;
	_ =	swait.ge [sflag:s14], $0x8000  }
0x3c7: {  	s0 =	sor.u32 s2, s0;
	s31 =	sand.u32 $0x380, s3;
	[sflag:s14] =	ssyncset.done $0x0  }
0x3c8: {  	s10 =	sor.u32 s31, s0;
	[sflag:s14] =	ssyncadd.s32 $0xFFFF8000  }
0x3c9: {  	v3 =	vld [tilespmem:s10+$0x10570]  }
0x3ca: {  	v8 =	vld [tilespmem:s10+$0x10100]  }
0x3cb: {  	v9 =	vld [tilespmem:s10+$0x10110]  }
0x3cc: {  	v10 =	vld [tilespmem:s10+$0x10120]  }
0x3cd: {  	v11 =	vld [tilespmem:s10+$0x10130]  }
0x3ce: {  	v12 =	vld [tilespmem:s10+$0x10140]  }
0x3cf: {  	v13 =	vld [tilespmem:s10+$0x10150]  }
0x3d0: {  	v14 =	vld [tilespmem:s10+$0x10160]  }
0x3d1: {  	v15 =	vld [tilespmem:s10+$0x10170]  }
0x3d2: {  	v16 =	vld [tilespmem:s10+$0x10500]  }
0x3d3: {  	v17 =	vld [tilespmem:s10+$0x10510]  }
0x3d4: {  	v7 =	vld [tilespmem:s10+$0x10520]  }
0x3d5: {  	v6 =	vld [tilespmem:s10+$0x10530]  }
0x3d6: {  	v5 =	vld [tilespmem:s10+$0x10540]  }
0x3d7: {  	v4 =	vld [tilespmem:s10+$0x10560]  }
0x3d8: {  	[tilespmem:s10+$0x570] =	vst.add.f32.msk $0xffff, v3  }
0x3d9: {  	v3 =	vld [tilespmem:s10+$0x10550]  }
0x3da: {  	[tilespmem:s10+$0x100] =	vst.add.f32.msk $0xffff, v8  }
0x3db: {  	[tilespmem:s10+$0x110] =	vst.add.f32.msk $0xffff, v9  }
0x3dc: {  	[tilespmem:s10+$0x120] =	vst.add.f32.msk $0xffff, v10  }
0x3dd: {  	[tilespmem:s10+$0x130] =	vst.add.f32.msk $0xffff, v11  }
0x3de: {  	[tilespmem:s10+$0x140] =	vst.add.f32.msk $0xffff, v12  }
0x3df: {  	[tilespmem:s10+$0x150] =	vst.add.f32.msk $0xffff, v13  }
0x3e0: {  	[tilespmem:s10+$0x160] =	vst.add.f32.msk $0xffff, v14  }
0x3e1: {  	[tilespmem:s10+$0x170] =	vst.add.f32.msk $0xffff, v15  }
0x3e2: {  	[tilespmem:s10+$0x500] =	vst.add.f32.msk $0xffff, v16  }
0x3e3: {  	s22 =	simm.s32 $0x0;
	[tilespmem:s10+$0x510] =	vst.add.f32.msk $0xffff, v17  }
.LBB2_15:
0x3e4: {  	s22 =	sadd.s32 $0x10, s22;
	[tilespmem:s10+$0x520] =	vst.add.f32.msk $0xffff, v7  }
0x3e5: {  	s19 =	sadd.s32 $0x800, s19;
	s0 =	sshll.u32 s22, $0x4;
	p1 =	slt.u32 s22, $0x7F0;
	[tilespmem:s10+$0x530] =	vst.add.f32.msk $0xffff, v6  }
0x3e6: {  	s2 =	sand.u32 $0x1800, s19;
	s3 =	sshll.u32 s22, $0x1;
	s0 =	sand.u32 $0x6000, s0;
	[tilespmem:s10+$0x540] =	vst.add.f32.msk $0xffff, v5  }
0x3e7: {  	s0 =	sor.u32 s2, s0;
	s2 =	sand.u32 $0x380, s3;
	[tilespmem:s10+$0x550] =	vst.add.f32.msk $0xffff, v3  }
0x3e8: {  	[tilespmem:s10+$0x560] =	vst.add.f32.msk $0xffff, v4;
	s10 =	sor.u32 s2, s0  }
0x3e9: {  	v3 =	vld [tilespmem:s10+$0x10570]  }
0x3ea: {  	v8 =	vld [tilespmem:s10+$0x10100]  }
0x3eb: {  	v9 =	vld [tilespmem:s10+$0x10110]  }
0x3ec: {  	v10 =	vld [tilespmem:s10+$0x10120]  }
0x3ed: {  	v11 =	vld [tilespmem:s10+$0x10130]  }
0x3ee: {  	[tilespmem:s10+$0x570] =	vst.add.f32.msk $0xffff, v3  }
0x3ef: {  	v12 =	vld [tilespmem:s10+$0x10140]  }
0x3f0: {  	v13 =	vld [tilespmem:s10+$0x10150]  }
0x3f1: {  	v14 =	vld [tilespmem:s10+$0x10160]  }
0x3f2: {  	v15 =	vld [tilespmem:s10+$0x10170]  }
0x3f3: {  	v16 =	vld [tilespmem:s10+$0x10500]  }
0x3f4: {  	v17 =	vld [tilespmem:s10+$0x10510]  }
0x3f5: {  	v7 =	vld [tilespmem:s10+$0x10520]  }
0x3f6: {  	v6 =	vld [tilespmem:s10+$0x10530]  }
0x3f7: {  	v5 =	vld [tilespmem:s10+$0x10540]  }
0x3f8: {  	v3 =	vld [tilespmem:s10+$0x10550]  }
0x3f9: {  	v4 =	vld [tilespmem:s10+$0x10560]  }
0x3fa: {  	[tilespmem:s10+$0x100] =	vst.add.f32.msk $0xffff, v8  }
0x3fb: {  	[tilespmem:s10+$0x110] =	vst.add.f32.msk $0xffff, v9  }
0x3fc: {  	[tilespmem:s10+$0x120] =	vst.add.f32.msk $0xffff, v10  }
0x3fd: {  	[tilespmem:s10+$0x130] =	vst.add.f32.msk $0xffff, v11  }
0x3fe: {  	[tilespmem:s10+$0x140] =	vst.add.f32.msk $0xffff, v12  }
.Ltmp7:
0x3ff: {  	[tilespmem:s10+$0x150] =	vst.add.f32.msk $0xffff, v13;
	(pc) =	sbr.rel @p1 .LBB2_15-.Ltmp7, $4  }
0x400: {  	[tilespmem:s10+$0x160] =	vst.add.f32.msk $0xffff, v14  }
0x401: {  	[tilespmem:s10+$0x170] =	vst.add.f32.msk $0xffff, v15  }
0x402: {  	[tilespmem:s10+$0x500] =	vst.add.f32.msk $0xffff, v16  }
0x403: {  	[tilespmem:s10+$0x510] =	vst.add.f32.msk $0xffff, v17  }
0x404: {  	[tilespmem:s10+$0x520] =	vst.add.f32.msk $0xffff, v7  }
0x405: {  	[tilespmem:s10+$0x530] =	vst.add.f32.msk $0xffff, v6  }
0x406: {  	[tilespmem:s10+$0x540] =	vst.add.f32.msk $0xffff, v5  }
0x407: {  	[tilespmem:s10+$0x550] =	vst.add.f32.msk $0xffff, v3  }
0x408: {  	[tilespmem:s10+$0x560] =	vst.add.f32.msk $0xffff, v4  }
0x409: {  	s19 =	simm.s32 $0x0;
	s0 =	rddreg [dreg:$0x11]  }
0x40a: {  	[hbm4b:s0+s19] =	stream.linear.scatter [tilespmem:s30], [sflag:$0x4], $0x8000, $0x38;
	[tilespmem:$0x1C100] =	vst v63  }
0x40b: {  	s12 =	rddreg [dreg:$0x12]  }
0x40c: {  	[tilespmem:s20], [sflag:$0x3] =	stream.linear.gather [hbm4b:s12+s19], $0x8000, $0x38;
	[tilespmem:$0x1C100] =	vst v63  }
0x40d: {  	_ =	swait.ge [sflag:s15], $0x8000  }
0x40e: {  	[sflag:s15] =	ssyncset.done $0x0  }
0x40f: {  	[sflag:s15] =	ssyncadd.s32 $0xFFFF8000  }
0x410: {  	v3 =	vld [tilespmem:$0xC0];
	_ =	sdelay $0x4  }
0x411: {  	v4 =	vshll.u32 v3, $0x3  }
0x412: {  	v3 =	vand.u32 $0x7, v3;
	v4 =	vand.u32 $0xFFFFFFC0, v4  }
0x413: {  	v3 =	vor.u32 v3, v4  }
0x414: {  	v4 =	vperm.xlane v3, v0;
	_ =	sdelay $0x1  }
0x415: {  	v4 =	vadd.s32 v1, v4;
	_ =	sdelay $0x4  }
0x416: {  	[tilespmem:s30], [sflag:$0x1] =	stream.indirect_vreg.gather [hbm4b:s1+s19], $0x80, v4, vm0, $0xb8;
	[tilespmem:$0x1C100] =	vst v63  }
0x417: {  	s22 =	simm.s32 $0x900;
	v3 =	vperm.xlane v3, v2  }
0x418: {  	[tilespmem:s22], [sflag:$0x1] =	stream.indirect_vreg.gather [hbm4b:s7+s19], $0x80, v4, vm0, $0xb8;
	[tilespmem:$0x1C100] =	vst v63  }
0x419: {  	s23 =	simm.s32 $0x1100;
	v3 =	vadd.s32 v1, v3  }
0x41a: {  	[tilespmem:s23], [sflag:$0x1] =	stream.indirect_vreg.gather [hbm4b:s8+s19], $0x80, v4, vm0, $0xb8;
	[tilespmem:$0x1C100] =	vst v63  }
0x41b: {  	s24 =	simm.s32 $0x1900  }
0x41c: {  	[tilespmem:s24], [sflag:$0x1] =	stream.indirect_vreg.gather [hbm4b:s9+s19], $0x80, v4, vm0, $0xb8;
	[tilespmem:$0x1C100] =	vst v63  }
0x41d: {  	s25 =	simm.s32 $0x2100  }
0x41e: {  	[tilespmem:s25], [sflag:$0x1] =	stream.indirect_vreg.gather [hbm4b:s1+s19], $0x80, v3, vm0, $0xb8;
	[tilespmem:$0x1C100] =	vst v63  }
0x41f: {  	s26 =	simm.s32 $0x2900  }
0x420: {  	[tilespmem:s26], [sflag:$0x1] =	stream.indirect_vreg.gather [hbm4b:s7+s19], $0x80, v3, vm0, $0xb8;
	[tilespmem:$0x1C100] =	vst v63  }
0x421: {  	s28 =	simm.s32 $0x3100  }
0x422: {  	[tilespmem:s28], [sflag:$0x1] =	stream.indirect_vreg.gather [hbm4b:s8+s19], $0x80, v3, vm0, $0xb8;
	[tilespmem:$0x1C100] =	vst v63  }
0x423: {  	s31 =	simm.s32 $0x3900  }
0x424: {  	[tilespmem:s31], [sflag:$0x1] =	stream.indirect_vreg.gather [hbm4b:s9+s19], $0x80, v3, vm0, $0xb8;
	[tilespmem:$0x1C100] =	vst v63  }
0x425: {  	v3 =	vld [tilespmem:$0xD0];
	_ =	sdelay $0x4  }
0x426: {  	v4 =	vshll.u32 v3, $0x3  }
0x427: {  	v3 =	vand.u32 $0x7, v3;
	v4 =	vand.u32 $0xFFFFFFC0, v4  }
0x428: {  	v3 =	vor.u32 v3, v4  }
0x429: {  	v4 =	vperm.xlane v3, v0;
	_ =	sdelay $0x1  }
0x42a: {  	v4 =	vadd.s32 v1, v4;
	_ =	sdelay $0x3  }
0x42b: {  	s2 =	simm.s32 $0x4100  }
0x42c: {  	[tilespmem:s2], [sflag:$0x1] =	stream.indirect_vreg.gather [hbm4b:s1+s19], $0x80, v4, vm0, $0xb8;
	[tilespmem:$0x1C100] =	vst v63  }
0x42d: {  	s3 =	simm.s32 $0x4900;
	v3 =	vperm.xlane v3, v2  }
0x42e: {  	[tilespmem:s3], [sflag:$0x1] =	stream.indirect_vreg.gather [hbm4b:s7+s19], $0x80, v4, vm0, $0xb8;
	[tilespmem:$0x1C100] =	vst v63  }
0x42f: {  	s4 =	simm.s32 $0x5100;
	v3 =	vadd.s32 v1, v3  }
0x430: {  	[tilespmem:s4], [sflag:$0x1] =	stream.indirect_vreg.gather [hbm4b:s8+s19], $0x80, v4, vm0, $0xb8;
	[tilespmem:$0x1C100] =	vst v63  }
0x431: {  	s10 =	simm.s32 $0x5900  }
0x432: {  	[tilespmem:s10], [sflag:$0x1] =	stream.indirect_vreg.gather [hbm4b:s9+s19], $0x80, v4, vm0, $0xb8;
	[tilespmem:$0x1C100] =	vst v63  }
0x433: {  	s12 =	simm.s32 $0x6100  }
0x434: {  	[tilespmem:s12], [sflag:$0x1] =	stream.indirect_vreg.gather [hbm4b:s1+s19], $0x80, v3, vm0, $0xb8;
	[tilespmem:$0x1C100] =	vst v63  }
0x435: {  	s22 =	simm.s32 $0x6900  }
0x436: {  	[tilespmem:s22], [sflag:$0x1] =	stream.indirect_vreg.gather [hbm4b:s7+s19], $0x80, v3, vm0, $0xb8;
	[tilespmem:$0x1C100] =	vst v63  }
0x437: {  	s23 =	simm.s32 $0x7100  }
0x438: {  	[tilespmem:s23], [sflag:$0x1] =	stream.indirect_vreg.gather [hbm4b:s8+s19], $0x80, v3, vm0, $0xb8;
	[tilespmem:$0x1C100] =	vst v63  }
0x439: {  	s24 =	simm.s32 $0x7900  }
0x43a: {  	[tilespmem:s24], [sflag:$0x1] =	stream.indirect_vreg.gather [hbm4b:s9+s19], $0x80, v3, vm0, $0xb8;
	[tilespmem:$0x1C100] =	vst v63  }
0x43b: {  	_ =	swait.ge [sflag:s16], $0x8000  }
0x43c: {  	s25 =	simm.s32 $0x0;
	[sflag:s16] =	ssyncset.done $0x0  }
0x43d: {  	s0 =	sand.u32 $0x6000, s25;
	s2 =	sand.u32 $0x1800, s19;
	[sflag:s16] =	ssyncadd.s32 $0xFFFF8000  }
0x43e: {  	s3 =	simm.s32 $0x0;
	s4 =	sor.u32 $0x10100, s0;
	_ =	swait.ge [sflag:s14], $0x8000  }
0x43f: {  	s3 =	sand.u32 $0x380, s3;
	s26 =	sor.u32 s2, s4;
	[sflag:s14] =	ssyncset.done $0x0  }
0x440: {  	s10 =	sadd.s32 s3, s26;
	[sflag:s14] =	ssyncadd.s32 $0xFFFF8000  }
0x441: {  	v3 =	vld [tilespmem:s10+$0x0]  }
0x442: {  	v9 =	vld [tilespmem:s10+$0x10]  }
0x443: {  	v10 =	vld [tilespmem:s10+$0x20]  }
0x444: {  	v11 =	vld [tilespmem:s10+$0x30]  }
0x445: {  	v12 =	vld [tilespmem:s10+$0x40]  }
0x446: {  	s22 =	sor.u32 $0x400, s2;
	v13 =	vld [tilespmem:s10+$0x50]  }
0x447: {  	s4 =	sor.u32 s22, s4;
	v14 =	vld [tilespmem:s10+$0x60]  }
0x448: {  	s4 =	sadd.s32 s3, s4;
	v15 =	vld [tilespmem:s10+$0x70]  }
0x449: {  	v16 =	vld [tilespmem:s4+$0x70]  }
0x44a: {  	v17 =	vld [tilespmem:s4+$0x0]  }
0x44b: {  	v8 =	vld [tilespmem:s4+$0x10]  }
0x44c: {  	v7 =	vld [tilespmem:s4+$0x20]  }
0x44d: {  	s12 =	sor.u32 $0x8100, s0;
	v6 =	vld [tilespmem:s4+$0x30]  }
0x44e: {  	s0 =	sor.u32 $0x100, s0;
	s23 =	sor.u32 s2, s12;
	v5 =	vld [tilespmem:s4+$0x40]  }
0x44f: {  	s2 =	sor.u32 s2, s0;
	s28 =	sadd.s32 s3, s23;
	v4 =	vld [tilespmem:s4+$0x50]  }
0x450: {  	s2 =	sadd.s32 s3, s2;
	[tilespmem:s28+$0x0] =	vst.add.f32.msk $0xffff, v3  }
0x451: {  	s31 =	sor.u32 $0x8010, s2;
	v3 =	vld [tilespmem:s4+$0x60]  }
0x452: {  	s10 =	sor.u32 $0x8020, s2;
	[tilespmem:s31+$0x0] =	vst.add.f32.msk $0xffff, v9  }
0x453: {  	s23 =	sor.u32 $0x8030, s2;
	[tilespmem:s10+$0x0] =	vst.add.f32.msk $0xffff, v10  }
0x454: {  	s24 =	sor.u32 $0x8040, s2;
	[tilespmem:s23+$0x0] =	vst.add.f32.msk $0xffff, v11  }
0x455: {  	s25 =	sor.u32 $0x8050, s2;
	[tilespmem:s24+$0x0] =	vst.add.f32.msk $0xffff, v12  }
0x456: {  	s26 =	sor.u32 $0x8060, s2;
	[tilespmem:s25+$0x0] =	vst.add.f32.msk $0xffff, v13  }
0x457: {  	s0 =	sor.u32 s22, s0;
	s2 =	sor.u32 $0x8070, s2;
	[tilespmem:s26+$0x0] =	vst.add.f32.msk $0xffff, v14  }
0x458: {  	s28 =	sor.u32 s22, s12;
	[tilespmem:s2+$0x0] =	vst.add.f32.msk $0xffff, v15;
	s22 =	sadd.s32 s3, s0  }
0x459: {  	s31 =	sadd.s32 s3, s28;
	[tilespmem:s22+$0x8070] =	vst.add.f32.msk $0xffff, v16  }
0x45a: {  	s10 =	simm.s32 $0x0;
	[tilespmem:s31+$0x0] =	vst.add.f32.msk $0xffff, v17  }
.LBB2_17:
0x45b: {  	s10 =	sadd.s32 $0x10, s10;
	[tilespmem:s22+$0x8010] =	vst.add.f32.msk $0xffff, v8  }
0x45c: {  	s19 =	sadd.s32 $0x800, s19;
	s0 =	sshll.u32 s10, $0x4;
	p1 =	slt.u32 s10, $0x7F0;
	[tilespmem:s22+$0x8020] =	vst.add.f32.msk $0xffff, v7  }
0x45d: {  	s2 =	sand.u32 $0x1800, s19;
	s0 =	sand.u32 $0x6000, s0;
	[tilespmem:s22+$0x8030] =	vst.add.f32.msk $0xffff, v6  }
0x45e: {  	s3 =	sshll.u32 s10, $0x1;
	s12 =	sor.u32 $0x400, s2;
	s4 =	sor.u32 $0x10100, s0;
	[tilespmem:s22+$0x8040] =	vst.add.f32.msk $0xffff, v5  }
0x45f: {  	s3 =	sand.u32 $0x380, s3;
	s23 =	sor.u32 s2, s4;
	s4 =	sor.u32 s12, s4;
	[tilespmem:s22+$0x8050] =	vst.add.f32.msk $0xffff, v4  }
0x460: {  	s24 =	sor.u32 $0x8100, s0;
	s23 =	sadd.s32 s3, s23;
	s4 =	sadd.s32 s3, s4;
	[tilespmem:s22+$0x8060] =	vst.add.f32.msk $0xffff, v3  }
0x461: {  	s22 =	sor.u32 s2, s24;
	s24 =	sor.u32 s12, s24;
	v3 =	vld [tilespmem:s4+$0x70]  }
0x462: {  	s25 =	sadd.s32 s3, s22;
	s24 =	sadd.s32 s3, s24;
	v9 =	vld [tilespmem:s23+$0x0]  }
0x463: {  	s0 =	sor.u32 $0x100, s0;
	v10 =	vld [tilespmem:s23+$0x10]  }
0x464: {  	s2 =	sor.u32 s2, s0;
	s0 =	sor.u32 s12, s0;
	v11 =	vld [tilespmem:s23+$0x20]  }
0x465: {  	s2 =	sadd.s32 s3, s2;
	s22 =	sadd.s32 s3, s0;
	v12 =	vld [tilespmem:s23+$0x30]  }
0x466: {  	s0 =	sor.u32 $0x8010, s2;
	s3 =	sor.u32 $0x8020, s2;
	s12 =	sor.u32 $0x8030, s2;
	[tilespmem:s22+$0x8070] =	vst.add.f32.msk $0xffff, v3  }
0x467: {  	s26 =	sor.u32 $0x8040, s2;
	s28 =	sor.u32 $0x8050, s2;
	s31 =	sor.u32 $0x8060, s2;
	v13 =	vld [tilespmem:s23+$0x40]  }
0x468: {  	s2 =	sor.u32 $0x8070, s2;
	v14 =	vld [tilespmem:s23+$0x50]  }
0x469: {  	v15 =	vld [tilespmem:s23+$0x60]  }
0x46a: {  	v16 =	vld [tilespmem:s23+$0x70]  }
0x46b: {  	v17 =	vld [tilespmem:s4+$0x0]  }
0x46c: {  	v8 =	vld [tilespmem:s4+$0x10]  }
0x46d: {  	v7 =	vld [tilespmem:s4+$0x20]  }
0x46e: {  	v6 =	vld [tilespmem:s4+$0x30]  }
0x46f: {  	v5 =	vld [tilespmem:s4+$0x40]  }
0x470: {  	v4 =	vld [tilespmem:s4+$0x50]  }
0x471: {  	v3 =	vld [tilespmem:s4+$0x60]  }
0x472: {  	[tilespmem:s25+$0x0] =	vst.add.f32.msk $0xffff, v9  }
0x473: {  	[tilespmem:s0+$0x0] =	vst.add.f32.msk $0xffff, v10  }
0x474: {  	[tilespmem:s3+$0x0] =	vst.add.f32.msk $0xffff, v11  }
0x475: {  	[tilespmem:s12+$0x0] =	vst.add.f32.msk $0xffff, v12  }
.Ltmp8:
0x476: {  	[tilespmem:s26+$0x0] =	vst.add.f32.msk $0xffff, v13;
	(pc) =	sbr.rel @p1 .LBB2_17-.Ltmp8, $4  }
0x477: {  	[tilespmem:s28+$0x0] =	vst.add.f32.msk $0xffff, v14  }
0x478: {  	[tilespmem:s31+$0x0] =	vst.add.f32.msk $0xffff, v15  }
0x479: {  	[tilespmem:s2+$0x0] =	vst.add.f32.msk $0xffff, v16  }
0x47a: {  	[tilespmem:s24+$0x0] =	vst.add.f32.msk $0xffff, v17  }
0x47b: {  	[tilespmem:s22+$0x8010] =	vst.add.f32.msk $0xffff, v8  }
0x47c: {  	[tilespmem:s22+$0x8020] =	vst.add.f32.msk $0xffff, v7  }
0x47d: {  	[tilespmem:s22+$0x8030] =	vst.add.f32.msk $0xffff, v6  }
0x47e: {  	[tilespmem:s22+$0x8040] =	vst.add.f32.msk $0xffff, v5  }
0x47f: {  	[tilespmem:s22+$0x8050] =	vst.add.f32.msk $0xffff, v4  }
0x480: {  	[tilespmem:s22+$0x8060] =	vst.add.f32.msk $0xffff, v3  }
0x481: {  	s19 =	simm.s32 $0x0;
	s0 =	rddreg [dreg:$0x13]  }
0x482: {  	[hbm4b:s0+s19] =	stream.linear.scatter [tilespmem:s21], [sflag:$0x5], $0x8000, $0x38;
	[tilespmem:$0x1C100] =	vst v63  }
0x483: {  	s25 =	rddreg [dreg:$0x17]  }
0x484: {  	[tilespmem:s20], [sflag:$0x3] =	stream.linear.gather [hbm4b:s25+s19], $0x8000, $0x38;
	[tilespmem:$0x1C100] =	vst v63  }
0x485: {  	_ =	swait.ge [sflag:s17], $0x8000  }
0x486: {  	[sflag:s17] =	ssyncset.done $0x0  }
0x487: {  	[sflag:s17] =	ssyncadd.s32 $0xFFFF8000  }
0x488: {  	v3 =	vld [tilespmem:$0xE0];
	_ =	sdelay $0x4  }
0x489: {  	v4 =	vshll.u32 v3, $0x3  }
0x48a: {  	v3 =	vand.u32 $0x7, v3;
	v4 =	vand.u32 $0xFFFFFFC0, v4  }
0x48b: {  	v3 =	vor.u32 v3, v4  }
0x48c: {  	v4 =	vperm.xlane v3, v0;
	_ =	sdelay $0x1  }
0x48d: {  	v4 =	vadd.s32 v1, v4;
	_ =	sdelay $0x4  }
0x48e: {  	[tilespmem:s21], [sflag:$0x2] =	stream.indirect_vreg.gather [hbm4b:s1+s19], $0x80, v4, vm0, $0xb8;
	[tilespmem:$0x1C100] =	vst v63  }
0x48f: {  	s26 =	simm.s32 $0x8900;
	v3 =	vperm.xlane v3, v2  }
0x490: {  	[tilespmem:s26], [sflag:$0x2] =	stream.indirect_vreg.gather [hbm4b:s7+s19], $0x80, v4, vm0, $0xb8;
	[tilespmem:$0x1C100] =	vst v63  }
0x491: {  	s28 =	simm.s32 $0x9100;
	v3 =	vadd.s32 v1, v3  }
0x492: {  	[tilespmem:s28], [sflag:$0x2] =	stream.indirect_vreg.gather [hbm4b:s8+s19], $0x80, v4, vm0, $0xb8;
	[tilespmem:$0x1C100] =	vst v63  }
0x493: {  	s31 =	simm.s32 $0x9900  }
0x494: {  	[tilespmem:s31], [sflag:$0x2] =	stream.indirect_vreg.gather [hbm4b:s9+s19], $0x80, v4, vm0, $0xb8;
	[tilespmem:$0x1C100] =	vst v63  }
0x495: {  	s2 =	simm.s32 $0xA100  }
0x496: {  	[tilespmem:s2], [sflag:$0x2] =	stream.indirect_vreg.gather [hbm4b:s1+s19], $0x80, v3, vm0, $0xb8;
	[tilespmem:$0x1C100] =	vst v63  }
0x497: {  	s3 =	simm.s32 $0xA900  }
0x498: {  	[tilespmem:s3], [sflag:$0x2] =	stream.indirect_vreg.gather [hbm4b:s7+s19], $0x80, v3, vm0, $0xb8;
	[tilespmem:$0x1C100] =	vst v63  }
0x499: {  	s4 =	simm.s32 $0xB100  }
0x49a: {  	[tilespmem:s4], [sflag:$0x2] =	stream.indirect_vreg.gather [hbm4b:s8+s19], $0x80, v3, vm0, $0xb8;
	[tilespmem:$0x1C100] =	vst v63  }
0x49b: {  	s10 =	simm.s32 $0xB900  }
0x49c: {  	[tilespmem:s10], [sflag:$0x2] =	stream.indirect_vreg.gather [hbm4b:s9+s19], $0x80, v3, vm0, $0xb8;
	[tilespmem:$0x1C100] =	vst v63  }
0x49d: {  	v3 =	vld [tilespmem:$0xF0];
	_ =	sdelay $0x4  }
0x49e: {  	v4 =	vshll.u32 v3, $0x3  }
0x49f: {  	v3 =	vand.u32 $0x7, v3;
	v4 =	vand.u32 $0xFFFFFFC0, v4  }
0x4a0: {  	v3 =	vor.u32 v3, v4  }
0x4a1: {  	v4 =	vperm.xlane v3, v0;
	_ =	sdelay $0x1  }
0x4a2: {  	v4 =	vadd.s32 v1, v4;
	_ =	sdelay $0x3  }
0x4a3: {  	s12 =	simm.s32 $0xC100  }
0x4a4: {  	[tilespmem:s12], [sflag:$0x2] =	stream.indirect_vreg.gather [hbm4b:s1+s19], $0x80, v4, vm0, $0xb8;
	[tilespmem:$0x1C100] =	vst v63  }
0x4a5: {  	s22 =	simm.s32 $0xC900;
	v3 =	vperm.xlane v3, v2  }
0x4a6: {  	[tilespmem:s22], [sflag:$0x2] =	stream.indirect_vreg.gather [hbm4b:s7+s19], $0x80, v4, vm0, $0xb8;
	[tilespmem:$0x1C100] =	vst v63  }
0x4a7: {  	s23 =	simm.s32 $0xD100;
	v3 =	vadd.s32 v1, v3  }
0x4a8: {  	[tilespmem:s23], [sflag:$0x2] =	stream.indirect_vreg.gather [hbm4b:s8+s19], $0x80, v4, vm0, $0xb8;
	[tilespmem:$0x1C100] =	vst v63  }
0x4a9: {  	s24 =	simm.s32 $0xD900  }
0x4aa: {  	[tilespmem:s24], [sflag:$0x2] =	stream.indirect_vreg.gather [hbm4b:s9+s19], $0x80, v4, vm0, $0xb8;
	[tilespmem:$0x1C100] =	vst v63  }
0x4ab: {  	s25 =	simm.s32 $0xE100  }
0x4ac: {  	[tilespmem:s25], [sflag:$0x2] =	stream.indirect_vreg.gather [hbm4b:s1+s19], $0x80, v3, vm0, $0xb8;
	[tilespmem:$0x1C100] =	vst v63  }
0x4ad: {  	s26 =	simm.s32 $0xE900  }
0x4ae: {  	[tilespmem:s26], [sflag:$0x2] =	stream.indirect_vreg.gather [hbm4b:s7+s19], $0x80, v3, vm0, $0xb8;
	[tilespmem:$0x1C100] =	vst v63  }
0x4af: {  	_ = 	snop  }
0x4b0: {  	[tilespmem:s11], [sflag:$0x2] =	stream.indirect_vreg.gather [hbm4b:s8+s19], $0x80, v3, vm0, $0xb8;
	[tilespmem:$0x1C100] =	vst v63  }
0x4b1: {  	_ = 	snop  }
0x4b2: {  	[tilespmem:s6], [sflag:$0x2] =	stream.indirect_vreg.gather [hbm4b:s9+s19], $0x80, v3, vm0, $0xb8;
	[tilespmem:$0x1C100] =	vst v63  }
0x4b3: {  	_ =	swait.ge [sflag:s13], $0x8000  }
0x4b4: {  	s28 =	simm.s32 $0x0;
	[sflag:s13] =	ssyncset.done $0x0  }
0x4b5: {  	s0 =	sand.u32 $0x6000, s28;
	[sflag:s13] =	ssyncadd.s32 $0xFFFF8000  }
0x4b6: {  	s2 =	sand.u32 $0x1800, s19;
	s3 =	simm.s32 $0x0;
	_ =	swait.ge [sflag:s14], $0x8000  }
0x4b7: {  	s0 =	sor.u32 s2, s0;
	s31 =	sand.u32 $0x380, s3;
	[sflag:s14] =	ssyncset.done $0x0  }
0x4b8: {  	s10 =	sor.u32 s31, s0;
	[sflag:s14] =	ssyncadd.s32 $0xFFFF8000  }
0x4b9: {  	v3 =	vld [tilespmem:s10+$0x10570]  }
0x4ba: {  	v8 =	vld [tilespmem:s10+$0x10100]  }
0x4bb: {  	v9 =	vld [tilespmem:s10+$0x10110]  }
0x4bc: {  	v10 =	vld [tilespmem:s10+$0x10120]  }
0x4bd: {  	v11 =	vld [tilespmem:s10+$0x10130]  }
0x4be: {  	v12 =	vld [tilespmem:s10+$0x10140]  }
0x4bf: {  	v13 =	vld [tilespmem:s10+$0x10150]  }
0x4c0: {  	v14 =	vld [tilespmem:s10+$0x10160]  }
0x4c1: {  	v15 =	vld [tilespmem:s10+$0x10170]  }
0x4c2: {  	v16 =	vld [tilespmem:s10+$0x10500]  }
0x4c3: {  	v17 =	vld [tilespmem:s10+$0x10510]  }
0x4c4: {  	v7 =	vld [tilespmem:s10+$0x10520]  }
0x4c5: {  	v6 =	vld [tilespmem:s10+$0x10530]  }
0x4c6: {  	v5 =	vld [tilespmem:s10+$0x10540]  }
0x4c7: {  	v4 =	vld [tilespmem:s10+$0x10560]  }
0x4c8: {  	[tilespmem:s10+$0x570] =	vst.add.f32.msk $0xffff, v3  }
0x4c9: {  	v3 =	vld [tilespmem:s10+$0x10550]  }
0x4ca: {  	[tilespmem:s10+$0x100] =	vst.add.f32.msk $0xffff, v8  }
0x4cb: {  	[tilespmem:s10+$0x110] =	vst.add.f32.msk $0xffff, v9  }
0x4cc: {  	[tilespmem:s10+$0x120] =	vst.add.f32.msk $0xffff, v10  }
0x4cd: {  	[tilespmem:s10+$0x130] =	vst.add.f32.msk $0xffff, v11  }
0x4ce: {  	[tilespmem:s10+$0x140] =	vst.add.f32.msk $0xffff, v12  }
0x4cf: {  	[tilespmem:s10+$0x150] =	vst.add.f32.msk $0xffff, v13  }
0x4d0: {  	[tilespmem:s10+$0x160] =	vst.add.f32.msk $0xffff, v14  }
0x4d1: {  	[tilespmem:s10+$0x170] =	vst.add.f32.msk $0xffff, v15  }
0x4d2: {  	[tilespmem:s10+$0x500] =	vst.add.f32.msk $0xffff, v16  }
0x4d3: {  	s22 =	simm.s32 $0x0;
	[tilespmem:s10+$0x510] =	vst.add.f32.msk $0xffff, v17  }
.LBB2_19:
0x4d4: {  	s22 =	sadd.s32 $0x10, s22;
	[tilespmem:s10+$0x520] =	vst.add.f32.msk $0xffff, v7  }
0x4d5: {  	s19 =	sadd.s32 $0x800, s19;
	s0 =	sshll.u32 s22, $0x4;
	p1 =	slt.u32 s22, $0x7F0;
	[tilespmem:s10+$0x530] =	vst.add.f32.msk $0xffff, v6  }
0x4d6: {  	s2 =	sand.u32 $0x1800, s19;
	s3 =	sshll.u32 s22, $0x1;
	s0 =	sand.u32 $0x6000, s0;
	[tilespmem:s10+$0x540] =	vst.add.f32.msk $0xffff, v5  }
0x4d7: {  	s0 =	sor.u32 s2, s0;
	s2 =	sand.u32 $0x380, s3;
	[tilespmem:s10+$0x550] =	vst.add.f32.msk $0xffff, v3  }
0x4d8: {  	[tilespmem:s10+$0x560] =	vst.add.f32.msk $0xffff, v4;
	s10 =	sor.u32 s2, s0  }
0x4d9: {  	v3 =	vld [tilespmem:s10+$0x10570]  }
0x4da: {  	v8 =	vld [tilespmem:s10+$0x10100]  }
0x4db: {  	v9 =	vld [tilespmem:s10+$0x10110]  }
0x4dc: {  	v10 =	vld [tilespmem:s10+$0x10120]  }
0x4dd: {  	v11 =	vld [tilespmem:s10+$0x10130]  }
0x4de: {  	[tilespmem:s10+$0x570] =	vst.add.f32.msk $0xffff, v3  }
0x4df: {  	v12 =	vld [tilespmem:s10+$0x10140]  }
0x4e0: {  	v13 =	vld [tilespmem:s10+$0x10150]  }
0x4e1: {  	v14 =	vld [tilespmem:s10+$0x10160]  }
0x4e2: {  	v15 =	vld [tilespmem:s10+$0x10170]  }
0x4e3: {  	v16 =	vld [tilespmem:s10+$0x10500]  }
0x4e4: {  	v17 =	vld [tilespmem:s10+$0x10510]  }
0x4e5: {  	v7 =	vld [tilespmem:s10+$0x10520]  }
0x4e6: {  	v6 =	vld [tilespmem:s10+$0x10530]  }
0x4e7: {  	v5 =	vld [tilespmem:s10+$0x10540]  }
0x4e8: {  	v3 =	vld [tilespmem:s10+$0x10550]  }
0x4e9: {  	v4 =	vld [tilespmem:s10+$0x10560]  }
0x4ea: {  	[tilespmem:s10+$0x100] =	vst.add.f32.msk $0xffff, v8  }
0x4eb: {  	[tilespmem:s10+$0x110] =	vst.add.f32.msk $0xffff, v9  }
0x4ec: {  	[tilespmem:s10+$0x120] =	vst.add.f32.msk $0xffff, v10  }
0x4ed: {  	[tilespmem:s10+$0x130] =	vst.add.f32.msk $0xffff, v11  }
0x4ee: {  	[tilespmem:s10+$0x140] =	vst.add.f32.msk $0xffff, v12  }
.Ltmp9:
0x4ef: {  	[tilespmem:s10+$0x150] =	vst.add.f32.msk $0xffff, v13;
	(pc) =	sbr.rel @p1 .LBB2_19-.Ltmp9, $4  }
0x4f0: {  	[tilespmem:s10+$0x160] =	vst.add.f32.msk $0xffff, v14  }
0x4f1: {  	[tilespmem:s10+$0x170] =	vst.add.f32.msk $0xffff, v15  }
0x4f2: {  	[tilespmem:s10+$0x500] =	vst.add.f32.msk $0xffff, v16  }
0x4f3: {  	[tilespmem:s10+$0x510] =	vst.add.f32.msk $0xffff, v17  }
0x4f4: {  	[tilespmem:s10+$0x520] =	vst.add.f32.msk $0xffff, v7  }
0x4f5: {  	[tilespmem:s10+$0x530] =	vst.add.f32.msk $0xffff, v6  }
0x4f6: {  	[tilespmem:s10+$0x540] =	vst.add.f32.msk $0xffff, v5  }
0x4f7: {  	[tilespmem:s10+$0x550] =	vst.add.f32.msk $0xffff, v3  }
0x4f8: {  	[tilespmem:s10+$0x560] =	vst.add.f32.msk $0xffff, v4  }
0x4f9: {  	s19 =	simm.s32 $0x0;
	s0 =	rddreg [dreg:$0x14]  }
0x4fa: {  	[hbm4b:s0+s19] =	stream.linear.scatter [tilespmem:s30], [sflag:$0x4], $0x8000, $0x38;
	[tilespmem:$0x1C100] =	vst v63  }
0x4fb: {  	s26 =	rddreg [dreg:$0x18]  }
0x4fc: {  	[tilespmem:s20], [sflag:$0x3] =	stream.linear.gather [hbm4b:s26+s19], $0x8000, $0x38;
	[tilespmem:$0x1C100] =	vst v63  }
0x4fd: {  	_ =	swait.ge [sflag:s16], $0x8000  }
0x4fe: {  	s28 =	simm.s32 $0x0;
	s3 =	simm.s32 $0x0;
	[sflag:s16] =	ssyncset.done $0x0  }
0x4ff: {  	s2 =	sand.u32 $0x1800, s19;
	s0 =	sand.u32 $0x6000, s28;
	[sflag:s16] =	ssyncadd.s32 $0xFFFF8000  }
0x500: {  	s10 =	sor.u32 $0x400, s2;
	s4 =	sor.u32 $0x10100, s0;
	_ =	swait.ge [sflag:s14], $0x8000  }
0x501: {  	s3 =	sand.u32 $0x380, s3;
	s12 =	sor.u32 s10, s4;
	[sflag:s14] =	ssyncset.done $0x0  }
0x502: {  	s4 =	sor.u32 s2, s4;
	s12 =	sadd.s32 s3, s12;
	[sflag:s14] =	ssyncadd.s32 $0xFFFF8000  }
0x503: {  	s4 =	sadd.s32 s3, s4;
	v3 =	vld [tilespmem:s12+$0x70]  }
0x504: {  	v9 =	vld [tilespmem:s4+$0x0]  }
0x505: {  	v10 =	vld [tilespmem:s4+$0x10]  }
0x506: {  	v11 =	vld [tilespmem:s4+$0x20]  }
0x507: {  	v12 =	vld [tilespmem:s4+$0x30]  }
0x508: {  	v13 =	vld [tilespmem:s4+$0x40]  }
0x509: {  	v14 =	vld [tilespmem:s4+$0x50]  }
0x50a: {  	v15 =	vld [tilespmem:s4+$0x60]  }
0x50b: {  	v16 =	vld [tilespmem:s4+$0x70]  }
0x50c: {  	v17 =	vld [tilespmem:s12+$0x0]  }
0x50d: {  	v8 =	vld [tilespmem:s12+$0x10]  }
0x50e: {  	v7 =	vld [tilespmem:s12+$0x20]  }
0x50f: {  	s23 =	sor.u32 $0x100, s0;
	v6 =	vld [tilespmem:s12+$0x30]  }
0x510: {  	s22 =	sor.u32 s10, s23;
	v5 =	vld [tilespmem:s12+$0x40]  }
0x511: {  	s0 =	sor.u32 $0x8100, s0;
	s22 =	sadd.s32 s3, s22;
	v4 =	vld [tilespmem:s12+$0x50]  }
0x512: {  	s31 =	sor.u32 s2, s0;
	s2 =	sor.u32 s2, s23;
	[tilespmem:s22+$0x8070] =	vst.add.f32.msk $0xffff, v3  }
0x513: {  	s2 =	sadd.s32 s3, s2;
	s4 =	sadd.s32 s3, s31;
	v3 =	vld [tilespmem:s12+$0x60]  }
0x514: {  	s23 =	sor.u32 $0x8010, s2;
	[tilespmem:s4+$0x0] =	vst.add.f32.msk $0xffff, v9  }
0x515: {  	s24 =	sor.u32 $0x8020, s2;
	[tilespmem:s23+$0x0] =	vst.add.f32.msk $0xffff, v10  }
0x516: {  	s25 =	sor.u32 $0x8030, s2;
	[tilespmem:s24+$0x0] =	vst.add.f32.msk $0xffff, v11  }
0x517: {  	s26 =	sor.u32 $0x8040, s2;
	[tilespmem:s25+$0x0] =	vst.add.f32.msk $0xffff, v12  }
0x518: {  	s28 =	sor.u32 $0x8050, s2;
	[tilespmem:s26+$0x0] =	vst.add.f32.msk $0xffff, v13  }
0x519: {  	s31 =	sor.u32 $0x8060, s2;
	[tilespmem:s28+$0x0] =	vst.add.f32.msk $0xffff, v14  }
0x51a: {  	s0 =	sor.u32 s10, s0;
	s2 =	sor.u32 $0x8070, s2;
	[tilespmem:s31+$0x0] =	vst.add.f32.msk $0xffff, v15  }
0x51b: {  	s0 =	sadd.s32 s3, s0;
	[tilespmem:s2+$0x0] =	vst.add.f32.msk $0xffff, v16  }
0x51c: {  	s10 =	simm.s32 $0x0;
	[tilespmem:s0+$0x0] =	vst.add.f32.msk $0xffff, v17  }
.LBB2_21:
0x51d: {  	s10 =	sadd.s32 $0x10, s10;
	[tilespmem:s22+$0x8010] =	vst.add.f32.msk $0xffff, v8  }
0x51e: {  	s19 =	sadd.s32 $0x800, s19;
	s0 =	sshll.u32 s10, $0x4;
	p1 =	slt.u32 s10, $0x7F0;
	[tilespmem:s22+$0x8020] =	vst.add.f32.msk $0xffff, v7  }
0x51f: {  	s2 =	sand.u32 $0x1800, s19;
	s0 =	sand.u32 $0x6000, s0;
	[tilespmem:s22+$0x8030] =	vst.add.f32.msk $0xffff, v6  }
0x520: {  	s3 =	sshll.u32 s10, $0x1;
	s12 =	sor.u32 $0x400, s2;
	s4 =	sor.u32 $0x10100, s0;
	[tilespmem:s22+$0x8040] =	vst.add.f32.msk $0xffff, v5  }
0x521: {  	s3 =	sand.u32 $0x380, s3;
	s23 =	sor.u32 s2, s4;
	s4 =	sor.u32 s12, s4;
	[tilespmem:s22+$0x8050] =	vst.add.f32.msk $0xffff, v4  }
0x522: {  	s24 =	sor.u32 $0x8100, s0;
	s23 =	sadd.s32 s3, s23;
	s4 =	sadd.s32 s3, s4;
	[tilespmem:s22+$0x8060] =	vst.add.f32.msk $0xffff, v3  }
0x523: {  	s22 =	sor.u32 s2, s24;
	s24 =	sor.u32 s12, s24;
	v3 =	vld [tilespmem:s4+$0x70]  }
0x524: {  	s25 =	sadd.s32 s3, s22;
	s24 =	sadd.s32 s3, s24;
	v9 =	vld [tilespmem:s23+$0x0]  }
0x525: {  	s0 =	sor.u32 $0x100, s0;
	v10 =	vld [tilespmem:s23+$0x10]  }
0x526: {  	s2 =	sor.u32 s2, s0;
	s0 =	sor.u32 s12, s0;
	v11 =	vld [tilespmem:s23+$0x20]  }
0x527: {  	s2 =	sadd.s32 s3, s2;
	s22 =	sadd.s32 s3, s0;
	v12 =	vld [tilespmem:s23+$0x30]  }
0x528: {  	s0 =	sor.u32 $0x8010, s2;
	s3 =	sor.u32 $0x8020, s2;
	s12 =	sor.u32 $0x8030, s2;
	[tilespmem:s22+$0x8070] =	vst.add.f32.msk $0xffff, v3  }
0x529: {  	s26 =	sor.u32 $0x8040, s2;
	s28 =	sor.u32 $0x8050, s2;
	s31 =	sor.u32 $0x8060, s2;
	v13 =	vld [tilespmem:s23+$0x40]  }
0x52a: {  	s2 =	sor.u32 $0x8070, s2;
	v14 =	vld [tilespmem:s23+$0x50]  }
0x52b: {  	v15 =	vld [tilespmem:s23+$0x60]  }
0x52c: {  	v16 =	vld [tilespmem:s23+$0x70]  }
0x52d: {  	v17 =	vld [tilespmem:s4+$0x0]  }
0x52e: {  	v8 =	vld [tilespmem:s4+$0x10]  }
0x52f: {  	v7 =	vld [tilespmem:s4+$0x20]  }
0x530: {  	v6 =	vld [tilespmem:s4+$0x30]  }
0x531: {  	v5 =	vld [tilespmem:s4+$0x40]  }
0x532: {  	v4 =	vld [tilespmem:s4+$0x50]  }
0x533: {  	v3 =	vld [tilespmem:s4+$0x60]  }
0x534: {  	[tilespmem:s25+$0x0] =	vst.add.f32.msk $0xffff, v9  }
0x535: {  	[tilespmem:s0+$0x0] =	vst.add.f32.msk $0xffff, v10  }
0x536: {  	[tilespmem:s3+$0x0] =	vst.add.f32.msk $0xffff, v11  }
0x537: {  	[tilespmem:s12+$0x0] =	vst.add.f32.msk $0xffff, v12  }
.Ltmp10:
0x538: {  	[tilespmem:s26+$0x0] =	vst.add.f32.msk $0xffff, v13;
	(pc) =	sbr.rel @p1 .LBB2_21-.Ltmp10, $4  }
0x539: {  	[tilespmem:s28+$0x0] =	vst.add.f32.msk $0xffff, v14  }
0x53a: {  	[tilespmem:s31+$0x0] =	vst.add.f32.msk $0xffff, v15  }
0x53b: {  	[tilespmem:s2+$0x0] =	vst.add.f32.msk $0xffff, v16  }
0x53c: {  	[tilespmem:s24+$0x0] =	vst.add.f32.msk $0xffff, v17  }
0x53d: {  	[tilespmem:s22+$0x8010] =	vst.add.f32.msk $0xffff, v8  }
0x53e: {  	[tilespmem:s22+$0x8020] =	vst.add.f32.msk $0xffff, v7  }
0x53f: {  	[tilespmem:s22+$0x8030] =	vst.add.f32.msk $0xffff, v6  }
0x540: {  	[tilespmem:s22+$0x8040] =	vst.add.f32.msk $0xffff, v5  }
0x541: {  	[tilespmem:s22+$0x8050] =	vst.add.f32.msk $0xffff, v4  }
0x542: {  	[tilespmem:s22+$0x8060] =	vst.add.f32.msk $0xffff, v3  }
0x543: {  	s0 =	rddreg [dreg:$0x15]  }
0x544: {  	[hbm4b:s0+s5] =	stream.linear.scatter [tilespmem:s21], [sflag:$0x5], $0x8000, $0x38;
	[tilespmem:$0x1C100] =	vst v63  }
0x545: {  	_ =	swait.ge [sflag:s15], $0x8000  }
0x546: {  	[sflag:s15] =	ssyncset.done $0x0  }
0x547: {  	[sflag:s15] =	ssyncadd.s32 $0xFFFF8000  }
0x548: {  	_ =	swait.ge [sflag:s17], $0x8000  }
0x549: {  	s18 =	sadd.s32 $0x1, s18;
	s31 =	rddreg [dreg:$0x16]  }
0x54a: {  	p1 =	sne.s32 s18, s31  }
.Ltmp11:
0x54b: {  	_ = 	snop;
	(pc) =	sbr.rel @p1 .LBB2_1-.Ltmp11, $3  }
0x54c: {  	_ =	sdelay $0x1  }
0x54d: {  	[sflag:s17] =	ssyncset.done $0x0  }
0x54e: {  	[sflag:s17] =	ssyncadd.s32 $0xFFFF8000  }
0x54f: {  	_ =	sfence.sel $0x180000  }
0x550: {  	[bflag:$0x0] =	sbarrier.arrive $0xFFFF  }
0x551: {  	_ =	strace $0x90000047  }
0x552: {  	s0 =	stileid.u32;
	[bflag:$0x2] =	sbarrier.arrive $0xFFFF  }
0x553: {  	p0 =	sne.s32 s0, $0x0;
	s0 =	rddreg [dreg:$0x5]  }
0x554: {  	s0 =	sadd.s32 @!p0 $0x100000, s0  }
0x555: {  	[sflag:s0] =	ssyncadd.tile.s32 @!p0 $0x1;
	_ =	shalt  }
.Lfunc_end2:
_tile_overlayer_lowered:
.L_overlay_start_2:
0x556: {  	(tag) =	ssettag $0x2  }
0x557: {  	s0 =	rddreg [dreg:$0x0];
	s2 =	stileid.u32  }
0x558: {  	s1 =	rddreg [dreg:$0x1];
	p0 =	sne.s32 s2, $0x0  }
0x559: {  	s3 =	rddreg [dreg:$0x2];
	[bflag:$0x3] =	sbarrier.arrive $0xFFFF;
	s2 =	simm.s32 @!p0 $0x1C06  }
0x55a: {  	[timem:s3], [sflag:s2] =	dma.local @!p0 [hbm:s0], s1  }
0x55b: {  	s0 =	simm.s32 @!p0 $0x6  }
0x55c: {  	_ =	swait.ge @!p0 [sflag:s0], s1  }
0x55d: {  	s1 =	ssub.s32 @!p0 $0x0, s1;
	[sflag:s0] =	ssyncset.done @!p0 $0x0  }
0x55e: {  	[sflag:s0] =	ssyncadd.s32 @!p0 s1  }
0x55f: {  	[bflag:$0x3] =	sbarrier.arrive $0xFFFF  }
0x560: {  	_ =	shalt  }

</sc_bundles>
